<compile_context>
chip_gen: v7x
topology: tpu7x:2x2x1
jax: 0.10.2.dev20260603
libtpu: 0.0.44.dev20260713+nightly
codegen_flags: <defaults>
</compile_context>

<pallas_src>
import functools

import jax
import jax.numpy as jnp
import numpy as np
from jax import lax
from jax.experimental import pallas as pl
from jax.experimental.pallas import tpu as pltpu
from jax.experimental.pallas import tpu_sc as plsc

N_NODES = 10000
D = 128
NNZ = 320000
NPOS = 100000
NNEG = 100000

NC = 2
NS = 16
NW = NC * NS

N_PAD = 10240
ROWS_PT = N_PAD // NS

_mesh = plsc.VectorSubcoreMesh(
    core_axis_name="c", subcore_axis_name="s", num_cores=NC, num_subcores=NS
)

NH = D // 2
SUB_A = 128
RPC_A = 8
KA = RPC_A * SUB_A
NNZ_PAD = 327680
CHUNKS_A = NNZ_PAD // KA
ITERS_A = (CHUNKS_A + NS - 1) // NS


@functools.partial(
    pl.kernel,
    out_type=jax.ShapeDtypeStruct((NC, N_PAD, NH), jnp.float32),
    mesh=_mesh,
    scratch_types=[
        pltpu.VMEM((RPC_A, SUB_A), jnp.int32),
        pltpu.VMEM((RPC_A, SUB_A), jnp.int32),
        pltpu.VMEM((KA,), jnp.float32),
        pltpu.VMEM((RPC_A, SUB_A, NH), jnp.float32),
        pltpu.VMEM_SHARED((N_PAD, NH), jnp.float32),
        pltpu.SemaphoreType.DMA((RPC_A + 3,)),
    ],
    compiler_params=pltpu.CompilerParams(needs_layout_passes=False, use_tc_tiling_on_sc=False),
)
def _gconv_agg(feat2, src2, dst2, vals, zeros, out, idx_s, idx_d, vals_v, rows_v, agg_sh, sem):
    cid = lax.axis_index("c")
    sid = lax.axis_index("s")

    pltpu.sync_copy(
        zeros.at[pl.ds(sid * ROWS_PT, ROWS_PT)],
        agg_sh.at[pl.ds(sid * ROWS_PT, ROWS_PT)],
    )
    plsc.subcore_barrier()
    src_off = cid * N_NODES

    def chunk(it, carry):
        ch = it * NS + sid

        @pl.when(ch < CHUNKS_A)
        def _():
            row0 = ch * RPC_A
            ebase = ch * KA
            d_s = pltpu.async_copy(src2.at[pl.ds(row0, RPC_A)], idx_s, sem.at[RPC_A])
            d_d = pltpu.async_copy(dst2.at[pl.ds(row0, RPC_A)], idx_d, sem.at[RPC_A + 1])
            d_v = pltpu.async_copy(vals.at[pl.ds(ebase, KA)], vals_v, sem.at[RPC_A + 2])
            d_s.wait()
            for i in range(RPC_A):
                for g in range(SUB_A // 16):
                    sl = pl.ds(g * 16, 16)
                    idx_s[i, sl] = idx_s[i, sl] + src_off
            descs = [
                pltpu.async_copy(feat2.at[idx_s.at[i]], rows_v.at[i], sem.at[i])
                for i in range(RPC_A)
            ]
            d_v.wait()
            for dsc in descs:
                dsc.wait()

            def sub(i, c1):
                def sgroup(g, c2):
                    for r in range(16):
                        row = g * 16 + r
                        bc = plsc.load_gather(
                            vals_v,
                            [jnp.full((16,), i * SUB_A + row, jnp.int32)],
                        )
                        for j in range(NH // 16):
                            rows_v[i, row, pl.ds(j * 16, 16)] = (
                                rows_v[i, row, pl.ds(j * 16, 16)] * bc
                            )
                    return c2

                lax.fori_loop(0, SUB_A // 16, sgroup, 0)
                return c1

            lax.fori_loop(0, RPC_A, sub, 0)
            d_d.wait()
            for i in range(RPC_A):
                pltpu.sync_copy(rows_v.at[i], agg_sh.at[idx_d.at[i]], add=True)

        return carry

    lax.fori_loop(0, ITERS_A, chunk, 0)
    plsc.subcore_barrier()
    pltpu.sync_copy(
        agg_sh.at[pl.ds(sid * ROWS_PT, ROWS_PT)],
        out.at[cid, pl.ds(sid * ROWS_PT, ROWS_PT)],
    )


BR = 2000


def _mm_body(a_ref, w_ref, o_ref):
    xl = a_ref[0]
    xr = a_ref[1]
    acc = jnp.dot(xl, w_ref[:NH, :], preferred_element_type=jnp.float32)
    acc = acc + jnp.dot(xr, w_ref[NH:, :], preferred_element_type=jnp.float32)
    o_ref[...] = jnp.maximum(acc, 0.0).astype(jnp.bfloat16)


def _matmul_relu(agg_parts, W):
    return pl.pallas_call(
        _mm_body,
        grid=(N_NODES // BR,),
        in_specs=[
            pl.BlockSpec((NC, BR, NH), lambda i: (0, i, 0)),
            pl.BlockSpec((D, D), lambda i: (0, 0)),
        ],
        out_specs=pl.BlockSpec((BR, D), lambda i: (i, 0)),
        out_shape=jax.ShapeDtypeStruct((N_NODES, D), jnp.bfloat16),
    )(agg_parts, W)


SUB_C = 64
RPC_C = 8
KC = RPC_C * SUB_C
HALF_PAD = 102400
NE_TOT = 2 * HALF_PAD
CHUNKS_C = NE_TOT // KC
ITERS_C = (CHUNKS_C + NW - 1) // NW


@functools.partial(
    pl.kernel,
    out_type=jax.ShapeDtypeStruct((NE_TOT * 16,), jnp.float32),
    mesh=_mesh,
    scratch_types=[
        pltpu.VMEM((RPC_C, SUB_C), jnp.int32),
        pltpu.VMEM((RPC_C, SUB_C), jnp.int32),
        pltpu.VMEM((RPC_C, SUB_C, D), jnp.bfloat16),
        pltpu.VMEM((RPC_C, SUB_C, D), jnp.bfloat16),
        pltpu.VMEM((KC * 16,), jnp.float32),
        pltpu.SemaphoreType.DMA((2, RPC_C + 1)),
    ],
    compiler_params=pltpu.CompilerParams(needs_layout_passes=False, use_tc_tiling_on_sc=False),
)
def _scores(emb, e0, e1, out, idx_a, idx_b, rows_a, rows_b, scv, sem):
    cid = lax.axis_index("c")
    sid = lax.axis_index("s")
    wid = sid * NC + cid

    def it(i, carry):
        ch = i * NW + wid

        @pl.when(ch < CHUNKS_C)
        def _():
            row0 = ch * RPC_C
            d_a = pltpu.async_copy(e0.at[pl.ds(row0, RPC_C)], idx_a, sem.at[0, RPC_C])
            d_b = pltpu.async_copy(e1.at[pl.ds(row0, RPC_C)], idx_b, sem.at[1, RPC_C])
            d_a.wait()
            descs_a = [
                pltpu.async_copy(emb.at[idx_a.at[b]], rows_a.at[b], sem.at[0, b])
                for b in range(RPC_C)
            ]
            d_b.wait()
            descs_b = [
                pltpu.async_copy(emb.at[idx_b.at[b]], rows_b.at[b], sem.at[1, b])
                for b in range(RPC_C)
            ]
            for dsc in descs_a:
                dsc.wait()
            for dsc in descs_b:
                dsc.wait()

            def grp(g, c2):
                for k in range(16):
                    e = g * 16 + k
                    i2 = e // SUB_C
                    r = e - i2 * SUB_C
                    p = None
                    for j in range(D // 32):
                        a0, a1 = plsc.unpack(
                            rows_a[i2, r, pl.ds(j * 32, 32)],
                            format=plsc.PackFormat.INTERLEAVED,
                        )
                        b0, b1 = plsc.unpack(
                            rows_b[i2, r, pl.ds(j * 32, 32)],
                            format=plsc.PackFormat.INTERLEAVED,
                        )
                        t = a0 * b0 + a1 * b1
                        p = t if p is None else p + t
                    scv[pl.ds(e * 16, 16)] = p
                return c2

            lax.fori_loop(0, KC // 16, grp, 0)
            pltpu.sync_copy(scv, out.at[pl.ds(ch * KC * 16, KC * 16)])

        return carry

    lax.fori_loop(0, ITERS_C, it, 0)


ROWS2 = NE_TOT * 16 // 2048

_M = np.zeros((2048, 128), np.float32)
_M[np.arange(2048), np.arange(2048) // 16] = 1.0


def _loss_body(x_ref, m_ref, o_ref):
    s = jnp.dot(x_ref[...], m_ref[...], preferred_element_type=jnp.float32)
    r = lax.broadcasted_iota(jnp.int32, s.shape, 0)
    c = lax.broadcasted_iota(jnp.int32, s.shape, 1)
    ids = r * 128 + c
    pos_t = jnp.where(ids < NPOS, jax.nn.softplus(-s), 0.0)
    neg_t = jnp.where(
        (ids >= HALF_PAD) & (ids < HALF_PAD + NNEG), jax.nn.softplus(s), 0.0
    )
    o_ref[0, 0] = jnp.sum(pos_t + neg_t) / NPOS


def _loss(flat2):
    return pl.pallas_call(
        _loss_body,
        in_specs=[
            pl.BlockSpec((ROWS2, 2048), lambda: (0, 0)),
            pl.BlockSpec((2048, 128), lambda: (0, 0)),
        ],
        out_specs=pl.BlockSpec(memory_space=pltpu.SMEM),
        out_shape=jax.ShapeDtypeStruct((1, 1), jnp.float32),
    )(flat2, jnp.asarray(_M))


def _pad_col(col):
    return jnp.concatenate([col, jnp.zeros((HALF_PAD - NPOS,), jnp.int32)])


def kernel(features, positive_edges, negative_edges, non_zero_index, non_zero_value, W):
    pad_e = NNZ_PAD - NNZ
    src2 = jnp.concatenate(
        [non_zero_index[0], jnp.zeros((pad_e,), jnp.int32)]
    ).reshape(NNZ_PAD // SUB_A, SUB_A)
    dst2 = jnp.concatenate(
        [non_zero_index[1], jnp.zeros((pad_e,), jnp.int32)]
    ).reshape(NNZ_PAD // SUB_A, SUB_A)
    vals_p = jnp.concatenate([non_zero_value, jnp.zeros((pad_e,), jnp.float32)])
    zeros = jnp.zeros((N_PAD, NH), jnp.float32)
    feat2 = jnp.concatenate([features[:, :NH], features[:, NH:]], axis=0)
    agg_parts = _gconv_agg(feat2, src2, dst2, vals_p, zeros)
    emb = _matmul_relu(agg_parts, W)
    e0 = jnp.concatenate(
        [_pad_col(positive_edges[:, 0]), _pad_col(negative_edges[:, 0])]
    ).reshape(NE_TOT // SUB_C, SUB_C)
    e1 = jnp.concatenate(
        [_pad_col(positive_edges[:, 1]), _pad_col(negative_edges[:, 1])]
    ).reshape(NE_TOT // SUB_C, SUB_C)
    flat = _scores(emb, e0, e1)
    return _loss(flat.reshape(ROWS2, 2048))[0, 0]

# --- scband reference (transcript-rebuilt; emitter-appended) ---
"""Pipeline reference for scband-link-prediction-84670985273717 (READ-ONLY COPY).

The authoritative reference and input builder live on the scoring server;
editing this copy changes nothing except your own understanding.
"""

import jax, jax.numpy as jnp
import numpy as np

N_NODES = 10000
D = 128
N_NNZ = 320000
N_POS = 100000
N_NEG = 100000


def setup_inputs(seed: int = 0) -> dict:
    key = jax.random.key(seed)
    ks = jax.random.split(key, 6)
    features = jax.random.normal(ks[0], (N_NODES, D), dtype=jnp.float32)
    positive_edges = jax.random.randint(ks[1], (N_POS, 2), 0, N_NODES, dtype=jnp.int32)
    negative_edges = jax.random.randint(ks[2], (N_NEG, 2), 0, N_NODES, dtype=jnp.int32)
    non_zero_index = jax.random.randint(ks[3], (2, N_NNZ), 0, N_NODES, dtype=jnp.int32)
    non_zero_value = jax.random.uniform(ks[4], (N_NNZ,), dtype=jnp.float32)
    # learned parameter of the (stand-in) graph-conv model: one linear layer
    W = jax.random.normal(ks[5], (D, D), dtype=jnp.float32) * (1.0 / np.sqrt(D))
    return {
        "features": features,
        "positive_edges": positive_edges,
        "negative_edges": negative_edges,
        "non_zero_index": non_zero_index,
        "non_zero_value": non_zero_value,
        "W": W,
    }


def _gconv(features, non_zero_index, non_zero_value, W):
    # sparse adjacency (weighted) message passing: agg[dst] += value * features[src]
    src = non_zero_index[0]
    dst = non_zero_index[1]
    msgs = jnp.take(features, src, axis=0) * non_zero_value[:, None]
    agg = jnp.zeros((N_NODES, D), dtype=features.dtype).at[dst].add(msgs)
    return jax.nn.relu(agg @ W)


def _score_func(edges, embeddings):
    node_0 = edges[:, 0]
    node_1 = edges[:, 1]
    node_0_e = jnp.take(embeddings, node_0, axis=0)
    node_1_e = jnp.take(embeddings, node_1, axis=0)
    return jnp.sum(node_0_e * node_1_e, axis=1)


def _nce_loss(pos_score, neg_score):
    pos_score = jax.nn.log_sigmoid(pos_score)
    neg_score = jax.nn.log_sigmoid(-neg_score)
    return -pos_score - neg_score


def reference(features, positive_edges, negative_edges, non_zero_index, non_zero_value, W):
    emb = _gconv(features, non_zero_index, non_zero_value, W)
    pos_score = _score_func(positive_edges, emb)
    neg_score = _score_func(negative_edges, emb)
    return jnp.mean(_nce_loss(pos_score, neg_score))

if __name__ == "__main__":
    import jax
    _d = setup_inputs()
    print(jax.jit(kernel)(*tuple(_d.values())))

</pallas_src>

<mosaic_0001>
#map = affine_map<(d0, d1) -> (0, 0)>
#map1 = affine_map<(d0, d1) -> (0)>
module attributes {stable_mosaic.version = 14 : i64} {
  func.func @_scores(%arg0: i32, %arg1: i32, %arg2: memref<10000x128xbf16, #tpu.memory_space<hbm>>, %arg3: memref<3200x64xi32, #tpu.memory_space<hbm>>, %arg4: memref<3200x64xi32, #tpu.memory_space<hbm>>, %arg5: memref<3276800xf32, #tpu.memory_space<hbm>>, %arg6: memref<8x64xi32, #tpu.memory_space<vmem>>, %arg7: memref<8x64xi32, #tpu.memory_space<vmem>>, %arg8: memref<8x64x128xbf16, #tpu.memory_space<vmem>>, %arg9: memref<8x64x128xbf16, #tpu.memory_space<vmem>>, %arg10: memref<8192xf32, #tpu.memory_space<vmem>>, %arg11: memref<2x9x!tpu.dma_semaphore, #tpu.memory_space<semaphore_mem>>) attributes {dimension_semantics = [#tpu.dimension_semantics<core_parallel>, #tpu.dimension_semantics<subcore_parallel>], iteration_bounds = array<i64: 2, 16>, scalar_prefetch = 0 : i64, scratch_operands = 6 : i64, tpu.core_type = #tpu.core_type<sc_vector_subcore>, window_params = [{transform_indices = #map}, {transform_indices = #map}, {transform_indices = #map}, {transform_indices = #map1}]} {
    %mul3A = arith.constant 2 : i32
    %mul3A_0 = arith.muli %arg1, %mul3A : i32
    %add3A = arith.addi %mul3A_0, %arg0 : i32
    %scan3A = arith.constant 0 : i32
    %scan3A_1 = arith.constant 0 : i32
    %scan3A_2 = arith.constant 13 : i32
    %scan3A_3 = arith.addi %scan3A_1, %scan3A_2 : i32
    %scan3A_4 = arith.constant 1 : i32
    scf.for %scan3A_6 = %scan3A_1 to %scan3A_3 step %scan3A_4  : i32 {
      %mul3A_7 = arith.constant 32 : i32
      %mul3A_8 = arith.muli %scan3A_6, %mul3A_7 : i32
      %add3A_9 = arith.addi %mul3A_8, %add3A : i32
      %lt3A = arith.constant 400 : i32
      %lt3A_10 = arith.cmpi slt, %add3A_9, %lt3A : i32
      %convert_element_type3A = arith.extui %lt3A_10 : i1 to i32
      %cond3A = arith.constant 0 : i32
      %cond3A_11 = arith.cmpi ne, %convert_element_type3A, %cond3A : i32
      scf.if %cond3A_11 {
        %mul3A_12 = arith.constant 8 : i32
        %mul3A_13 = arith.muli %add3A_9, %mul3A_12 : i32
        %dma_start3A = arith.constant 0 : i32
        %dma_start3A_14 = arith.constant 8 : i32
        %dma_start3A_15 = arith.constant 0 : i32
        %dma_start3A_16 = tpu.memref_slice %arg3[%mul3A_13, %dma_start3A_15] : memref<3200x64xi32, #tpu.memory_space<hbm>> -> memref<8x64xi32, #tpu.memory_space<hbm>>
        %dma_start3A_17 = tpu.memref_slice %arg11[%dma_start3A, %dma_start3A_14] : memref<2x9x!tpu.dma_semaphore, #tpu.memory_space<semaphore_mem>> -> memref<1x1x!tpu.dma_semaphore, #tpu.memory_space<semaphore_mem>>
        %dma_start3A_18 = tpu.memref_squeeze %dma_start3A_17 : memref<1x1x!tpu.dma_semaphore, #tpu.memory_space<semaphore_mem>> -> memref<!tpu.dma_semaphore, #tpu.memory_space<semaphore_mem>>
        %dma_start3A_19 = arith.constant 0 : i32
        %dma_start3A_20 = tpu.memref_slice %arg3[%mul3A_13, %dma_start3A_19] : memref<3200x64xi32, #tpu.memory_space<hbm>> -> memref<8x64xi32, #tpu.memory_space<hbm>>
        tpu.enqueue_dma source(%dma_start3A_20 : memref<8x64xi32, #tpu.memory_space<hbm>>) target(%arg6 : memref<8x64xi32, #tpu.memory_space<vmem>>) target_semaphore(%dma_start3A_18 : memref<!tpu.dma_semaphore, #tpu.memory_space<semaphore_mem>>)
        %dma_start3A_21 = arith.constant 1 : i32
        %dma_start3A_22 = arith.constant 8 : i32
        %dma_start3A_23 = arith.constant 0 : i32
        %dma_start3A_24 = tpu.memref_slice %arg4[%mul3A_13, %dma_start3A_23] : memref<3200x64xi32, #tpu.memory_space<hbm>> -> memref<8x64xi32, #tpu.memory_space<hbm>>
        %dma_start3A_25 = tpu.memref_slice %arg11[%dma_start3A_21, %dma_start3A_22] : memref<2x9x!tpu.dma_semaphore, #tpu.memory_space<semaphore_mem>> -> memref<1x1x!tpu.dma_semaphore, #tpu.memory_space<semaphore_mem>>
        %dma_start3A_26 = tpu.memref_squeeze %dma_start3A_25 : memref<1x1x!tpu.dma_semaphore, #tpu.memory_space<semaphore_mem>> -> memref<!tpu.dma_semaphore, #tpu.memory_space<semaphore_mem>>
        %dma_start3A_27 = arith.constant 0 : i32
        %dma_start3A_28 = tpu.memref_slice %arg4[%mul3A_13, %dma_start3A_27] : memref<3200x64xi32, #tpu.memory_space<hbm>> -> memref<8x64xi32, #tpu.memory_space<hbm>>
        tpu.enqueue_dma source(%dma_start3A_28 : memref<8x64xi32, #tpu.memory_space<hbm>>) target(%arg7 : memref<8x64xi32, #tpu.memory_space<vmem>>) target_semaphore(%dma_start3A_26 : memref<!tpu.dma_semaphore, #tpu.memory_space<semaphore_mem>>)
        %dma_wait3A = arith.constant 0 : i32
        %dma_wait3A_29 = arith.constant 8 : i32
        %dma_wait3A_30 = arith.constant 0 : i32
        %dma_wait3A_31 = tpu.memref_slice %arg3[%mul3A_13, %dma_wait3A_30] : memref<3200x64xi32, #tpu.memory_space<hbm>> -> memref<8x64xi32, #tpu.memory_space<hbm>>
        %dma_wait3A_32 = tpu.memref_slice %arg11[%dma_wait3A, %dma_wait3A_29] : memref<2x9x!tpu.dma_semaphore, #tpu.memory_space<semaphore_mem>> -> memref<1x1x!tpu.dma_semaphore, #tpu.memory_space<semaphore_mem>>
        %dma_wait3A_33 = tpu.memref_squeeze %dma_wait3A_32 : memref<1x1x!tpu.dma_semaphore, #tpu.memory_space<semaphore_mem>> -> memref<!tpu.dma_semaphore, #tpu.memory_space<semaphore_mem>>
        %dma_wait3A_34 = arith.constant 0 : i32
        %dma_wait3A_35 = tpu.memref_slice %arg3[%mul3A_13, %dma_wait3A_34] : memref<3200x64xi32, #tpu.memory_space<hbm>> -> memref<8x64xi32, #tpu.memory_space<hbm>>
        tpu.wait_dma2 semaphore(%dma_wait3A_33 : memref<!tpu.dma_semaphore, #tpu.memory_space<semaphore_mem>>) src(%dma_wait3A_35 : memref<8x64xi32, #tpu.memory_space<hbm>>) dst(%arg6 : memref<8x64xi32, #tpu.memory_space<vmem>>)
        %dma_start3A_36 = arith.constant 0 : i32
        %dma_start3A_37 = arith.constant 0 : i32
        %dma_start3A_38 = arith.constant 0 : i32
        %dma_start3A_39 = arith.constant 0 : i32
        %dma_start3A_40 = arith.constant 0 : i32
        %dma_start3A_41 = arith.constant 0 : i32
        %dma_start3A_42 = tpu.memref_slice %arg8[%dma_start3A_37, %dma_start3A_40, %dma_start3A_41] : memref<8x64x128xbf16, #tpu.memory_space<vmem>> -> memref<1x64x128xbf16, #tpu.memory_space<vmem>>
        %dma_start3A_43 = tpu.memref_squeeze %dma_start3A_42 : memref<1x64x128xbf16, #tpu.memory_space<vmem>> -> memref<64x128xbf16, #tpu.memory_space<vmem>>
        %dma_start3A_44 = arith.constant 0 : i32
        %dma_start3A_45 = tpu.memref_slice %arg6[%dma_start3A_36, %dma_start3A_44] : memref<8x64xi32, #tpu.memory_space<vmem>> -> memref<1x64xi32, #tpu.memory_space<vmem>>
        %dma_start3A_46 = tpu.memref_squeeze %dma_start3A_45 : memref<1x64xi32, #tpu.memory_space<vmem>> -> memref<64xi32, #tpu.memory_space<vmem>>
        %dma_start3A_47 = arith.constant 0 : i32
        %dma_start3A_48 = arith.constant 0 : i32
        %dma_start3A_49 = tpu.memref_slice %arg2[%dma_start3A_47, %dma_start3A_48] : memref<10000x128xbf16, #tpu.memory_space<hbm>> -> memref<10000x128xbf16, #tpu.memory_space<hbm>>
        %dma_start3A_50 = tpu.memref_slice %arg11[%dma_start3A_38, %dma_start3A_39] : memref<2x9x!tpu.dma_semaphore, #tpu.memory_space<semaphore_mem>> -> memref<1x1x!tpu.dma_semaphore, #tpu.memory_space<semaphore_mem>>
        %dma_start3A_51 = tpu.memref_squeeze %dma_start3A_50 : memref<1x1x!tpu.dma_semaphore, #tpu.memory_space<semaphore_mem>> -> memref<!tpu.dma_semaphore, #tpu.memory_space<semaphore_mem>>
        tpu.enqueue_indirect_dma source(%dma_start3A_49 : memref<10000x128xbf16, #tpu.memory_space<hbm>>) target(%dma_start3A_43 : memref<64x128xbf16, #tpu.memory_space<vmem>>) offsets(%dma_start3A_46 : memref<64xi32, #tpu.memory_space<vmem>>) semaphore(%dma_start3A_51 : memref<!tpu.dma_semaphore, #tpu.memory_space<semaphore_mem>>)
        %dma_start3A_52 = arith.constant 1 : i32
        %dma_start3A_53 = arith.constant 1 : i32
        %dma_start3A_54 = arith.constant 0 : i32
        %dma_start3A_55 = arith.constant 1 : i32
        %dma_start3A_56 = arith.constant 0 : i32
        %dma_start3A_57 = arith.constant 0 : i32
        %dma_start3A_58 = tpu.memref_slice %arg8[%dma_start3A_53, %dma_start3A_56, %dma_start3A_57] : memref<8x64x128xbf16, #tpu.memory_space<vmem>> -> memref<1x64x128xbf16, #tpu.memory_space<vmem>>
        %dma_start3A_59 = tpu.memref_squeeze %dma_start3A_58 : memref<1x64x128xbf16, #tpu.memory_space<vmem>> -> memref<64x128xbf16, #tpu.memory_space<vmem>>
        %dma_start3A_60 = arith.constant 0 : i32
        %dma_start3A_61 = tpu.memref_slice %arg6[%dma_start3A_52, %dma_start3A_60] : memref<8x64xi32, #tpu.memory_space<vmem>> -> memref<1x64xi32, #tpu.memory_space<vmem>>
        %dma_start3A_62 = tpu.memref_squeeze %dma_start3A_61 : memref<1x64xi32, #tpu.memory_space<vmem>> -> memref<64xi32, #tpu.memory_space<vmem>>
        %dma_start3A_63 = arith.constant 0 : i32
        %dma_start3A_64 = arith.constant 0 : i32
        %dma_start3A_65 = tpu.memref_slice %arg2[%dma_start3A_63, %dma_start3A_64] : memref<10000x128xbf16, #tpu.memory_space<hbm>> -> memref<10000x128xbf16, #tpu.memory_space<hbm>>
        %dma_start3A_66 = tpu.memref_slice %arg11[%dma_start3A_54, %dma_start3A_55] : memref<2x9x!tpu.dma_semaphore, #tpu.memory_space<semaphore_mem>> -> memref<1x1x!tpu.dma_semaphore, #tpu.memory_space<semaphore_mem>>
        %dma_start3A_67 = tpu.memref_squeeze %dma_start3A_66 : memref<1x1x!tpu.dma_semaphore, #tpu.memory_space<semaphore_mem>> -> memref<!tpu.dma_semaphore, #tpu.memory_space<semaphore_mem>>
        tpu.enqueue_indirect_dma source(%dma_start3A_65 : memref<10000x128xbf16, #tpu.memory_space<hbm>>) target(%dma_start3A_59 : memref<64x128xbf16, #tpu.memory_space<vmem>>) offsets(%dma_start3A_62 : memref<64xi32, #tpu.memory_space<vmem>>) semaphore(%dma_start3A_67 : memref<!tpu.dma_semaphore, #tpu.memory_space<semaphore_mem>>)
        %dma_start3A_68 = arith.constant 2 : i32
        %dma_start3A_69 = arith.constant 2 : i32
        %dma_start3A_70 = arith.constant 0 : i32
        %dma_start3A_71 = arith.constant 2 : i32
        %dma_start3A_72 = arith.constant 0 : i32
        %dma_start3A_73 = arith.constant 0 : i32
        %dma_start3A_74 = tpu.memref_slice %arg8[%dma_start3A_69, %dma_start3A_72, %dma_start3A_73] : memref<8x64x128xbf16, #tpu.memory_space<vmem>> -> memref<1x64x128xbf16, #tpu.memory_space<vmem>>
        %dma_start3A_75 = tpu.memref_squeeze %dma_start3A_74 : memref<1x64x128xbf16, #tpu.memory_space<vmem>> -> memref<64x128xbf16, #tpu.memory_space<vmem>>
        %dma_start3A_76 = arith.constant 0 : i32
        %dma_start3A_77 = tpu.memref_slice %arg6[%dma_start3A_68, %dma_start3A_76] : memref<8x64xi32, #tpu.memory_space<vmem>> -> memref<1x64xi32, #tpu.memory_space<vmem>>
        %dma_start3A_78 = tpu.memref_squeeze %dma_start3A_77 : memref<1x64xi32, #tpu.memory_space<vmem>> -> memref<64xi32, #tpu.memory_space<vmem>>
        %dma_start3A_79 = arith.constant 0 : i32
        %dma_start3A_80 = arith.constant 0 : i32
        %dma_start3A_81 = tpu.memref_slice %arg2[%dma_start3A_79, %dma_start3A_80] : memref<10000x128xbf16, #tpu.memory_space<hbm>> -> memref<10000x128xbf16, #tpu.memory_space<hbm>>
        %dma_start3A_82 = tpu.memref_slice %arg11[%dma_start3A_70, %dma_start3A_71] : memref<2x9x!tpu.dma_semaphore, #tpu.memory_space<semaphore_mem>> -> memref<1x1x!tpu.dma_semaphore, #tpu.memory_space<semaphore_mem>>
        %dma_start3A_83 = tpu.memref_squeeze %dma_start3A_82 : memref<1x1x!tpu.dma_semaphore, #tpu.memory_space<semaphore_mem>> -> memref<!tpu.dma_semaphore, #tpu.memory_space<semaphore_mem>>
        tpu.enqueue_indirect_dma source(%dma_start3A_81 : memref<10000x128xbf16, #tpu.memory_space<hbm>>) target(%dma_start3A_75 : memref<64x128xbf16, #tpu.memory_space<vmem>>) offsets(%dma_start3A_78 : memref<64xi32, #tpu.memory_space<vmem>>) semaphore(%dma_start3A_83 : memref<!tpu.dma_semaphore, #tpu.memory_space<semaphore_mem>>)
        %dma_start3A_84 = arith.constant 3 : i32
        %dma_start3A_85 = arith.constant 3 : i32
        %dma_start3A_86 = arith.constant 0 : i32
        %dma_start3A_87 = arith.constant 3 : i32
        %dma_start3A_88 = arith.constant 0 : i32
        %dma_start3A_89 = arith.constant 0 : i32
        %dma_start3A_90 = tpu.memref_slice %arg8[%dma_start3A_85, %dma_start3A_88, %dma_start3A_89] : memref<8x64x128xbf16, #tpu.memory_space<vmem>> -> memref<1x64x128xbf16, #tpu.memory_space<vmem>>
        %dma_start3A_91 = tpu.memref_squeeze %dma_start3A_90 : memref<1x64x128xbf16, #tpu.memory_space<vmem>> -> memref<64x128xbf16, #tpu.memory_space<vmem>>
        %dma_start3A_92 = arith.constant 0 : i32
        %dma_start3A_93 = tpu.memref_slice %arg6[%dma_start3A_84, %dma_start3A_92] : memref<8x64xi32, #tpu.memory_space<vmem>> -> memref<1x64xi32, #tpu.memory_space<vmem>>
        %dma_start3A_94 = tpu.memref_squeeze %dma_start3A_93 : memref<1x64xi32, #tpu.memory_space<vmem>> -> memref<64xi32, #tpu.memory_space<vmem>>
        %dma_start3A_95 = arith.constant 0 : i32
        %dma_start3A_96 = arith.constant 0 : i32
        %dma_start3A_97 = tpu.memref_slice %arg2[%dma_start3A_95, %dma_start3A_96] : memref<10000x128xbf16, #tpu.memory_space<hbm>> -> memref<10000x128xbf16, #tpu.memory_space<hbm>>
        %dma_start3A_98 = tpu.memref_slice %arg11[%dma_start3A_86, %dma_start3A_87] : memref<2x9x!tpu.dma_semaphore, #tpu.memory_space<semaphore_mem>> -> memref<1x1x!tpu.dma_semaphore, #tpu.memory_space<semaphore_mem>>
        %dma_start3A_99 = tpu.memref_squeeze %dma_start3A_98 : memref<1x1x!tpu.dma_semaphore, #tpu.memory_space<semaphore_mem>> -> memref<!tpu.dma_semaphore, #tpu.memory_space<semaphore_mem>>
        tpu.enqueue_indirect_dma source(%dma_start3A_97 : memref<10000x128xbf16, #tpu.memory_space<hbm>>) target(%dma_start3A_91 : memref<64x128xbf16, #tpu.memory_space<vmem>>) offsets(%dma_start3A_94 : memref<64xi32, #tpu.memory_space<vmem>>) semaphore(%dma_start3A_99 : memref<!tpu.dma_semaphore, #tpu.memory_space<semaphore_mem>>)
        %dma_start3A_100 = arith.constant 4 : i32
        %dma_start3A_101 = arith.constant 4 : i32
        %dma_start3A_102 = arith.constant 0 : i32
        %dma_start3A_103 = arith.constant 4 : i32
        %dma_start3A_104 = arith.constant 0 : i32
        %dma_start3A_105 = arith.constant 0 : i32
        %dma_start3A_106 = tpu.memref_slice %arg8[%dma_start3A_101, %dma_start3A_104, %dma_start3A_105] : memref<8x64x128xbf16, #tpu.memory_space<vmem>> -> memref<1x64x128xbf16, #tpu.memory_space<vmem>>
        %dma_start3A_107 = tpu.memref_squeeze %dma_start3A_106 : memref<1x64x128xbf16, #tpu.memory_space<vmem>> -> memref<64x128xbf16, #tpu.memory_space<vmem>>
        %dma_start3A_108 = arith.constant 0 : i32
        %dma_start3A_109 = tpu.memref_slice %arg6[%dma_start3A_100, %dma_start3A_108] : memref<8x64xi32, #tpu.memory_space<vmem>> -> memref<1x64xi32, #tpu.memory_space<vmem>>
        %dma_start3A_110 = tpu.memref_squeeze %dma_start3A_109 : memref<1x64xi32, #tpu.memory_space<vmem>> -> memref<64xi32, #tpu.memory_space<vmem>>
        %dma_start3A_111 = arith.constant 0 : i32
        %dma_start3A_112 = arith.constant 0 : i32
        %dma_start3A_113 = tpu.memref_slice %arg2[%dma_start3A_111, %dma_start3A_112] : memref<10000x128xbf16, #tpu.memory_space<hbm>> -> memref<10000x128xbf16, #tpu.memory_space<hbm>>
        %dma_start3A_114 = tpu.memref_slice %arg11[%dma_start3A_102, %dma_start3A_103] : memref<2x9x!tpu.dma_semaphore, #tpu.memory_space<semaphore_mem>> -> memref<1x1x!tpu.dma_semaphore, #tpu.memory_space<semaphore_mem>>
        %dma_start3A_115 = tpu.memref_squeeze %dma_start3A_114 : memref<1x1x!tpu.dma_semaphore, #tpu.memory_space<semaphore_mem>> -> memref<!tpu.dma_semaphore, #tpu.memory_space<semaphore_mem>>
        tpu.enqueue_indirect_dma source(%dma_start3A_113 : memref<10000x128xbf16, #tpu.memory_space<hbm>>) target(%dma_start3A_107 : memref<64x128xbf16, #tpu.memory_space<vmem>>) offsets(%dma_start3A_110 : memref<64xi32, #tpu.memory_space<vmem>>) semaphore(%dma_start3A_115 : memref<!tpu.dma_semaphore, #tpu.memory_space<semaphore_mem>>)
        %dma_start3A_116 = arith.constant 5 : i32
        %dma_start3A_117 = arith.constant 5 : i32
        %dma_start3A_118 = arith.constant 0 : i32
        %dma_start3A_119 = arith.constant 5 : i32
        %dma_start3A_120 = arith.constant 0 : i32
        %dma_start3A_121 = arith.constant 0 : i32
        %dma_start3A_122 = tpu.memref_slice %arg8[%dma_start3A_117, %dma_start3A_120, %dma_start3A_121] : memref<8x64x128xbf16, #tpu.memory_space<vmem>> -> memref<1x64x128xbf16, #tpu.memory_space<vmem>>
        %dma_start3A_123 = tpu.memref_squeeze %dma_start3A_122 : memref<1x64x128xbf16, #tpu.memory_space<vmem>> -> memref<64x128xbf16, #tpu.memory_space<vmem>>
        %dma_start3A_124 = arith.constant 0 : i32
        %dma_start3A_125 = tpu.memref_slice %arg6[%dma_start3A_116, %dma_start3A_124] : memref<8x64xi32, #tpu.memory_space<vmem>> -> memref<1x64xi32, #tpu.memory_space<vmem>>
        %dma_start3A_126 = tpu.memref_squeeze %dma_start3A_125 : memref<1x64xi32, #tpu.memory_space<vmem>> -> memref<64xi32, #tpu.memory_space<vmem>>
        %dma_start3A_127 = arith.constant 0 : i32
        %dma_start3A_128 = arith.constant 0 : i32
        %dma_start3A_129 = tpu.memref_slice %arg2[%dma_start3A_127, %dma_start3A_128] : memref<10000x128xbf16, #tpu.memory_space<hbm>> -> memref<10000x128xbf16, #tpu.memory_space<hbm>>
        %dma_start3A_130 = tpu.memref_slice %arg11[%dma_start3A_118, %dma_start3A_119] : memref<2x9x!tpu.dma_semaphore, #tpu.memory_space<semaphore_mem>> -> memref<1x1x!tpu.dma_semaphore, #tpu.memory_space<semaphore_mem>>
        %dma_start3A_131 = tpu.memref_squeeze %dma_start3A_130 : memref<1x1x!tpu.dma_semaphore, #tpu.memory_space<semaphore_mem>> -> memref<!tpu.dma_semaphore, #tpu.memory_space<semaphore_mem>>
        tpu.enqueue_indirect_dma source(%dma_start3A_129 : memref<10000x128xbf16, #tpu.memory_space<hbm>>) target(%dma_start3A_123 : memref<64x128xbf16, #tpu.memory_space<vmem>>) offsets(%dma_start3A_126 : memref<64xi32, #tpu.memory_space<vmem>>) semaphore(%dma_start3A_131 : memref<!tpu.dma_semaphore, #tpu.memory_space<semaphore_mem>>)
        %dma_start3A_132 = arith.constant 6 : i32
        %dma_start3A_133 = arith.constant 6 : i32
        %dma_start3A_134 = arith.constant 0 : i32
        %dma_start3A_135 = arith.constant 6 : i32
        %dma_start3A_136 = arith.constant 0 : i32
        %dma_start3A_137 = arith.constant 0 : i32
        %dma_start3A_138 = tpu.memref_slice %arg8[%dma_start3A_133, %dma_start3A_136, %dma_start3A_137] : memref<8x64x128xbf16, #tpu.memory_space<vmem>> -> memref<1x64x128xbf16, #tpu.memory_space<vmem>>
        %dma_start3A_139 = tpu.memref_squeeze %dma_start3A_138 : memref<1x64x128xbf16, #tpu.memory_space<vmem>> -> memref<64x128xbf16, #tpu.memory_space<vmem>>
        %dma_start3A_140 = arith.constant 0 : i32
        %dma_start3A_141 = tpu.memref_slice %arg6[%dma_start3A_132, %dma_start3A_140] : memref<8x64xi32, #tpu.memory_space<vmem>> -> memref<1x64xi32, #tpu.memory_space<vmem>>
        %dma_start3A_142 = tpu.memref_squeeze %dma_start3A_141 : memref<1x64xi32, #tpu.memory_space<vmem>> -> memref<64xi32, #tpu.memory_space<vmem>>
        %dma_start3A_143 = arith.constant 0 : i32
        %dma_start3A_144 = arith.constant 0 : i32
        %dma_start3A_145 = tpu.memref_slice %arg2[%dma_start3A_143, %dma_start3A_144] : memref<10000x128xbf16, #tpu.memory_space<hbm>> -> memref<10000x128xbf16, #tpu.memory_space<hbm>>
        %dma_start3A_146 = tpu.memref_slice %arg11[%dma_start3A_134, %dma_start3A_135] : memref<2x9x!tpu.dma_semaphore, #tpu.memory_space<semaphore_mem>> -> memref<1x1x!tpu.dma_semaphore, #tpu.memory_space<semaphore_mem>>
        %dma_start3A_147 = tpu.memref_squeeze %dma_start3A_146 : memref<1x1x!tpu.dma_semaphore, #tpu.memory_space<semaphore_mem>> -> memref<!tpu.dma_semaphore, #tpu.memory_space<semaphore_mem>>
        tpu.enqueue_indirect_dma source(%dma_start3A_145 : memref<10000x128xbf16, #tpu.memory_space<hbm>>) target(%dma_start3A_139 : memref<64x128xbf16, #tpu.memory_space<vmem>>) offsets(%dma_start3A_142 : memref<64xi32, #tpu.memory_space<vmem>>) semaphore(%dma_start3A_147 : memref<!tpu.dma_semaphore, #tpu.memory_space<semaphore_mem>>)
        %dma_start3A_148 = arith.constant 7 : i32
        %dma_start3A_149 = arith.constant 7 : i32
        %dma_start3A_150 = arith.constant 0 : i32
        %dma_start3A_151 = arith.constant 7 : i32
        %dma_start3A_152 = arith.constant 0 : i32
        %dma_start3A_153 = arith.constant 0 : i32
        %dma_start3A_154 = tpu.memref_slice %arg8[%dma_start3A_149, %dma_start3A_152, %dma_start3A_153] : memref<8x64x128xbf16, #tpu.memory_space<vmem>> -> memref<1x64x128xbf16, #tpu.memory_space<vmem>>
        %dma_start3A_155 = tpu.memref_squeeze %dma_start3A_154 : memref<1x64x128xbf16, #tpu.memory_space<vmem>> -> memref<64x128xbf16, #tpu.memory_space<vmem>>
        %dma_start3A_156 = arith.constant 0 : i32
        %dma_start3A_157 = tpu.memref_slice %arg6[%dma_start3A_148, %dma_start3A_156] : memref<8x64xi32, #tpu.memory_space<vmem>> -> memref<1x64xi32, #tpu.memory_space<vmem>>
        %dma_start3A_158 = tpu.memref_squeeze %dma_start3A_157 : memref<1x64xi32, #tpu.memory_space<vmem>> -> memref<64xi32, #tpu.memory_space<vmem>>
        %dma_start3A_159 = arith.constant 0 : i32
        %dma_start3A_160 = arith.constant 0 : i32
        %dma_start3A_161 = tpu.memref_slice %arg2[%dma_start3A_159, %dma_start3A_160] : memref<10000x128xbf16, #tpu.memory_space<hbm>> -> memref<10000x128xbf16, #tpu.memory_space<hbm>>
        %dma_start3A_162 = tpu.memref_slice %arg11[%dma_start3A_150, %dma_start3A_151] : memref<2x9x!tpu.dma_semaphore, #tpu.memory_space<semaphore_mem>> -> memref<1x1x!tpu.dma_semaphore, #tpu.memory_space<semaphore_mem>>
        %dma_start3A_163 = tpu.memref_squeeze %dma_start3A_162 : memref<1x1x!tpu.dma_semaphore, #tpu.memory_space<semaphore_mem>> -> memref<!tpu.dma_semaphore, #tpu.memory_space<semaphore_mem>>
        tpu.enqueue_indirect_dma source(%dma_start3A_161 : memref<10000x128xbf16, #tpu.memory_space<hbm>>) target(%dma_start3A_155 : memref<64x128xbf16, #tpu.memory_space<vmem>>) offsets(%dma_start3A_158 : memref<64xi32, #tpu.memory_space<vmem>>) semaphore(%dma_start3A_163 : memref<!tpu.dma_semaphore, #tpu.memory_space<semaphore_mem>>)
        %dma_wait3A_164 = arith.constant 1 : i32
        %dma_wait3A_165 = arith.constant 8 : i32
        %dma_wait3A_166 = arith.constant 0 : i32
        %dma_wait3A_167 = tpu.memref_slice %arg4[%mul3A_13, %dma_wait3A_166] : memref<3200x64xi32, #tpu.memory_space<hbm>> -> memref<8x64xi32, #tpu.memory_space<hbm>>
        %dma_wait3A_168 = tpu.memref_slice %arg11[%dma_wait3A_164, %dma_wait3A_165] : memref<2x9x!tpu.dma_semaphore, #tpu.memory_space<semaphore_mem>> -> memref<1x1x!tpu.dma_semaphore, #tpu.memory_space<semaphore_mem>>
        %dma_wait3A_169 = tpu.memref_squeeze %dma_wait3A_168 : memref<1x1x!tpu.dma_semaphore, #tpu.memory_space<semaphore_mem>> -> memref<!tpu.dma_semaphore, #tpu.memory_space<semaphore_mem>>
        %dma_wait3A_170 = arith.constant 0 : i32
        %dma_wait3A_171 = tpu.memref_slice %arg4[%mul3A_13, %dma_wait3A_170] : memref<3200x64xi32, #tpu.memory_space<hbm>> -> memref<8x64xi32, #tpu.memory_space<hbm>>
        tpu.wait_dma2 semaphore(%dma_wait3A_169 : memref<!tpu.dma_semaphore, #tpu.memory_space<semaphore_mem>>) src(%dma_wait3A_171 : memref<8x64xi32, #tpu.memory_space<hbm>>) dst(%arg7 : memref<8x64xi32, #tpu.memory_space<vmem>>)
        %dma_start3A_172 = arith.constant 0 : i32
        %dma_start3A_173 = arith.constant 0 : i32
        %dma_start3A_174 = arith.constant 1 : i32
        %dma_start3A_175 = arith.constant 0 : i32
        %dma_start3A_176 = arith.constant 0 : i32
        %dma_start3A_177 = arith.constant 0 : i32
        %dma_start3A_178 = tpu.memref_slice %arg9[%dma_start3A_173, %dma_start3A_176, %dma_start3A_177] : memref<8x64x128xbf16, #tpu.memory_space<vmem>> -> memref<1x64x128xbf16, #tpu.memory_space<vmem>>
        %dma_start3A_179 = tpu.memref_squeeze %dma_start3A_178 : memref<1x64x128xbf16, #tpu.memory_space<vmem>> -> memref<64x128xbf16, #tpu.memory_space<vmem>>
        %dma_start3A_180 = arith.constant 0 : i32
        %dma_start3A_181 = tpu.memref_slice %arg7[%dma_start3A_172, %dma_start3A_180] : memref<8x64xi32, #tpu.memory_space<vmem>> -> memref<1x64xi32, #tpu.memory_space<vmem>>
        %dma_start3A_182 = tpu.memref_squeeze %dma_start3A_181 : memref<1x64xi32, #tpu.memory_space<vmem>> -> memref<64xi32, #tpu.memory_space<vmem>>
        %dma_start3A_183 = arith.constant 0 : i32
        %dma_start3A_184 = arith.constant 0 : i32
        %dma_start3A_185 = tpu.memref_slice %arg2[%dma_start3A_183, %dma_start3A_184] : memref<10000x128xbf16, #tpu.memory_space<hbm>> -> memref<10000x128xbf16, #tpu.memory_space<hbm>>
        %dma_start3A_186 = tpu.memref_slice %arg11[%dma_start3A_174, %dma_start3A_175] : memref<2x9x!tpu.dma_semaphore, #tpu.memory_space<semaphore_mem>> -> memref<1x1x!tpu.dma_semaphore, #tpu.memory_space<semaphore_mem>>
        %dma_start3A_187 = tpu.memref_squeeze %dma_start3A_186 : memref<1x1x!tpu.dma_semaphore, #tpu.memory_space<semaphore_mem>> -> memref<!tpu.dma_semaphore, #tpu.memory_space<semaphore_mem>>
        tpu.enqueue_indirect_dma source(%dma_start3A_185 : memref<10000x128xbf16, #tpu.memory_space<hbm>>) target(%dma_start3A_179 : memref<64x128xbf16, #tpu.memory_space<vmem>>) offsets(%dma_start3A_182 : memref<64xi32, #tpu.memory_space<vmem>>) semaphore(%dma_start3A_187 : memref<!tpu.dma_semaphore, #tpu.memory_space<semaphore_mem>>)
        %dma_start3A_188 = arith.constant 1 : i32
        %dma_start3A_189 = arith.constant 1 : i32
        %dma_start3A_190 = arith.constant 1 : i32
        %dma_start3A_191 = arith.constant 1 : i32
        %dma_start3A_192 = arith.constant 0 : i32
        %dma_start3A_193 = arith.constant 0 : i32
        %dma_start3A_194 = tpu.memref_slice %arg9[%dma_start3A_189, %dma_start3A_192, %dma_start3A_193] : memref<8x64x128xbf16, #tpu.memory_space<vmem>> -> memref<1x64x128xbf16, #tpu.memory_space<vmem>>
        %dma_start3A_195 = tpu.memref_squeeze %dma_start3A_194 : memref<1x64x128xbf16, #tpu.memory_space<vmem>> -> memref<64x128xbf16, #tpu.memory_space<vmem>>
        %dma_start3A_196 = arith.constant 0 : i32
        %dma_start3A_197 = tpu.memref_slice %arg7[%dma_start3A_188, %dma_start3A_196] : memref<8x64xi32, #tpu.memory_space<vmem>> -> memref<1x64xi32, #tpu.memory_space<vmem>>
        %dma_start3A_198 = tpu.memref_squeeze %dma_start3A_197 : memref<1x64xi32, #tpu.memory_space<vmem>> -> memref<64xi32, #tpu.memory_space<vmem>>
        %dma_start3A_199 = arith.constant 0 : i32
        %dma_start3A_200 = arith.constant 0 : i32
        %dma_start3A_201 = tpu.memref_slice %arg2[%dma_start3A_199, %dma_start3A_200] : memref<10000x128xbf16, #tpu.memory_space<hbm>> -> memref<10000x128xbf16, #tpu.memory_space<hbm>>
        %dma_start3A_202 = tpu.memref_slice %arg11[%dma_start3A_190, %dma_start3A_191] : memref<2x9x!tpu.dma_semaphore, #tpu.memory_space<semaphore_mem>> -> memref<1x1x!tpu.dma_semaphore, #tpu.memory_space<semaphore_mem>>
        %dma_start3A_203 = tpu.memref_squeeze %dma_start3A_202 : memref<1x1x!tpu.dma_semaphore, #tpu.memory_space<semaphore_mem>> -> memref<!tpu.dma_semaphore, #tpu.memory_space<semaphore_mem>>
        tpu.enqueue_indirect_dma source(%dma_start3A_201 : memref<10000x128xbf16, #tpu.memory_space<hbm>>) target(%dma_start3A_195 : memref<64x128xbf16, #tpu.memory_space<vmem>>) offsets(%dma_start3A_198 : memref<64xi32, #tpu.memory_space<vmem>>) semaphore(%dma_start3A_203 : memref<!tpu.dma_semaphore, #tpu.memory_space<semaphore_mem>>)
        %dma_start3A_204 = arith.constant 2 : i32
        %dma_start3A_205 = arith.constant 2 : i32
        %dma_start3A_206 = arith.constant 1 : i32
        %dma_start3A_207 = arith.constant 2 : i32
        %dma_start3A_208 = arith.constant 0 : i32
        %dma_start3A_209 = arith.constant 0 : i32
        %dma_start3A_210 = tpu.memref_slice %arg9[%dma_start3A_205, %dma_start3A_208, %dma_start3A_209] : memref<8x64x128xbf16, #tpu.memory_space<vmem>> -> memref<1x64x128xbf16, #tpu.memory_space<vmem>>
        %dma_start3A_211 = tpu.memref_squeeze %dma_start3A_210 : memref<1x64x128xbf16, #tpu.memory_space<vmem>> -> memref<64x128xbf16, #tpu.memory_space<vmem>>
        %dma_start3A_212 = arith.constant 0 : i32
        %dma_start3A_213 = tpu.memref_slice %arg7[%dma_start3A_204, %dma_start3A_212] : memref<8x64xi32, #tpu.memory_space<vmem>> -> memref<1x64xi32, #tpu.memory_space<vmem>>
        %dma_start3A_214 = tpu.memref_squeeze %dma_start3A_213 : memref<1x64xi32, #tpu.memory_space<vmem>> -> memref<64xi32, #tpu.memory_space<vmem>>
        %dma_start3A_215 = arith.constant 0 : i32
        %dma_start3A_216 = arith.constant 0 : i32
        %dma_start3A_217 = tpu.memref_slice %arg2[%dma_start3A_215, %dma_start3A_216] : memref<10000x128xbf16, #tpu.memory_space<hbm>> -> memref<10000x128xbf16, #tpu.memory_space<hbm>>
        %dma_start3A_218 = tpu.memref_slice %arg11[%dma_start3A_206, %dma_start3A_207] : memref<2x9x!tpu.dma_semaphore, #tpu.memory_space<semaphore_mem>> -> memref<1x1x!tpu.dma_semaphore, #tpu.memory_space<semaphore_mem>>
        %dma_start3A_219 = tpu.memref_squeeze %dma_start3A_218 : memref<1x1x!tpu.dma_semaphore, #tpu.memory_space<semaphore_mem>> -> memref<!tpu.dma_semaphore, #tpu.memory_space<semaphore_mem>>
        tpu.enqueue_indirect_dma source(%dma_start3A_217 : memref<10000x128xbf16, #tpu.memory_space<hbm>>) target(%dma_start3A_211 : memref<64x128xbf16, #tpu.memory_space<vmem>>) offsets(%dma_start3A_214 : memref<64xi32, #tpu.memory_space<vmem>>) semaphore(%dma_start3A_219 : memref<!tpu.dma_semaphore, #tpu.memory_space<semaphore_mem>>)
        %dma_start3A_220 = arith.constant 3 : i32
        %dma_start3A_221 = arith.constant 3 : i32
        %dma_start3A_222 = arith.constant 1 : i32
        %dma_start3A_223 = arith.constant 3 : i32
        %dma_start3A_224 = arith.constant 0 : i32
        %dma_start3A_225 = arith.constant 0 : i32
        %dma_start3A_226 = tpu.memref_slice %arg9[%dma_start3A_221, %dma_start3A_224, %dma_start3A_225] : memref<8x64x128xbf16, #tpu.memory_space<vmem>> -> memref<1x64x128xbf16, #tpu.memory_space<vmem>>
        %dma_start3A_227 = tpu.memref_squeeze %dma_start3A_226 : memref<1x64x128xbf16, #tpu.memory_space<vmem>> -> memref<64x128xbf16, #tpu.memory_space<vmem>>
        %dma_start3A_228 = arith.constant 0 : i32
        %dma_start3A_229 = tpu.memref_slice %arg7[%dma_start3A_220, %dma_start3A_228] : memref<8x64xi32, #tpu.memory_space<vmem>> -> memref<1x64xi32, #tpu.memory_space<vmem>>
        %dma_start3A_230 = tpu.memref_squeeze %dma_start3A_229 : memref<1x64xi32, #tpu.memory_space<vmem>> -> memref<64xi32, #tpu.memory_space<vmem>>
        %dma_start3A_231 = arith.constant 0 : i32
        %dma_start3A_232 = arith.constant 0 : i32
        %dma_start3A_233 = tpu.memref_slice %arg2[%dma_start3A_231, %dma_start3A_232] : memref<10000x128xbf16, #tpu.memory_space<hbm>> -> memref<10000x128xbf16, #tpu.memory_space<hbm>>
        %dma_start3A_234 = tpu.memref_slice %arg11[%dma_start3A_222, %dma_start3A_223] : memref<2x9x!tpu.dma_semaphore, #tpu.memory_space<semaphore_mem>> -> memref<1x1x!tpu.dma_semaphore, #tpu.memory_space<semaphore_mem>>
        %dma_start3A_235 = tpu.memref_squeeze %dma_start3A_234 : memref<1x1x!tpu.dma_semaphore, #tpu.memory_space<semaphore_mem>> -> memref<!tpu.dma_semaphore, #tpu.memory_space<semaphore_mem>>
        tpu.enqueue_indirect_dma source(%dma_start3A_233 : memref<10000x128xbf16, #tpu.memory_space<hbm>>) target(%dma_start3A_227 : memref<64x128xbf16, #tpu.memory_space<vmem>>) offsets(%dma_start3A_230 : memref<64xi32, #tpu.memory_space<vmem>>) semaphore(%dma_start3A_235 : memref<!tpu.dma_semaphore, #tpu.memory_space<semaphore_mem>>)
        %dma_start3A_236 = arith.constant 4 : i32
        %dma_start3A_237 = arith.constant 4 : i32
        %dma_start3A_238 = arith.constant 1 : i32
        %dma_start3A_239 = arith.constant 4 : i32
        %dma_start3A_240 = arith.constant 0 : i32
        %dma_start3A_241 = arith.constant 0 : i32
        %dma_start3A_242 = tpu.memref_slice %arg9[%dma_start3A_237, %dma_start3A_240, %dma_start3A_241] : memref<8x64x128xbf16, #tpu.memory_space<vmem>> -> memref<1x64x128xbf16, #tpu.memory_space<vmem>>
        %dma_start3A_243 = tpu.memref_squeeze %dma_start3A_242 : memref<1x64x128xbf16, #tpu.memory_space<vmem>> -> memref<64x128xbf16, #tpu.memory_space<vmem>>
        %dma_start3A_244 = arith.constant 0 : i32
        %dma_start3A_245 = tpu.memref_slice %arg7[%dma_start3A_236, %dma_start3A_244] : memref<8x64xi32, #tpu.memory_space<vmem>> -> memref<1x64xi32, #tpu.memory_space<vmem>>
        %dma_start3A_246 = tpu.memref_squeeze %dma_start3A_245 : memref<1x64xi32, #tpu.memory_space<vmem>> -> memref<64xi32, #tpu.memory_space<vmem>>
        %dma_start3A_247 = arith.constant 0 : i32
        %dma_start3A_248 = arith.constant 0 : i32
        %dma_start3A_249 = tpu.memref_slice %arg2[%dma_start3A_247, %dma_start3A_248] : memref<10000x128xbf16, #tpu.memory_space<hbm>> -> memref<10000x128xbf16, #tpu.memory_space<hbm>>
        %dma_start3A_250 = tpu.memref_slice %arg11[%dma_start3A_238, %dma_start3A_239] : memref<2x9x!tpu.dma_semaphore, #tpu.memory_space<semaphore_mem>> -> memref<1x1x!tpu.dma_semaphore, #tpu.memory_space<semaphore_mem>>
        %dma_start3A_251 = tpu.memref_squeeze %dma_start3A_250 : memref<1x1x!tpu.dma_semaphore, #tpu.memory_space<semaphore_mem>> -> memref<!tpu.dma_semaphore, #tpu.memory_space<semaphore_mem>>
        tpu.enqueue_indirect_dma source(%dma_start3A_249 : memref<10000x128xbf16, #tpu.memory_space<hbm>>) target(%dma_start3A_243 : memref<64x128xbf16, #tpu.memory_space<vmem>>) offsets(%dma_start3A_246 : memref<64xi32, #tpu.memory_space<vmem>>) semaphore(%dma_start3A_251 : memref<!tpu.dma_semaphore, #tpu.memory_space<semaphore_mem>>)
        %dma_start3A_252 = arith.constant 5 : i32
        %dma_start3A_253 = arith.constant 5 : i32
        %dma_start3A_254 = arith.constant 1 : i32
        %dma_start3A_255 = arith.constant 5 : i32
        %dma_start3A_256 = arith.constant 0 : i32
        %dma_start3A_257 = arith.constant 0 : i32
        %dma_start3A_258 = tpu.memref_slice %arg9[%dma_start3A_253, %dma_start3A_256, %dma_start3A_257] : memref<8x64x128xbf16, #tpu.memory_space<vmem>> -> memref<1x64x128xbf16, #tpu.memory_space<vmem>>
        %dma_start3A_259 = tpu.memref_squeeze %dma_start3A_258 : memref<1x64x128xbf16, #tpu.memory_space<vmem>> -> memref<64x128xbf16, #tpu.memory_space<vmem>>
        %dma_start3A_260 = arith.constant 0 : i32
        %dma_start3A_261 = tpu.memref_slice %arg7[%dma_start3A_252, %dma_start3A_260] : memref<8x64xi32, #tpu.memory_space<vmem>> -> memref<1x64xi32, #tpu.memory_space<vmem>>
        %dma_start3A_262 = tpu.memref_squeeze %dma_start3A_261 : memref<1x64xi32, #tpu.memory_space<vmem>> -> memref<64xi32, #tpu.memory_space<vmem>>
        %dma_start3A_263 = arith.constant 0 : i32
        %dma_start3A_264 = arith.constant 0 : i32
        %dma_start3A_265 = tpu.memref_slice %arg2[%dma_start3A_263, %dma_start3A_264] : memref<10000x128xbf16, #tpu.memory_space<hbm>> -> memref<10000x128xbf16, #tpu.memory_space<hbm>>
        %dma_start3A_266 = tpu.memref_slice %arg11[%dma_start3A_254, %dma_start3A_255] : memref<2x9x!tpu.dma_semaphore, #tpu.memory_space<semaphore_mem>> -> memref<1x1x!tpu.dma_semaphore, #tpu.memory_space<semaphore_mem>>
        %dma_start3A_267 = tpu.memref_squeeze %dma_start3A_266 : memref<1x1x!tpu.dma_semaphore, #tpu.memory_space<semaphore_mem>> -> memref<!tpu.dma_semaphore, #tpu.memory_space<semaphore_mem>>
        tpu.enqueue_indirect_dma source(%dma_start3A_265 : memref<10000x128xbf16, #tpu.memory_space<hbm>>) target(%dma_start3A_259 : memref<64x128xbf16, #tpu.memory_space<vmem>>) offsets(%dma_start3A_262 : memref<64xi32, #tpu.memory_space<vmem>>) semaphore(%dma_start3A_267 : memref<!tpu.dma_semaphore, #tpu.memory_space<semaphore_mem>>)
        %dma_start3A_268 = arith.constant 6 : i32
        %dma_start3A_269 = arith.constant 6 : i32
        %dma_start3A_270 = arith.constant 1 : i32
        %dma_start3A_271 = arith.constant 6 : i32
        %dma_start3A_272 = arith.constant 0 : i32
        %dma_start3A_273 = arith.constant 0 : i32
        %dma_start3A_274 = tpu.memref_slice %arg9[%dma_start3A_269, %dma_start3A_272, %dma_start3A_273] : memref<8x64x128xbf16, #tpu.memory_space<vmem>> -> memref<1x64x128xbf16, #tpu.memory_space<vmem>>
        %dma_start3A_275 = tpu.memref_squeeze %dma_start3A_274 : memref<1x64x128xbf16, #tpu.memory_space<vmem>> -> memref<64x128xbf16, #tpu.memory_space<vmem>>
        %dma_start3A_276 = arith.constant 0 : i32
        %dma_start3A_277 = tpu.memref_slice %arg7[%dma_start3A_268, %dma_start3A_276] : memref<8x64xi32, #tpu.memory_space<vmem>> -> memref<1x64xi32, #tpu.memory_space<vmem>>
        %dma_start3A_278 = tpu.memref_squeeze %dma_start3A_277 : memref<1x64xi32, #tpu.memory_space<vmem>> -> memref<64xi32, #tpu.memory_space<vmem>>
        %dma_start3A_279 = arith.constant 0 : i32
        %dma_start3A_280 = arith.constant 0 : i32
        %dma_start3A_281 = tpu.memref_slice %arg2[%dma_start3A_279, %dma_start3A_280] : memref<10000x128xbf16, #tpu.memory_space<hbm>> -> memref<10000x128xbf16, #tpu.memory_space<hbm>>
        %dma_start3A_282 = tpu.memref_slice %arg11[%dma_start3A_270, %dma_start3A_271] : memref<2x9x!tpu.dma_semaphore, #tpu.memory_space<semaphore_mem>> -> memref<1x1x!tpu.dma_semaphore, #tpu.memory_space<semaphore_mem>>
        %dma_start3A_283 = tpu.memref_squeeze %dma_start3A_282 : memref<1x1x!tpu.dma_semaphore, #tpu.memory_space<semaphore_mem>> -> memref<!tpu.dma_semaphore, #tpu.memory_space<semaphore_mem>>
        tpu.enqueue_indirect_dma source(%dma_start3A_281 : memref<10000x128xbf16, #tpu.memory_space<hbm>>) target(%dma_start3A_275 : memref<64x128xbf16, #tpu.memory_space<vmem>>) offsets(%dma_start3A_278 : memref<64xi32, #tpu.memory_space<vmem>>) semaphore(%dma_start3A_283 : memref<!tpu.dma_semaphore, #tpu.memory_space<semaphore_mem>>)
        %dma_start3A_284 = arith.constant 7 : i32
        %dma_start3A_285 = arith.constant 7 : i32
        %dma_start3A_286 = arith.constant 1 : i32
        %dma_start3A_287 = arith.constant 7 : i32
        %dma_start3A_288 = arith.constant 0 : i32
        %dma_start3A_289 = arith.constant 0 : i32
        %dma_start3A_290 = tpu.memref_slice %arg9[%dma_start3A_285, %dma_start3A_288, %dma_start3A_289] : memref<8x64x128xbf16, #tpu.memory_space<vmem>> -> memref<1x64x128xbf16, #tpu.memory_space<vmem>>
        %dma_start3A_291 = tpu.memref_squeeze %dma_start3A_290 : memref<1x64x128xbf16, #tpu.memory_space<vmem>> -> memref<64x128xbf16, #tpu.memory_space<vmem>>
        %dma_start3A_292 = arith.constant 0 : i32
        %dma_start3A_293 = tpu.memref_slice %arg7[%dma_start3A_284, %dma_start3A_292] : memref<8x64xi32, #tpu.memory_space<vmem>> -> memref<1x64xi32, #tpu.memory_space<vmem>>
        %dma_start3A_294 = tpu.memref_squeeze %dma_start3A_293 : memref<1x64xi32, #tpu.memory_space<vmem>> -> memref<64xi32, #tpu.memory_space<vmem>>
        %dma_start3A_295 = arith.constant 0 : i32
        %dma_start3A_296 = arith.constant 0 : i32
        %dma_start3A_297 = tpu.memref_slice %arg2[%dma_start3A_295, %dma_start3A_296] : memref<10000x128xbf16, #tpu.memory_space<hbm>> -> memref<10000x128xbf16, #tpu.memory_space<hbm>>
        %dma_start3A_298 = tpu.memref_slice %arg11[%dma_start3A_286, %dma_start3A_287] : memref<2x9x!tpu.dma_semaphore, #tpu.memory_space<semaphore_mem>> -> memref<1x1x!tpu.dma_semaphore, #tpu.memory_space<semaphore_mem>>
        %dma_start3A_299 = tpu.memref_squeeze %dma_start3A_298 : memref<1x1x!tpu.dma_semaphore, #tpu.memory_space<semaphore_mem>> -> memref<!tpu.dma_semaphore, #tpu.memory_space<semaphore_mem>>
        tpu.enqueue_indirect_dma source(%dma_start3A_297 : memref<10000x128xbf16, #tpu.memory_space<hbm>>) target(%dma_start3A_291 : memref<64x128xbf16, #tpu.memory_space<vmem>>) offsets(%dma_start3A_294 : memref<64xi32, #tpu.memory_space<vmem>>) semaphore(%dma_start3A_299 : memref<!tpu.dma_semaphore, #tpu.memory_space<semaphore_mem>>)
        %dma_wait3A_300 = arith.constant 0 : i32
        %dma_wait3A_301 = arith.constant 0 : i32
        %dma_wait3A_302 = arith.constant 0 : i32
        %dma_wait3A_303 = arith.constant 0 : i32
        %dma_wait3A_304 = arith.constant 0 : i32
        %dma_wait3A_305 = arith.constant 0 : i32
        %dma_wait3A_306 = tpu.memref_slice %arg8[%dma_wait3A_301, %dma_wait3A_304, %dma_wait3A_305] : memref<8x64x128xbf16, #tpu.memory_space<vmem>> -> memref<1x64x128xbf16, #tpu.memory_space<vmem>>
        %dma_wait3A_307 = tpu.memref_squeeze %dma_wait3A_306 : memref<1x64x128xbf16, #tpu.memory_space<vmem>> -> memref<64x128xbf16, #tpu.memory_space<vmem>>
        %dma_wait3A_308 = arith.constant 0 : i32
        %dma_wait3A_309 = tpu.memref_slice %arg6[%dma_wait3A_300, %dma_wait3A_308] : memref<8x64xi32, #tpu.memory_space<vmem>> -> memref<1x64xi32, #tpu.memory_space<vmem>>
        %dma_wait3A_310 = tpu.memref_squeeze %dma_wait3A_309 : memref<1x64xi32, #tpu.memory_space<vmem>> -> memref<64xi32, #tpu.memory_space<vmem>>
        %dma_wait3A_311 = arith.constant 0 : i32
        %dma_wait3A_312 = arith.constant 0 : i32
        %dma_wait3A_313 = tpu.memref_slice %arg2[%dma_wait3A_311, %dma_wait3A_312] : memref<10000x128xbf16, #tpu.memory_space<hbm>> -> memref<10000x128xbf16, #tpu.memory_space<hbm>>
        %dma_wait3A_314 = tpu.memref_slice %arg11[%dma_wait3A_302, %dma_wait3A_303] : memref<2x9x!tpu.dma_semaphore, #tpu.memory_space<semaphore_mem>> -> memref<1x1x!tpu.dma_semaphore, #tpu.memory_space<semaphore_mem>>
        %dma_wait3A_315 = tpu.memref_squeeze %dma_wait3A_314 : memref<1x1x!tpu.dma_semaphore, #tpu.memory_space<semaphore_mem>> -> memref<!tpu.dma_semaphore, #tpu.memory_space<semaphore_mem>>
        tpu.wait_indirect_dma semaphore(%dma_wait3A_315 : memref<!tpu.dma_semaphore, #tpu.memory_space<semaphore_mem>>) src(%dma_wait3A_313 : memref<10000x128xbf16, #tpu.memory_space<hbm>>) dst(%dma_wait3A_307 : memref<64x128xbf16, #tpu.memory_space<vmem>>)
        %dma_wait3A_316 = arith.constant 1 : i32
        %dma_wait3A_317 = arith.constant 1 : i32
        %dma_wait3A_318 = arith.constant 0 : i32
        %dma_wait3A_319 = arith.constant 1 : i32
        %dma_wait3A_320 = arith.constant 0 : i32
        %dma_wait3A_321 = arith.constant 0 : i32
        %dma_wait3A_322 = tpu.memref_slice %arg8[%dma_wait3A_317, %dma_wait3A_320, %dma_wait3A_321] : memref<8x64x128xbf16, #tpu.memory_space<vmem>> -> memref<1x64x128xbf16, #tpu.memory_space<vmem>>
        %dma_wait3A_323 = tpu.memref_squeeze %dma_wait3A_322 : memref<1x64x128xbf16, #tpu.memory_space<vmem>> -> memref<64x128xbf16, #tpu.memory_space<vmem>>
        %dma_wait3A_324 = arith.constant 0 : i32
        %dma_wait3A_325 = tpu.memref_slice %arg6[%dma_wait3A_316, %dma_wait3A_324] : memref<8x64xi32, #tpu.memory_space<vmem>> -> memref<1x64xi32, #tpu.memory_space<vmem>>
        %dma_wait3A_326 = tpu.memref_squeeze %dma_wait3A_325 : memref<1x64xi32, #tpu.memory_space<vmem>> -> memref<64xi32, #tpu.memory_space<vmem>>
        %dma_wait3A_327 = arith.constant 0 : i32
        %dma_wait3A_328 = arith.constant 0 : i32
        %dma_wait3A_329 = tpu.memref_slice %arg2[%dma_wait3A_327, %dma_wait3A_328] : memref<10000x128xbf16, #tpu.memory_space<hbm>> -> memref<10000x128xbf16, #tpu.memory_space<hbm>>
        %dma_wait3A_330 = tpu.memref_slice %arg11[%dma_wait3A_318, %dma_wait3A_319] : memref<2x9x!tpu.dma_semaphore, #tpu.memory_space<semaphore_mem>> -> memref<1x1x!tpu.dma_semaphore, #tpu.memory_space<semaphore_mem>>
        %dma_wait3A_331 = tpu.memref_squeeze %dma_wait3A_330 : memref<1x1x!tpu.dma_semaphore, #tpu.memory_space<semaphore_mem>> -> memref<!tpu.dma_semaphore, #tpu.memory_space<semaphore_mem>>
        tpu.wait_indirect_dma semaphore(%dma_wait3A_331 : memref<!tpu.dma_semaphore, #tpu.memory_space<semaphore_mem>>) src(%dma_wait3A_329 : memref<10000x128xbf16, #tpu.memory_space<hbm>>) dst(%dma_wait3A_323 : memref<64x128xbf16, #tpu.memory_space<vmem>>)
        %dma_wait3A_332 = arith.constant 2 : i32
        %dma_wait3A_333 = arith.constant 2 : i32
        %dma_wait3A_334 = arith.constant 0 : i32
        %dma_wait3A_335 = arith.constant 2 : i32
        %dma_wait3A_336 = arith.constant 0 : i32
        %dma_wait3A_337 = arith.constant 0 : i32
        %dma_wait3A_338 = tpu.memref_slice %arg8[%dma_wait3A_333, %dma_wait3A_336, %dma_wait3A_337] : memref<8x64x128xbf16, #tpu.memory_space<vmem>> -> memref<1x64x128xbf16, #tpu.memory_space<vmem>>
        %dma_wait3A_339 = tpu.memref_squeeze %dma_wait3A_338 : memref<1x64x128xbf16, #tpu.memory_space<vmem>> -> memref<64x128xbf16, #tpu.memory_space<vmem>>
        %dma_wait3A_340 = arith.constant 0 : i32
        %dma_wait3A_341 = tpu.memref_slice %arg6[%dma_wait3A_332, %dma_wait3A_340] : memref<8x64xi32, #tpu.memory_space<vmem>> -> memref<1x64xi32, #tpu.memory_space<vmem>>
        %dma_wait3A_342 = tpu.memref_squeeze %dma_wait3A_341 : memref<1x64xi32, #tpu.memory_space<vmem>> -> memref<64xi32, #tpu.memory_space<vmem>>
        %dma_wait3A_343 = arith.constant 0 : i32
        %dma_wait3A_344 = arith.constant 0 : i32
        %dma_wait3A_345 = tpu.memref_slice %arg2[%dma_wait3A_343, %dma_wait3A_344] : memref<10000x128xbf16, #tpu.memory_space<hbm>> -> memref<10000x128xbf16, #tpu.memory_space<hbm>>
        %dma_wait3A_346 = tpu.memref_slice %arg11[%dma_wait3A_334, %dma_wait3A_335] : memref<2x9x!tpu.dma_semaphore, #tpu.memory_space<semaphore_mem>> -> memref<1x1x!tpu.dma_semaphore, #tpu.memory_space<semaphore_mem>>
        %dma_wait3A_347 = tpu.memref_squeeze %dma_wait3A_346 : memref<1x1x!tpu.dma_semaphore, #tpu.memory_space<semaphore_mem>> -> memref<!tpu.dma_semaphore, #tpu.memory_space<semaphore_mem>>
        tpu.wait_indirect_dma semaphore(%dma_wait3A_347 : memref<!tpu.dma_semaphore, #tpu.memory_space<semaphore_mem>>) src(%dma_wait3A_345 : memref<10000x128xbf16, #tpu.memory_space<hbm>>) dst(%dma_wait3A_339 : memref<64x128xbf16, #tpu.memory_space<vmem>>)
        %dma_wait3A_348 = arith.constant 3 : i32
        %dma_wait3A_349 = arith.constant 3 : i32
        %dma_wait3A_350 = arith.constant 0 : i32
        %dma_wait3A_351 = arith.constant 3 : i32
        %dma_wait3A_352 = arith.constant 0 : i32
        %dma_wait3A_353 = arith.constant 0 : i32
        %dma_wait3A_354 = tpu.memref_slice %arg8[%dma_wait3A_349, %dma_wait3A_352, %dma_wait3A_353] : memref<8x64x128xbf16, #tpu.memory_space<vmem>> -> memref<1x64x128xbf16, #tpu.memory_space<vmem>>
        %dma_wait3A_355 = tpu.memref_squeeze %dma_wait3A_354 : memref<1x64x128xbf16, #tpu.memory_space<vmem>> -> memref<64x128xbf16, #tpu.memory_space<vmem>>
        %dma_wait3A_356 = arith.constant 0 : i32
        %dma_wait3A_357 = tpu.memref_slice %arg6[%dma_wait3A_348, %dma_wait3A_356] : memref<8x64xi32, #tpu.memory_space<vmem>> -> memref<1x64xi32, #tpu.memory_space<vmem>>
        %dma_wait3A_358 = tpu.memref_squeeze %dma_wait3A_357 : memref<1x64xi32, #tpu.memory_space<vmem>> -> memref<64xi32, #tpu.memory_space<vmem>>
        %dma_wait3A_359 = arith.constant 0 : i32
        %dma_wait3A_360 = arith.constant 0 : i32
        %dma_wait3A_361 = tpu.memref_slice %arg2[%dma_wait3A_359, %dma_wait3A_360] : memref<10000x128xbf16, #tpu.memory_space<hbm>> -> memref<10000x128xbf16, #tpu.memory_space<hbm>>
        %dma_wait3A_362 = tpu.memref_slice %arg11[%dma_wait3A_350, %dma_wait3A_351] : memref<2x9x!tpu.dma_semaphore, #tpu.memory_space<semaphore_mem>> -> memref<1x1x!tpu.dma_semaphore, #tpu.memory_space<semaphore_mem>>
        %dma_wait3A_363 = tpu.memref_squeeze %dma_wait3A_362 : memref<1x1x!tpu.dma_semaphore, #tpu.memory_space<semaphore_mem>> -> memref<!tpu.dma_semaphore, #tpu.memory_space<semaphore_mem>>
        tpu.wait_indirect_dma semaphore(%dma_wait3A_363 : memref<!tpu.dma_semaphore, #tpu.memory_space<semaphore_mem>>) src(%dma_wait3A_361 : memref<10000x128xbf16, #tpu.memory_space<hbm>>) dst(%dma_wait3A_355 : memref<64x128xbf16, #tpu.memory_space<vmem>>)
        %dma_wait3A_364 = arith.constant 4 : i32
        %dma_wait3A_365 = arith.constant 4 : i32
        %dma_wait3A_366 = arith.constant 0 : i32
        %dma_wait3A_367 = arith.constant 4 : i32
        %dma_wait3A_368 = arith.constant 0 : i32
        %dma_wait3A_369 = arith.constant 0 : i32
        %dma_wait3A_370 = tpu.memref_slice %arg8[%dma_wait3A_365, %dma_wait3A_368, %dma_wait3A_369] : memref<8x64x128xbf16, #tpu.memory_space<vmem>> -> memref<1x64x128xbf16, #tpu.memory_space<vmem>>
        %dma_wait3A_371 = tpu.memref_squeeze %dma_wait3A_370 : memref<1x64x128xbf16, #tpu.memory_space<vmem>> -> memref<64x128xbf16, #tpu.memory_space<vmem>>
        %dma_wait3A_372 = arith.constant 0 : i32
        %dma_wait3A_373 = tpu.memref_slice %arg6[%dma_wait3A_364, %dma_wait3A_372] : memref<8x64xi32, #tpu.memory_space<vmem>> -> memref<1x64xi32, #tpu.memory_space<vmem>>
        %dma_wait3A_374 = tpu.memref_squeeze %dma_wait3A_373 : memref<1x64xi32, #tpu.memory_space<vmem>> -> memref<64xi32, #tpu.memory_space<vmem>>
        %dma_wait3A_375 = arith.constant 0 : i32
        %dma_wait3A_376 = arith.constant 0 : i32
        %dma_wait3A_377 = tpu.memref_slice %arg2[%dma_wait3A_375, %dma_wait3A_376] : memref<10000x128xbf16, #tpu.memory_space<hbm>> -> memref<10000x128xbf16, #tpu.memory_space<hbm>>
        %dma_wait3A_378 = tpu.memref_slice %arg11[%dma_wait3A_366, %dma_wait3A_367] : memref<2x9x!tpu.dma_semaphore, #tpu.memory_space<semaphore_mem>> -> memref<1x1x!tpu.dma_semaphore, #tpu.memory_space<semaphore_mem>>
        %dma_wait3A_379 = tpu.memref_squeeze %dma_wait3A_378 : memref<1x1x!tpu.dma_semaphore, #tpu.memory_space<semaphore_mem>> -> memref<!tpu.dma_semaphore, #tpu.memory_space<semaphore_mem>>
        tpu.wait_indirect_dma semaphore(%dma_wait3A_379 : memref<!tpu.dma_semaphore, #tpu.memory_space<semaphore_mem>>) src(%dma_wait3A_377 : memref<10000x128xbf16, #tpu.memory_space<hbm>>) dst(%dma_wait3A_371 : memref<64x128xbf16, #tpu.memory_space<vmem>>)
        %dma_wait3A_380 = arith.constant 5 : i32
        %dma_wait3A_381 = arith.constant 5 : i32
        %dma_wait3A_382 = arith.constant 0 : i32
        %dma_wait3A_383 = arith.constant 5 : i32
        %dma_wait3A_384 = arith.constant 0 : i32
        %dma_wait3A_385 = arith.constant 0 : i32
        %dma_wait3A_386 = tpu.memref_slice %arg8[%dma_wait3A_381, %dma_wait3A_384, %dma_wait3A_385] : memref<8x64x128xbf16, #tpu.memory_space<vmem>> -> memref<1x64x128xbf16, #tpu.memory_space<vmem>>
        %dma_wait3A_387 = tpu.memref_squeeze %dma_wait3A_386 : memref<1x64x128xbf16, #tpu.memory_space<vmem>> -> memref<64x128xbf16, #tpu.memory_space<vmem>>
        %dma_wait3A_388 = arith.constant 0 : i32
        %dma_wait3A_389 = tpu.memref_slice %arg6[%dma_wait3A_380, %dma_wait3A_388] : memref<8x64xi32, #tpu.memory_space<vmem>> -> memref<1x64xi32, #tpu.memory_space<vmem>>
        %dma_wait3A_390 = tpu.memref_squeeze %dma_wait3A_389 : memref<1x64xi32, #tpu.memory_space<vmem>> -> memref<64xi32, #tpu.memory_space<vmem>>
        %dma_wait3A_391 = arith.constant 0 : i32
        %dma_wait3A_392 = arith.constant 0 : i32
        %dma_wait3A_393 = tpu.memref_slice %arg2[%dma_wait3A_391, %dma_wait3A_392] : memref<10000x128xbf16, #tpu.memory_space<hbm>> -> memref<10000x128xbf16, #tpu.memory_space<hbm>>
        %dma_wait3A_394 = tpu.memref_slice %arg11[%dma_wait3A_382, %dma_wait3A_383] : memref<2x9x!tpu.dma_semaphore, #tpu.memory_space<semaphore_mem>> -> memref<1x1x!tpu.dma_semaphore, #tpu.memory_space<semaphore_mem>>
        %dma_wait3A_395 = tpu.memref_squeeze %dma_wait3A_394 : memref<1x1x!tpu.dma_semaphore, #tpu.memory_space<semaphore_mem>> -> memref<!tpu.dma_semaphore, #tpu.memory_space<semaphore_mem>>
        tpu.wait_indirect_dma semaphore(%dma_wait3A_395 : memref<!tpu.dma_semaphore, #tpu.memory_space<semaphore_mem>>) src(%dma_wait3A_393 : memref<10000x128xbf16, #tpu.memory_space<hbm>>) dst(%dma_wait3A_387 : memref<64x128xbf16, #tpu.memory_space<vmem>>)
        %dma_wait3A_396 = arith.constant 6 : i32
        %dma_wait3A_397 = arith.constant 6 : i32
        %dma_wait3A_398 = arith.constant 0 : i32
        %dma_wait3A_399 = arith.constant 6 : i32
        %dma_wait3A_400 = arith.constant 0 : i32
        %dma_wait3A_401 = arith.constant 0 : i32
        %dma_wait3A_402 = tpu.memref_slice %arg8[%dma_wait3A_397, %dma_wait3A_400, %dma_wait3A_401] : memref<8x64x128xbf16, #tpu.memory_space<vmem>> -> memref<1x64x128xbf16, #tpu.memory_space<vmem>>
        %dma_wait3A_403 = tpu.memref_squeeze %dma_wait3A_402 : memref<1x64x128xbf16, #tpu.memory_space<vmem>> -> memref<64x128xbf16, #tpu.memory_space<vmem>>
        %dma_wait3A_404 = arith.constant 0 : i32
        %dma_wait3A_405 = tpu.memref_slice %arg6[%dma_wait3A_396, %dma_wait3A_404] : memref<8x64xi32, #tpu.memory_space<vmem>> -> memref<1x64xi32, #tpu.memory_space<vmem>>
        %dma_wait3A_406 = tpu.memref_squeeze %dma_wait3A_405 : memref<1x64xi32, #tpu.memory_space<vmem>> -> memref<64xi32, #tpu.memory_space<vmem>>
        %dma_wait3A_407 = arith.constant 0 : i32
        %dma_wait3A_408 = arith.constant 0 : i32
        %dma_wait3A_409 = tpu.memref_slice %arg2[%dma_wait3A_407, %dma_wait3A_408] : memref<10000x128xbf16, #tpu.memory_space<hbm>> -> memref<10000x128xbf16, #tpu.memory_space<hbm>>
        %dma_wait3A_410 = tpu.memref_slice %arg11[%dma_wait3A_398, %dma_wait3A_399] : memref<2x9x!tpu.dma_semaphore, #tpu.memory_space<semaphore_mem>> -> memref<1x1x!tpu.dma_semaphore, #tpu.memory_space<semaphore_mem>>
        %dma_wait3A_411 = tpu.memref_squeeze %dma_wait3A_410 : memref<1x1x!tpu.dma_semaphore, #tpu.memory_space<semaphore_mem>> -> memref<!tpu.dma_semaphore, #tpu.memory_space<semaphore_mem>>
        tpu.wait_indirect_dma semaphore(%dma_wait3A_411 : memref<!tpu.dma_semaphore, #tpu.memory_space<semaphore_mem>>) src(%dma_wait3A_409 : memref<10000x128xbf16, #tpu.memory_space<hbm>>) dst(%dma_wait3A_403 : memref<64x128xbf16, #tpu.memory_space<vmem>>)
        %dma_wait3A_412 = arith.constant 7 : i32
        %dma_wait3A_413 = arith.constant 7 : i32
        %dma_wait3A_414 = arith.constant 0 : i32
        %dma_wait3A_415 = arith.constant 7 : i32
        %dma_wait3A_416 = arith.constant 0 : i32
        %dma_wait3A_417 = arith.constant 0 : i32
        %dma_wait3A_418 = tpu.memref_slice %arg8[%dma_wait3A_413, %dma_wait3A_416, %dma_wait3A_417] : memref<8x64x128xbf16, #tpu.memory_space<vmem>> -> memref<1x64x128xbf16, #tpu.memory_space<vmem>>
        %dma_wait3A_419 = tpu.memref_squeeze %dma_wait3A_418 : memref<1x64x128xbf16, #tpu.memory_space<vmem>> -> memref<64x128xbf16, #tpu.memory_space<vmem>>
        %dma_wait3A_420 = arith.constant 0 : i32
        %dma_wait3A_421 = tpu.memref_slice %arg6[%dma_wait3A_412, %dma_wait3A_420] : memref<8x64xi32, #tpu.memory_space<vmem>> -> memref<1x64xi32, #tpu.memory_space<vmem>>
        %dma_wait3A_422 = tpu.memref_squeeze %dma_wait3A_421 : memref<1x64xi32, #tpu.memory_space<vmem>> -> memref<64xi32, #tpu.memory_space<vmem>>
        %dma_wait3A_423 = arith.constant 0 : i32
        %dma_wait3A_424 = arith.constant 0 : i32
        %dma_wait3A_425 = tpu.memref_slice %arg2[%dma_wait3A_423, %dma_wait3A_424] : memref<10000x128xbf16, #tpu.memory_space<hbm>> -> memref<10000x128xbf16, #tpu.memory_space<hbm>>
        %dma_wait3A_426 = tpu.memref_slice %arg11[%dma_wait3A_414, %dma_wait3A_415] : memref<2x9x!tpu.dma_semaphore, #tpu.memory_space<semaphore_mem>> -> memref<1x1x!tpu.dma_semaphore, #tpu.memory_space<semaphore_mem>>
        %dma_wait3A_427 = tpu.memref_squeeze %dma_wait3A_426 : memref<1x1x!tpu.dma_semaphore, #tpu.memory_space<semaphore_mem>> -> memref<!tpu.dma_semaphore, #tpu.memory_space<semaphore_mem>>
        tpu.wait_indirect_dma semaphore(%dma_wait3A_427 : memref<!tpu.dma_semaphore, #tpu.memory_space<semaphore_mem>>) src(%dma_wait3A_425 : memref<10000x128xbf16, #tpu.memory_space<hbm>>) dst(%dma_wait3A_419 : memref<64x128xbf16, #tpu.memory_space<vmem>>)
        %dma_wait3A_428 = arith.constant 0 : i32
        %dma_wait3A_429 = arith.constant 0 : i32
        %dma_wait3A_430 = arith.constant 1 : i32
        %dma_wait3A_431 = arith.constant 0 : i32
        %dma_wait3A_432 = arith.constant 0 : i32
        %dma_wait3A_433 = arith.constant 0 : i32
        %dma_wait3A_434 = tpu.memref_slice %arg9[%dma_wait3A_429, %dma_wait3A_432, %dma_wait3A_433] : memref<8x64x128xbf16, #tpu.memory_space<vmem>> -> memref<1x64x128xbf16, #tpu.memory_space<vmem>>
        %dma_wait3A_435 = tpu.memref_squeeze %dma_wait3A_434 : memref<1x64x128xbf16, #tpu.memory_space<vmem>> -> memref<64x128xbf16, #tpu.memory_space<vmem>>
        %dma_wait3A_436 = arith.constant 0 : i32
        %dma_wait3A_437 = tpu.memref_slice %arg7[%dma_wait3A_428, %dma_wait3A_436] : memref<8x64xi32, #tpu.memory_space<vmem>> -> memref<1x64xi32, #tpu.memory_space<vmem>>
        %dma_wait3A_438 = tpu.memref_squeeze %dma_wait3A_437 : memref<1x64xi32, #tpu.memory_space<vmem>> -> memref<64xi32, #tpu.memory_space<vmem>>
        %dma_wait3A_439 = arith.constant 0 : i32
        %dma_wait3A_440 = arith.constant 0 : i32
        %dma_wait3A_441 = tpu.memref_slice %arg2[%dma_wait3A_439, %dma_wait3A_440] : memref<10000x128xbf16, #tpu.memory_space<hbm>> -> memref<10000x128xbf16, #tpu.memory_space<hbm>>
        %dma_wait3A_442 = tpu.memref_slice %arg11[%dma_wait3A_430, %dma_wait3A_431] : memref<2x9x!tpu.dma_semaphore, #tpu.memory_space<semaphore_mem>> -> memref<1x1x!tpu.dma_semaphore, #tpu.memory_space<semaphore_mem>>
        %dma_wait3A_443 = tpu.memref_squeeze %dma_wait3A_442 : memref<1x1x!tpu.dma_semaphore, #tpu.memory_space<semaphore_mem>> -> memref<!tpu.dma_semaphore, #tpu.memory_space<semaphore_mem>>
        tpu.wait_indirect_dma semaphore(%dma_wait3A_443 : memref<!tpu.dma_semaphore, #tpu.memory_space<semaphore_mem>>) src(%dma_wait3A_441 : memref<10000x128xbf16, #tpu.memory_space<hbm>>) dst(%dma_wait3A_435 : memref<64x128xbf16, #tpu.memory_space<vmem>>)
        %dma_wait3A_444 = arith.constant 1 : i32
        %dma_wait3A_445 = arith.constant 1 : i32
        %dma_wait3A_446 = arith.constant 1 : i32
        %dma_wait3A_447 = arith.constant 1 : i32
        %dma_wait3A_448 = arith.constant 0 : i32
        %dma_wait3A_449 = arith.constant 0 : i32
        %dma_wait3A_450 = tpu.memref_slice %arg9[%dma_wait3A_445, %dma_wait3A_448, %dma_wait3A_449] : memref<8x64x128xbf16, #tpu.memory_space<vmem>> -> memref<1x64x128xbf16, #tpu.memory_space<vmem>>
        %dma_wait3A_451 = tpu.memref_squeeze %dma_wait3A_450 : memref<1x64x128xbf16, #tpu.memory_space<vmem>> -> memref<64x128xbf16, #tpu.memory_space<vmem>>
        %dma_wait3A_452 = arith.constant 0 : i32
        %dma_wait3A_453 = tpu.memref_slice %arg7[%dma_wait3A_444, %dma_wait3A_452] : memref<8x64xi32, #tpu.memory_space<vmem>> -> memref<1x64xi32, #tpu.memory_space<vmem>>
        %dma_wait3A_454 = tpu.memref_squeeze %dma_wait3A_453 : memref<1x64xi32, #tpu.memory_space<vmem>> -> memref<64xi32, #tpu.memory_space<vmem>>
        %dma_wait3A_455 = arith.constant 0 : i32
        %dma_wait3A_456 = arith.constant 0 : i32
        %dma_wait3A_457 = tpu.memref_slice %arg2[%dma_wait3A_455, %dma_wait3A_456] : memref<10000x128xbf16, #tpu.memory_space<hbm>> -> memref<10000x128xbf16, #tpu.memory_space<hbm>>
        %dma_wait3A_458 = tpu.memref_slice %arg11[%dma_wait3A_446, %dma_wait3A_447] : memref<2x9x!tpu.dma_semaphore, #tpu.memory_space<semaphore_mem>> -> memref<1x1x!tpu.dma_semaphore, #tpu.memory_space<semaphore_mem>>
        %dma_wait3A_459 = tpu.memref_squeeze %dma_wait3A_458 : memref<1x1x!tpu.dma_semaphore, #tpu.memory_space<semaphore_mem>> -> memref<!tpu.dma_semaphore, #tpu.memory_space<semaphore_mem>>
        tpu.wait_indirect_dma semaphore(%dma_wait3A_459 : memref<!tpu.dma_semaphore, #tpu.memory_space<semaphore_mem>>) src(%dma_wait3A_457 : memref<10000x128xbf16, #tpu.memory_space<hbm>>) dst(%dma_wait3A_451 : memref<64x128xbf16, #tpu.memory_space<vmem>>)
        %dma_wait3A_460 = arith.constant 2 : i32
        %dma_wait3A_461 = arith.constant 2 : i32
        %dma_wait3A_462 = arith.constant 1 : i32
        %dma_wait3A_463 = arith.constant 2 : i32
        %dma_wait3A_464 = arith.constant 0 : i32
        %dma_wait3A_465 = arith.constant 0 : i32
        %dma_wait3A_466 = tpu.memref_slice %arg9[%dma_wait3A_461, %dma_wait3A_464, %dma_wait3A_465] : memref<8x64x128xbf16, #tpu.memory_space<vmem>> -> memref<1x64x128xbf16, #tpu.memory_space<vmem>>
        %dma_wait3A_467 = tpu.memref_squeeze %dma_wait3A_466 : memref<1x64x128xbf16, #tpu.memory_space<vmem>> -> memref<64x128xbf16, #tpu.memory_space<vmem>>
        %dma_wait3A_468 = arith.constant 0 : i32
        %dma_wait3A_469 = tpu.memref_slice %arg7[%dma_wait3A_460, %dma_wait3A_468] : memref<8x64xi32, #tpu.memory_space<vmem>> -> memref<1x64xi32, #tpu.memory_space<vmem>>
        %dma_wait3A_470 = tpu.memref_squeeze %dma_wait3A_469 : memref<1x64xi32, #tpu.memory_space<vmem>> -> memref<64xi32, #tpu.memory_space<vmem>>
        %dma_wait3A_471 = arith.constant 0 : i32
        %dma_wait3A_472 = arith.constant 0 : i32
        %dma_wait3A_473 = tpu.memref_slice %arg2[%dma_wait3A_471, %dma_wait3A_472] : memref<10000x128xbf16, #tpu.memory_space<hbm>> -> memref<10000x128xbf16, #tpu.memory_space<hbm>>
        %dma_wait3A_474 = tpu.memref_slice %arg11[%dma_wait3A_462, %dma_wait3A_463] : memref<2x9x!tpu.dma_semaphore, #tpu.memory_space<semaphore_mem>> -> memref<1x1x!tpu.dma_semaphore, #tpu.memory_space<semaphore_mem>>
        %dma_wait3A_475 = tpu.memref_squeeze %dma_wait3A_474 : memref<1x1x!tpu.dma_semaphore, #tpu.memory_space<semaphore_mem>> -> memref<!tpu.dma_semaphore, #tpu.memory_space<semaphore_mem>>
        tpu.wait_indirect_dma semaphore(%dma_wait3A_475 : memref<!tpu.dma_semaphore, #tpu.memory_space<semaphore_mem>>) src(%dma_wait3A_473 : memref<10000x128xbf16, #tpu.memory_space<hbm>>) dst(%dma_wait3A_467 : memref<64x128xbf16, #tpu.memory_space<vmem>>)
        %dma_wait3A_476 = arith.constant 3 : i32
        %dma_wait3A_477 = arith.constant 3 : i32
        %dma_wait3A_478 = arith.constant 1 : i32
        %dma_wait3A_479 = arith.constant 3 : i32
        %dma_wait3A_480 = arith.constant 0 : i32
        %dma_wait3A_481 = arith.constant 0 : i32
        %dma_wait3A_482 = tpu.memref_slice %arg9[%dma_wait3A_477, %dma_wait3A_480, %dma_wait3A_481] : memref<8x64x128xbf16, #tpu.memory_space<vmem>> -> memref<1x64x128xbf16, #tpu.memory_space<vmem>>
        %dma_wait3A_483 = tpu.memref_squeeze %dma_wait3A_482 : memref<1x64x128xbf16, #tpu.memory_space<vmem>> -> memref<64x128xbf16, #tpu.memory_space<vmem>>
        %dma_wait3A_484 = arith.constant 0 : i32
        %dma_wait3A_485 = tpu.memref_slice %arg7[%dma_wait3A_476, %dma_wait3A_484] : memref<8x64xi32, #tpu.memory_space<vmem>> -> memref<1x64xi32, #tpu.memory_space<vmem>>
        %dma_wait3A_486 = tpu.memref_squeeze %dma_wait3A_485 : memref<1x64xi32, #tpu.memory_space<vmem>> -> memref<64xi32, #tpu.memory_space<vmem>>
        %dma_wait3A_487 = arith.constant 0 : i32
        %dma_wait3A_488 = arith.constant 0 : i32
        %dma_wait3A_489 = tpu.memref_slice %arg2[%dma_wait3A_487, %dma_wait3A_488] : memref<10000x128xbf16, #tpu.memory_space<hbm>> -> memref<10000x128xbf16, #tpu.memory_space<hbm>>
        %dma_wait3A_490 = tpu.memref_slice %arg11[%dma_wait3A_478, %dma_wait3A_479] : memref<2x9x!tpu.dma_semaphore, #tpu.memory_space<semaphore_mem>> -> memref<1x1x!tpu.dma_semaphore, #tpu.memory_space<semaphore_mem>>
        %dma_wait3A_491 = tpu.memref_squeeze %dma_wait3A_490 : memref<1x1x!tpu.dma_semaphore, #tpu.memory_space<semaphore_mem>> -> memref<!tpu.dma_semaphore, #tpu.memory_space<semaphore_mem>>
        tpu.wait_indirect_dma semaphore(%dma_wait3A_491 : memref<!tpu.dma_semaphore, #tpu.memory_space<semaphore_mem>>) src(%dma_wait3A_489 : memref<10000x128xbf16, #tpu.memory_space<hbm>>) dst(%dma_wait3A_483 : memref<64x128xbf16, #tpu.memory_space<vmem>>)
        %dma_wait3A_492 = arith.constant 4 : i32
        %dma_wait3A_493 = arith.constant 4 : i32
        %dma_wait3A_494 = arith.constant 1 : i32
        %dma_wait3A_495 = arith.constant 4 : i32
        %dma_wait3A_496 = arith.constant 0 : i32
        %dma_wait3A_497 = arith.constant 0 : i32
        %dma_wait3A_498 = tpu.memref_slice %arg9[%dma_wait3A_493, %dma_wait3A_496, %dma_wait3A_497] : memref<8x64x128xbf16, #tpu.memory_space<vmem>> -> memref<1x64x128xbf16, #tpu.memory_space<vmem>>
        %dma_wait3A_499 = tpu.memref_squeeze %dma_wait3A_498 : memref<1x64x128xbf16, #tpu.memory_space<vmem>> -> memref<64x128xbf16, #tpu.memory_space<vmem>>
        %dma_wait3A_500 = arith.constant 0 : i32
        %dma_wait3A_501 = tpu.memref_slice %arg7[%dma_wait3A_492, %dma_wait3A_500] : memref<8x64xi32, #tpu.memory_space<vmem>> -> memref<1x64xi32, #tpu.memory_space<vmem>>
        %dma_wait3A_502 = tpu.memref_squeeze %dma_wait3A_501 : memref<1x64xi32, #tpu.memory_space<vmem>> -> memref<64xi32, #tpu.memory_space<vmem>>
        %dma_wait3A_503 = arith.constant 0 : i32
        %dma_wait3A_504 = arith.constant 0 : i32
        %dma_wait3A_505 = tpu.memref_slice %arg2[%dma_wait3A_503, %dma_wait3A_504] : memref<10000x128xbf16, #tpu.memory_space<hbm>> -> memref<10000x128xbf16, #tpu.memory_space<hbm>>
        %dma_wait3A_506 = tpu.memref_slice %arg11[%dma_wait3A_494, %dma_wait3A_495] : memref<2x9x!tpu.dma_semaphore, #tpu.memory_space<semaphore_mem>> -> memref<1x1x!tpu.dma_semaphore, #tpu.memory_space<semaphore_mem>>
        %dma_wait3A_507 = tpu.memref_squeeze %dma_wait3A_506 : memref<1x1x!tpu.dma_semaphore, #tpu.memory_space<semaphore_mem>> -> memref<!tpu.dma_semaphore, #tpu.memory_space<semaphore_mem>>
        tpu.wait_indirect_dma semaphore(%dma_wait3A_507 : memref<!tpu.dma_semaphore, #tpu.memory_space<semaphore_mem>>) src(%dma_wait3A_505 : memref<10000x128xbf16, #tpu.memory_space<hbm>>) dst(%dma_wait3A_499 : memref<64x128xbf16, #tpu.memory_space<vmem>>)
        %dma_wait3A_508 = arith.constant 5 : i32
        %dma_wait3A_509 = arith.constant 5 : i32
        %dma_wait3A_510 = arith.constant 1 : i32
        %dma_wait3A_511 = arith.constant 5 : i32
        %dma_wait3A_512 = arith.constant 0 : i32
        %dma_wait3A_513 = arith.constant 0 : i32
        %dma_wait3A_514 = tpu.memref_slice %arg9[%dma_wait3A_509, %dma_wait3A_512, %dma_wait3A_513] : memref<8x64x128xbf16, #tpu.memory_space<vmem>> -> memref<1x64x128xbf16, #tpu.memory_space<vmem>>
        %dma_wait3A_515 = tpu.memref_squeeze %dma_wait3A_514 : memref<1x64x128xbf16, #tpu.memory_space<vmem>> -> memref<64x128xbf16, #tpu.memory_space<vmem>>
        %dma_wait3A_516 = arith.constant 0 : i32
        %dma_wait3A_517 = tpu.memref_slice %arg7[%dma_wait3A_508, %dma_wait3A_516] : memref<8x64xi32, #tpu.memory_space<vmem>> -> memref<1x64xi32, #tpu.memory_space<vmem>>
        %dma_wait3A_518 = tpu.memref_squeeze %dma_wait3A_517 : memref<1x64xi32, #tpu.memory_space<vmem>> -> memref<64xi32, #tpu.memory_space<vmem>>
        %dma_wait3A_519 = arith.constant 0 : i32
        %dma_wait3A_520 = arith.constant 0 : i32
        %dma_wait3A_521 = tpu.memref_slice %arg2[%dma_wait3A_519, %dma_wait3A_520] : memref<10000x128xbf16, #tpu.memory_space<hbm>> -> memref<10000x128xbf16, #tpu.memory_space<hbm>>
        %dma_wait3A_522 = tpu.memref_slice %arg11[%dma_wait3A_510, %dma_wait3A_511] : memref<2x9x!tpu.dma_semaphore, #tpu.memory_space<semaphore_mem>> -> memref<1x1x!tpu.dma_semaphore, #tpu.memory_space<semaphore_mem>>
        %dma_wait3A_523 = tpu.memref_squeeze %dma_wait3A_522 : memref<1x1x!tpu.dma_semaphore, #tpu.memory_space<semaphore_mem>> -> memref<!tpu.dma_semaphore, #tpu.memory_space<semaphore_mem>>
        tpu.wait_indirect_dma semaphore(%dma_wait3A_523 : memref<!tpu.dma_semaphore, #tpu.memory_space<semaphore_mem>>) src(%dma_wait3A_521 : memref<10000x128xbf16, #tpu.memory_space<hbm>>) dst(%dma_wait3A_515 : memref<64x128xbf16, #tpu.memory_space<vmem>>)
        %dma_wait3A_524 = arith.constant 6 : i32
        %dma_wait3A_525 = arith.constant 6 : i32
        %dma_wait3A_526 = arith.constant 1 : i32
        %dma_wait3A_527 = arith.constant 6 : i32
        %dma_wait3A_528 = arith.constant 0 : i32
        %dma_wait3A_529 = arith.constant 0 : i32
        %dma_wait3A_530 = tpu.memref_slice %arg9[%dma_wait3A_525, %dma_wait3A_528, %dma_wait3A_529] : memref<8x64x128xbf16, #tpu.memory_space<vmem>> -> memref<1x64x128xbf16, #tpu.memory_space<vmem>>
        %dma_wait3A_531 = tpu.memref_squeeze %dma_wait3A_530 : memref<1x64x128xbf16, #tpu.memory_space<vmem>> -> memref<64x128xbf16, #tpu.memory_space<vmem>>
        %dma_wait3A_532 = arith.constant 0 : i32
        %dma_wait3A_533 = tpu.memref_slice %arg7[%dma_wait3A_524, %dma_wait3A_532] : memref<8x64xi32, #tpu.memory_space<vmem>> -> memref<1x64xi32, #tpu.memory_space<vmem>>
        %dma_wait3A_534 = tpu.memref_squeeze %dma_wait3A_533 : memref<1x64xi32, #tpu.memory_space<vmem>> -> memref<64xi32, #tpu.memory_space<vmem>>
        %dma_wait3A_535 = arith.constant 0 : i32
        %dma_wait3A_536 = arith.constant 0 : i32
        %dma_wait3A_537 = tpu.memref_slice %arg2[%dma_wait3A_535, %dma_wait3A_536] : memref<10000x128xbf16, #tpu.memory_space<hbm>> -> memref<10000x128xbf16, #tpu.memory_space<hbm>>
        %dma_wait3A_538 = tpu.memref_slice %arg11[%dma_wait3A_526, %dma_wait3A_527] : memref<2x9x!tpu.dma_semaphore, #tpu.memory_space<semaphore_mem>> -> memref<1x1x!tpu.dma_semaphore, #tpu.memory_space<semaphore_mem>>
        %dma_wait3A_539 = tpu.memref_squeeze %dma_wait3A_538 : memref<1x1x!tpu.dma_semaphore, #tpu.memory_space<semaphore_mem>> -> memref<!tpu.dma_semaphore, #tpu.memory_space<semaphore_mem>>
        tpu.wait_indirect_dma semaphore(%dma_wait3A_539 : memref<!tpu.dma_semaphore, #tpu.memory_space<semaphore_mem>>) src(%dma_wait3A_537 : memref<10000x128xbf16, #tpu.memory_space<hbm>>) dst(%dma_wait3A_531 : memref<64x128xbf16, #tpu.memory_space<vmem>>)
        %dma_wait3A_540 = arith.constant 7 : i32
        %dma_wait3A_541 = arith.constant 7 : i32
        %dma_wait3A_542 = arith.constant 1 : i32
        %dma_wait3A_543 = arith.constant 7 : i32
        %dma_wait3A_544 = arith.constant 0 : i32
        %dma_wait3A_545 = arith.constant 0 : i32
        %dma_wait3A_546 = tpu.memref_slice %arg9[%dma_wait3A_541, %dma_wait3A_544, %dma_wait3A_545] : memref<8x64x128xbf16, #tpu.memory_space<vmem>> -> memref<1x64x128xbf16, #tpu.memory_space<vmem>>
        %dma_wait3A_547 = tpu.memref_squeeze %dma_wait3A_546 : memref<1x64x128xbf16, #tpu.memory_space<vmem>> -> memref<64x128xbf16, #tpu.memory_space<vmem>>
        %dma_wait3A_548 = arith.constant 0 : i32
        %dma_wait3A_549 = tpu.memref_slice %arg7[%dma_wait3A_540, %dma_wait3A_548] : memref<8x64xi32, #tpu.memory_space<vmem>> -> memref<1x64xi32, #tpu.memory_space<vmem>>
        %dma_wait3A_550 = tpu.memref_squeeze %dma_wait3A_549 : memref<1x64xi32, #tpu.memory_space<vmem>> -> memref<64xi32, #tpu.memory_space<vmem>>
        %dma_wait3A_551 = arith.constant 0 : i32
        %dma_wait3A_552 = arith.constant 0 : i32
        %dma_wait3A_553 = tpu.memref_slice %arg2[%dma_wait3A_551, %dma_wait3A_552] : memref<10000x128xbf16, #tpu.memory_space<hbm>> -> memref<10000x128xbf16, #tpu.memory_space<hbm>>
        %dma_wait3A_554 = tpu.memref_slice %arg11[%dma_wait3A_542, %dma_wait3A_543] : memref<2x9x!tpu.dma_semaphore, #tpu.memory_space<semaphore_mem>> -> memref<1x1x!tpu.dma_semaphore, #tpu.memory_space<semaphore_mem>>
        %dma_wait3A_555 = tpu.memref_squeeze %dma_wait3A_554 : memref<1x1x!tpu.dma_semaphore, #tpu.memory_space<semaphore_mem>> -> memref<!tpu.dma_semaphore, #tpu.memory_space<semaphore_mem>>
        tpu.wait_indirect_dma semaphore(%dma_wait3A_555 : memref<!tpu.dma_semaphore, #tpu.memory_space<semaphore_mem>>) src(%dma_wait3A_553 : memref<10000x128xbf16, #tpu.memory_space<hbm>>) dst(%dma_wait3A_547 : memref<64x128xbf16, #tpu.memory_space<vmem>>)
        %scan3A_556 = arith.constant 0 : i32
        %scan3A_557 = arith.constant 0 : i32
        %scan3A_558 = arith.constant 32 : i32
        %scan3A_559 = arith.addi %scan3A_557, %scan3A_558 : i32
        %scan3A_560 = arith.constant 1 : i32
        scf.for %scan3A_566 = %scan3A_557 to %scan3A_559 step %scan3A_560  : i32 {
          %mul3A_567 = arith.constant 16 : i32
          %mul3A_568 = arith.muli %scan3A_566, %mul3A_567 : i32
          %add3A_569 = arith.constant 0 : i32
          %add3A_570 = arith.addi %mul3A_568, %add3A_569 : i32
          %jit3A = arith.constant 64 : i32
          %div3A = arith.divsi %add3A_570, %jit3A : i32
          %sign3A = arith.constant 0 : i32
          %sign3A_571 = arith.cmpi sgt, %add3A_570, %sign3A : i32
          %sign3A_572 = arith.extui %sign3A_571 : i1 to i32
          %sign3A_573 = arith.constant 0 : i32
          %sign3A_574 = arith.cmpi slt, %add3A_570, %sign3A_573 : i32
          %sign3A_575 = arith.extui %sign3A_574 : i1 to i32
          %sign3A_576 = arith.subi %sign3A_572, %sign3A_575 : i32
          %sign3A_577 = arith.constant 0 : i32
          %sign3A_578 = arith.cmpi sgt, %jit3A, %sign3A_577 : i32
          %sign3A_579 = arith.extui %sign3A_578 : i1 to i32
          %sign3A_580 = arith.constant 0 : i32
          %sign3A_581 = arith.cmpi slt, %jit3A, %sign3A_580 : i32
          %sign3A_582 = arith.extui %sign3A_581 : i1 to i32
          %sign3A_583 = arith.subi %sign3A_579, %sign3A_582 : i32
          %ne3A = arith.cmpi ne, %sign3A_576, %sign3A_583 : i32
          %rem3A = arith.remsi %add3A_570, %jit3A : i32
          %ne3A_584 = arith.constant 0 : i32
          %ne3A_585 = arith.cmpi ne, %rem3A, %ne3A_584 : i32
          %and3A = arith.andi %ne3A, %ne3A_585 : i1
          %sub3A = arith.constant 1 : i32
          %sub3A_586 = arith.subi %div3A, %sub3A : i32
          %select_n3A = arith.select %and3A, %sub3A_586, %div3A : i32
          %mul3A_587 = arith.constant 64 : i32
          %mul3A_588 = arith.muli %select_n3A, %mul3A_587 : i32
          %sub3A_589 = arith.subi %add3A_570, %mul3A_588 : i32
          %get3A = arith.index_cast %select_n3A : i32 to index
          %get3A_590 = arith.index_cast %sub3A_589 : i32 to index
          %get3A_591 = arith.constant 0 : index
          %get3A_592 = tpu.vector_load %arg8[%get3A, %get3A_590, %get3A_591] {strides = array<i32>} : memref<8x64x128xbf16, #tpu.memory_space<vmem>>, vector<32xbf16>,
          %unpack3A = tpu.unpack_subelements %get3A_592, 0 {pack_format = #tpu.pack_format<interleaved>} : vector<32xbf16> -> vector<16xf32>
          %unpack3A_593 = tpu.unpack_subelements %get3A_592, 1 {pack_format = #tpu.pack_format<interleaved>} : vector<32xbf16> -> vector<16xf32>
          %get3A_594 = arith.index_cast %select_n3A : i32 to index
          %get3A_595 = arith.index_cast %sub3A_589 : i32 to index
          %get3A_596 = arith.constant 0 : index
          %get3A_597 = tpu.vector_load %arg9[%get3A_594, %get3A_595, %get3A_596] {strides = array<i32>} : memref<8x64x128xbf16, #tpu.memory_space<vmem>>, vector<32xbf16>,
          %unpack3A_598 = tpu.unpack_subelements %get3A_597, 0 {pack_format = #tpu.pack_format<interleaved>} : vector<32xbf16> -> vector<16xf32>
          %unpack3A_599 = tpu.unpack_subelements %get3A_597, 1 {pack_format = #tpu.pack_format<interleaved>} : vector<32xbf16> -> vector<16xf32>
          %mul3A_600 = arith.mulf %unpack3A, %unpack3A_598 : vector<16xf32>
          %mul3A_601 = arith.mulf %unpack3A_593, %unpack3A_599 : vector<16xf32>
          %add3A_602 = arith.addf %mul3A_600, %mul3A_601 : vector<16xf32>
          %get3A_603 = arith.index_cast %select_n3A : i32 to index
          %get3A_604 = arith.index_cast %sub3A_589 : i32 to index
          %get3A_605 = arith.constant 32 : index
          %get3A_606 = tpu.vector_load %arg8[%get3A_603, %get3A_604, %get3A_605] {strides = array<i32>} : memref<8x64x128xbf16, #tpu.memory_space<vmem>>, vector<32xbf16>,
          %unpack3A_607 = tpu.unpack_subelements %get3A_606, 0 {pack_format = #tpu.pack_format<interleaved>} : vector<32xbf16> -> vector<16xf32>
          %unpack3A_608 = tpu.unpack_subelements %get3A_606, 1 {pack_format = #tpu.pack_format<interleaved>} : vector<32xbf16> -> vector<16xf32>
          %get3A_609 = arith.index_cast %select_n3A : i32 to index
          %get3A_610 = arith.index_cast %sub3A_589 : i32 to index
          %get3A_611 = arith.constant 32 : index
          %get3A_612 = tpu.vector_load %arg9[%get3A_609, %get3A_610, %get3A_611] {strides = array<i32>} : memref<8x64x128xbf16, #tpu.memory_space<vmem>>, vector<32xbf16>,
          %unpack3A_613 = tpu.unpack_subelements %get3A_612, 0 {pack_format = #tpu.pack_format<interleaved>} : vector<32xbf16> -> vector<16xf32>
          %unpack3A_614 = tpu.unpack_subelements %get3A_612, 1 {pack_format = #tpu.pack_format<interleaved>} : vector<32xbf16> -> vector<16xf32>
          %mul3A_615 = arith.mulf %unpack3A_607, %unpack3A_613 : vector<16xf32>
          %mul3A_616 = arith.mulf %unpack3A_608, %unpack3A_614 : vector<16xf32>
          %add3A_617 = arith.addf %mul3A_615, %mul3A_616 : vector<16xf32>
          %add3A_618 = arith.addf %add3A_602, %add3A_617 : vector<16xf32>
          %get3A_619 = arith.index_cast %select_n3A : i32 to index
          %get3A_620 = arith.index_cast %sub3A_589 : i32 to index
          %get3A_621 = arith.constant 64 : index
          %get3A_622 = tpu.vector_load %arg8[%get3A_619, %get3A_620, %get3A_621] {strides = array<i32>} : memref<8x64x128xbf16, #tpu.memory_space<vmem>>, vector<32xbf16>,
          %unpack3A_623 = tpu.unpack_subelements %get3A_622, 0 {pack_format = #tpu.pack_format<interleaved>} : vector<32xbf16> -> vector<16xf32>
          %unpack3A_624 = tpu.unpack_subelements %get3A_622, 1 {pack_format = #tpu.pack_format<interleaved>} : vector<32xbf16> -> vector<16xf32>
          %get3A_625 = arith.index_cast %select_n3A : i32 to index
          %get3A_626 = arith.index_cast %sub3A_589 : i32 to index
          %get3A_627 = arith.constant 64 : index
          %get3A_628 = tpu.vector_load %arg9[%get3A_625, %get3A_626, %get3A_627] {strides = array<i32>} : memref<8x64x128xbf16, #tpu.memory_space<vmem>>, vector<32xbf16>,
          %unpack3A_629 = tpu.unpack_subelements %get3A_628, 0 {pack_format = #tpu.pack_format<interleaved>} : vector<32xbf16> -> vector<16xf32>
          %unpack3A_630 = tpu.unpack_subelements %get3A_628, 1 {pack_format = #tpu.pack_format<interleaved>} : vector<32xbf16> -> vector<16xf32>
          %mul3A_631 = arith.mulf %unpack3A_623, %unpack3A_629 : vector<16xf32>
          %mul3A_632 = arith.mulf %unpack3A_624, %unpack3A_630 : vector<16xf32>
          %add3A_633 = arith.addf %mul3A_631, %mul3A_632 : vector<16xf32>
          %add3A_634 = arith.addf %add3A_618, %add3A_633 : vector<16xf32>
          %get3A_635 = arith.index_cast %select_n3A : i32 to index
          %get3A_636 = arith.index_cast %sub3A_589 : i32 to index
          %get3A_637 = arith.constant 96 : index
          %get3A_638 = tpu.vector_load %arg8[%get3A_635, %get3A_636, %get3A_637] {strides = array<i32>} : memref<8x64x128xbf16, #tpu.memory_space<vmem>>, vector<32xbf16>,
          %unpack3A_639 = tpu.unpack_subelements %get3A_638, 0 {pack_format = #tpu.pack_format<interleaved>} : vector<32xbf16> -> vector<16xf32>
          %unpack3A_640 = tpu.unpack_subelements %get3A_638, 1 {pack_format = #tpu.pack_format<interleaved>} : vector<32xbf16> -> vector<16xf32>
          %get3A_641 = arith.index_cast %select_n3A : i32 to index
          %get3A_642 = arith.index_cast %sub3A_589 : i32 to index
          %get3A_643 = arith.constant 96 : index
          %get3A_644 = tpu.vector_load %arg9[%get3A_641, %get3A_642, %get3A_643] {strides = array<i32>} : memref<8x64x128xbf16, #tpu.memory_space<vmem>>, vector<32xbf16>,
          %unpack3A_645 = tpu.unpack_subelements %get3A_644, 0 {pack_format = #tpu.pack_format<interleaved>} : vector<32xbf16> -> vector<16xf32>
          %unpack3A_646 = tpu.unpack_subelements %get3A_644, 1 {pack_format = #tpu.pack_format<interleaved>} : vector<32xbf16> -> vector<16xf32>
          %mul3A_647 = arith.mulf %unpack3A_639, %unpack3A_645 : vector<16xf32>
          %mul3A_648 = arith.mulf %unpack3A_640, %unpack3A_646 : vector<16xf32>
          %add3A_649 = arith.addf %mul3A_647, %mul3A_648 : vector<16xf32>
          %add3A_650 = arith.addf %add3A_634, %add3A_649 : vector<16xf32>
          %mul3A_651 = arith.constant 16 : i32
          %mul3A_652 = arith.muli %add3A_570, %mul3A_651 : i32
          %swap3A = arith.index_cast %mul3A_652 : i32 to index
          %swap3A_653 = tpu.vector_load %arg10[%swap3A] {strides = array<i32>} : memref<8192xf32, #tpu.memory_space<vmem>>, vector<16xf32>,
          tpu.vector_store %arg10[%swap3A], %add3A_650 {strides = array<i32>} : memref<8192xf32, #tpu.memory_space<vmem>>, vector<16xf32>,
          %mul3A_654 = arith.constant 16 : i32
          %mul3A_655 = arith.muli %scan3A_566, %mul3A_654 : i32
          %add3A_656 = arith.constant 1 : i32
          %add3A_657 = arith.addi %mul3A_655, %add3A_656 : i32
          %jit3A_658 = arith.constant 64 : i32
          %div3A_659 = arith.divsi %add3A_657, %jit3A_658 : i32
          %sign3A_660 = arith.constant 0 : i32
          %sign3A_661 = arith.cmpi sgt, %add3A_657, %sign3A_660 : i32
          %sign3A_662 = arith.extui %sign3A_661 : i1 to i32
          %sign3A_663 = arith.constant 0 : i32
          %sign3A_664 = arith.cmpi slt, %add3A_657, %sign3A_663 : i32
          %sign3A_665 = arith.extui %sign3A_664 : i1 to i32
          %sign3A_666 = arith.subi %sign3A_662, %sign3A_665 : i32
          %sign3A_667 = arith.constant 0 : i32
          %sign3A_668 = arith.cmpi sgt, %jit3A_658, %sign3A_667 : i32
          %sign3A_669 = arith.extui %sign3A_668 : i1 to i32
          %sign3A_670 = arith.constant 0 : i32
          %sign3A_671 = arith.cmpi slt, %jit3A_658, %sign3A_670 : i32
          %sign3A_672 = arith.extui %sign3A_671 : i1 to i32
          %sign3A_673 = arith.subi %sign3A_669, %sign3A_672 : i32
          %ne3A_674 = arith.cmpi ne, %sign3A_666, %sign3A_673 : i32
          %rem3A_675 = arith.remsi %add3A_657, %jit3A_658 : i32
          %ne3A_676 = arith.constant 0 : i32
          %ne3A_677 = arith.cmpi ne, %rem3A_675, %ne3A_676 : i32
          %and3A_678 = arith.andi %ne3A_674, %ne3A_677 : i1
          %sub3A_679 = arith.constant 1 : i32
          %sub3A_680 = arith.subi %div3A_659, %sub3A_679 : i32
          %select_n3A_681 = arith.select %and3A_678, %sub3A_680, %div3A_659 : i32
          %mul3A_682 = arith.constant 64 : i32
          %mul3A_683 = arith.muli %select_n3A_681, %mul3A_682 : i32
          %sub3A_684 = arith.subi %add3A_657, %mul3A_683 : i32
          %get3A_685 = arith.index_cast %select_n3A_681 : i32 to index
          %get3A_686 = arith.index_cast %sub3A_684 : i32 to index
          %get3A_687 = arith.constant 0 : index
          %get3A_688 = tpu.vector_load %arg8[%get3A_685, %get3A_686, %get3A_687] {strides = array<i32>} : memref<8x64x128xbf16, #tpu.memory_space<vmem>>, vector<32xbf16>,
          %unpack3A_689 = tpu.unpack_subelements %get3A_688, 0 {pack_format = #tpu.pack_format<interleaved>} : vector<32xbf16> -> vector<16xf32>
          %unpack3A_690 = tpu.unpack_subelements %get3A_688, 1 {pack_format = #tpu.pack_format<interleaved>} : vector<32xbf16> -> vector<16xf32>
          %get3A_691 = arith.index_cast %select_n3A_681 : i32 to index
          %get3A_692 = arith.index_cast %sub3A_684 : i32 to index
          %get3A_693 = arith.constant 0 : index
          %get3A_694 = tpu.vector_load %arg9[%get3A_691, %get3A_692, %get3A_693] {strides = array<i32>} : memref<8x64x128xbf16, #tpu.memory_space<vmem>>, vector<32xbf16>,
          %unpack3A_695 = tpu.unpack_subelements %get3A_694, 0 {pack_format = #tpu.pack_format<interleaved>} : vector<32xbf16> -> vector<16xf32>
          %unpack3A_696 = tpu.unpack_subelements %get3A_694, 1 {pack_format = #tpu.pack_format<interleaved>} : vector<32xbf16> -> vector<16xf32>
          %mul3A_697 = arith.mulf %unpack3A_689, %unpack3A_695 : vector<16xf32>
          %mul3A_698 = arith.mulf %unpack3A_690, %unpack3A_696 : vector<16xf32>
          %add3A_699 = arith.addf %mul3A_697, %mul3A_698 : vector<16xf32>
          %get3A_700 = arith.index_cast %select_n3A_681 : i32 to index
          %get3A_701 = arith.index_cast %sub3A_684 : i32 to index
          %get3A_702 = arith.constant 32 : index
          %get3A_703 = tpu.vector_load %arg8[%get3A_700, %get3A_701, %get3A_702] {strides = array<i32>} : memref<8x64x128xbf16, #tpu.memory_space<vmem>>, vector<32xbf16>,
          %unpack3A_704 = tpu.unpack_subelements %get3A_703, 0 {pack_format = #tpu.pack_format<interleaved>} : vector<32xbf16> -> vector<16xf32>
          %unpack3A_705 = tpu.unpack_subelements %get3A_703, 1 {pack_format = #tpu.pack_format<interleaved>} : vector<32xbf16> -> vector<16xf32>
          %get3A_706 = arith.index_cast %select_n3A_681 : i32 to index
          %get3A_707 = arith.index_cast %sub3A_684 : i32 to index
          %get3A_708 = arith.constant 32 : index
          %get3A_709 = tpu.vector_load %arg9[%get3A_706, %get3A_707, %get3A_708] {strides = array<i32>} : memref<8x64x128xbf16, #tpu.memory_space<vmem>>, vector<32xbf16>,
          %unpack3A_710 = tpu.unpack_subelements %get3A_709, 0 {pack_format = #tpu.pack_format<interleaved>} : vector<32xbf16> -> vector<16xf32>
          %unpack3A_711 = tpu.unpack_subelements %get3A_709, 1 {pack_format = #tpu.pack_format<interleaved>} : vector<32xbf16> -> vector<16xf32>
          %mul3A_712 = arith.mulf %unpack3A_704, %unpack3A_710 : vector<16xf32>
          %mul3A_713 = arith.mulf %unpack3A_705, %unpack3A_711 : vector<16xf32>
          %add3A_714 = arith.addf %mul3A_712, %mul3A_713 : vector<16xf32>
          %add3A_715 = arith.addf %add3A_699, %add3A_714 : vector<16xf32>
          %get3A_716 = arith.index_cast %select_n3A_681 : i32 to index
          %get3A_717 = arith.index_cast %sub3A_684 : i32 to index
          %get3A_718 = arith.constant 64 : index
          %get3A_719 = tpu.vector_load %arg8[%get3A_716, %get3A_717, %get3A_718] {strides = array<i32>} : memref<8x64x128xbf16, #tpu.memory_space<vmem>>, vector<32xbf16>,
          %unpack3A_720 = tpu.unpack_subelements %get3A_719, 0 {pack_format = #tpu.pack_format<interleaved>} : vector<32xbf16> -> vector<16xf32>
          %unpack3A_721 = tpu.unpack_subelements %get3A_719, 1 {pack_format = #tpu.pack_format<interleaved>} : vector<32xbf16> -> vector<16xf32>
          %get3A_722 = arith.index_cast %select_n3A_681 : i32 to index
          %get3A_723 = arith.index_cast %sub3A_684 : i32 to index
          %get3A_724 = arith.constant 64 : index
          %get3A_725 = tpu.vector_load %arg9[%get3A_722, %get3A_723, %get3A_724] {strides = array<i32>} : memref<8x64x128xbf16, #tpu.memory_space<vmem>>, vector<32xbf16>,
          %unpack3A_726 = tpu.unpack_subelements %get3A_725, 0 {pack_format = #tpu.pack_format<interleaved>} : vector<32xbf16> -> vector<16xf32>
          %unpack3A_727 = tpu.unpack_subelements %get3A_725, 1 {pack_format = #tpu.pack_format<interleaved>} : vector<32xbf16> -> vector<16xf32>
          %mul3A_728 = arith.mulf %unpack3A_720, %unpack3A_726 : vector<16xf32>
          %mul3A_729 = arith.mulf %unpack3A_721, %unpack3A_727 : vector<16xf32>
          %add3A_730 = arith.addf %mul3A_728, %mul3A_729 : vector<16xf32>
          %add3A_731 = arith.addf %add3A_715, %add3A_730 : vector<16xf32>
          %get3A_732 = arith.index_cast %select_n3A_681 : i32 to index
          %get3A_733 = arith.index_cast %sub3A_684 : i32 to index
          %get3A_734 = arith.constant 96 : index
          %get3A_735 = tpu.vector_load %arg8[%get3A_732, %get3A_733, %get3A_734] {strides = array<i32>} : memref<8x64x128xbf16, #tpu.memory_space<vmem>>, vector<32xbf16>,
          %unpack3A_736 = tpu.unpack_subelements %get3A_735, 0 {pack_format = #tpu.pack_format<interleaved>} : vector<32xbf16> -> vector<16xf32>
          %unpack3A_737 = tpu.unpack_subelements %get3A_735, 1 {pack_format = #tpu.pack_format<interleaved>} : vector<32xbf16> -> vector<16xf32>
          %get3A_738 = arith.index_cast %select_n3A_681 : i32 to index
          %get3A_739 = arith.index_cast %sub3A_684 : i32 to index
          %get3A_740 = arith.constant 96 : index
          %get3A_741 = tpu.vector_load %arg9[%get3A_738, %get3A_739, %get3A_740] {strides = array<i32>} : memref<8x64x128xbf16, #tpu.memory_space<vmem>>, vector<32xbf16>,
          %unpack3A_742 = tpu.unpack_subelements %get3A_741, 0 {pack_format = #tpu.pack_format<interleaved>} : vector<32xbf16> -> vector<16xf32>
          %unpack3A_743 = tpu.unpack_subelements %get3A_741, 1 {pack_format = #tpu.pack_format<interleaved>} : vector<32xbf16> -> vector<16xf32>
          %mul3A_744 = arith.mulf %unpack3A_736, %unpack3A_742 : vector<16xf32>
          %mul3A_745 = arith.mulf %unpack3A_737, %unpack3A_743 : vector<16xf32>
          %add3A_746 = arith.addf %mul3A_744, %mul3A_745 : vector<16xf32>
          %add3A_747 = arith.addf %add3A_731, %add3A_746 : vector<16xf32>
          %mul3A_748 = arith.constant 16 : i32
          %mul3A_749 = arith.muli %add3A_657, %mul3A_748 : i32
          %swap3A_750 = arith.index_cast %mul3A_749 : i32 to index
          %swap3A_751 = tpu.vector_load %arg10[%swap3A_750] {strides = array<i32>} : memref<8192xf32, #tpu.memory_space<vmem>>, vector<16xf32>,
          tpu.vector_store %arg10[%swap3A_750], %add3A_747 {strides = array<i32>} : memref<8192xf32, #tpu.memory_space<vmem>>, vector<16xf32>,
          %mul3A_752 = arith.constant 16 : i32
          %mul3A_753 = arith.muli %scan3A_566, %mul3A_752 : i32
          %add3A_754 = arith.constant 2 : i32
          %add3A_755 = arith.addi %mul3A_753, %add3A_754 : i32
          %jit3A_756 = arith.constant 64 : i32
          %div3A_757 = arith.divsi %add3A_755, %jit3A_756 : i32
          %sign3A_758 = arith.constant 0 : i32
          %sign3A_759 = arith.cmpi sgt, %add3A_755, %sign3A_758 : i32
          %sign3A_760 = arith.extui %sign3A_759 : i1 to i32
          %sign3A_761 = arith.constant 0 : i32
          %sign3A_762 = arith.cmpi slt, %add3A_755, %sign3A_761 : i32
          %sign3A_763 = arith.extui %sign3A_762 : i1 to i32
          %sign3A_764 = arith.subi %sign3A_760, %sign3A_763 : i32
          %sign3A_765 = arith.constant 0 : i32
          %sign3A_766 = arith.cmpi sgt, %jit3A_756, %sign3A_765 : i32
          %sign3A_767 = arith.extui %sign3A_766 : i1 to i32
          %sign3A_768 = arith.constant 0 : i32
          %sign3A_769 = arith.cmpi slt, %jit3A_756, %sign3A_768 : i32
          %sign3A_770 = arith.extui %sign3A_769 : i1 to i32
          %sign3A_771 = arith.subi %sign3A_767, %sign3A_770 : i32
          %ne3A_772 = arith.cmpi ne, %sign3A_764, %sign3A_771 : i32
          %rem3A_773 = arith.remsi %add3A_755, %jit3A_756 : i32
          %ne3A_774 = arith.constant 0 : i32
          %ne3A_775 = arith.cmpi ne, %rem3A_773, %ne3A_774 : i32
          %and3A_776 = arith.andi %ne3A_772, %ne3A_775 : i1
          %sub3A_777 = arith.constant 1 : i32
          %sub3A_778 = arith.subi %div3A_757, %sub3A_777 : i32
          %select_n3A_779 = arith.select %and3A_776, %sub3A_778, %div3A_757 : i32
          %mul3A_780 = arith.constant 64 : i32
          %mul3A_781 = arith.muli %select_n3A_779, %mul3A_780 : i32
          %sub3A_782 = arith.subi %add3A_755, %mul3A_781 : i32
          %get3A_783 = arith.index_cast %select_n3A_779 : i32 to index
          %get3A_784 = arith.index_cast %sub3A_782 : i32 to index
          %get3A_785 = arith.constant 0 : index
          %get3A_786 = tpu.vector_load %arg8[%get3A_783, %get3A_784, %get3A_785] {strides = array<i32>} : memref<8x64x128xbf16, #tpu.memory_space<vmem>>, vector<32xbf16>,
          %unpack3A_787 = tpu.unpack_subelements %get3A_786, 0 {pack_format = #tpu.pack_format<interleaved>} : vector<32xbf16> -> vector<16xf32>
          %unpack3A_788 = tpu.unpack_subelements %get3A_786, 1 {pack_format = #tpu.pack_format<interleaved>} : vector<32xbf16> -> vector<16xf32>
          %get3A_789 = arith.index_cast %select_n3A_779 : i32 to index
          %get3A_790 = arith.index_cast %sub3A_782 : i32 to index
          %get3A_791 = arith.constant 0 : index
          %get3A_792 = tpu.vector_load %arg9[%get3A_789, %get3A_790, %get3A_791] {strides = array<i32>} : memref<8x64x128xbf16, #tpu.memory_space<vmem>>, vector<32xbf16>,
          %unpack3A_793 = tpu.unpack_subelements %get3A_792, 0 {pack_format = #tpu.pack_format<interleaved>} : vector<32xbf16> -> vector<16xf32>
          %unpack3A_794 = tpu.unpack_subelements %get3A_792, 1 {pack_format = #tpu.pack_format<interleaved>} : vector<32xbf16> -> vector<16xf32>
          %mul3A_795 = arith.mulf %unpack3A_787, %unpack3A_793 : vector<16xf32>
          %mul3A_796 = arith.mulf %unpack3A_788, %unpack3A_794 : vector<16xf32>
          %add3A_797 = arith.addf %mul3A_795, %mul3A_796 : vector<16xf32>
          %get3A_798 = arith.index_cast %select_n3A_779 : i32 to index
          %get3A_799 = arith.index_cast %sub3A_782 : i32 to index
          %get3A_800 = arith.constant 32 : index
          %get3A_801 = tpu.vector_load %arg8[%get3A_798, %get3A_799, %get3A_800] {strides = array<i32>} : memref<8x64x128xbf16, #tpu.memory_space<vmem>>, vector<32xbf16>,
          %unpack3A_802 = tpu.unpack_subelements %get3A_801, 0 {pack_format = #tpu.pack_format<interleaved>} : vector<32xbf16> -> vector<16xf32>
          %unpack3A_803 = tpu.unpack_subelements %get3A_801, 1 {pack_format = #tpu.pack_format<interleaved>} : vector<32xbf16> -> vector<16xf32>
          %get3A_804 = arith.index_cast %select_n3A_779 : i32 to index
          %get3A_805 = arith.index_cast %sub3A_782 : i32 to index
          %get3A_806 = arith.constant 32 : index
          %get3A_807 = tpu.vector_load %arg9[%get3A_804, %get3A_805, %get3A_806] {strides = array<i32>} : memref<8x64x128xbf16, #tpu.memory_space<vmem>>, vector<32xbf16>,
          %unpack3A_808 = tpu.unpack_subelements %get3A_807, 0 {pack_format = #tpu.pack_format<interleaved>} : vector<32xbf16> -> vector<16xf32>
          %unpack3A_809 = tpu.unpack_subelements %get3A_807, 1 {pack_format = #tpu.pack_format<interleaved>} : vector<32xbf16> -> vector<16xf32>
          %mul3A_810 = arith.mulf %unpack3A_802, %unpack3A_808 : vector<16xf32>
          %mul3A_811 = arith.mulf %unpack3A_803, %unpack3A_809 : vector<16xf32>
          %add3A_812 = arith.addf %mul3A_810, %mul3A_811 : vector<16xf32>
          %add3A_813 = arith.addf %add3A_797, %add3A_812 : vector<16xf32>
          %get3A_814 = arith.index_cast %select_n3A_779 : i32 to index
          %get3A_815 = arith.index_cast %sub3A_782 : i32 to index
          %get3A_816 = arith.constant 64 : index
          %get3A_817 = tpu.vector_load %arg8[%get3A_814, %get3A_815, %get3A_816] {strides = array<i32>} : memref<8x64x128xbf16, #tpu.memory_space<vmem>>, vector<32xbf16>,
          %unpack3A_818 = tpu.unpack_subelements %get3A_817, 0 {pack_format = #tpu.pack_format<interleaved>} : vector<32xbf16> -> vector<16xf32>
          %unpack3A_819 = tpu.unpack_subelements %get3A_817, 1 {pack_format = #tpu.pack_format<interleaved>} : vector<32xbf16> -> vector<16xf32>
          %get3A_820 = arith.index_cast %select_n3A_779 : i32 to index
          %get3A_821 = arith.index_cast %sub3A_782 : i32 to index
          %get3A_822 = arith.constant 64 : index
          %get3A_823 = tpu.vector_load %arg9[%get3A_820, %get3A_821, %get3A_822] {strides = array<i32>} : memref<8x64x128xbf16, #tpu.memory_space<vmem>>, vector<32xbf16>,
          %unpack3A_824 = tpu.unpack_subelements %get3A_823, 0 {pack_format = #tpu.pack_format<interleaved>} : vector<32xbf16> -> vector<16xf32>
          %unpack3A_825 = tpu.unpack_subelements %get3A_823, 1 {pack_format = #tpu.pack_format<interleaved>} : vector<32xbf16> -> vector<16xf32>
          %mul3A_826 = arith.mulf %unpack3A_818, %unpack3A_824 : vector<16xf32>
          %mul3A_827 = arith.mulf %unpack3A_819, %unpack3A_825 : vector<16xf32>
          %add3A_828 = arith.addf %mul3A_826, %mul3A_827 : vector<16xf32>
          %add3A_829 = arith.addf %add3A_813, %add3A_828 : vector<16xf32>
          %get3A_830 = arith.index_cast %select_n3A_779 : i32 to index
          %get3A_831 = arith.index_cast %sub3A_782 : i32 to index
          %get3A_832 = arith.constant 96 : index
          %get3A_833 = tpu.vector_load %arg8[%get3A_830, %get3A_831, %get3A_832] {strides = array<i32>} : memref<8x64x128xbf16, #tpu.memory_space<vmem>>, vector<32xbf16>,
          %unpack3A_834 = tpu.unpack_subelements %get3A_833, 0 {pack_format = #tpu.pack_format<interleaved>} : vector<32xbf16> -> vector<16xf32>
          %unpack3A_835 = tpu.unpack_subelements %get3A_833, 1 {pack_format = #tpu.pack_format<interleaved>} : vector<32xbf16> -> vector<16xf32>
          %get3A_836 = arith.index_cast %select_n3A_779 : i32 to index
          %get3A_837 = arith.index_cast %sub3A_782 : i32 to index
          %get3A_838 = arith.constant 96 : index
          %get3A_839 = tpu.vector_load %arg9[%get3A_836, %get3A_837, %get3A_838] {strides = array<i32>} : memref<8x64x128xbf16, #tpu.memory_space<vmem>>, vector<32xbf16>,
          %unpack3A_840 = tpu.unpack_subelements %get3A_839, 0 {pack_format = #tpu.pack_format<interleaved>} : vector<32xbf16> -> vector<16xf32>
          %unpack3A_841 = tpu.unpack_subelements %get3A_839, 1 {pack_format = #tpu.pack_format<interleaved>} : vector<32xbf16> -> vector<16xf32>
          %mul3A_842 = arith.mulf %unpack3A_834, %unpack3A_840 : vector<16xf32>
          %mul3A_843 = arith.mulf %unpack3A_835, %unpack3A_841 : vector<16xf32>
          %add3A_844 = arith.addf %mul3A_842, %mul3A_843 : vector<16xf32>
          %add3A_845 = arith.addf %add3A_829, %add3A_844 : vector<16xf32>
          %mul3A_846 = arith.constant 16 : i32
          %mul3A_847 = arith.muli %add3A_755, %mul3A_846 : i32
          %swap3A_848 = arith.index_cast %mul3A_847 : i32 to index
          %swap3A_849 = tpu.vector_load %arg10[%swap3A_848] {strides = array<i32>} : memref<8192xf32, #tpu.memory_space<vmem>>, vector<16xf32>,
          tpu.vector_store %arg10[%swap3A_848], %add3A_845 {strides = array<i32>} : memref<8192xf32, #tpu.memory_space<vmem>>, vector<16xf32>,
          %mul3A_850 = arith.constant 16 : i32
          %mul3A_851 = arith.muli %scan3A_566, %mul3A_850 : i32
          %add3A_852 = arith.constant 3 : i32
          %add3A_853 = arith.addi %mul3A_851, %add3A_852 : i32
          %jit3A_854 = arith.constant 64 : i32
          %div3A_855 = arith.divsi %add3A_853, %jit3A_854 : i32
          %sign3A_856 = arith.constant 0 : i32
          %sign3A_857 = arith.cmpi sgt, %add3A_853, %sign3A_856 : i32
          %sign3A_858 = arith.extui %sign3A_857 : i1 to i32
          %sign3A_859 = arith.constant 0 : i32
          %sign3A_860 = arith.cmpi slt, %add3A_853, %sign3A_859 : i32
          %sign3A_861 = arith.extui %sign3A_860 : i1 to i32
          %sign3A_862 = arith.subi %sign3A_858, %sign3A_861 : i32
          %sign3A_863 = arith.constant 0 : i32
          %sign3A_864 = arith.cmpi sgt, %jit3A_854, %sign3A_863 : i32
          %sign3A_865 = arith.extui %sign3A_864 : i1 to i32
          %sign3A_866 = arith.constant 0 : i32
          %sign3A_867 = arith.cmpi slt, %jit3A_854, %sign3A_866 : i32
          %sign3A_868 = arith.extui %sign3A_867 : i1 to i32
          %sign3A_869 = arith.subi %sign3A_865, %sign3A_868 : i32
          %ne3A_870 = arith.cmpi ne, %sign3A_862, %sign3A_869 : i32
          %rem3A_871 = arith.remsi %add3A_853, %jit3A_854 : i32
          %ne3A_872 = arith.constant 0 : i32
          %ne3A_873 = arith.cmpi ne, %rem3A_871, %ne3A_872 : i32
          %and3A_874 = arith.andi %ne3A_870, %ne3A_873 : i1
          %sub3A_875 = arith.constant 1 : i32
          %sub3A_876 = arith.subi %div3A_855, %sub3A_875 : i32
          %select_n3A_877 = arith.select %and3A_874, %sub3A_876, %div3A_855 : i32
          %mul3A_878 = arith.constant 64 : i32
          %mul3A_879 = arith.muli %select_n3A_877, %mul3A_878 : i32
          %sub3A_880 = arith.subi %add3A_853, %mul3A_879 : i32
          %get3A_881 = arith.index_cast %select_n3A_877 : i32 to index
          %get3A_882 = arith.index_cast %sub3A_880 : i32 to index
          %get3A_883 = arith.constant 0 : index
          %get3A_884 = tpu.vector_load %arg8[%get3A_881, %get3A_882, %get3A_883] {strides = array<i32>} : memref<8x64x128xbf16, #tpu.memory_space<vmem>>, vector<32xbf16>,
          %unpack3A_885 = tpu.unpack_subelements %get3A_884, 0 {pack_format = #tpu.pack_format<interleaved>} : vector<32xbf16> -> vector<16xf32>
          %unpack3A_886 = tpu.unpack_subelements %get3A_884, 1 {pack_format = #tpu.pack_format<interleaved>} : vector<32xbf16> -> vector<16xf32>
          %get3A_887 = arith.index_cast %select_n3A_877 : i32 to index
          %get3A_888 = arith.index_cast %sub3A_880 : i32 to index
          %get3A_889 = arith.constant 0 : index
          %get3A_890 = tpu.vector_load %arg9[%get3A_887, %get3A_888, %get3A_889] {strides = array<i32>} : memref<8x64x128xbf16, #tpu.memory_space<vmem>>, vector<32xbf16>,
          %unpack3A_891 = tpu.unpack_subelements %get3A_890, 0 {pack_format = #tpu.pack_format<interleaved>} : vector<32xbf16> -> vector<16xf32>
          %unpack3A_892 = tpu.unpack_subelements %get3A_890, 1 {pack_format = #tpu.pack_format<interleaved>} : vector<32xbf16> -> vector<16xf32>
          %mul3A_893 = arith.mulf %unpack3A_885, %unpack3A_891 : vector<16xf32>
          %mul3A_894 = arith.mulf %unpack3A_886, %unpack3A_892 : vector<16xf32>
          %add3A_895 = arith.addf %mul3A_893, %mul3A_894 : vector<16xf32>
          %get3A_896 = arith.index_cast %select_n3A_877 : i32 to index
          %get3A_897 = arith.index_cast %sub3A_880 : i32 to index
          %get3A_898 = arith.constant 32 : index
          %get3A_899 = tpu.vector_load %arg8[%get3A_896, %get3A_897, %get3A_898] {strides = array<i32>} : memref<8x64x128xbf16, #tpu.memory_space<vmem>>, vector<32xbf16>,
          %unpack3A_900 = tpu.unpack_subelements %get3A_899, 0 {pack_format = #tpu.pack_format<interleaved>} : vector<32xbf16> -> vector<16xf32>
          %unpack3A_901 = tpu.unpack_subelements %get3A_899, 1 {pack_format = #tpu.pack_format<interleaved>} : vector<32xbf16> -> vector<16xf32>
          %get3A_902 = arith.index_cast %select_n3A_877 : i32 to index
          %get3A_903 = arith.index_cast %sub3A_880 : i32 to index
          %get3A_904 = arith.constant 32 : index
          %get3A_905 = tpu.vector_load %arg9[%get3A_902, %get3A_903, %get3A_904] {strides = array<i32>} : memref<8x64x128xbf16, #tpu.memory_space<vmem>>, vector<32xbf16>,
          %unpack3A_906 = tpu.unpack_subelements %get3A_905, 0 {pack_format = #tpu.pack_format<interleaved>} : vector<32xbf16> -> vector<16xf32>
          %unpack3A_907 = tpu.unpack_subelements %get3A_905, 1 {pack_format = #tpu.pack_format<interleaved>} : vector<32xbf16> -> vector<16xf32>
          %mul3A_908 = arith.mulf %unpack3A_900, %unpack3A_906 : vector<16xf32>
          %mul3A_909 = arith.mulf %unpack3A_901, %unpack3A_907 : vector<16xf32>
          %add3A_910 = arith.addf %mul3A_908, %mul3A_909 : vector<16xf32>
          %add3A_911 = arith.addf %add3A_895, %add3A_910 : vector<16xf32>
          %get3A_912 = arith.index_cast %select_n3A_877 : i32 to index
          %get3A_913 = arith.index_cast %sub3A_880 : i32 to index
          %get3A_914 = arith.constant 64 : index
          %get3A_915 = tpu.vector_load %arg8[%get3A_912, %get3A_913, %get3A_914] {strides = array<i32>} : memref<8x64x128xbf16, #tpu.memory_space<vmem>>, vector<32xbf16>,
          %unpack3A_916 = tpu.unpack_subelements %get3A_915, 0 {pack_format = #tpu.pack_format<interleaved>} : vector<32xbf16> -> vector<16xf32>
          %unpack3A_917 = tpu.unpack_subelements %get3A_915, 1 {pack_format = #tpu.pack_format<interleaved>} : vector<32xbf16> -> vector<16xf32>
          %get3A_918 = arith.index_cast %select_n3A_877 : i32 to index
          %get3A_919 = arith.index_cast %sub3A_880 : i32 to index
          %get3A_920 = arith.constant 64 : index
          %get3A_921 = tpu.vector_load %arg9[%get3A_918, %get3A_919, %get3A_920] {strides = array<i32>} : memref<8x64x128xbf16, #tpu.memory_space<vmem>>, vector<32xbf16>,
          %unpack3A_922 = tpu.unpack_subelements %get3A_921, 0 {pack_format = #tpu.pack_format<interleaved>} : vector<32xbf16> -> vector<16xf32>
          %unpack3A_923 = tpu.unpack_subelements %get3A_921, 1 {pack_format = #tpu.pack_format<interleaved>} : vector<32xbf16> -> vector<16xf32>
          %mul3A_924 = arith.mulf %unpack3A_916, %unpack3A_922 : vector<16xf32>
          %mul3A_925 = arith.mulf %unpack3A_917, %unpack3A_923 : vector<16xf32>
          %add3A_926 = arith.addf %mul3A_924, %mul3A_925 : vector<16xf32>
          %add3A_927 = arith.addf %add3A_911, %add3A_926 : vector<16xf32>
          %get3A_928 = arith.index_cast %select_n3A_877 : i32 to index
          %get3A_929 = arith.index_cast %sub3A_880 : i32 to index
          %get3A_930 = arith.constant 96 : index
          %get3A_931 = tpu.vector_load %arg8[%get3A_928, %get3A_929, %get3A_930] {strides = array<i32>} : memref<8x64x128xbf16, #tpu.memory_space<vmem>>, vector<32xbf16>,
          %unpack3A_932 = tpu.unpack_subelements %get3A_931, 0 {pack_format = #tpu.pack_format<interleaved>} : vector<32xbf16> -> vector<16xf32>
          %unpack3A_933 = tpu.unpack_subelements %get3A_931, 1 {pack_format = #tpu.pack_format<interleaved>} : vector<32xbf16> -> vector<16xf32>
          %get3A_934 = arith.index_cast %select_n3A_877 : i32 to index
          %get3A_935 = arith.index_cast %sub3A_880 : i32 to index
          %get3A_936 = arith.constant 96 : index
          %get3A_937 = tpu.vector_load %arg9[%get3A_934, %get3A_935, %get3A_936] {strides = array<i32>} : memref<8x64x128xbf16, #tpu.memory_space<vmem>>, vector<32xbf16>,
          %unpack3A_938 = tpu.unpack_subelements %get3A_937, 0 {pack_format = #tpu.pack_format<interleaved>} : vector<32xbf16> -> vector<16xf32>
          %unpack3A_939 = tpu.unpack_subelements %get3A_937, 1 {pack_format = #tpu.pack_format<interleaved>} : vector<32xbf16> -> vector<16xf32>
          %mul3A_940 = arith.mulf %unpack3A_932, %unpack3A_938 : vector<16xf32>
          %mul3A_941 = arith.mulf %unpack3A_933, %unpack3A_939 : vector<16xf32>
          %add3A_942 = arith.addf %mul3A_940, %mul3A_941 : vector<16xf32>
          %add3A_943 = arith.addf %add3A_927, %add3A_942 : vector<16xf32>
          %mul3A_944 = arith.constant 16 : i32
          %mul3A_945 = arith.muli %add3A_853, %mul3A_944 : i32
          %swap3A_946 = arith.index_cast %mul3A_945 : i32 to index
          %swap3A_947 = tpu.vector_load %arg10[%swap3A_946] {strides = array<i32>} : memref<8192xf32, #tpu.memory_space<vmem>>, vector<16xf32>,
          tpu.vector_store %arg10[%swap3A_946], %add3A_943 {strides = array<i32>} : memref<8192xf32, #tpu.memory_space<vmem>>, vector<16xf32>,
          %mul3A_948 = arith.constant 16 : i32
          %mul3A_949 = arith.muli %scan3A_566, %mul3A_948 : i32
          %add3A_950 = arith.constant 4 : i32
          %add3A_951 = arith.addi %mul3A_949, %add3A_950 : i32
          %jit3A_952 = arith.constant 64 : i32
          %div3A_953 = arith.divsi %add3A_951, %jit3A_952 : i32
          %sign3A_954 = arith.constant 0 : i32
          %sign3A_955 = arith.cmpi sgt, %add3A_951, %sign3A_954 : i32
          %sign3A_956 = arith.extui %sign3A_955 : i1 to i32
          %sign3A_957 = arith.constant 0 : i32
          %sign3A_958 = arith.cmpi slt, %add3A_951, %sign3A_957 : i32
          %sign3A_959 = arith.extui %sign3A_958 : i1 to i32
          %sign3A_960 = arith.subi %sign3A_956, %sign3A_959 : i32
          %sign3A_961 = arith.constant 0 : i32
          %sign3A_962 = arith.cmpi sgt, %jit3A_952, %sign3A_961 : i32
          %sign3A_963 = arith.extui %sign3A_962 : i1 to i32
          %sign3A_964 = arith.constant 0 : i32
          %sign3A_965 = arith.cmpi slt, %jit3A_952, %sign3A_964 : i32
          %sign3A_966 = arith.extui %sign3A_965 : i1 to i32
          %sign3A_967 = arith.subi %sign3A_963, %sign3A_966 : i32
          %ne3A_968 = arith.cmpi ne, %sign3A_960, %sign3A_967 : i32
          %rem3A_969 = arith.remsi %add3A_951, %jit3A_952 : i32
          %ne3A_970 = arith.constant 0 : i32
          %ne3A_971 = arith.cmpi ne, %rem3A_969, %ne3A_970 : i32
          %and3A_972 = arith.andi %ne3A_968, %ne3A_971 : i1
          %sub3A_973 = arith.constant 1 : i32
          %sub3A_974 = arith.subi %div3A_953, %sub3A_973 : i32
          %select_n3A_975 = arith.select %and3A_972, %sub3A_974, %div3A_953 : i32
          %mul3A_976 = arith.constant 64 : i32
          %mul3A_977 = arith.muli %select_n3A_975, %mul3A_976 : i32
          %sub3A_978 = arith.subi %add3A_951, %mul3A_977 : i32
          %get3A_979 = arith.index_cast %select_n3A_975 : i32 to index
          %get3A_980 = arith.index_cast %sub3A_978 : i32 to index
          %get3A_981 = arith.constant 0 : index
          %get3A_982 = tpu.vector_load %arg8[%get3A_979, %get3A_980, %get3A_981] {strides = array<i32>} : memref<8x64x128xbf16, #tpu.memory_space<vmem>>, vector<32xbf16>,
          %unpack3A_983 = tpu.unpack_subelements %get3A_982, 0 {pack_format = #tpu.pack_format<interleaved>} : vector<32xbf16> -> vector<16xf32>
          %unpack3A_984 = tpu.unpack_subelements %get3A_982, 1 {pack_format = #tpu.pack_format<interleaved>} : vector<32xbf16> -> vector<16xf32>
          %get3A_985 = arith.index_cast %select_n3A_975 : i32 to index
          %get3A_986 = arith.index_cast %sub3A_978 : i32 to index
          %get3A_987 = arith.constant 0 : index
          %get3A_988 = tpu.vector_load %arg9[%get3A_985, %get3A_986, %get3A_987] {strides = array<i32>} : memref<8x64x128xbf16, #tpu.memory_space<vmem>>, vector<32xbf16>,
          %unpack3A_989 = tpu.unpack_subelements %get3A_988, 0 {pack_format = #tpu.pack_format<interleaved>} : vector<32xbf16> -> vector<16xf32>
          %unpack3A_990 = tpu.unpack_subelements %get3A_988, 1 {pack_format = #tpu.pack_format<interleaved>} : vector<32xbf16> -> vector<16xf32>
          %mul3A_991 = arith.mulf %unpack3A_983, %unpack3A_989 : vector<16xf32>
          %mul3A_992 = arith.mulf %unpack3A_984, %unpack3A_990 : vector<16xf32>
          %add3A_993 = arith.addf %mul3A_991, %mul3A_992 : vector<16xf32>
          %get3A_994 = arith.index_cast %select_n3A_975 : i32 to index
          %get3A_995 = arith.index_cast %sub3A_978 : i32 to index
          %get3A_996 = arith.constant 32 : index
          %get3A_997 = tpu.vector_load %arg8[%get3A_994, %get3A_995, %get3A_996] {strides = array<i32>} : memref<8x64x128xbf16, #tpu.memory_space<vmem>>, vector<32xbf16>,
          %unpack3A_998 = tpu.unpack_subelements %get3A_997, 0 {pack_format = #tpu.pack_format<interleaved>} : vector<32xbf16> -> vector<16xf32>
          %unpack3A_999 = tpu.unpack_subelements %get3A_997, 1 {pack_format = #tpu.pack_format<interleaved>} : vector<32xbf16> -> vector<16xf32>
          %get3A_1000 = arith.index_cast %select_n3A_975 : i32 to index
          %get3A_1001 = arith.index_cast %sub3A_978 : i32 to index
          %get3A_1002 = arith.constant 32 : index
          %get3A_1003 = tpu.vector_load %arg9[%get3A_1000, %get3A_1001, %get3A_1002] {strides = array<i32>} : memref<8x64x128xbf16, #tpu.memory_space<vmem>>, vector<32xbf16>,
          %unpack3A_1004 = tpu.unpack_subelements %get3A_1003, 0 {pack_format = #tpu.pack_format<interleaved>} : vector<32xbf16> -> vector<16xf32>
          %unpack3A_1005 = tpu.unpack_subelements %get3A_1003, 1 {pack_format = #tpu.pack_format<interleaved>} : vector<32xbf16> -> vector<16xf32>
          %mul3A_1006 = arith.mulf %unpack3A_998, %unpack3A_1004 : vector<16xf32>
          %mul3A_1007 = arith.mulf %unpack3A_999, %unpack3A_1005 : vector<16xf32>
          %add3A_1008 = arith.addf %mul3A_1006, %mul3A_1007 : vector<16xf32>
          %add3A_1009 = arith.addf %add3A_993, %add3A_1008 : vector<16xf32>
          %get3A_1010 = arith.index_cast %select_n3A_975 : i32 to index
          %get3A_1011 = arith.index_cast %sub3A_978 : i32 to index
          %get3A_1012 = arith.constant 64 : index
          %get3A_1013 = tpu.vector_load %arg8[%get3A_1010, %get3A_1011, %get3A_1012] {strides = array<i32>} : memref<8x64x128xbf16, #tpu.memory_space<vmem>>, vector<32xbf16>,
          %unpack3A_1014 = tpu.unpack_subelements %get3A_1013, 0 {pack_format = #tpu.pack_format<interleaved>} : vector<32xbf16> -> vector<16xf32>
          %unpack3A_1015 = tpu.unpack_subelements %get3A_1013, 1 {pack_format = #tpu.pack_format<interleaved>} : vector<32xbf16> -> vector<16xf32>
          %get3A_1016 = arith.index_cast %select_n3A_975 : i32 to index
          %get3A_1017 = arith.index_cast %sub3A_978 : i32 to index
          %get3A_1018 = arith.constant 64 : index
          %get3A_1019 = tpu.vector_load %arg9[%get3A_1016, %get3A_1017, %get3A_1018] {strides = array<i32>} : memref<8x64x128xbf16, #tpu.memory_space<vmem>>, vector<32xbf16>,
          %unpack3A_1020 = tpu.unpack_subelements %get3A_1019, 0 {pack_format = #tpu.pack_format<interleaved>} : vector<32xbf16> -> vector<16xf32>
          %unpack3A_1021 = tpu.unpack_subelements %get3A_1019, 1 {pack_format = #tpu.pack_format<interleaved>} : vector<32xbf16> -> vector<16xf32>
          %mul3A_1022 = arith.mulf %unpack3A_1014, %unpack3A_1020 : vector<16xf32>
          %mul3A_1023 = arith.mulf %unpack3A_1015, %unpack3A_1021 : vector<16xf32>
          %add3A_1024 = arith.addf %mul3A_1022, %mul3A_1023 : vector<16xf32>
          %add3A_1025 = arith.addf %add3A_1009, %add3A_1024 : vector<16xf32>
          %get3A_1026 = arith.index_cast %select_n3A_975 : i32 to index
          %get3A_1027 = arith.index_cast %sub3A_978 : i32 to index
          %get3A_1028 = arith.constant 96 : index
          %get3A_1029 = tpu.vector_load %arg8[%get3A_1026, %get3A_1027, %get3A_1028] {strides = array<i32>} : memref<8x64x128xbf16, #tpu.memory_space<vmem>>, vector<32xbf16>,
          %unpack3A_1030 = tpu.unpack_subelements %get3A_1029, 0 {pack_format = #tpu.pack_format<interleaved>} : vector<32xbf16> -> vector<16xf32>
          %unpack3A_1031 = tpu.unpack_subelements %get3A_1029, 1 {pack_format = #tpu.pack_format<interleaved>} : vector<32xbf16> -> vector<16xf32>
          %get3A_1032 = arith.index_cast %select_n3A_975 : i32 to index
          %get3A_1033 = arith.index_cast %sub3A_978 : i32 to index
          %get3A_1034 = arith.constant 96 : index
          %get3A_1035 = tpu.vector_load %arg9[%get3A_1032, %get3A_1033, %get3A_1034] {strides = array<i32>} : memref<8x64x128xbf16, #tpu.memory_space<vmem>>, vector<32xbf16>,
          %unpack3A_1036 = tpu.unpack_subelements %get3A_1035, 0 {pack_format = #tpu.pack_format<interleaved>} : vector<32xbf16> -> vector<16xf32>
          %unpack3A_1037 = tpu.unpack_subelements %get3A_1035, 1 {pack_format = #tpu.pack_format<interleaved>} : vector<32xbf16> -> vector<16xf32>
          %mul3A_1038 = arith.mulf %unpack3A_1030, %unpack3A_1036 : vector<16xf32>
          %mul3A_1039 = arith.mulf %unpack3A_1031, %unpack3A_1037 : vector<16xf32>
          %add3A_1040 = arith.addf %mul3A_1038, %mul3A_1039 : vector<16xf32>
          %add3A_1041 = arith.addf %add3A_1025, %add3A_1040 : vector<16xf32>
          %mul3A_1042 = arith.constant 16 : i32
          %mul3A_1043 = arith.muli %add3A_951, %mul3A_1042 : i32
          %swap3A_1044 = arith.index_cast %mul3A_1043 : i32 to index
          %swap3A_1045 = tpu.vector_load %arg10[%swap3A_1044] {strides = array<i32>} : memref<8192xf32, #tpu.memory_space<vmem>>, vector<16xf32>,
          tpu.vector_store %arg10[%swap3A_1044], %add3A_1041 {strides = array<i32>} : memref<8192xf32, #tpu.memory_space<vmem>>, vector<16xf32>,
          %mul3A_1046 = arith.constant 16 : i32
          %mul3A_1047 = arith.muli %scan3A_566, %mul3A_1046 : i32
          %add3A_1048 = arith.constant 5 : i32
          %add3A_1049 = arith.addi %mul3A_1047, %add3A_1048 : i32
          %jit3A_1050 = arith.constant 64 : i32
          %div3A_1051 = arith.divsi %add3A_1049, %jit3A_1050 : i32
          %sign3A_1052 = arith.constant 0 : i32
          %sign3A_1053 = arith.cmpi sgt, %add3A_1049, %sign3A_1052 : i32
          %sign3A_1054 = arith.extui %sign3A_1053 : i1 to i32
          %sign3A_1055 = arith.constant 0 : i32
          %sign3A_1056 = arith.cmpi slt, %add3A_1049, %sign3A_1055 : i32
          %sign3A_1057 = arith.extui %sign3A_1056 : i1 to i32
          %sign3A_1058 = arith.subi %sign3A_1054, %sign3A_1057 : i32
          %sign3A_1059 = arith.constant 0 : i32
          %sign3A_1060 = arith.cmpi sgt, %jit3A_1050, %sign3A_1059 : i32
          %sign3A_1061 = arith.extui %sign3A_1060 : i1 to i32
          %sign3A_1062 = arith.constant 0 : i32
          %sign3A_1063 = arith.cmpi slt, %jit3A_1050, %sign3A_1062 : i32
          %sign3A_1064 = arith.extui %sign3A_1063 : i1 to i32
          %sign3A_1065 = arith.subi %sign3A_1061, %sign3A_1064 : i32
          %ne3A_1066 = arith.cmpi ne, %sign3A_1058, %sign3A_1065 : i32
          %rem3A_1067 = arith.remsi %add3A_1049, %jit3A_1050 : i32
          %ne3A_1068 = arith.constant 0 : i32
          %ne3A_1069 = arith.cmpi ne, %rem3A_1067, %ne3A_1068 : i32
          %and3A_1070 = arith.andi %ne3A_1066, %ne3A_1069 : i1
          %sub3A_1071 = arith.constant 1 : i32
          %sub3A_1072 = arith.subi %div3A_1051, %sub3A_1071 : i32
          %select_n3A_1073 = arith.select %and3A_1070, %sub3A_1072, %div3A_1051 : i32
          %mul3A_1074 = arith.constant 64 : i32
          %mul3A_1075 = arith.muli %select_n3A_1073, %mul3A_1074 : i32
          %sub3A_1076 = arith.subi %add3A_1049, %mul3A_1075 : i32
          %get3A_1077 = arith.index_cast %select_n3A_1073 : i32 to index
          %get3A_1078 = arith.index_cast %sub3A_1076 : i32 to index
          %get3A_1079 = arith.constant 0 : index
          %get3A_1080 = tpu.vector_load %arg8[%get3A_1077, %get3A_1078, %get3A_1079] {strides = array<i32>} : memref<8x64x128xbf16, #tpu.memory_space<vmem>>, vector<32xbf16>,
          %unpack3A_1081 = tpu.unpack_subelements %get3A_1080, 0 {pack_format = #tpu.pack_format<interleaved>} : vector<32xbf16> -> vector<16xf32>
          %unpack3A_1082 = tpu.unpack_subelements %get3A_1080, 1 {pack_format = #tpu.pack_format<interleaved>} : vector<32xbf16> -> vector<16xf32>
          %get3A_1083 = arith.index_cast %select_n3A_1073 : i32 to index
          %get3A_1084 = arith.index_cast %sub3A_1076 : i32 to index
          %get3A_1085 = arith.constant 0 : index
          %get3A_1086 = tpu.vector_load %arg9[%get3A_1083, %get3A_1084, %get3A_1085] {strides = array<i32>} : memref<8x64x128xbf16, #tpu.memory_space<vmem>>, vector<32xbf16>,
          %unpack3A_1087 = tpu.unpack_subelements %get3A_1086, 0 {pack_format = #tpu.pack_format<interleaved>} : vector<32xbf16> -> vector<16xf32>
          %unpack3A_1088 = tpu.unpack_subelements %get3A_1086, 1 {pack_format = #tpu.pack_format<interleaved>} : vector<32xbf16> -> vector<16xf32>
          %mul3A_1089 = arith.mulf %unpack3A_1081, %unpack3A_1087 : vector<16xf32>
          %mul3A_1090 = arith.mulf %unpack3A_1082, %unpack3A_1088 : vector<16xf32>
          %add3A_1091 = arith.addf %mul3A_1089, %mul3A_1090 : vector<16xf32>
          %get3A_1092 = arith.index_cast %select_n3A_1073 : i32 to index
          %get3A_1093 = arith.index_cast %sub3A_1076 : i32 to index
          %get3A_1094 = arith.constant 32 : index
          %get3A_1095 = tpu.vector_load %arg8[%get3A_1092, %get3A_1093, %get3A_1094] {strides = array<i32>} : memref<8x64x128xbf16, #tpu.memory_space<vmem>>, vector<32xbf16>,
          %unpack3A_1096 = tpu.unpack_subelements %get3A_1095, 0 {pack_format = #tpu.pack_format<interleaved>} : vector<32xbf16> -> vector<16xf32>
          %unpack3A_1097 = tpu.unpack_subelements %get3A_1095, 1 {pack_format = #tpu.pack_format<interleaved>} : vector<32xbf16> -> vector<16xf32>
          %get3A_1098 = arith.index_cast %select_n3A_1073 : i32 to index
          %get3A_1099 = arith.index_cast %sub3A_1076 : i32 to index
          %get3A_1100 = arith.constant 32 : index
          %get3A_1101 = tpu.vector_load %arg9[%get3A_1098, %get3A_1099, %get3A_1100] {strides = array<i32>} : memref<8x64x128xbf16, #tpu.memory_space<vmem>>, vector<32xbf16>,
          %unpack3A_1102 = tpu.unpack_subelements %get3A_1101, 0 {pack_format = #tpu.pack_format<interleaved>} : vector<32xbf16> -> vector<16xf32>
          %unpack3A_1103 = tpu.unpack_subelements %get3A_1101, 1 {pack_format = #tpu.pack_format<interleaved>} : vector<32xbf16> -> vector<16xf32>
          %mul3A_1104 = arith.mulf %unpack3A_1096, %unpack3A_1102 : vector<16xf32>
          %mul3A_1105 = arith.mulf %unpack3A_1097, %unpack3A_1103 : vector<16xf32>
          %add3A_1106 = arith.addf %mul3A_1104, %mul3A_1105 : vector<16xf32>
          %add3A_1107 = arith.addf %add3A_1091, %add3A_1106 : vector<16xf32>
          %get3A_1108 = arith.index_cast %select_n3A_1073 : i32 to index
          %get3A_1109 = arith.index_cast %sub3A_1076 : i32 to index
          %get3A_1110 = arith.constant 64 : index
          %get3A_1111 = tpu.vector_load %arg8[%get3A_1108, %get3A_1109, %get3A_1110] {strides = array<i32>} : memref<8x64x128xbf16, #tpu.memory_space<vmem>>, vector<32xbf16>,
          %unpack3A_1112 = tpu.unpack_subelements %get3A_1111, 0 {pack_format = #tpu.pack_format<interleaved>} : vector<32xbf16> -> vector<16xf32>
          %unpack3A_1113 = tpu.unpack_subelements %get3A_1111, 1 {pack_format = #tpu.pack_format<interleaved>} : vector<32xbf16> -> vector<16xf32>
          %get3A_1114 = arith.index_cast %select_n3A_1073 : i32 to index
          %get3A_1115 = arith.index_cast %sub3A_1076 : i32 to index
          %get3A_1116 = arith.constant 64 : index
          %get3A_1117 = tpu.vector_load %arg9[%get3A_1114, %get3A_1115, %get3A_1116] {strides = array<i32>} : memref<8x64x128xbf16, #tpu.memory_space<vmem>>, vector<32xbf16>,
          %unpack3A_1118 = tpu.unpack_subelements %get3A_1117, 0 {pack_format = #tpu.pack_format<interleaved>} : vector<32xbf16> -> vector<16xf32>
          %unpack3A_1119 = tpu.unpack_subelements %get3A_1117, 1 {pack_format = #tpu.pack_format<interleaved>} : vector<32xbf16> -> vector<16xf32>
          %mul3A_1120 = arith.mulf %unpack3A_1112, %unpack3A_1118 : vector<16xf32>
          %mul3A_1121 = arith.mulf %unpack3A_1113, %unpack3A_1119 : vector<16xf32>
          %add3A_1122 = arith.addf %mul3A_1120, %mul3A_1121 : vector<16xf32>
          %add3A_1123 = arith.addf %add3A_1107, %add3A_1122 : vector<16xf32>
          %get3A_1124 = arith.index_cast %select_n3A_1073 : i32 to index
          %get3A_1125 = arith.index_cast %sub3A_1076 : i32 to index
          %get3A_1126 = arith.constant 96 : index
          %get3A_1127 = tpu.vector_load %arg8[%get3A_1124, %get3A_1125, %get3A_1126] {strides = array<i32>} : memref<8x64x128xbf16, #tpu.memory_space<vmem>>, vector<32xbf16>,
          %unpack3A_1128 = tpu.unpack_subelements %get3A_1127, 0 {pack_format = #tpu.pack_format<interleaved>} : vector<32xbf16> -> vector<16xf32>
          %unpack3A_1129 = tpu.unpack_subelements %get3A_1127, 1 {pack_format = #tpu.pack_format<interleaved>} : vector<32xbf16> -> vector<16xf32>
          %get3A_1130 = arith.index_cast %select_n3A_1073 : i32 to index
          %get3A_1131 = arith.index_cast %sub3A_1076 : i32 to index
          %get3A_1132 = arith.constant 96 : index
          %get3A_1133 = tpu.vector_load %arg9[%get3A_1130, %get3A_1131, %get3A_1132] {strides = array<i32>} : memref<8x64x128xbf16, #tpu.memory_space<vmem>>, vector<32xbf16>,
          %unpack3A_1134 = tpu.unpack_subelements %get3A_1133, 0 {pack_format = #tpu.pack_format<interleaved>} : vector<32xbf16> -> vector<16xf32>
          %unpack3A_1135 = tpu.unpack_subelements %get3A_1133, 1 {pack_format = #tpu.pack_format<interleaved>} : vector<32xbf16> -> vector<16xf32>
          %mul3A_1136 = arith.mulf %unpack3A_1128, %unpack3A_1134 : vector<16xf32>
          %mul3A_1137 = arith.mulf %unpack3A_1129, %unpack3A_1135 : vector<16xf32>
          %add3A_1138 = arith.addf %mul3A_1136, %mul3A_1137 : vector<16xf32>
          %add3A_1139 = arith.addf %add3A_1123, %add3A_1138 : vector<16xf32>
          %mul3A_1140 = arith.constant 16 : i32
          %mul3A_1141 = arith.muli %add3A_1049, %mul3A_1140 : i32
          %swap3A_1142 = arith.index_cast %mul3A_1141 : i32 to index
          %swap3A_1143 = tpu.vector_load %arg10[%swap3A_1142] {strides = array<i32>} : memref<8192xf32, #tpu.memory_space<vmem>>, vector<16xf32>,
          tpu.vector_store %arg10[%swap3A_1142], %add3A_1139 {strides = array<i32>} : memref<8192xf32, #tpu.memory_space<vmem>>, vector<16xf32>,
          %mul3A_1144 = arith.constant 16 : i32
          %mul3A_1145 = arith.muli %scan3A_566, %mul3A_1144 : i32
          %add3A_1146 = arith.constant 6 : i32
          %add3A_1147 = arith.addi %mul3A_1145, %add3A_1146 : i32
          %jit3A_1148 = arith.constant 64 : i32
          %div3A_1149 = arith.divsi %add3A_1147, %jit3A_1148 : i32
          %sign3A_1150 = arith.constant 0 : i32
          %sign3A_1151 = arith.cmpi sgt, %add3A_1147, %sign3A_1150 : i32
          %sign3A_1152 = arith.extui %sign3A_1151 : i1 to i32
          %sign3A_1153 = arith.constant 0 : i32
          %sign3A_1154 = arith.cmpi slt, %add3A_1147, %sign3A_1153 : i32
          %sign3A_1155 = arith.extui %sign3A_1154 : i1 to i32
          %sign3A_1156 = arith.subi %sign3A_1152, %sign3A_1155 : i32
          %sign3A_1157 = arith.constant 0 : i32
          %sign3A_1158 = arith.cmpi sgt, %jit3A_1148, %sign3A_1157 : i32
          %sign3A_1159 = arith.extui %sign3A_1158 : i1 to i32
          %sign3A_1160 = arith.constant 0 : i32
          %sign3A_1161 = arith.cmpi slt, %jit3A_1148, %sign3A_1160 : i32
          %sign3A_1162 = arith.extui %sign3A_1161 : i1 to i32
          %sign3A_1163 = arith.subi %sign3A_1159, %sign3A_1162 : i32
          %ne3A_1164 = arith.cmpi ne, %sign3A_1156, %sign3A_1163 : i32
          %rem3A_1165 = arith.remsi %add3A_1147, %jit3A_1148 : i32
          %ne3A_1166 = arith.constant 0 : i32
          %ne3A_1167 = arith.cmpi ne, %rem3A_1165, %ne3A_1166 : i32
          %and3A_1168 = arith.andi %ne3A_1164, %ne3A_1167 : i1
          %sub3A_1169 = arith.constant 1 : i32
          %sub3A_1170 = arith.subi %div3A_1149, %sub3A_1169 : i32
          %select_n3A_1171 = arith.select %and3A_1168, %sub3A_1170, %div3A_1149 : i32
          %mul3A_1172 = arith.constant 64 : i32
          %mul3A_1173 = arith.muli %select_n3A_1171, %mul3A_1172 : i32
          %sub3A_1174 = arith.subi %add3A_1147, %mul3A_1173 : i32
          %get3A_1175 = arith.index_cast %select_n3A_1171 : i32 to index
          %get3A_1176 = arith.index_cast %sub3A_1174 : i32 to index
          %get3A_1177 = arith.constant 0 : index
          %get3A_1178 = tpu.vector_load %arg8[%get3A_1175, %get3A_1176, %get3A_1177] {strides = array<i32>} : memref<8x64x128xbf16, #tpu.memory_space<vmem>>, vector<32xbf16>,
          %unpack3A_1179 = tpu.unpack_subelements %get3A_1178, 0 {pack_format = #tpu.pack_format<interleaved>} : vector<32xbf16> -> vector<16xf32>
          %unpack3A_1180 = tpu.unpack_subelements %get3A_1178, 1 {pack_format = #tpu.pack_format<interleaved>} : vector<32xbf16> -> vector<16xf32>
          %get3A_1181 = arith.index_cast %select_n3A_1171 : i32 to index
          %get3A_1182 = arith.index_cast %sub3A_1174 : i32 to index
          %get3A_1183 = arith.constant 0 : index
          %get3A_1184 = tpu.vector_load %arg9[%get3A_1181, %get3A_1182, %get3A_1183] {strides = array<i32>} : memref<8x64x128xbf16, #tpu.memory_space<vmem>>, vector<32xbf16>,
          %unpack3A_1185 = tpu.unpack_subelements %get3A_1184, 0 {pack_format = #tpu.pack_format<interleaved>} : vector<32xbf16> -> vector<16xf32>
          %unpack3A_1186 = tpu.unpack_subelements %get3A_1184, 1 {pack_format = #tpu.pack_format<interleaved>} : vector<32xbf16> -> vector<16xf32>
          %mul3A_1187 = arith.mulf %unpack3A_1179, %unpack3A_1185 : vector<16xf32>
          %mul3A_1188 = arith.mulf %unpack3A_1180, %unpack3A_1186 : vector<16xf32>
          %add3A_1189 = arith.addf %mul3A_1187, %mul3A_1188 : vector<16xf32>
          %get3A_1190 = arith.index_cast %select_n3A_1171 : i32 to index
          %get3A_1191 = arith.index_cast %sub3A_1174 : i32 to index
          %get3A_1192 = arith.constant 32 : index
          %get3A_1193 = tpu.vector_load %arg8[%get3A_1190, %get3A_1191, %get3A_1192] {strides = array<i32>} : memref<8x64x128xbf16, #tpu.memory_space<vmem>>, vector<32xbf16>,
          %unpack3A_1194 = tpu.unpack_subelements %get3A_1193, 0 {pack_format = #tpu.pack_format<interleaved>} : vector<32xbf16> -> vector<16xf32>
          %unpack3A_1195 = tpu.unpack_subelements %get3A_1193, 1 {pack_format = #tpu.pack_format<interleaved>} : vector<32xbf16> -> vector<16xf32>
          %get3A_1196 = arith.index_cast %select_n3A_1171 : i32 to index
          %get3A_1197 = arith.index_cast %sub3A_1174 : i32 to index
          %get3A_1198 = arith.constant 32 : index
          %get3A_1199 = tpu.vector_load %arg9[%get3A_1196, %get3A_1197, %get3A_1198] {strides = array<i32>} : memref<8x64x128xbf16, #tpu.memory_space<vmem>>, vector<32xbf16>,
          %unpack3A_1200 = tpu.unpack_subelements %get3A_1199, 0 {pack_format = #tpu.pack_format<interleaved>} : vector<32xbf16> -> vector<16xf32>
          %unpack3A_1201 = tpu.unpack_subelements %get3A_1199, 1 {pack_format = #tpu.pack_format<interleaved>} : vector<32xbf16> -> vector<16xf32>
          %mul3A_1202 = arith.mulf %unpack3A_1194, %unpack3A_1200 : vector<16xf32>
          %mul3A_1203 = arith.mulf %unpack3A_1195, %unpack3A_1201 : vector<16xf32>
          %add3A_1204 = arith.addf %mul3A_1202, %mul3A_1203 : vector<16xf32>
          %add3A_1205 = arith.addf %add3A_1189, %add3A_1204 : vector<16xf32>
          %get3A_1206 = arith.index_cast %select_n3A_1171 : i32 to index
          %get3A_1207 = arith.index_cast %sub3A_1174 : i32 to index
          %get3A_1208 = arith.constant 64 : index
          %get3A_1209 = tpu.vector_load %arg8[%get3A_1206, %get3A_1207, %get3A_1208] {strides = array<i32>} : memref<8x64x128xbf16, #tpu.memory_space<vmem>>, vector<32xbf16>,
          %unpack3A_1210 = tpu.unpack_subelements %get3A_1209, 0 {pack_format = #tpu.pack_format<interleaved>} : vector<32xbf16> -> vector<16xf32>
          %unpack3A_1211 = tpu.unpack_subelements %get3A_1209, 1 {pack_format = #tpu.pack_format<interleaved>} : vector<32xbf16> -> vector<16xf32>
          %get3A_1212 = arith.index_cast %select_n3A_1171 : i32 to index
          %get3A_1213 = arith.index_cast %sub3A_1174 : i32 to index
          %get3A_1214 = arith.constant 64 : index
          %get3A_1215 = tpu.vector_load %arg9[%get3A_1212, %get3A_1213, %get3A_1214] {strides = array<i32>} : memref<8x64x128xbf16, #tpu.memory_space<vmem>>, vector<32xbf16>,
          %unpack3A_1216 = tpu.unpack_subelements %get3A_1215, 0 {pack_format = #tpu.pack_format<interleaved>} : vector<32xbf16> -> vector<16xf32>
          %unpack3A_1217 = tpu.unpack_subelements %get3A_1215, 1 {pack_format = #tpu.pack_format<interleaved>} : vector<32xbf16> -> vector<16xf32>
          %mul3A_1218 = arith.mulf %unpack3A_1210, %unpack3A_1216 : vector<16xf32>
          %mul3A_1219 = arith.mulf %unpack3A_1211, %unpack3A_1217 : vector<16xf32>
          %add3A_1220 = arith.addf %mul3A_1218, %mul3A_1219 : vector<16xf32>
          %add3A_1221 = arith.addf %add3A_1205, %add3A_1220 : vector<16xf32>
          %get3A_1222 = arith.index_cast %select_n3A_1171 : i32 to index
          %get3A_1223 = arith.index_cast %sub3A_1174 : i32 to index
          %get3A_1224 = arith.constant 96 : index
          %get3A_1225 = tpu.vector_load %arg8[%get3A_1222, %get3A_1223, %get3A_1224] {strides = array<i32>} : memref<8x64x128xbf16, #tpu.memory_space<vmem>>, vector<32xbf16>,
          %unpack3A_1226 = tpu.unpack_subelements %get3A_1225, 0 {pack_format = #tpu.pack_format<interleaved>} : vector<32xbf16> -> vector<16xf32>
          %unpack3A_1227 = tpu.unpack_subelements %get3A_1225, 1 {pack_format = #tpu.pack_format<interleaved>} : vector<32xbf16> -> vector<16xf32>
          %get3A_1228 = arith.index_cast %select_n3A_1171 : i32 to index
          %get3A_1229 = arith.index_cast %sub3A_1174 : i32 to index
          %get3A_1230 = arith.constant 96 : index
          %get3A_1231 = tpu.vector_load %arg9[%get3A_1228, %get3A_1229, %get3A_1230] {strides = array<i32>} : memref<8x64x128xbf16, #tpu.memory_space<vmem>>, vector<32xbf16>,
          %unpack3A_1232 = tpu.unpack_subelements %get3A_1231, 0 {pack_format = #tpu.pack_format<interleaved>} : vector<32xbf16> -> vector<16xf32>
          %unpack3A_1233 = tpu.unpack_subelements %get3A_1231, 1 {pack_format = #tpu.pack_format<interleaved>} : vector<32xbf16> -> vector<16xf32>
          %mul3A_1234 = arith.mulf %unpack3A_1226, %unpack3A_1232 : vector<16xf32>
          %mul3A_1235 = arith.mulf %unpack3A_1227, %unpack3A_1233 : vector<16xf32>
          %add3A_1236 = arith.addf %mul3A_1234, %mul3A_1235 : vector<16xf32>
          %add3A_1237 = arith.addf %add3A_1221, %add3A_1236 : vector<16xf32>
          %mul3A_1238 = arith.constant 16 : i32
          %mul3A_1239 = arith.muli %add3A_1147, %mul3A_1238 : i32
          %swap3A_1240 = arith.index_cast %mul3A_1239 : i32 to index
          %swap3A_1241 = tpu.vector_load %arg10[%swap3A_1240] {strides = array<i32>} : memref<8192xf32, #tpu.memory_space<vmem>>, vector<16xf32>,
          tpu.vector_store %arg10[%swap3A_1240], %add3A_1237 {strides = array<i32>} : memref<8192xf32, #tpu.memory_space<vmem>>, vector<16xf32>,
          %mul3A_1242 = arith.constant 16 : i32
          %mul3A_1243 = arith.muli %scan3A_566, %mul3A_1242 : i32
          %add3A_1244 = arith.constant 7 : i32
          %add3A_1245 = arith.addi %mul3A_1243, %add3A_1244 : i32
          %jit3A_1246 = arith.constant 64 : i32
          %div3A_1247 = arith.divsi %add3A_1245, %jit3A_1246 : i32
          %sign3A_1248 = arith.constant 0 : i32
          %sign3A_1249 = arith.cmpi sgt, %add3A_1245, %sign3A_1248 : i32
          %sign3A_1250 = arith.extui %sign3A_1249 : i1 to i32
          %sign3A_1251 = arith.constant 0 : i32
          %sign3A_1252 = arith.cmpi slt, %add3A_1245, %sign3A_1251 : i32
          %sign3A_1253 = arith.extui %sign3A_1252 : i1 to i32
          %sign3A_1254 = arith.subi %sign3A_1250, %sign3A_1253 : i32
          %sign3A_1255 = arith.constant 0 : i32
          %sign3A_1256 = arith.cmpi sgt, %jit3A_1246, %sign3A_1255 : i32
          %sign3A_1257 = arith.extui %sign3A_1256 : i1 to i32
          %sign3A_1258 = arith.constant 0 : i32
          %sign3A_1259 = arith.cmpi slt, %jit3A_1246, %sign3A_1258 : i32
          %sign3A_1260 = arith.extui %sign3A_1259 : i1 to i32
          %sign3A_1261 = arith.subi %sign3A_1257, %sign3A_1260 : i32
          %ne3A_1262 = arith.cmpi ne, %sign3A_1254, %sign3A_1261 : i32
          %rem3A_1263 = arith.remsi %add3A_1245, %jit3A_1246 : i32
          %ne3A_1264 = arith.constant 0 : i32
          %ne3A_1265 = arith.cmpi ne, %rem3A_1263, %ne3A_1264 : i32
          %and3A_1266 = arith.andi %ne3A_1262, %ne3A_1265 : i1
          %sub3A_1267 = arith.constant 1 : i32
          %sub3A_1268 = arith.subi %div3A_1247, %sub3A_1267 : i32
          %select_n3A_1269 = arith.select %and3A_1266, %sub3A_1268, %div3A_1247 : i32
          %mul3A_1270 = arith.constant 64 : i32
          %mul3A_1271 = arith.muli %select_n3A_1269, %mul3A_1270 : i32
          %sub3A_1272 = arith.subi %add3A_1245, %mul3A_1271 : i32
          %get3A_1273 = arith.index_cast %select_n3A_1269 : i32 to index
          %get3A_1274 = arith.index_cast %sub3A_1272 : i32 to index
          %get3A_1275 = arith.constant 0 : index
          %get3A_1276 = tpu.vector_load %arg8[%get3A_1273, %get3A_1274, %get3A_1275] {strides = array<i32>} : memref<8x64x128xbf16, #tpu.memory_space<vmem>>, vector<32xbf16>,
          %unpack3A_1277 = tpu.unpack_subelements %get3A_1276, 0 {pack_format = #tpu.pack_format<interleaved>} : vector<32xbf16> -> vector<16xf32>
          %unpack3A_1278 = tpu.unpack_subelements %get3A_1276, 1 {pack_format = #tpu.pack_format<interleaved>} : vector<32xbf16> -> vector<16xf32>
          %get3A_1279 = arith.index_cast %select_n3A_1269 : i32 to index
          %get3A_1280 = arith.index_cast %sub3A_1272 : i32 to index
          %get3A_1281 = arith.constant 0 : index
          %get3A_1282 = tpu.vector_load %arg9[%get3A_1279, %get3A_1280, %get3A_1281] {strides = array<i32>} : memref<8x64x128xbf16, #tpu.memory_space<vmem>>, vector<32xbf16>,
          %unpack3A_1283 = tpu.unpack_subelements %get3A_1282, 0 {pack_format = #tpu.pack_format<interleaved>} : vector<32xbf16> -> vector<16xf32>
          %unpack3A_1284 = tpu.unpack_subelements %get3A_1282, 1 {pack_format = #tpu.pack_format<interleaved>} : vector<32xbf16> -> vector<16xf32>
          %mul3A_1285 = arith.mulf %unpack3A_1277, %unpack3A_1283 : vector<16xf32>
          %mul3A_1286 = arith.mulf %unpack3A_1278, %unpack3A_1284 : vector<16xf32>
          %add3A_1287 = arith.addf %mul3A_1285, %mul3A_1286 : vector<16xf32>
          %get3A_1288 = arith.index_cast %select_n3A_1269 : i32 to index
          %get3A_1289 = arith.index_cast %sub3A_1272 : i32 to index
          %get3A_1290 = arith.constant 32 : index
          %get3A_1291 = tpu.vector_load %arg8[%get3A_1288, %get3A_1289, %get3A_1290] {strides = array<i32>} : memref<8x64x128xbf16, #tpu.memory_space<vmem>>, vector<32xbf16>,
          %unpack3A_1292 = tpu.unpack_subelements %get3A_1291, 0 {pack_format = #tpu.pack_format<interleaved>} : vector<32xbf16> -> vector<16xf32>
          %unpack3A_1293 = tpu.unpack_subelements %get3A_1291, 1 {pack_format = #tpu.pack_format<interleaved>} : vector<32xbf16> -> vector<16xf32>
          %get3A_1294 = arith.index_cast %select_n3A_1269 : i32 to index
          %get3A_1295 = arith.index_cast %sub3A_1272 : i32 to index
          %get3A_1296 = arith.constant 32 : index
          %get3A_1297 = tpu.vector_load %arg9[%get3A_1294, %get3A_1295, %get3A_1296] {strides = array<i32>} : memref<8x64x128xbf16, #tpu.memory_space<vmem>>, vector<32xbf16>,
          %unpack3A_1298 = tpu.unpack_subelements %get3A_1297, 0 {pack_format = #tpu.pack_format<interleaved>} : vector<32xbf16> -> vector<16xf32>
          %unpack3A_1299 = tpu.unpack_subelements %get3A_1297, 1 {pack_format = #tpu.pack_format<interleaved>} : vector<32xbf16> -> vector<16xf32>
          %mul3A_1300 = arith.mulf %unpack3A_1292, %unpack3A_1298 : vector<16xf32>
          %mul3A_1301 = arith.mulf %unpack3A_1293, %unpack3A_1299 : vector<16xf32>
          %add3A_1302 = arith.addf %mul3A_1300, %mul3A_1301 : vector<16xf32>
          %add3A_1303 = arith.addf %add3A_1287, %add3A_1302 : vector<16xf32>
          %get3A_1304 = arith.index_cast %select_n3A_1269 : i32 to index
          %get3A_1305 = arith.index_cast %sub3A_1272 : i32 to index
          %get3A_1306 = arith.constant 64 : index
          %get3A_1307 = tpu.vector_load %arg8[%get3A_1304, %get3A_1305, %get3A_1306] {strides = array<i32>} : memref<8x64x128xbf16, #tpu.memory_space<vmem>>, vector<32xbf16>,
          %unpack3A_1308 = tpu.unpack_subelements %get3A_1307, 0 {pack_format = #tpu.pack_format<interleaved>} : vector<32xbf16> -> vector<16xf32>
          %unpack3A_1309 = tpu.unpack_subelements %get3A_1307, 1 {pack_format = #tpu.pack_format<interleaved>} : vector<32xbf16> -> vector<16xf32>
          %get3A_1310 = arith.index_cast %select_n3A_1269 : i32 to index
          %get3A_1311 = arith.index_cast %sub3A_1272 : i32 to index
          %get3A_1312 = arith.constant 64 : index
          %get3A_1313 = tpu.vector_load %arg9[%get3A_1310, %get3A_1311, %get3A_1312] {strides = array<i32>} : memref<8x64x128xbf16, #tpu.memory_space<vmem>>, vector<32xbf16>,
          %unpack3A_1314 = tpu.unpack_subelements %get3A_1313, 0 {pack_format = #tpu.pack_format<interleaved>} : vector<32xbf16> -> vector<16xf32>
          %unpack3A_1315 = tpu.unpack_subelements %get3A_1313, 1 {pack_format = #tpu.pack_format<interleaved>} : vector<32xbf16> -> vector<16xf32>
          %mul3A_1316 = arith.mulf %unpack3A_1308, %unpack3A_1314 : vector<16xf32>
          %mul3A_1317 = arith.mulf %unpack3A_1309, %unpack3A_1315 : vector<16xf32>
          %add3A_1318 = arith.addf %mul3A_1316, %mul3A_1317 : vector<16xf32>
          %add3A_1319 = arith.addf %add3A_1303, %add3A_1318 : vector<16xf32>
          %get3A_1320 = arith.index_cast %select_n3A_1269 : i32 to index
          %get3A_1321 = arith.index_cast %sub3A_1272 : i32 to index
          %get3A_1322 = arith.constant 96 : index
          %get3A_1323 = tpu.vector_load %arg8[%get3A_1320, %get3A_1321, %get3A_1322] {strides = array<i32>} : memref<8x64x128xbf16, #tpu.memory_space<vmem>>, vector<32xbf16>,
          %unpack3A_1324 = tpu.unpack_subelements %get3A_1323, 0 {pack_format = #tpu.pack_format<interleaved>} : vector<32xbf16> -> vector<16xf32>
          %unpack3A_1325 = tpu.unpack_subelements %get3A_1323, 1 {pack_format = #tpu.pack_format<interleaved>} : vector<32xbf16> -> vector<16xf32>
          %get3A_1326 = arith.index_cast %select_n3A_1269 : i32 to index
          %get3A_1327 = arith.index_cast %sub3A_1272 : i32 to index
          %get3A_1328 = arith.constant 96 : index
          %get3A_1329 = tpu.vector_load %arg9[%get3A_1326, %get3A_1327, %get3A_1328] {strides = array<i32>} : memref<8x64x128xbf16, #tpu.memory_space<vmem>>, vector<32xbf16>,
          %unpack3A_1330 = tpu.unpack_subelements %get3A_1329, 0 {pack_format = #tpu.pack_format<interleaved>} : vector<32xbf16> -> vector<16xf32>
          %unpack3A_1331 = tpu.unpack_subelements %get3A_1329, 1 {pack_format = #tpu.pack_format<interleaved>} : vector<32xbf16> -> vector<16xf32>
          %mul3A_1332 = arith.mulf %unpack3A_1324, %unpack3A_1330 : vector<16xf32>
          %mul3A_1333 = arith.mulf %unpack3A_1325, %unpack3A_1331 : vector<16xf32>
          %add3A_1334 = arith.addf %mul3A_1332, %mul3A_1333 : vector<16xf32>
          %add3A_1335 = arith.addf %add3A_1319, %add3A_1334 : vector<16xf32>
          %mul3A_1336 = arith.constant 16 : i32
          %mul3A_1337 = arith.muli %add3A_1245, %mul3A_1336 : i32
          %swap3A_1338 = arith.index_cast %mul3A_1337 : i32 to index
          %swap3A_1339 = tpu.vector_load %arg10[%swap3A_1338] {strides = array<i32>} : memref<8192xf32, #tpu.memory_space<vmem>>, vector<16xf32>,
          tpu.vector_store %arg10[%swap3A_1338], %add3A_1335 {strides = array<i32>} : memref<8192xf32, #tpu.memory_space<vmem>>, vector<16xf32>,
          %mul3A_1340 = arith.constant 16 : i32
          %mul3A_1341 = arith.muli %scan3A_566, %mul3A_1340 : i32
          %add3A_1342 = arith.constant 8 : i32
          %add3A_1343 = arith.addi %mul3A_1341, %add3A_1342 : i32
          %jit3A_1344 = arith.constant 64 : i32
          %div3A_1345 = arith.divsi %add3A_1343, %jit3A_1344 : i32
          %sign3A_1346 = arith.constant 0 : i32
          %sign3A_1347 = arith.cmpi sgt, %add3A_1343, %sign3A_1346 : i32
          %sign3A_1348 = arith.extui %sign3A_1347 : i1 to i32
          %sign3A_1349 = arith.constant 0 : i32
          %sign3A_1350 = arith.cmpi slt, %add3A_1343, %sign3A_1349 : i32
          %sign3A_1351 = arith.extui %sign3A_1350 : i1 to i32
          %sign3A_1352 = arith.subi %sign3A_1348, %sign3A_1351 : i32
          %sign3A_1353 = arith.constant 0 : i32
          %sign3A_1354 = arith.cmpi sgt, %jit3A_1344, %sign3A_1353 : i32
          %sign3A_1355 = arith.extui %sign3A_1354 : i1 to i32
          %sign3A_1356 = arith.constant 0 : i32
          %sign3A_1357 = arith.cmpi slt, %jit3A_1344, %sign3A_1356 : i32
          %sign3A_1358 = arith.extui %sign3A_1357 : i1 to i32
          %sign3A_1359 = arith.subi %sign3A_1355, %sign3A_1358 : i32
          %ne3A_1360 = arith.cmpi ne, %sign3A_1352, %sign3A_1359 : i32
          %rem3A_1361 = arith.remsi %add3A_1343, %jit3A_1344 : i32
          %ne3A_1362 = arith.constant 0 : i32
          %ne3A_1363 = arith.cmpi ne, %rem3A_1361, %ne3A_1362 : i32
          %and3A_1364 = arith.andi %ne3A_1360, %ne3A_1363 : i1
          %sub3A_1365 = arith.constant 1 : i32
          %sub3A_1366 = arith.subi %div3A_1345, %sub3A_1365 : i32
          %select_n3A_1367 = arith.select %and3A_1364, %sub3A_1366, %div3A_1345 : i32
          %mul3A_1368 = arith.constant 64 : i32
          %mul3A_1369 = arith.muli %select_n3A_1367, %mul3A_1368 : i32
          %sub3A_1370 = arith.subi %add3A_1343, %mul3A_1369 : i32
          %get3A_1371 = arith.index_cast %select_n3A_1367 : i32 to index
          %get3A_1372 = arith.index_cast %sub3A_1370 : i32 to index
          %get3A_1373 = arith.constant 0 : index
          %get3A_1374 = tpu.vector_load %arg8[%get3A_1371, %get3A_1372, %get3A_1373] {strides = array<i32>} : memref<8x64x128xbf16, #tpu.memory_space<vmem>>, vector<32xbf16>,
          %unpack3A_1375 = tpu.unpack_subelements %get3A_1374, 0 {pack_format = #tpu.pack_format<interleaved>} : vector<32xbf16> -> vector<16xf32>
          %unpack3A_1376 = tpu.unpack_subelements %get3A_1374, 1 {pack_format = #tpu.pack_format<interleaved>} : vector<32xbf16> -> vector<16xf32>
          %get3A_1377 = arith.index_cast %select_n3A_1367 : i32 to index
          %get3A_1378 = arith.index_cast %sub3A_1370 : i32 to index
          %get3A_1379 = arith.constant 0 : index
          %get3A_1380 = tpu.vector_load %arg9[%get3A_1377, %get3A_1378, %get3A_1379] {strides = array<i32>} : memref<8x64x128xbf16, #tpu.memory_space<vmem>>, vector<32xbf16>,
          %unpack3A_1381 = tpu.unpack_subelements %get3A_1380, 0 {pack_format = #tpu.pack_format<interleaved>} : vector<32xbf16> -> vector<16xf32>
          %unpack3A_1382 = tpu.unpack_subelements %get3A_1380, 1 {pack_format = #tpu.pack_format<interleaved>} : vector<32xbf16> -> vector<16xf32>
          %mul3A_1383 = arith.mulf %unpack3A_1375, %unpack3A_1381 : vector<16xf32>
          %mul3A_1384 = arith.mulf %unpack3A_1376, %unpack3A_1382 : vector<16xf32>
          %add3A_1385 = arith.addf %mul3A_1383, %mul3A_1384 : vector<16xf32>
          %get3A_1386 = arith.index_cast %select_n3A_1367 : i32 to index
          %get3A_1387 = arith.index_cast %sub3A_1370 : i32 to index
          %get3A_1388 = arith.constant 32 : index
          %get3A_1389 = tpu.vector_load %arg8[%get3A_1386, %get3A_1387, %get3A_1388] {strides = array<i32>} : memref<8x64x128xbf16, #tpu.memory_space<vmem>>, vector<32xbf16>,
          %unpack3A_1390 = tpu.unpack_subelements %get3A_1389, 0 {pack_format = #tpu.pack_format<interleaved>} : vector<32xbf16> -> vector<16xf32>
          %unpack3A_1391 = tpu.unpack_subelements %get3A_1389, 1 {pack_format = #tpu.pack_format<interleaved>} : vector<32xbf16> -> vector<16xf32>
          %get3A_1392 = arith.index_cast %select_n3A_1367 : i32 to index
          %get3A_1393 = arith.index_cast %sub3A_1370 : i32 to index
          %get3A_1394 = arith.constant 32 : index
          %get3A_1395 = tpu.vector_load %arg9[%get3A_1392, %get3A_1393, %get3A_1394] {strides = array<i32>} : memref<8x64x128xbf16, #tpu.memory_space<vmem>>, vector<32xbf16>,
          %unpack3A_1396 = tpu.unpack_subelements %get3A_1395, 0 {pack_format = #tpu.pack_format<interleaved>} : vector<32xbf16> -> vector<16xf32>
          %unpack3A_1397 = tpu.unpack_subelements %get3A_1395, 1 {pack_format = #tpu.pack_format<interleaved>} : vector<32xbf16> -> vector<16xf32>
          %mul3A_1398 = arith.mulf %unpack3A_1390, %unpack3A_1396 : vector<16xf32>
          %mul3A_1399 = arith.mulf %unpack3A_1391, %unpack3A_1397 : vector<16xf32>
          %add3A_1400 = arith.addf %mul3A_1398, %mul3A_1399 : vector<16xf32>
          %add3A_1401 = arith.addf %add3A_1385, %add3A_1400 : vector<16xf32>
          %get3A_1402 = arith.index_cast %select_n3A_1367 : i32 to index
          %get3A_1403 = arith.index_cast %sub3A_1370 : i32 to index
          %get3A_1404 = arith.constant 64 : index
          %get3A_1405 = tpu.vector_load %arg8[%get3A_1402, %get3A_1403, %get3A_1404] {strides = array<i32>} : memref<8x64x128xbf16, #tpu.memory_space<vmem>>, vector<32xbf16>,
          %unpack3A_1406 = tpu.unpack_subelements %get3A_1405, 0 {pack_format = #tpu.pack_format<interleaved>} : vector<32xbf16> -> vector<16xf32>
          %unpack3A_1407 = tpu.unpack_subelements %get3A_1405, 1 {pack_format = #tpu.pack_format<interleaved>} : vector<32xbf16> -> vector<16xf32>
          %get3A_1408 = arith.index_cast %select_n3A_1367 : i32 to index
          %get3A_1409 = arith.index_cast %sub3A_1370 : i32 to index
          %get3A_1410 = arith.constant 64 : index
          %get3A_1411 = tpu.vector_load %arg9[%get3A_1408, %get3A_1409, %get3A_1410] {strides = array<i32>} : memref<8x64x128xbf16, #tpu.memory_space<vmem>>, vector<32xbf16>,
          %unpack3A_1412 = tpu.unpack_subelements %get3A_1411, 0 {pack_format = #tpu.pack_format<interleaved>} : vector<32xbf16> -> vector<16xf32>
          %unpack3A_1413 = tpu.unpack_subelements %get3A_1411, 1 {pack_format = #tpu.pack_format<interleaved>} : vector<32xbf16> -> vector<16xf32>
          %mul3A_1414 = arith.mulf %unpack3A_1406, %unpack3A_1412 : vector<16xf32>
          %mul3A_1415 = arith.mulf %unpack3A_1407, %unpack3A_1413 : vector<16xf32>
          %add3A_1416 = arith.addf %mul3A_1414, %mul3A_1415 : vector<16xf32>
          %add3A_1417 = arith.addf %add3A_1401, %add3A_1416 : vector<16xf32>
          %get3A_1418 = arith.index_cast %select_n3A_1367 : i32 to index
          %get3A_1419 = arith.index_cast %sub3A_1370 : i32 to index
          %get3A_1420 = arith.constant 96 : index
          %get3A_1421 = tpu.vector_load %arg8[%get3A_1418, %get3A_1419, %get3A_1420] {strides = array<i32>} : memref<8x64x128xbf16, #tpu.memory_space<vmem>>, vector<32xbf16>,
          %unpack3A_1422 = tpu.unpack_subelements %get3A_1421, 0 {pack_format = #tpu.pack_format<interleaved>} : vector<32xbf16> -> vector<16xf32>
          %unpack3A_1423 = tpu.unpack_subelements %get3A_1421, 1 {pack_format = #tpu.pack_format<interleaved>} : vector<32xbf16> -> vector<16xf32>
          %get3A_1424 = arith.index_cast %select_n3A_1367 : i32 to index
          %get3A_1425 = arith.index_cast %sub3A_1370 : i32 to index
          %get3A_1426 = arith.constant 96 : index
          %get3A_1427 = tpu.vector_load %arg9[%get3A_1424, %get3A_1425, %get3A_1426] {strides = array<i32>} : memref<8x64x128xbf16, #tpu.memory_space<vmem>>, vector<32xbf16>,
          %unpack3A_1428 = tpu.unpack_subelements %get3A_1427, 0 {pack_format = #tpu.pack_format<interleaved>} : vector<32xbf16> -> vector<16xf32>
          %unpack3A_1429 = tpu.unpack_subelements %get3A_1427, 1 {pack_format = #tpu.pack_format<interleaved>} : vector<32xbf16> -> vector<16xf32>
          %mul3A_1430 = arith.mulf %unpack3A_1422, %unpack3A_1428 : vector<16xf32>
          %mul3A_1431 = arith.mulf %unpack3A_1423, %unpack3A_1429 : vector<16xf32>
          %add3A_1432 = arith.addf %mul3A_1430, %mul3A_1431 : vector<16xf32>
          %add3A_1433 = arith.addf %add3A_1417, %add3A_1432 : vector<16xf32>
          %mul3A_1434 = arith.constant 16 : i32
          %mul3A_1435 = arith.muli %add3A_1343, %mul3A_1434 : i32
          %swap3A_1436 = arith.index_cast %mul3A_1435 : i32 to index
          %swap3A_1437 = tpu.vector_load %arg10[%swap3A_1436] {strides = array<i32>} : memref<8192xf32, #tpu.memory_space<vmem>>, vector<16xf32>,
          tpu.vector_store %arg10[%swap3A_1436], %add3A_1433 {strides = array<i32>} : memref<8192xf32, #tpu.memory_space<vmem>>, vector<16xf32>,
          %mul3A_1438 = arith.constant 16 : i32
          %mul3A_1439 = arith.muli %scan3A_566, %mul3A_1438 : i32
          %add3A_1440 = arith.constant 9 : i32
          %add3A_1441 = arith.addi %mul3A_1439, %add3A_1440 : i32
          %jit3A_1442 = arith.constant 64 : i32
          %div3A_1443 = arith.divsi %add3A_1441, %jit3A_1442 : i32
          %sign3A_1444 = arith.constant 0 : i32
          %sign3A_1445 = arith.cmpi sgt, %add3A_1441, %sign3A_1444 : i32
          %sign3A_1446 = arith.extui %sign3A_1445 : i1 to i32
          %sign3A_1447 = arith.constant 0 : i32
          %sign3A_1448 = arith.cmpi slt, %add3A_1441, %sign3A_1447 : i32
          %sign3A_1449 = arith.extui %sign3A_1448 : i1 to i32
          %sign3A_1450 = arith.subi %sign3A_1446, %sign3A_1449 : i32
          %sign3A_1451 = arith.constant 0 : i32
          %sign3A_1452 = arith.cmpi sgt, %jit3A_1442, %sign3A_1451 : i32
          %sign3A_1453 = arith.extui %sign3A_1452 : i1 to i32
          %sign3A_1454 = arith.constant 0 : i32
          %sign3A_1455 = arith.cmpi slt, %jit3A_1442, %sign3A_1454 : i32
          %sign3A_1456 = arith.extui %sign3A_1455 : i1 to i32
          %sign3A_1457 = arith.subi %sign3A_1453, %sign3A_1456 : i32
          %ne3A_1458 = arith.cmpi ne, %sign3A_1450, %sign3A_1457 : i32
          %rem3A_1459 = arith.remsi %add3A_1441, %jit3A_1442 : i32
          %ne3A_1460 = arith.constant 0 : i32
          %ne3A_1461 = arith.cmpi ne, %rem3A_1459, %ne3A_1460 : i32
          %and3A_1462 = arith.andi %ne3A_1458, %ne3A_1461 : i1
          %sub3A_1463 = arith.constant 1 : i32
          %sub3A_1464 = arith.subi %div3A_1443, %sub3A_1463 : i32
          %select_n3A_1465 = arith.select %and3A_1462, %sub3A_1464, %div3A_1443 : i32
          %mul3A_1466 = arith.constant 64 : i32
          %mul3A_1467 = arith.muli %select_n3A_1465, %mul3A_1466 : i32
          %sub3A_1468 = arith.subi %add3A_1441, %mul3A_1467 : i32
          %get3A_1469 = arith.index_cast %select_n3A_1465 : i32 to index
          %get3A_1470 = arith.index_cast %sub3A_1468 : i32 to index
          %get3A_1471 = arith.constant 0 : index
          %get3A_1472 = tpu.vector_load %arg8[%get3A_1469, %get3A_1470, %get3A_1471] {strides = array<i32>} : memref<8x64x128xbf16, #tpu.memory_space<vmem>>, vector<32xbf16>,
          %unpack3A_1473 = tpu.unpack_subelements %get3A_1472, 0 {pack_format = #tpu.pack_format<interleaved>} : vector<32xbf16> -> vector<16xf32>
          %unpack3A_1474 = tpu.unpack_subelements %get3A_1472, 1 {pack_format = #tpu.pack_format<interleaved>} : vector<32xbf16> -> vector<16xf32>
          %get3A_1475 = arith.index_cast %select_n3A_1465 : i32 to index
          %get3A_1476 = arith.index_cast %sub3A_1468 : i32 to index
          %get3A_1477 = arith.constant 0 : index
          %get3A_1478 = tpu.vector_load %arg9[%get3A_1475, %get3A_1476, %get3A_1477] {strides = array<i32>} : memref<8x64x128xbf16, #tpu.memory_space<vmem>>, vector<32xbf16>,
          %unpack3A_1479 = tpu.unpack_subelements %get3A_1478, 0 {pack_format = #tpu.pack_format<interleaved>} : vector<32xbf16> -> vector<16xf32>
          %unpack3A_1480 = tpu.unpack_subelements %get3A_1478, 1 {pack_format = #tpu.pack_format<interleaved>} : vector<32xbf16> -> vector<16xf32>
          %mul3A_1481 = arith.mulf %unpack3A_1473, %unpack3A_1479 : vector<16xf32>
          %mul3A_1482 = arith.mulf %unpack3A_1474, %unpack3A_1480 : vector<16xf32>
          %add3A_1483 = arith.addf %mul3A_1481, %mul3A_1482 : vector<16xf32>
          %get3A_1484 = arith.index_cast %select_n3A_1465 : i32 to index
          %get3A_1485 = arith.index_cast %sub3A_1468 : i32 to index
          %get3A_1486 = arith.constant 32 : index
          %get3A_1487 = tpu.vector_load %arg8[%get3A_1484, %get3A_1485, %get3A_1486] {strides = array<i32>} : memref<8x64x128xbf16, #tpu.memory_space<vmem>>, vector<32xbf16>,
          %unpack3A_1488 = tpu.unpack_subelements %get3A_1487, 0 {pack_format = #tpu.pack_format<interleaved>} : vector<32xbf16> -> vector<16xf32>
          %unpack3A_1489 = tpu.unpack_subelements %get3A_1487, 1 {pack_format = #tpu.pack_format<interleaved>} : vector<32xbf16> -> vector<16xf32>
          %get3A_1490 = arith.index_cast %select_n3A_1465 : i32 to index
          %get3A_1491 = arith.index_cast %sub3A_1468 : i32 to index
          %get3A_1492 = arith.constant 32 : index
          %get3A_1493 = tpu.vector_load %arg9[%get3A_1490, %get3A_1491, %get3A_1492] {strides = array<i32>} : memref<8x64x128xbf16, #tpu.memory_space<vmem>>, vector<32xbf16>,
          %unpack3A_1494 = tpu.unpack_subelements %get3A_1493, 0 {pack_format = #tpu.pack_format<interleaved>} : vector<32xbf16> -> vector<16xf32>
          %unpack3A_1495 = tpu.unpack_subelements %get3A_1493, 1 {pack_format = #tpu.pack_format<interleaved>} : vector<32xbf16> -> vector<16xf32>
          %mul3A_1496 = arith.mulf %unpack3A_1488, %unpack3A_1494 : vector<16xf32>
          %mul3A_1497 = arith.mulf %unpack3A_1489, %unpack3A_1495 : vector<16xf32>
          %add3A_1498 = arith.addf %mul3A_1496, %mul3A_1497 : vector<16xf32>
          %add3A_1499 = arith.addf %add3A_1483, %add3A_1498 : vector<16xf32>
          %get3A_1500 = arith.index_cast %select_n3A_1465 : i32 to index
          %get3A_1501 = arith.index_cast %sub3A_1468 : i32 to index
          %get3A_1502 = arith.constant 64 : index
          %get3A_1503 = tpu.vector_load %arg8[%get3A_1500, %get3A_1501, %get3A_1502] {strides = array<i32>} : memref<8x64x128xbf16, #tpu.memory_space<vmem>>, vector<32xbf16>,
          %unpack3A_1504 = tpu.unpack_subelements %get3A_1503, 0 {pack_format = #tpu.pack_format<interleaved>} : vector<32xbf16> -> vector<16xf32>
          %unpack3A_1505 = tpu.unpack_subelements %get3A_1503, 1 {pack_format = #tpu.pack_format<interleaved>} : vector<32xbf16> -> vector<16xf32>
          %get3A_1506 = arith.index_cast %select_n3A_1465 : i32 to index
          %get3A_1507 = arith.index_cast %sub3A_1468 : i32 to index
          %get3A_1508 = arith.constant 64 : index
          %get3A_1509 = tpu.vector_load %arg9[%get3A_1506, %get3A_1507, %get3A_1508] {strides = array<i32>} : memref<8x64x128xbf16, #tpu.memory_space<vmem>>, vector<32xbf16>,
          %unpack3A_1510 = tpu.unpack_subelements %get3A_1509, 0 {pack_format = #tpu.pack_format<interleaved>} : vector<32xbf16> -> vector<16xf32>
          %unpack3A_1511 = tpu.unpack_subelements %get3A_1509, 1 {pack_format = #tpu.pack_format<interleaved>} : vector<32xbf16> -> vector<16xf32>
          %mul3A_1512 = arith.mulf %unpack3A_1504, %unpack3A_1510 : vector<16xf32>
          %mul3A_1513 = arith.mulf %unpack3A_1505, %unpack3A_1511 : vector<16xf32>
          %add3A_1514 = arith.addf %mul3A_1512, %mul3A_1513 : vector<16xf32>
          %add3A_1515 = arith.addf %add3A_1499, %add3A_1514 : vector<16xf32>
          %get3A_1516 = arith.index_cast %select_n3A_1465 : i32 to index
          %get3A_1517 = arith.index_cast %sub3A_1468 : i32 to index
          %get3A_1518 = arith.constant 96 : index
          %get3A_1519 = tpu.vector_load %arg8[%get3A_1516, %get3A_1517, %get3A_1518] {strides = array<i32>} : memref<8x64x128xbf16, #tpu.memory_space<vmem>>, vector<32xbf16>,
          %unpack3A_1520 = tpu.unpack_subelements %get3A_1519, 0 {pack_format = #tpu.pack_format<interleaved>} : vector<32xbf16> -> vector<16xf32>
          %unpack3A_1521 = tpu.unpack_subelements %get3A_1519, 1 {pack_format = #tpu.pack_format<interleaved>} : vector<32xbf16> -> vector<16xf32>
          %get3A_1522 = arith.index_cast %select_n3A_1465 : i32 to index
          %get3A_1523 = arith.index_cast %sub3A_1468 : i32 to index
          %get3A_1524 = arith.constant 96 : index
          %get3A_1525 = tpu.vector_load %arg9[%get3A_1522, %get3A_1523, %get3A_1524] {strides = array<i32>} : memref<8x64x128xbf16, #tpu.memory_space<vmem>>, vector<32xbf16>,
          %unpack3A_1526 = tpu.unpack_subelements %get3A_1525, 0 {pack_format = #tpu.pack_format<interleaved>} : vector<32xbf16> -> vector<16xf32>
          %unpack3A_1527 = tpu.unpack_subelements %get3A_1525, 1 {pack_format = #tpu.pack_format<interleaved>} : vector<32xbf16> -> vector<16xf32>
          %mul3A_1528 = arith.mulf %unpack3A_1520, %unpack3A_1526 : vector<16xf32>
          %mul3A_1529 = arith.mulf %unpack3A_1521, %unpack3A_1527 : vector<16xf32>
          %add3A_1530 = arith.addf %mul3A_1528, %mul3A_1529 : vector<16xf32>
          %add3A_1531 = arith.addf %add3A_1515, %add3A_1530 : vector<16xf32>
          %mul3A_1532 = arith.constant 16 : i32
          %mul3A_1533 = arith.muli %add3A_1441, %mul3A_1532 : i32
          %swap3A_1534 = arith.index_cast %mul3A_1533 : i32 to index
          %swap3A_1535 = tpu.vector_load %arg10[%swap3A_1534] {strides = array<i32>} : memref<8192xf32, #tpu.memory_space<vmem>>, vector<16xf32>,
          tpu.vector_store %arg10[%swap3A_1534], %add3A_1531 {strides = array<i32>} : memref<8192xf32, #tpu.memory_space<vmem>>, vector<16xf32>,
          %mul3A_1536 = arith.constant 16 : i32
          %mul3A_1537 = arith.muli %scan3A_566, %mul3A_1536 : i32
          %add3A_1538 = arith.constant 10 : i32
          %add3A_1539 = arith.addi %mul3A_1537, %add3A_1538 : i32
          %jit3A_1540 = arith.constant 64 : i32
          %div3A_1541 = arith.divsi %add3A_1539, %jit3A_1540 : i32
          %sign3A_1542 = arith.constant 0 : i32
          %sign3A_1543 = arith.cmpi sgt, %add3A_1539, %sign3A_1542 : i32
          %sign3A_1544 = arith.extui %sign3A_1543 : i1 to i32
          %sign3A_1545 = arith.constant 0 : i32
          %sign3A_1546 = arith.cmpi slt, %add3A_1539, %sign3A_1545 : i32
          %sign3A_1547 = arith.extui %sign3A_1546 : i1 to i32
          %sign3A_1548 = arith.subi %sign3A_1544, %sign3A_1547 : i32
          %sign3A_1549 = arith.constant 0 : i32
          %sign3A_1550 = arith.cmpi sgt, %jit3A_1540, %sign3A_1549 : i32
          %sign3A_1551 = arith.extui %sign3A_1550 : i1 to i32
          %sign3A_1552 = arith.constant 0 : i32
          %sign3A_1553 = arith.cmpi slt, %jit3A_1540, %sign3A_1552 : i32
          %sign3A_1554 = arith.extui %sign3A_1553 : i1 to i32
          %sign3A_1555 = arith.subi %sign3A_1551, %sign3A_1554 : i32
          %ne3A_1556 = arith.cmpi ne, %sign3A_1548, %sign3A_1555 : i32
          %rem3A_1557 = arith.remsi %add3A_1539, %jit3A_1540 : i32
          %ne3A_1558 = arith.constant 0 : i32
          %ne3A_1559 = arith.cmpi ne, %rem3A_1557, %ne3A_1558 : i32
          %and3A_1560 = arith.andi %ne3A_1556, %ne3A_1559 : i1
          %sub3A_1561 = arith.constant 1 : i32
          %sub3A_1562 = arith.subi %div3A_1541, %sub3A_1561 : i32
          %select_n3A_1563 = arith.select %and3A_1560, %sub3A_1562, %div3A_1541 : i32
          %mul3A_1564 = arith.constant 64 : i32
          %mul3A_1565 = arith.muli %select_n3A_1563, %mul3A_1564 : i32
          %sub3A_1566 = arith.subi %add3A_1539, %mul3A_1565 : i32
          %get3A_1567 = arith.index_cast %select_n3A_1563 : i32 to index
          %get3A_1568 = arith.index_cast %sub3A_1566 : i32 to index
          %get3A_1569 = arith.constant 0 : index
          %get3A_1570 = tpu.vector_load %arg8[%get3A_1567, %get3A_1568, %get3A_1569] {strides = array<i32>} : memref<8x64x128xbf16, #tpu.memory_space<vmem>>, vector<32xbf16>,
          %unpack3A_1571 = tpu.unpack_subelements %get3A_1570, 0 {pack_format = #tpu.pack_format<interleaved>} : vector<32xbf16> -> vector<16xf32>
          %unpack3A_1572 = tpu.unpack_subelements %get3A_1570, 1 {pack_format = #tpu.pack_format<interleaved>} : vector<32xbf16> -> vector<16xf32>
          %get3A_1573 = arith.index_cast %select_n3A_1563 : i32 to index
          %get3A_1574 = arith.index_cast %sub3A_1566 : i32 to index
          %get3A_1575 = arith.constant 0 : index
          %get3A_1576 = tpu.vector_load %arg9[%get3A_1573, %get3A_1574, %get3A_1575] {strides = array<i32>} : memref<8x64x128xbf16, #tpu.memory_space<vmem>>, vector<32xbf16>,
          %unpack3A_1577 = tpu.unpack_subelements %get3A_1576, 0 {pack_format = #tpu.pack_format<interleaved>} : vector<32xbf16> -> vector<16xf32>
          %unpack3A_1578 = tpu.unpack_subelements %get3A_1576, 1 {pack_format = #tpu.pack_format<interleaved>} : vector<32xbf16> -> vector<16xf32>
          %mul3A_1579 = arith.mulf %unpack3A_1571, %unpack3A_1577 : vector<16xf32>
          %mul3A_1580 = arith.mulf %unpack3A_1572, %unpack3A_1578 : vector<16xf32>
          %add3A_1581 = arith.addf %mul3A_1579, %mul3A_1580 : vector<16xf32>
          %get3A_1582 = arith.index_cast %select_n3A_1563 : i32 to index
          %get3A_1583 = arith.index_cast %sub3A_1566 : i32 to index
          %get3A_1584 = arith.constant 32 : index
          %get3A_1585 = tpu.vector_load %arg8[%get3A_1582, %get3A_1583, %get3A_1584] {strides = array<i32>} : memref<8x64x128xbf16, #tpu.memory_space<vmem>>, vector<32xbf16>,
          %unpack3A_1586 = tpu.unpack_subelements %get3A_1585, 0 {pack_format = #tpu.pack_format<interleaved>} : vector<32xbf16> -> vector<16xf32>
          %unpack3A_1587 = tpu.unpack_subelements %get3A_1585, 1 {pack_format = #tpu.pack_format<interleaved>} : vector<32xbf16> -> vector<16xf32>
          %get3A_1588 = arith.index_cast %select_n3A_1563 : i32 to index
          %get3A_1589 = arith.index_cast %sub3A_1566 : i32 to index
          %get3A_1590 = arith.constant 32 : index
          %get3A_1591 = tpu.vector_load %arg9[%get3A_1588, %get3A_1589, %get3A_1590] {strides = array<i32>} : memref<8x64x128xbf16, #tpu.memory_space<vmem>>, vector<32xbf16>,
          %unpack3A_1592 = tpu.unpack_subelements %get3A_1591, 0 {pack_format = #tpu.pack_format<interleaved>} : vector<32xbf16> -> vector<16xf32>
          %unpack3A_1593 = tpu.unpack_subelements %get3A_1591, 1 {pack_format = #tpu.pack_format<interleaved>} : vector<32xbf16> -> vector<16xf32>
          %mul3A_1594 = arith.mulf %unpack3A_1586, %unpack3A_1592 : vector<16xf32>
          %mul3A_1595 = arith.mulf %unpack3A_1587, %unpack3A_1593 : vector<16xf32>
          %add3A_1596 = arith.addf %mul3A_1594, %mul3A_1595 : vector<16xf32>
          %add3A_1597 = arith.addf %add3A_1581, %add3A_1596 : vector<16xf32>
          %get3A_1598 = arith.index_cast %select_n3A_1563 : i32 to index
          %get3A_1599 = arith.index_cast %sub3A_1566 : i32 to index
          %get3A_1600 = arith.constant 64 : index
          %get3A_1601 = tpu.vector_load %arg8[%get3A_1598, %get3A_1599, %get3A_1600] {strides = array<i32>} : memref<8x64x128xbf16, #tpu.memory_space<vmem>>, vector<32xbf16>,
          %unpack3A_1602 = tpu.unpack_subelements %get3A_1601, 0 {pack_format = #tpu.pack_format<interleaved>} : vector<32xbf16> -> vector<16xf32>
          %unpack3A_1603 = tpu.unpack_subelements %get3A_1601, 1 {pack_format = #tpu.pack_format<interleaved>} : vector<32xbf16> -> vector<16xf32>
          %get3A_1604 = arith.index_cast %select_n3A_1563 : i32 to index
          %get3A_1605 = arith.index_cast %sub3A_1566 : i32 to index
          %get3A_1606 = arith.constant 64 : index
          %get3A_1607 = tpu.vector_load %arg9[%get3A_1604, %get3A_1605, %get3A_1606] {strides = array<i32>} : memref<8x64x128xbf16, #tpu.memory_space<vmem>>, vector<32xbf16>,
          %unpack3A_1608 = tpu.unpack_subelements %get3A_1607, 0 {pack_format = #tpu.pack_format<interleaved>} : vector<32xbf16> -> vector<16xf32>
          %unpack3A_1609 = tpu.unpack_subelements %get3A_1607, 1 {pack_format = #tpu.pack_format<interleaved>} : vector<32xbf16> -> vector<16xf32>
          %mul3A_1610 = arith.mulf %unpack3A_1602, %unpack3A_1608 : vector<16xf32>
          %mul3A_1611 = arith.mulf %unpack3A_1603, %unpack3A_1609 : vector<16xf32>
          %add3A_1612 = arith.addf %mul3A_1610, %mul3A_1611 : vector<16xf32>
          %add3A_1613 = arith.addf %add3A_1597, %add3A_1612 : vector<16xf32>
          %get3A_1614 = arith.index_cast %select_n3A_1563 : i32 to index
          %get3A_1615 = arith.index_cast %sub3A_1566 : i32 to index
          %get3A_1616 = arith.constant 96 : index
          %get3A_1617 = tpu.vector_load %arg8[%get3A_1614, %get3A_1615, %get3A_1616] {strides = array<i32>} : memref<8x64x128xbf16, #tpu.memory_space<vmem>>, vector<32xbf16>,
          %unpack3A_1618 = tpu.unpack_subelements %get3A_1617, 0 {pack_format = #tpu.pack_format<interleaved>} : vector<32xbf16> -> vector<16xf32>
          %unpack3A_1619 = tpu.unpack_subelements %get3A_1617, 1 {pack_format = #tpu.pack_format<interleaved>} : vector<32xbf16> -> vector<16xf32>
          %get3A_1620 = arith.index_cast %select_n3A_1563 : i32 to index
          %get3A_1621 = arith.index_cast %sub3A_1566 : i32 to index
          %get3A_1622 = arith.constant 96 : index
          %get3A_1623 = tpu.vector_load %arg9[%get3A_1620, %get3A_1621, %get3A_1622] {strides = array<i32>} : memref<8x64x128xbf16, #tpu.memory_space<vmem>>, vector<32xbf16>,
          %unpack3A_1624 = tpu.unpack_subelements %get3A_1623, 0 {pack_format = #tpu.pack_format<interleaved>} : vector<32xbf16> -> vector<16xf32>
          %unpack3A_1625 = tpu.unpack_subelements %get3A_1623, 1 {pack_format = #tpu.pack_format<interleaved>} : vector<32xbf16> -> vector<16xf32>
          %mul3A_1626 = arith.mulf %unpack3A_1618, %unpack3A_1624 : vector<16xf32>
          %mul3A_1627 = arith.mulf %unpack3A_1619, %unpack3A_1625 : vector<16xf32>
          %add3A_1628 = arith.addf %mul3A_1626, %mul3A_1627 : vector<16xf32>
          %add3A_1629 = arith.addf %add3A_1613, %add3A_1628 : vector<16xf32>
          %mul3A_1630 = arith.constant 16 : i32
          %mul3A_1631 = arith.muli %add3A_1539, %mul3A_1630 : i32
          %swap3A_1632 = arith.index_cast %mul3A_1631 : i32 to index
          %swap3A_1633 = tpu.vector_load %arg10[%swap3A_1632] {strides = array<i32>} : memref<8192xf32, #tpu.memory_space<vmem>>, vector<16xf32>,
          tpu.vector_store %arg10[%swap3A_1632], %add3A_1629 {strides = array<i32>} : memref<8192xf32, #tpu.memory_space<vmem>>, vector<16xf32>,
          %mul3A_1634 = arith.constant 16 : i32
          %mul3A_1635 = arith.muli %scan3A_566, %mul3A_1634 : i32
          %add3A_1636 = arith.constant 11 : i32
          %add3A_1637 = arith.addi %mul3A_1635, %add3A_1636 : i32
          %jit3A_1638 = arith.constant 64 : i32
          %div3A_1639 = arith.divsi %add3A_1637, %jit3A_1638 : i32
          %sign3A_1640 = arith.constant 0 : i32
          %sign3A_1641 = arith.cmpi sgt, %add3A_1637, %sign3A_1640 : i32
          %sign3A_1642 = arith.extui %sign3A_1641 : i1 to i32
          %sign3A_1643 = arith.constant 0 : i32
          %sign3A_1644 = arith.cmpi slt, %add3A_1637, %sign3A_1643 : i32
          %sign3A_1645 = arith.extui %sign3A_1644 : i1 to i32
          %sign3A_1646 = arith.subi %sign3A_1642, %sign3A_1645 : i32
          %sign3A_1647 = arith.constant 0 : i32
          %sign3A_1648 = arith.cmpi sgt, %jit3A_1638, %sign3A_1647 : i32
          %sign3A_1649 = arith.extui %sign3A_1648 : i1 to i32
          %sign3A_1650 = arith.constant 0 : i32
          %sign3A_1651 = arith.cmpi slt, %jit3A_1638, %sign3A_1650 : i32
          %sign3A_1652 = arith.extui %sign3A_1651 : i1 to i32
          %sign3A_1653 = arith.subi %sign3A_1649, %sign3A_1652 : i32
          %ne3A_1654 = arith.cmpi ne, %sign3A_1646, %sign3A_1653 : i32
          %rem3A_1655 = arith.remsi %add3A_1637, %jit3A_1638 : i32
          %ne3A_1656 = arith.constant 0 : i32
          %ne3A_1657 = arith.cmpi ne, %rem3A_1655, %ne3A_1656 : i32
          %and3A_1658 = arith.andi %ne3A_1654, %ne3A_1657 : i1
          %sub3A_1659 = arith.constant 1 : i32
          %sub3A_1660 = arith.subi %div3A_1639, %sub3A_1659 : i32
          %select_n3A_1661 = arith.select %and3A_1658, %sub3A_1660, %div3A_1639 : i32
          %mul3A_1662 = arith.constant 64 : i32
          %mul3A_1663 = arith.muli %select_n3A_1661, %mul3A_1662 : i32
          %sub3A_1664 = arith.subi %add3A_1637, %mul3A_1663 : i32
          %get3A_1665 = arith.index_cast %select_n3A_1661 : i32 to index
          %get3A_1666 = arith.index_cast %sub3A_1664 : i32 to index
          %get3A_1667 = arith.constant 0 : index
          %get3A_1668 = tpu.vector_load %arg8[%get3A_1665, %get3A_1666, %get3A_1667] {strides = array<i32>} : memref<8x64x128xbf16, #tpu.memory_space<vmem>>, vector<32xbf16>,
          %unpack3A_1669 = tpu.unpack_subelements %get3A_1668, 0 {pack_format = #tpu.pack_format<interleaved>} : vector<32xbf16> -> vector<16xf32>
          %unpack3A_1670 = tpu.unpack_subelements %get3A_1668, 1 {pack_format = #tpu.pack_format<interleaved>} : vector<32xbf16> -> vector<16xf32>
          %get3A_1671 = arith.index_cast %select_n3A_1661 : i32 to index
          %get3A_1672 = arith.index_cast %sub3A_1664 : i32 to index
          %get3A_1673 = arith.constant 0 : index
          %get3A_1674 = tpu.vector_load %arg9[%get3A_1671, %get3A_1672, %get3A_1673] {strides = array<i32>} : memref<8x64x128xbf16, #tpu.memory_space<vmem>>, vector<32xbf16>,
          %unpack3A_1675 = tpu.unpack_subelements %get3A_1674, 0 {pack_format = #tpu.pack_format<interleaved>} : vector<32xbf16> -> vector<16xf32>
          %unpack3A_1676 = tpu.unpack_subelements %get3A_1674, 1 {pack_format = #tpu.pack_format<interleaved>} : vector<32xbf16> -> vector<16xf32>
          %mul3A_1677 = arith.mulf %unpack3A_1669, %unpack3A_1675 : vector<16xf32>
          %mul3A_1678 = arith.mulf %unpack3A_1670, %unpack3A_1676 : vector<16xf32>
          %add3A_1679 = arith.addf %mul3A_1677, %mul3A_1678 : vector<16xf32>
          %get3A_1680 = arith.index_cast %select_n3A_1661 : i32 to index
          %get3A_1681 = arith.index_cast %sub3A_1664 : i32 to index
          %get3A_1682 = arith.constant 32 : index
          %get3A_1683 = tpu.vector_load %arg8[%get3A_1680, %get3A_1681, %get3A_1682] {strides = array<i32>} : memref<8x64x128xbf16, #tpu.memory_space<vmem>>, vector<32xbf16>,
          %unpack3A_1684 = tpu.unpack_subelements %get3A_1683, 0 {pack_format = #tpu.pack_format<interleaved>} : vector<32xbf16> -> vector<16xf32>
          %unpack3A_1685 = tpu.unpack_subelements %get3A_1683, 1 {pack_format = #tpu.pack_format<interleaved>} : vector<32xbf16> -> vector<16xf32>
          %get3A_1686 = arith.index_cast %select_n3A_1661 : i32 to index
          %get3A_1687 = arith.index_cast %sub3A_1664 : i32 to index
          %get3A_1688 = arith.constant 32 : index
          %get3A_1689 = tpu.vector_load %arg9[%get3A_1686, %get3A_1687, %get3A_1688] {strides = array<i32>} : memref<8x64x128xbf16, #tpu.memory_space<vmem>>, vector<32xbf16>,
          %unpack3A_1690 = tpu.unpack_subelements %get3A_1689, 0 {pack_format = #tpu.pack_format<interleaved>} : vector<32xbf16> -> vector<16xf32>
          %unpack3A_1691 = tpu.unpack_subelements %get3A_1689, 1 {pack_format = #tpu.pack_format<interleaved>} : vector<32xbf16> -> vector<16xf32>
          %mul3A_1692 = arith.mulf %unpack3A_1684, %unpack3A_1690 : vector<16xf32>
          %mul3A_1693 = arith.mulf %unpack3A_1685, %unpack3A_1691 : vector<16xf32>
          %add3A_1694 = arith.addf %mul3A_1692, %mul3A_1693 : vector<16xf32>
          %add3A_1695 = arith.addf %add3A_1679, %add3A_1694 : vector<16xf32>
          %get3A_1696 = arith.index_cast %select_n3A_1661 : i32 to index
          %get3A_1697 = arith.index_cast %sub3A_1664 : i32 to index
          %get3A_1698 = arith.constant 64 : index
          %get3A_1699 = tpu.vector_load %arg8[%get3A_1696, %get3A_1697, %get3A_1698] {strides = array<i32>} : memref<8x64x128xbf16, #tpu.memory_space<vmem>>, vector<32xbf16>,
          %unpack3A_1700 = tpu.unpack_subelements %get3A_1699, 0 {pack_format = #tpu.pack_format<interleaved>} : vector<32xbf16> -> vector<16xf32>
          %unpack3A_1701 = tpu.unpack_subelements %get3A_1699, 1 {pack_format = #tpu.pack_format<interleaved>} : vector<32xbf16> -> vector<16xf32>
          %get3A_1702 = arith.index_cast %select_n3A_1661 : i32 to index
          %get3A_1703 = arith.index_cast %sub3A_1664 : i32 to index
          %get3A_1704 = arith.constant 64 : index
          %get3A_1705 = tpu.vector_load %arg9[%get3A_1702, %get3A_1703, %get3A_1704] {strides = array<i32>} : memref<8x64x128xbf16, #tpu.memory_space<vmem>>, vector<32xbf16>,
          %unpack3A_1706 = tpu.unpack_subelements %get3A_1705, 0 {pack_format = #tpu.pack_format<interleaved>} : vector<32xbf16> -> vector<16xf32>
          %unpack3A_1707 = tpu.unpack_subelements %get3A_1705, 1 {pack_format = #tpu.pack_format<interleaved>} : vector<32xbf16> -> vector<16xf32>
          %mul3A_1708 = arith.mulf %unpack3A_1700, %unpack3A_1706 : vector<16xf32>
          %mul3A_1709 = arith.mulf %unpack3A_1701, %unpack3A_1707 : vector<16xf32>
          %add3A_1710 = arith.addf %mul3A_1708, %mul3A_1709 : vector<16xf32>
          %add3A_1711 = arith.addf %add3A_1695, %add3A_1710 : vector<16xf32>
          %get3A_1712 = arith.index_cast %select_n3A_1661 : i32 to index
          %get3A_1713 = arith.index_cast %sub3A_1664 : i32 to index
          %get3A_1714 = arith.constant 96 : index
          %get3A_1715 = tpu.vector_load %arg8[%get3A_1712, %get3A_1713, %get3A_1714] {strides = array<i32>} : memref<8x64x128xbf16, #tpu.memory_space<vmem>>, vector<32xbf16>,
          %unpack3A_1716 = tpu.unpack_subelements %get3A_1715, 0 {pack_format = #tpu.pack_format<interleaved>} : vector<32xbf16> -> vector<16xf32>
          %unpack3A_1717 = tpu.unpack_subelements %get3A_1715, 1 {pack_format = #tpu.pack_format<interleaved>} : vector<32xbf16> -> vector<16xf32>
          %get3A_1718 = arith.index_cast %select_n3A_1661 : i32 to index
          %get3A_1719 = arith.index_cast %sub3A_1664 : i32 to index
          %get3A_1720 = arith.constant 96 : index
          %get3A_1721 = tpu.vector_load %arg9[%get3A_1718, %get3A_1719, %get3A_1720] {strides = array<i32>} : memref<8x64x128xbf16, #tpu.memory_space<vmem>>, vector<32xbf16>,
          %unpack3A_1722 = tpu.unpack_subelements %get3A_1721, 0 {pack_format = #tpu.pack_format<interleaved>} : vector<32xbf16> -> vector<16xf32>
          %unpack3A_1723 = tpu.unpack_subelements %get3A_1721, 1 {pack_format = #tpu.pack_format<interleaved>} : vector<32xbf16> -> vector<16xf32>
          %mul3A_1724 = arith.mulf %unpack3A_1716, %unpack3A_1722 : vector<16xf32>
          %mul3A_1725 = arith.mulf %unpack3A_1717, %unpack3A_1723 : vector<16xf32>
          %add3A_1726 = arith.addf %mul3A_1724, %mul3A_1725 : vector<16xf32>
          %add3A_1727 = arith.addf %add3A_1711, %add3A_1726 : vector<16xf32>
          %mul3A_1728 = arith.constant 16 : i32
          %mul3A_1729 = arith.muli %add3A_1637, %mul3A_1728 : i32
          %swap3A_1730 = arith.index_cast %mul3A_1729 : i32 to index
          %swap3A_1731 = tpu.vector_load %arg10[%swap3A_1730] {strides = array<i32>} : memref<8192xf32, #tpu.memory_space<vmem>>, vector<16xf32>,
          tpu.vector_store %arg10[%swap3A_1730], %add3A_1727 {strides = array<i32>} : memref<8192xf32, #tpu.memory_space<vmem>>, vector<16xf32>,
          %mul3A_1732 = arith.constant 16 : i32
          %mul3A_1733 = arith.muli %scan3A_566, %mul3A_1732 : i32
          %add3A_1734 = arith.constant 12 : i32
          %add3A_1735 = arith.addi %mul3A_1733, %add3A_1734 : i32
          %jit3A_1736 = arith.constant 64 : i32
          %div3A_1737 = arith.divsi %add3A_1735, %jit3A_1736 : i32
          %sign3A_1738 = arith.constant 0 : i32
          %sign3A_1739 = arith.cmpi sgt, %add3A_1735, %sign3A_1738 : i32
          %sign3A_1740 = arith.extui %sign3A_1739 : i1 to i32
          %sign3A_1741 = arith.constant 0 : i32
          %sign3A_1742 = arith.cmpi slt, %add3A_1735, %sign3A_1741 : i32
          %sign3A_1743 = arith.extui %sign3A_1742 : i1 to i32
          %sign3A_1744 = arith.subi %sign3A_1740, %sign3A_1743 : i32
          %sign3A_1745 = arith.constant 0 : i32
          %sign3A_1746 = arith.cmpi sgt, %jit3A_1736, %sign3A_1745 : i32
          %sign3A_1747 = arith.extui %sign3A_1746 : i1 to i32
          %sign3A_1748 = arith.constant 0 : i32
          %sign3A_1749 = arith.cmpi slt, %jit3A_1736, %sign3A_1748 : i32
          %sign3A_1750 = arith.extui %sign3A_1749 : i1 to i32
          %sign3A_1751 = arith.subi %sign3A_1747, %sign3A_1750 : i32
          %ne3A_1752 = arith.cmpi ne, %sign3A_1744, %sign3A_1751 : i32
          %rem3A_1753 = arith.remsi %add3A_1735, %jit3A_1736 : i32
          %ne3A_1754 = arith.constant 0 : i32
          %ne3A_1755 = arith.cmpi ne, %rem3A_1753, %ne3A_1754 : i32
          %and3A_1756 = arith.andi %ne3A_1752, %ne3A_1755 : i1
          %sub3A_1757 = arith.constant 1 : i32
          %sub3A_1758 = arith.subi %div3A_1737, %sub3A_1757 : i32
          %select_n3A_1759 = arith.select %and3A_1756, %sub3A_1758, %div3A_1737 : i32
          %mul3A_1760 = arith.constant 64 : i32
          %mul3A_1761 = arith.muli %select_n3A_1759, %mul3A_1760 : i32
          %sub3A_1762 = arith.subi %add3A_1735, %mul3A_1761 : i32
          %get3A_1763 = arith.index_cast %select_n3A_1759 : i32 to index
          %get3A_1764 = arith.index_cast %sub3A_1762 : i32 to index
          %get3A_1765 = arith.constant 0 : index
          %get3A_1766 = tpu.vector_load %arg8[%get3A_1763, %get3A_1764, %get3A_1765] {strides = array<i32>} : memref<8x64x128xbf16, #tpu.memory_space<vmem>>, vector<32xbf16>,
          %unpack3A_1767 = tpu.unpack_subelements %get3A_1766, 0 {pack_format = #tpu.pack_format<interleaved>} : vector<32xbf16> -> vector<16xf32>
          %unpack3A_1768 = tpu.unpack_subelements %get3A_1766, 1 {pack_format = #tpu.pack_format<interleaved>} : vector<32xbf16> -> vector<16xf32>
          %get3A_1769 = arith.index_cast %select_n3A_1759 : i32 to index
          %get3A_1770 = arith.index_cast %sub3A_1762 : i32 to index
          %get3A_1771 = arith.constant 0 : index
          %get3A_1772 = tpu.vector_load %arg9[%get3A_1769, %get3A_1770, %get3A_1771] {strides = array<i32>} : memref<8x64x128xbf16, #tpu.memory_space<vmem>>, vector<32xbf16>,
          %unpack3A_1773 = tpu.unpack_subelements %get3A_1772, 0 {pack_format = #tpu.pack_format<interleaved>} : vector<32xbf16> -> vector<16xf32>
          %unpack3A_1774 = tpu.unpack_subelements %get3A_1772, 1 {pack_format = #tpu.pack_format<interleaved>} : vector<32xbf16> -> vector<16xf32>
          %mul3A_1775 = arith.mulf %unpack3A_1767, %unpack3A_1773 : vector<16xf32>
          %mul3A_1776 = arith.mulf %unpack3A_1768, %unpack3A_1774 : vector<16xf32>
          %add3A_1777 = arith.addf %mul3A_1775, %mul3A_1776 : vector<16xf32>
          %get3A_1778 = arith.index_cast %select_n3A_1759 : i32 to index
          %get3A_1779 = arith.index_cast %sub3A_1762 : i32 to index
          %get3A_1780 = arith.constant 32 : index
          %get3A_1781 = tpu.vector_load %arg8[%get3A_1778, %get3A_1779, %get3A_1780] {strides = array<i32>} : memref<8x64x128xbf16, #tpu.memory_space<vmem>>, vector<32xbf16>,
          %unpack3A_1782 = tpu.unpack_subelements %get3A_1781, 0 {pack_format = #tpu.pack_format<interleaved>} : vector<32xbf16> -> vector<16xf32>
          %unpack3A_1783 = tpu.unpack_subelements %get3A_1781, 1 {pack_format = #tpu.pack_format<interleaved>} : vector<32xbf16> -> vector<16xf32>
          %get3A_1784 = arith.index_cast %select_n3A_1759 : i32 to index
          %get3A_1785 = arith.index_cast %sub3A_1762 : i32 to index
          %get3A_1786 = arith.constant 32 : index
          %get3A_1787 = tpu.vector_load %arg9[%get3A_1784, %get3A_1785, %get3A_1786] {strides = array<i32>} : memref<8x64x128xbf16, #tpu.memory_space<vmem>>, vector<32xbf16>,
          %unpack3A_1788 = tpu.unpack_subelements %get3A_1787, 0 {pack_format = #tpu.pack_format<interleaved>} : vector<32xbf16> -> vector<16xf32>
          %unpack3A_1789 = tpu.unpack_subelements %get3A_1787, 1 {pack_format = #tpu.pack_format<interleaved>} : vector<32xbf16> -> vector<16xf32>
          %mul3A_1790 = arith.mulf %unpack3A_1782, %unpack3A_1788 : vector<16xf32>
          %mul3A_1791 = arith.mulf %unpack3A_1783, %unpack3A_1789 : vector<16xf32>
          %add3A_1792 = arith.addf %mul3A_1790, %mul3A_1791 : vector<16xf32>
          %add3A_1793 = arith.addf %add3A_1777, %add3A_1792 : vector<16xf32>
          %get3A_1794 = arith.index_cast %select_n3A_1759 : i32 to index
          %get3A_1795 = arith.index_cast %sub3A_1762 : i32 to index
          %get3A_1796 = arith.constant 64 : index
          %get3A_1797 = tpu.vector_load %arg8[%get3A_1794, %get3A_1795, %get3A_1796] {strides = array<i32>} : memref<8x64x128xbf16, #tpu.memory_space<vmem>>, vector<32xbf16>,
          %unpack3A_1798 = tpu.unpack_subelements %get3A_1797, 0 {pack_format = #tpu.pack_format<interleaved>} : vector<32xbf16> -> vector<16xf32>
          %unpack3A_1799 = tpu.unpack_subelements %get3A_1797, 1 {pack_format = #tpu.pack_format<interleaved>} : vector<32xbf16> -> vector<16xf32>
          %get3A_1800 = arith.index_cast %select_n3A_1759 : i32 to index
          %get3A_1801 = arith.index_cast %sub3A_1762 : i32 to index
          %get3A_1802 = arith.constant 64 : index
          %get3A_1803 = tpu.vector_load %arg9[%get3A_1800, %get3A_1801, %get3A_1802] {strides = array<i32>} : memref<8x64x128xbf16, #tpu.memory_space<vmem>>, vector<32xbf16>,
          %unpack3A_1804 = tpu.unpack_subelements %get3A_1803, 0 {pack_format = #tpu.pack_format<interleaved>} : vector<32xbf16> -> vector<16xf32>
          %unpack3A_1805 = tpu.unpack_subelements %get3A_1803, 1 {pack_format = #tpu.pack_format<interleaved>} : vector<32xbf16> -> vector<16xf32>
          %mul3A_1806 = arith.mulf %unpack3A_1798, %unpack3A_1804 : vector<16xf32>
          %mul3A_1807 = arith.mulf %unpack3A_1799, %unpack3A_1805 : vector<16xf32>
          %add3A_1808 = arith.addf %mul3A_1806, %mul3A_1807 : vector<16xf32>
          %add3A_1809 = arith.addf %add3A_1793, %add3A_1808 : vector<16xf32>
          %get3A_1810 = arith.index_cast %select_n3A_1759 : i32 to index
          %get3A_1811 = arith.index_cast %sub3A_1762 : i32 to index
          %get3A_1812 = arith.constant 96 : index
          %get3A_1813 = tpu.vector_load %arg8[%get3A_1810, %get3A_1811, %get3A_1812] {strides = array<i32>} : memref<8x64x128xbf16, #tpu.memory_space<vmem>>, vector<32xbf16>,
          %unpack3A_1814 = tpu.unpack_subelements %get3A_1813, 0 {pack_format = #tpu.pack_format<interleaved>} : vector<32xbf16> -> vector<16xf32>
          %unpack3A_1815 = tpu.unpack_subelements %get3A_1813, 1 {pack_format = #tpu.pack_format<interleaved>} : vector<32xbf16> -> vector<16xf32>
          %get3A_1816 = arith.index_cast %select_n3A_1759 : i32 to index
          %get3A_1817 = arith.index_cast %sub3A_1762 : i32 to index
          %get3A_1818 = arith.constant 96 : index
          %get3A_1819 = tpu.vector_load %arg9[%get3A_1816, %get3A_1817, %get3A_1818] {strides = array<i32>} : memref<8x64x128xbf16, #tpu.memory_space<vmem>>, vector<32xbf16>,
          %unpack3A_1820 = tpu.unpack_subelements %get3A_1819, 0 {pack_format = #tpu.pack_format<interleaved>} : vector<32xbf16> -> vector<16xf32>
          %unpack3A_1821 = tpu.unpack_subelements %get3A_1819, 1 {pack_format = #tpu.pack_format<interleaved>} : vector<32xbf16> -> vector<16xf32>
          %mul3A_1822 = arith.mulf %unpack3A_1814, %unpack3A_1820 : vector<16xf32>
          %mul3A_1823 = arith.mulf %unpack3A_1815, %unpack3A_1821 : vector<16xf32>
          %add3A_1824 = arith.addf %mul3A_1822, %mul3A_1823 : vector<16xf32>
          %add3A_1825 = arith.addf %add3A_1809, %add3A_1824 : vector<16xf32>
          %mul3A_1826 = arith.constant 16 : i32
          %mul3A_1827 = arith.muli %add3A_1735, %mul3A_1826 : i32
          %swap3A_1828 = arith.index_cast %mul3A_1827 : i32 to index
          %swap3A_1829 = tpu.vector_load %arg10[%swap3A_1828] {strides = array<i32>} : memref<8192xf32, #tpu.memory_space<vmem>>, vector<16xf32>,
          tpu.vector_store %arg10[%swap3A_1828], %add3A_1825 {strides = array<i32>} : memref<8192xf32, #tpu.memory_space<vmem>>, vector<16xf32>,
          %mul3A_1830 = arith.constant 16 : i32
          %mul3A_1831 = arith.muli %scan3A_566, %mul3A_1830 : i32
          %add3A_1832 = arith.constant 13 : i32
          %add3A_1833 = arith.addi %mul3A_1831, %add3A_1832 : i32
          %jit3A_1834 = arith.constant 64 : i32
          %div3A_1835 = arith.divsi %add3A_1833, %jit3A_1834 : i32
          %sign3A_1836 = arith.constant 0 : i32
          %sign3A_1837 = arith.cmpi sgt, %add3A_1833, %sign3A_1836 : i32
          %sign3A_1838 = arith.extui %sign3A_1837 : i1 to i32
          %sign3A_1839 = arith.constant 0 : i32
          %sign3A_1840 = arith.cmpi slt, %add3A_1833, %sign3A_1839 : i32
          %sign3A_1841 = arith.extui %sign3A_1840 : i1 to i32
          %sign3A_1842 = arith.subi %sign3A_1838, %sign3A_1841 : i32
          %sign3A_1843 = arith.constant 0 : i32
          %sign3A_1844 = arith.cmpi sgt, %jit3A_1834, %sign3A_1843 : i32
          %sign3A_1845 = arith.extui %sign3A_1844 : i1 to i32
          %sign3A_1846 = arith.constant 0 : i32
          %sign3A_1847 = arith.cmpi slt, %jit3A_1834, %sign3A_1846 : i32
          %sign3A_1848 = arith.extui %sign3A_1847 : i1 to i32
          %sign3A_1849 = arith.subi %sign3A_1845, %sign3A_1848 : i32
          %ne3A_1850 = arith.cmpi ne, %sign3A_1842, %sign3A_1849 : i32
          %rem3A_1851 = arith.remsi %add3A_1833, %jit3A_1834 : i32
          %ne3A_1852 = arith.constant 0 : i32
          %ne3A_1853 = arith.cmpi ne, %rem3A_1851, %ne3A_1852 : i32
          %and3A_1854 = arith.andi %ne3A_1850, %ne3A_1853 : i1
          %sub3A_1855 = arith.constant 1 : i32
          %sub3A_1856 = arith.subi %div3A_1835, %sub3A_1855 : i32
          %select_n3A_1857 = arith.select %and3A_1854, %sub3A_1856, %div3A_1835 : i32
          %mul3A_1858 = arith.constant 64 : i32
          %mul3A_1859 = arith.muli %select_n3A_1857, %mul3A_1858 : i32
          %sub3A_1860 = arith.subi %add3A_1833, %mul3A_1859 : i32
          %get3A_1861 = arith.index_cast %select_n3A_1857 : i32 to index
          %get3A_1862 = arith.index_cast %sub3A_1860 : i32 to index
          %get3A_1863 = arith.constant 0 : index
          %get3A_1864 = tpu.vector_load %arg8[%get3A_1861, %get3A_1862, %get3A_1863] {strides = array<i32>} : memref<8x64x128xbf16, #tpu.memory_space<vmem>>, vector<32xbf16>,
          %unpack3A_1865 = tpu.unpack_subelements %get3A_1864, 0 {pack_format = #tpu.pack_format<interleaved>} : vector<32xbf16> -> vector<16xf32>
          %unpack3A_1866 = tpu.unpack_subelements %get3A_1864, 1 {pack_format = #tpu.pack_format<interleaved>} : vector<32xbf16> -> vector<16xf32>
          %get3A_1867 = arith.index_cast %select_n3A_1857 : i32 to index
          %get3A_1868 = arith.index_cast %sub3A_1860 : i32 to index
          %get3A_1869 = arith.constant 0 : index
          %get3A_1870 = tpu.vector_load %arg9[%get3A_1867, %get3A_1868, %get3A_1869] {strides = array<i32>} : memref<8x64x128xbf16, #tpu.memory_space<vmem>>, vector<32xbf16>,
          %unpack3A_1871 = tpu.unpack_subelements %get3A_1870, 0 {pack_format = #tpu.pack_format<interleaved>} : vector<32xbf16> -> vector<16xf32>
          %unpack3A_1872 = tpu.unpack_subelements %get3A_1870, 1 {pack_format = #tpu.pack_format<interleaved>} : vector<32xbf16> -> vector<16xf32>
          %mul3A_1873 = arith.mulf %unpack3A_1865, %unpack3A_1871 : vector<16xf32>
          %mul3A_1874 = arith.mulf %unpack3A_1866, %unpack3A_1872 : vector<16xf32>
          %add3A_1875 = arith.addf %mul3A_1873, %mul3A_1874 : vector<16xf32>
          %get3A_1876 = arith.index_cast %select_n3A_1857 : i32 to index
          %get3A_1877 = arith.index_cast %sub3A_1860 : i32 to index
          %get3A_1878 = arith.constant 32 : index
          %get3A_1879 = tpu.vector_load %arg8[%get3A_1876, %get3A_1877, %get3A_1878] {strides = array<i32>} : memref<8x64x128xbf16, #tpu.memory_space<vmem>>, vector<32xbf16>,
          %unpack3A_1880 = tpu.unpack_subelements %get3A_1879, 0 {pack_format = #tpu.pack_format<interleaved>} : vector<32xbf16> -> vector<16xf32>
          %unpack3A_1881 = tpu.unpack_subelements %get3A_1879, 1 {pack_format = #tpu.pack_format<interleaved>} : vector<32xbf16> -> vector<16xf32>
          %get3A_1882 = arith.index_cast %select_n3A_1857 : i32 to index
          %get3A_1883 = arith.index_cast %sub3A_1860 : i32 to index
          %get3A_1884 = arith.constant 32 : index
          %get3A_1885 = tpu.vector_load %arg9[%get3A_1882, %get3A_1883, %get3A_1884] {strides = array<i32>} : memref<8x64x128xbf16, #tpu.memory_space<vmem>>, vector<32xbf16>,
          %unpack3A_1886 = tpu.unpack_subelements %get3A_1885, 0 {pack_format = #tpu.pack_format<interleaved>} : vector<32xbf16> -> vector<16xf32>
          %unpack3A_1887 = tpu.unpack_subelements %get3A_1885, 1 {pack_format = #tpu.pack_format<interleaved>} : vector<32xbf16> -> vector<16xf32>
          %mul3A_1888 = arith.mulf %unpack3A_1880, %unpack3A_1886 : vector<16xf32>
          %mul3A_1889 = arith.mulf %unpack3A_1881, %unpack3A_1887 : vector<16xf32>
          %add3A_1890 = arith.addf %mul3A_1888, %mul3A_1889 : vector<16xf32>
          %add3A_1891 = arith.addf %add3A_1875, %add3A_1890 : vector<16xf32>
          %get3A_1892 = arith.index_cast %select_n3A_1857 : i32 to index
          %get3A_1893 = arith.index_cast %sub3A_1860 : i32 to index
          %get3A_1894 = arith.constant 64 : index
          %get3A_1895 = tpu.vector_load %arg8[%get3A_1892, %get3A_1893, %get3A_1894] {strides = array<i32>} : memref<8x64x128xbf16, #tpu.memory_space<vmem>>, vector<32xbf16>,
          %unpack3A_1896 = tpu.unpack_subelements %get3A_1895, 0 {pack_format = #tpu.pack_format<interleaved>} : vector<32xbf16> -> vector<16xf32>
          %unpack3A_1897 = tpu.unpack_subelements %get3A_1895, 1 {pack_format = #tpu.pack_format<interleaved>} : vector<32xbf16> -> vector<16xf32>
          %get3A_1898 = arith.index_cast %select_n3A_1857 : i32 to index
          %get3A_1899 = arith.index_cast %sub3A_1860 : i32 to index
          %get3A_1900 = arith.constant 64 : index
          %get3A_1901 = tpu.vector_load %arg9[%get3A_1898, %get3A_1899, %get3A_1900] {strides = array<i32>} : memref<8x64x128xbf16, #tpu.memory_space<vmem>>, vector<32xbf16>,
          %unpack3A_1902 = tpu.unpack_subelements %get3A_1901, 0 {pack_format = #tpu.pack_format<interleaved>} : vector<32xbf16> -> vector<16xf32>
          %unpack3A_1903 = tpu.unpack_subelements %get3A_1901, 1 {pack_format = #tpu.pack_format<interleaved>} : vector<32xbf16> -> vector<16xf32>
          %mul3A_1904 = arith.mulf %unpack3A_1896, %unpack3A_1902 : vector<16xf32>
          %mul3A_1905 = arith.mulf %unpack3A_1897, %unpack3A_1903 : vector<16xf32>
          %add3A_1906 = arith.addf %mul3A_1904, %mul3A_1905 : vector<16xf32>
          %add3A_1907 = arith.addf %add3A_1891, %add3A_1906 : vector<16xf32>
          %get3A_1908 = arith.index_cast %select_n3A_1857 : i32 to index
          %get3A_1909 = arith.index_cast %sub3A_1860 : i32 to index
          %get3A_1910 = arith.constant 96 : index
          %get3A_1911 = tpu.vector_load %arg8[%get3A_1908, %get3A_1909, %get3A_1910] {strides = array<i32>} : memref<8x64x128xbf16, #tpu.memory_space<vmem>>, vector<32xbf16>,
          %unpack3A_1912 = tpu.unpack_subelements %get3A_1911, 0 {pack_format = #tpu.pack_format<interleaved>} : vector<32xbf16> -> vector<16xf32>
          %unpack3A_1913 = tpu.unpack_subelements %get3A_1911, 1 {pack_format = #tpu.pack_format<interleaved>} : vector<32xbf16> -> vector<16xf32>
          %get3A_1914 = arith.index_cast %select_n3A_1857 : i32 to index
          %get3A_1915 = arith.index_cast %sub3A_1860 : i32 to index
          %get3A_1916 = arith.constant 96 : index
          %get3A_1917 = tpu.vector_load %arg9[%get3A_1914, %get3A_1915, %get3A_1916] {strides = array<i32>} : memref<8x64x128xbf16, #tpu.memory_space<vmem>>, vector<32xbf16>,
          %unpack3A_1918 = tpu.unpack_subelements %get3A_1917, 0 {pack_format = #tpu.pack_format<interleaved>} : vector<32xbf16> -> vector<16xf32>
          %unpack3A_1919 = tpu.unpack_subelements %get3A_1917, 1 {pack_format = #tpu.pack_format<interleaved>} : vector<32xbf16> -> vector<16xf32>
          %mul3A_1920 = arith.mulf %unpack3A_1912, %unpack3A_1918 : vector<16xf32>
          %mul3A_1921 = arith.mulf %unpack3A_1913, %unpack3A_1919 : vector<16xf32>
          %add3A_1922 = arith.addf %mul3A_1920, %mul3A_1921 : vector<16xf32>
          %add3A_1923 = arith.addf %add3A_1907, %add3A_1922 : vector<16xf32>
          %mul3A_1924 = arith.constant 16 : i32
          %mul3A_1925 = arith.muli %add3A_1833, %mul3A_1924 : i32
          %swap3A_1926 = arith.index_cast %mul3A_1925 : i32 to index
          %swap3A_1927 = tpu.vector_load %arg10[%swap3A_1926] {strides = array<i32>} : memref<8192xf32, #tpu.memory_space<vmem>>, vector<16xf32>,
          tpu.vector_store %arg10[%swap3A_1926], %add3A_1923 {strides = array<i32>} : memref<8192xf32, #tpu.memory_space<vmem>>, vector<16xf32>,
          %mul3A_1928 = arith.constant 16 : i32
          %mul3A_1929 = arith.muli %scan3A_566, %mul3A_1928 : i32
          %add3A_1930 = arith.constant 14 : i32
          %add3A_1931 = arith.addi %mul3A_1929, %add3A_1930 : i32
          %jit3A_1932 = arith.constant 64 : i32
          %div3A_1933 = arith.divsi %add3A_1931, %jit3A_1932 : i32
          %sign3A_1934 = arith.constant 0 : i32
          %sign3A_1935 = arith.cmpi sgt, %add3A_1931, %sign3A_1934 : i32
          %sign3A_1936 = arith.extui %sign3A_1935 : i1 to i32
          %sign3A_1937 = arith.constant 0 : i32
          %sign3A_1938 = arith.cmpi slt, %add3A_1931, %sign3A_1937 : i32
          %sign3A_1939 = arith.extui %sign3A_1938 : i1 to i32
          %sign3A_1940 = arith.subi %sign3A_1936, %sign3A_1939 : i32
          %sign3A_1941 = arith.constant 0 : i32
          %sign3A_1942 = arith.cmpi sgt, %jit3A_1932, %sign3A_1941 : i32
          %sign3A_1943 = arith.extui %sign3A_1942 : i1 to i32
          %sign3A_1944 = arith.constant 0 : i32
          %sign3A_1945 = arith.cmpi slt, %jit3A_1932, %sign3A_1944 : i32
          %sign3A_1946 = arith.extui %sign3A_1945 : i1 to i32
          %sign3A_1947 = arith.subi %sign3A_1943, %sign3A_1946 : i32
          %ne3A_1948 = arith.cmpi ne, %sign3A_1940, %sign3A_1947 : i32
          %rem3A_1949 = arith.remsi %add3A_1931, %jit3A_1932 : i32
          %ne3A_1950 = arith.constant 0 : i32
          %ne3A_1951 = arith.cmpi ne, %rem3A_1949, %ne3A_1950 : i32
          %and3A_1952 = arith.andi %ne3A_1948, %ne3A_1951 : i1
          %sub3A_1953 = arith.constant 1 : i32
          %sub3A_1954 = arith.subi %div3A_1933, %sub3A_1953 : i32
          %select_n3A_1955 = arith.select %and3A_1952, %sub3A_1954, %div3A_1933 : i32
          %mul3A_1956 = arith.constant 64 : i32
          %mul3A_1957 = arith.muli %select_n3A_1955, %mul3A_1956 : i32
          %sub3A_1958 = arith.subi %add3A_1931, %mul3A_1957 : i32
          %get3A_1959 = arith.index_cast %select_n3A_1955 : i32 to index
          %get3A_1960 = arith.index_cast %sub3A_1958 : i32 to index
          %get3A_1961 = arith.constant 0 : index
          %get3A_1962 = tpu.vector_load %arg8[%get3A_1959, %get3A_1960, %get3A_1961] {strides = array<i32>} : memref<8x64x128xbf16, #tpu.memory_space<vmem>>, vector<32xbf16>,
          %unpack3A_1963 = tpu.unpack_subelements %get3A_1962, 0 {pack_format = #tpu.pack_format<interleaved>} : vector<32xbf16> -> vector<16xf32>
          %unpack3A_1964 = tpu.unpack_subelements %get3A_1962, 1 {pack_format = #tpu.pack_format<interleaved>} : vector<32xbf16> -> vector<16xf32>
          %get3A_1965 = arith.index_cast %select_n3A_1955 : i32 to index
          %get3A_1966 = arith.index_cast %sub3A_1958 : i32 to index
          %get3A_1967 = arith.constant 0 : index
          %get3A_1968 = tpu.vector_load %arg9[%get3A_1965, %get3A_1966, %get3A_1967] {strides = array<i32>} : memref<8x64x128xbf16, #tpu.memory_space<vmem>>, vector<32xbf16>,
          %unpack3A_1969 = tpu.unpack_subelements %get3A_1968, 0 {pack_format = #tpu.pack_format<interleaved>} : vector<32xbf16> -> vector<16xf32>
          %unpack3A_1970 = tpu.unpack_subelements %get3A_1968, 1 {pack_format = #tpu.pack_format<interleaved>} : vector<32xbf16> -> vector<16xf32>
          %mul3A_1971 = arith.mulf %unpack3A_1963, %unpack3A_1969 : vector<16xf32>
          %mul3A_1972 = arith.mulf %unpack3A_1964, %unpack3A_1970 : vector<16xf32>
          %add3A_1973 = arith.addf %mul3A_1971, %mul3A_1972 : vector<16xf32>
          %get3A_1974 = arith.index_cast %select_n3A_1955 : i32 to index
          %get3A_1975 = arith.index_cast %sub3A_1958 : i32 to index
          %get3A_1976 = arith.constant 32 : index
          %get3A_1977 = tpu.vector_load %arg8[%get3A_1974, %get3A_1975, %get3A_1976] {strides = array<i32>} : memref<8x64x128xbf16, #tpu.memory_space<vmem>>, vector<32xbf16>,
          %unpack3A_1978 = tpu.unpack_subelements %get3A_1977, 0 {pack_format = #tpu.pack_format<interleaved>} : vector<32xbf16> -> vector<16xf32>
          %unpack3A_1979 = tpu.unpack_subelements %get3A_1977, 1 {pack_format = #tpu.pack_format<interleaved>} : vector<32xbf16> -> vector<16xf32>
          %get3A_1980 = arith.index_cast %select_n3A_1955 : i32 to index
          %get3A_1981 = arith.index_cast %sub3A_1958 : i32 to index
          %get3A_1982 = arith.constant 32 : index
          %get3A_1983 = tpu.vector_load %arg9[%get3A_1980, %get3A_1981, %get3A_1982] {strides = array<i32>} : memref<8x64x128xbf16, #tpu.memory_space<vmem>>, vector<32xbf16>,
          %unpack3A_1984 = tpu.unpack_subelements %get3A_1983, 0 {pack_format = #tpu.pack_format<interleaved>} : vector<32xbf16> -> vector<16xf32>
          %unpack3A_1985 = tpu.unpack_subelements %get3A_1983, 1 {pack_format = #tpu.pack_format<interleaved>} : vector<32xbf16> -> vector<16xf32>
          %mul3A_1986 = arith.mulf %unpack3A_1978, %unpack3A_1984 : vector<16xf32>
          %mul3A_1987 = arith.mulf %unpack3A_1979, %unpack3A_1985 : vector<16xf32>
          %add3A_1988 = arith.addf %mul3A_1986, %mul3A_1987 : vector<16xf32>
          %add3A_1989 = arith.addf %add3A_1973, %add3A_1988 : vector<16xf32>
          %get3A_1990 = arith.index_cast %select_n3A_1955 : i32 to index
          %get3A_1991 = arith.index_cast %sub3A_1958 : i32 to index
          %get3A_1992 = arith.constant 64 : index
          %get3A_1993 = tpu.vector_load %arg8[%get3A_1990, %get3A_1991, %get3A_1992] {strides = array<i32>} : memref<8x64x128xbf16, #tpu.memory_space<vmem>>, vector<32xbf16>,
          %unpack3A_1994 = tpu.unpack_subelements %get3A_1993, 0 {pack_format = #tpu.pack_format<interleaved>} : vector<32xbf16> -> vector<16xf32>
          %unpack3A_1995 = tpu.unpack_subelements %get3A_1993, 1 {pack_format = #tpu.pack_format<interleaved>} : vector<32xbf16> -> vector<16xf32>
          %get3A_1996 = arith.index_cast %select_n3A_1955 : i32 to index
          %get3A_1997 = arith.index_cast %sub3A_1958 : i32 to index
          %get3A_1998 = arith.constant 64 : index
          %get3A_1999 = tpu.vector_load %arg9[%get3A_1996, %get3A_1997, %get3A_1998] {strides = array<i32>} : memref<8x64x128xbf16, #tpu.memory_space<vmem>>, vector<32xbf16>,
          %unpack3A_2000 = tpu.unpack_subelements %get3A_1999, 0 {pack_format = #tpu.pack_format<interleaved>} : vector<32xbf16> -> vector<16xf32>
          %unpack3A_2001 = tpu.unpack_subelements %get3A_1999, 1 {pack_format = #tpu.pack_format<interleaved>} : vector<32xbf16> -> vector<16xf32>
          %mul3A_2002 = arith.mulf %unpack3A_1994, %unpack3A_2000 : vector<16xf32>
          %mul3A_2003 = arith.mulf %unpack3A_1995, %unpack3A_2001 : vector<16xf32>
          %add3A_2004 = arith.addf %mul3A_2002, %mul3A_2003 : vector<16xf32>
          %add3A_2005 = arith.addf %add3A_1989, %add3A_2004 : vector<16xf32>
          %get3A_2006 = arith.index_cast %select_n3A_1955 : i32 to index
          %get3A_2007 = arith.index_cast %sub3A_1958 : i32 to index
          %get3A_2008 = arith.constant 96 : index
          %get3A_2009 = tpu.vector_load %arg8[%get3A_2006, %get3A_2007, %get3A_2008] {strides = array<i32>} : memref<8x64x128xbf16, #tpu.memory_space<vmem>>, vector<32xbf16>,
          %unpack3A_2010 = tpu.unpack_subelements %get3A_2009, 0 {pack_format = #tpu.pack_format<interleaved>} : vector<32xbf16> -> vector<16xf32>
          %unpack3A_2011 = tpu.unpack_subelements %get3A_2009, 1 {pack_format = #tpu.pack_format<interleaved>} : vector<32xbf16> -> vector<16xf32>
          %get3A_2012 = arith.index_cast %select_n3A_1955 : i32 to index
          %get3A_2013 = arith.index_cast %sub3A_1958 : i32 to index
          %get3A_2014 = arith.constant 96 : index
          %get3A_2015 = tpu.vector_load %arg9[%get3A_2012, %get3A_2013, %get3A_2014] {strides = array<i32>} : memref<8x64x128xbf16, #tpu.memory_space<vmem>>, vector<32xbf16>,
          %unpack3A_2016 = tpu.unpack_subelements %get3A_2015, 0 {pack_format = #tpu.pack_format<interleaved>} : vector<32xbf16> -> vector<16xf32>
          %unpack3A_2017 = tpu.unpack_subelements %get3A_2015, 1 {pack_format = #tpu.pack_format<interleaved>} : vector<32xbf16> -> vector<16xf32>
          %mul3A_2018 = arith.mulf %unpack3A_2010, %unpack3A_2016 : vector<16xf32>
          %mul3A_2019 = arith.mulf %unpack3A_2011, %unpack3A_2017 : vector<16xf32>
          %add3A_2020 = arith.addf %mul3A_2018, %mul3A_2019 : vector<16xf32>
          %add3A_2021 = arith.addf %add3A_2005, %add3A_2020 : vector<16xf32>
          %mul3A_2022 = arith.constant 16 : i32
          %mul3A_2023 = arith.muli %add3A_1931, %mul3A_2022 : i32
          %swap3A_2024 = arith.index_cast %mul3A_2023 : i32 to index
          %swap3A_2025 = tpu.vector_load %arg10[%swap3A_2024] {strides = array<i32>} : memref<8192xf32, #tpu.memory_space<vmem>>, vector<16xf32>,
          tpu.vector_store %arg10[%swap3A_2024], %add3A_2021 {strides = array<i32>} : memref<8192xf32, #tpu.memory_space<vmem>>, vector<16xf32>,
          %mul3A_2026 = arith.constant 16 : i32
          %mul3A_2027 = arith.muli %scan3A_566, %mul3A_2026 : i32
          %add3A_2028 = arith.constant 15 : i32
          %add3A_2029 = arith.addi %mul3A_2027, %add3A_2028 : i32
          %jit3A_2030 = arith.constant 64 : i32
          %div3A_2031 = arith.divsi %add3A_2029, %jit3A_2030 : i32
          %sign3A_2032 = arith.constant 0 : i32
          %sign3A_2033 = arith.cmpi sgt, %add3A_2029, %sign3A_2032 : i32
          %sign3A_2034 = arith.extui %sign3A_2033 : i1 to i32
          %sign3A_2035 = arith.constant 0 : i32
          %sign3A_2036 = arith.cmpi slt, %add3A_2029, %sign3A_2035 : i32
          %sign3A_2037 = arith.extui %sign3A_2036 : i1 to i32
          %sign3A_2038 = arith.subi %sign3A_2034, %sign3A_2037 : i32
          %sign3A_2039 = arith.constant 0 : i32
          %sign3A_2040 = arith.cmpi sgt, %jit3A_2030, %sign3A_2039 : i32
          %sign3A_2041 = arith.extui %sign3A_2040 : i1 to i32
          %sign3A_2042 = arith.constant 0 : i32
          %sign3A_2043 = arith.cmpi slt, %jit3A_2030, %sign3A_2042 : i32
          %sign3A_2044 = arith.extui %sign3A_2043 : i1 to i32
          %sign3A_2045 = arith.subi %sign3A_2041, %sign3A_2044 : i32
          %ne3A_2046 = arith.cmpi ne, %sign3A_2038, %sign3A_2045 : i32
          %rem3A_2047 = arith.remsi %add3A_2029, %jit3A_2030 : i32
          %ne3A_2048 = arith.constant 0 : i32
          %ne3A_2049 = arith.cmpi ne, %rem3A_2047, %ne3A_2048 : i32
          %and3A_2050 = arith.andi %ne3A_2046, %ne3A_2049 : i1
          %sub3A_2051 = arith.constant 1 : i32
          %sub3A_2052 = arith.subi %div3A_2031, %sub3A_2051 : i32
          %select_n3A_2053 = arith.select %and3A_2050, %sub3A_2052, %div3A_2031 : i32
          %mul3A_2054 = arith.constant 64 : i32
          %mul3A_2055 = arith.muli %select_n3A_2053, %mul3A_2054 : i32
          %sub3A_2056 = arith.subi %add3A_2029, %mul3A_2055 : i32
          %get3A_2057 = arith.index_cast %select_n3A_2053 : i32 to index
          %get3A_2058 = arith.index_cast %sub3A_2056 : i32 to index
          %get3A_2059 = arith.constant 0 : index
          %get3A_2060 = tpu.vector_load %arg8[%get3A_2057, %get3A_2058, %get3A_2059] {strides = array<i32>} : memref<8x64x128xbf16, #tpu.memory_space<vmem>>, vector<32xbf16>,
          %unpack3A_2061 = tpu.unpack_subelements %get3A_2060, 0 {pack_format = #tpu.pack_format<interleaved>} : vector<32xbf16> -> vector<16xf32>
          %unpack3A_2062 = tpu.unpack_subelements %get3A_2060, 1 {pack_format = #tpu.pack_format<interleaved>} : vector<32xbf16> -> vector<16xf32>
          %get3A_2063 = arith.index_cast %select_n3A_2053 : i32 to index
          %get3A_2064 = arith.index_cast %sub3A_2056 : i32 to index
          %get3A_2065 = arith.constant 0 : index
          %get3A_2066 = tpu.vector_load %arg9[%get3A_2063, %get3A_2064, %get3A_2065] {strides = array<i32>} : memref<8x64x128xbf16, #tpu.memory_space<vmem>>, vector<32xbf16>,
          %unpack3A_2067 = tpu.unpack_subelements %get3A_2066, 0 {pack_format = #tpu.pack_format<interleaved>} : vector<32xbf16> -> vector<16xf32>
          %unpack3A_2068 = tpu.unpack_subelements %get3A_2066, 1 {pack_format = #tpu.pack_format<interleaved>} : vector<32xbf16> -> vector<16xf32>
          %mul3A_2069 = arith.mulf %unpack3A_2061, %unpack3A_2067 : vector<16xf32>
          %mul3A_2070 = arith.mulf %unpack3A_2062, %unpack3A_2068 : vector<16xf32>
          %add3A_2071 = arith.addf %mul3A_2069, %mul3A_2070 : vector<16xf32>
          %get3A_2072 = arith.index_cast %select_n3A_2053 : i32 to index
          %get3A_2073 = arith.index_cast %sub3A_2056 : i32 to index
          %get3A_2074 = arith.constant 32 : index
          %get3A_2075 = tpu.vector_load %arg8[%get3A_2072, %get3A_2073, %get3A_2074] {strides = array<i32>} : memref<8x64x128xbf16, #tpu.memory_space<vmem>>, vector<32xbf16>,
          %unpack3A_2076 = tpu.unpack_subelements %get3A_2075, 0 {pack_format = #tpu.pack_format<interleaved>} : vector<32xbf16> -> vector<16xf32>
          %unpack3A_2077 = tpu.unpack_subelements %get3A_2075, 1 {pack_format = #tpu.pack_format<interleaved>} : vector<32xbf16> -> vector<16xf32>
          %get3A_2078 = arith.index_cast %select_n3A_2053 : i32 to index
          %get3A_2079 = arith.index_cast %sub3A_2056 : i32 to index
          %get3A_2080 = arith.constant 32 : index
          %get3A_2081 = tpu.vector_load %arg9[%get3A_2078, %get3A_2079, %get3A_2080] {strides = array<i32>} : memref<8x64x128xbf16, #tpu.memory_space<vmem>>, vector<32xbf16>,
          %unpack3A_2082 = tpu.unpack_subelements %get3A_2081, 0 {pack_format = #tpu.pack_format<interleaved>} : vector<32xbf16> -> vector<16xf32>
          %unpack3A_2083 = tpu.unpack_subelements %get3A_2081, 1 {pack_format = #tpu.pack_format<interleaved>} : vector<32xbf16> -> vector<16xf32>
          %mul3A_2084 = arith.mulf %unpack3A_2076, %unpack3A_2082 : vector<16xf32>
          %mul3A_2085 = arith.mulf %unpack3A_2077, %unpack3A_2083 : vector<16xf32>
          %add3A_2086 = arith.addf %mul3A_2084, %mul3A_2085 : vector<16xf32>
          %add3A_2087 = arith.addf %add3A_2071, %add3A_2086 : vector<16xf32>
          %get3A_2088 = arith.index_cast %select_n3A_2053 : i32 to index
          %get3A_2089 = arith.index_cast %sub3A_2056 : i32 to index
          %get3A_2090 = arith.constant 64 : index
          %get3A_2091 = tpu.vector_load %arg8[%get3A_2088, %get3A_2089, %get3A_2090] {strides = array<i32>} : memref<8x64x128xbf16, #tpu.memory_space<vmem>>, vector<32xbf16>,
          %unpack3A_2092 = tpu.unpack_subelements %get3A_2091, 0 {pack_format = #tpu.pack_format<interleaved>} : vector<32xbf16> -> vector<16xf32>
          %unpack3A_2093 = tpu.unpack_subelements %get3A_2091, 1 {pack_format = #tpu.pack_format<interleaved>} : vector<32xbf16> -> vector<16xf32>
          %get3A_2094 = arith.index_cast %select_n3A_2053 : i32 to index
          %get3A_2095 = arith.index_cast %sub3A_2056 : i32 to index
          %get3A_2096 = arith.constant 64 : index
          %get3A_2097 = tpu.vector_load %arg9[%get3A_2094, %get3A_2095, %get3A_2096] {strides = array<i32>} : memref<8x64x128xbf16, #tpu.memory_space<vmem>>, vector<32xbf16>,
          %unpack3A_2098 = tpu.unpack_subelements %get3A_2097, 0 {pack_format = #tpu.pack_format<interleaved>} : vector<32xbf16> -> vector<16xf32>
          %unpack3A_2099 = tpu.unpack_subelements %get3A_2097, 1 {pack_format = #tpu.pack_format<interleaved>} : vector<32xbf16> -> vector<16xf32>
          %mul3A_2100 = arith.mulf %unpack3A_2092, %unpack3A_2098 : vector<16xf32>
          %mul3A_2101 = arith.mulf %unpack3A_2093, %unpack3A_2099 : vector<16xf32>
          %add3A_2102 = arith.addf %mul3A_2100, %mul3A_2101 : vector<16xf32>
          %add3A_2103 = arith.addf %add3A_2087, %add3A_2102 : vector<16xf32>
          %get3A_2104 = arith.index_cast %select_n3A_2053 : i32 to index
          %get3A_2105 = arith.index_cast %sub3A_2056 : i32 to index
          %get3A_2106 = arith.constant 96 : index
          %get3A_2107 = tpu.vector_load %arg8[%get3A_2104, %get3A_2105, %get3A_2106] {strides = array<i32>} : memref<8x64x128xbf16, #tpu.memory_space<vmem>>, vector<32xbf16>,
          %unpack3A_2108 = tpu.unpack_subelements %get3A_2107, 0 {pack_format = #tpu.pack_format<interleaved>} : vector<32xbf16> -> vector<16xf32>
          %unpack3A_2109 = tpu.unpack_subelements %get3A_2107, 1 {pack_format = #tpu.pack_format<interleaved>} : vector<32xbf16> -> vector<16xf32>
          %get3A_2110 = arith.index_cast %select_n3A_2053 : i32 to index
          %get3A_2111 = arith.index_cast %sub3A_2056 : i32 to index
          %get3A_2112 = arith.constant 96 : index
          %get3A_2113 = tpu.vector_load %arg9[%get3A_2110, %get3A_2111, %get3A_2112] {strides = array<i32>} : memref<8x64x128xbf16, #tpu.memory_space<vmem>>, vector<32xbf16>,
          %unpack3A_2114 = tpu.unpack_subelements %get3A_2113, 0 {pack_format = #tpu.pack_format<interleaved>} : vector<32xbf16> -> vector<16xf32>
          %unpack3A_2115 = tpu.unpack_subelements %get3A_2113, 1 {pack_format = #tpu.pack_format<interleaved>} : vector<32xbf16> -> vector<16xf32>
          %mul3A_2116 = arith.mulf %unpack3A_2108, %unpack3A_2114 : vector<16xf32>
          %mul3A_2117 = arith.mulf %unpack3A_2109, %unpack3A_2115 : vector<16xf32>
          %add3A_2118 = arith.addf %mul3A_2116, %mul3A_2117 : vector<16xf32>
          %add3A_2119 = arith.addf %add3A_2103, %add3A_2118 : vector<16xf32>
          %mul3A_2120 = arith.constant 16 : i32
          %mul3A_2121 = arith.muli %add3A_2029, %mul3A_2120 : i32
          %swap3A_2122 = arith.index_cast %mul3A_2121 : i32 to index
          %swap3A_2123 = tpu.vector_load %arg10[%swap3A_2122] {strides = array<i32>} : memref<8192xf32, #tpu.memory_space<vmem>>, vector<16xf32>,
          tpu.vector_store %arg10[%swap3A_2122], %add3A_2119 {strides = array<i32>} : memref<8192xf32, #tpu.memory_space<vmem>>, vector<16xf32>,
        }
        %scan3A_561 = arith.constant 32 : i32
        %mul3A_562 = arith.constant 512 : i32
        %mul3A_563 = arith.muli %add3A_9, %mul3A_562 : i32
        %mul3A_564 = arith.constant 16 : i32
        %mul3A_565 = arith.muli %mul3A_563, %mul3A_564 : i32
        "tpu.region"() ({
          %run_scoped3A = tpu.sem_alloc : memref<!tpu.dma_semaphore, #tpu.memory_space<semaphore_mem>>
          %dma_start3A_566 = tpu.memref_slice %arg5[%mul3A_565] : memref<3276800xf32, #tpu.memory_space<hbm>> -> memref<8192xf32, #tpu.memory_space<hbm>>
          %dma_start3A_567 = tpu.memref_slice %arg5[%mul3A_565] : memref<3276800xf32, #tpu.memory_space<hbm>> -> memref<8192xf32, #tpu.memory_space<hbm>>
          tpu.enqueue_dma source(%arg10 : memref<8192xf32, #tpu.memory_space<vmem>>) target(%dma_start3A_567 : memref<8192xf32, #tpu.memory_space<hbm>>) target_semaphore(%run_scoped3A : memref<!tpu.dma_semaphore, #tpu.memory_space<semaphore_mem>>)
          %dma_wait3A_568 = tpu.memref_slice %arg5[%mul3A_565] : memref<3276800xf32, #tpu.memory_space<hbm>> -> memref<8192xf32, #tpu.memory_space<hbm>>
          %dma_wait3A_569 = tpu.memref_slice %arg5[%mul3A_565] : memref<3276800xf32, #tpu.memory_space<hbm>> -> memref<8192xf32, #tpu.memory_space<hbm>>
          tpu.wait_dma2 semaphore(%run_scoped3A : memref<!tpu.dma_semaphore, #tpu.memory_space<semaphore_mem>>) src(%arg10 : memref<8192xf32, #tpu.memory_space<vmem>>) dst(%dma_wait3A_569 : memref<8192xf32, #tpu.memory_space<hbm>>)
          tpu.yield
        }) : () -> ()
      } else {
      }
    }
    %scan3A_5 = arith.constant 13 : i32
    return
  }
}

#map = affine_map<(d0, d1) -> (0, 0)>
#map1 = affine_map<(d0, d1) -> (0)>
#map2 = affine_map<(d0, d1) -> (0, 0, 0)>
module attributes {stable_mosaic.version = 14 : i64} {
  func.func @_gconv_agg(%arg0: i32, %arg1: i32, %arg2: memref<20000x64xf32, #tpu.memory_space<hbm>>, %arg3: memref<2560x128xi32, #tpu.memory_space<hbm>>, %arg4: memref<2560x128xi32, #tpu.memory_space<hbm>>, %arg5: memref<327680xf32, #tpu.memory_space<hbm>>, %arg6: memref<10240x64xf32, #tpu.memory_space<hbm>>, %arg7: memref<2x10240x64xf32, #tpu.memory_space<hbm>>, %arg8: memref<8x128xi32, #tpu.memory_space<vmem>>, %arg9: memref<8x128xi32, #tpu.memory_space<vmem>>, %arg10: memref<1024xf32, #tpu.memory_space<vmem>>, %arg11: memref<8x128x64xf32, #tpu.memory_space<vmem>>, %arg12: memref<10240x64xf32, #tpu.memory_space<vmem_shared>>, %arg13: memref<11x!tpu.dma_semaphore, #tpu.memory_space<semaphore_mem>>) attributes {dimension_semantics = [#tpu.dimension_semantics<core_parallel>, #tpu.dimension_semantics<subcore_parallel>], iteration_bounds = array<i64: 2, 16>, scalar_prefetch = 0 : i64, scratch_operands = 6 : i64, tpu.core_type = #tpu.core_type<sc_vector_subcore>, window_params = [{transform_indices = #map}, {transform_indices = #map}, {transform_indices = #map}, {transform_indices = #map1}, {transform_indices = #map}, {transform_indices = #map2}]} {
    %mul3A = arith.constant 640 : i32
    %mul3A_0 = arith.muli %arg1, %mul3A : i32
    %mul3A_1 = arith.constant 640 : i32
    %mul3A_2 = arith.muli %arg1, %mul3A_1 : i32
    "tpu.region"() ({
      %run_scoped3A = tpu.sem_alloc : memref<!tpu.dma_semaphore, #tpu.memory_space<semaphore_mem>>
      %dma_start3A = arith.constant 0 : i32
      %dma_start3A_15 = tpu.memref_slice %arg12[%mul3A_2, %dma_start3A] : memref<10240x64xf32, #tpu.memory_space<vmem_shared>> -> memref<640x64xf32, #tpu.memory_space<vmem_shared>>
      %dma_start3A_16 = arith.constant 0 : i32
      %dma_start3A_17 = tpu.memref_slice %arg6[%mul3A_0, %dma_start3A_16] : memref<10240x64xf32, #tpu.memory_space<hbm>> -> memref<640x64xf32, #tpu.memory_space<hbm>>
      tpu.enqueue_dma source(%dma_start3A_17 : memref<640x64xf32, #tpu.memory_space<hbm>>) target(%dma_start3A_15 : memref<640x64xf32, #tpu.memory_space<vmem_shared>>) target_semaphore(%run_scoped3A : memref<!tpu.dma_semaphore, #tpu.memory_space<semaphore_mem>>)
      %dma_wait3A = arith.constant 0 : i32
      %dma_wait3A_18 = tpu.memref_slice %arg12[%mul3A_2, %dma_wait3A] : memref<10240x64xf32, #tpu.memory_space<vmem_shared>> -> memref<640x64xf32, #tpu.memory_space<vmem_shared>>
      %dma_wait3A_19 = arith.constant 0 : i32
      %dma_wait3A_20 = tpu.memref_slice %arg6[%mul3A_0, %dma_wait3A_19] : memref<10240x64xf32, #tpu.memory_space<hbm>> -> memref<640x64xf32, #tpu.memory_space<hbm>>
      tpu.wait_dma2 semaphore(%run_scoped3A : memref<!tpu.dma_semaphore, #tpu.memory_space<semaphore_mem>>) src(%dma_wait3A_20 : memref<640x64xf32, #tpu.memory_space<hbm>>) dst(%dma_wait3A_18 : memref<640x64xf32, #tpu.memory_space<vmem_shared>>)
      tpu.yield
    }) : () -> ()
    %barrier3A = arith.constant 0 : index
    tpu.barrier barrier_id(%barrier3A)
    %mul3A_3 = arith.constant 10000 : i32
    %mul3A_4 = arith.muli %arg0, %mul3A_3 : i32
    %scan3A = arith.constant 0 : i32
    %scan3A_5 = arith.constant 0 : i32
    %scan3A_6 = arith.constant 20 : i32
    %scan3A_7 = arith.addi %scan3A_5, %scan3A_6 : i32
    %scan3A_8 = arith.constant 1 : i32
    scf.for %scan3A_15 = %scan3A_5 to %scan3A_7 step %scan3A_8  : i32 {
      %mul3A_16 = arith.constant 16 : i32
      %mul3A_17 = arith.muli %scan3A_15, %mul3A_16 : i32
      %add3A = arith.addi %mul3A_17, %arg1 : i32
      %lt3A = arith.constant 320 : i32
      %lt3A_18 = arith.cmpi slt, %add3A, %lt3A : i32
      %convert_element_type3A = arith.extui %lt3A_18 : i1 to i32
      %cond3A = arith.constant 0 : i32
      %cond3A_19 = arith.cmpi ne, %convert_element_type3A, %cond3A : i32
      scf.if %cond3A_19 {
        %mul3A_20 = arith.constant 8 : i32
        %mul3A_21 = arith.muli %add3A, %mul3A_20 : i32
        %mul3A_22 = arith.constant 1024 : i32
        %mul3A_23 = arith.muli %add3A, %mul3A_22 : i32
        %dma_start3A = arith.constant 8 : i32
        %dma_start3A_24 = arith.constant 0 : i32
        %dma_start3A_25 = tpu.memref_slice %arg3[%mul3A_21, %dma_start3A_24] : memref<2560x128xi32, #tpu.memory_space<hbm>> -> memref<8x128xi32, #tpu.memory_space<hbm>>
        %dma_start3A_26 = tpu.memref_slice %arg13[%dma_start3A] : memref<11x!tpu.dma_semaphore, #tpu.memory_space<semaphore_mem>> -> memref<1x!tpu.dma_semaphore, #tpu.memory_space<semaphore_mem>>
        %dma_start3A_27 = tpu.memref_squeeze %dma_start3A_26 : memref<1x!tpu.dma_semaphore, #tpu.memory_space<semaphore_mem>> -> memref<!tpu.dma_semaphore, #tpu.memory_space<semaphore_mem>>
        %dma_start3A_28 = arith.constant 0 : i32
        %dma_start3A_29 = tpu.memref_slice %arg3[%mul3A_21, %dma_start3A_28] : memref<2560x128xi32, #tpu.memory_space<hbm>> -> memref<8x128xi32, #tpu.memory_space<hbm>>
        tpu.enqueue_dma source(%dma_start3A_29 : memref<8x128xi32, #tpu.memory_space<hbm>>) target(%arg8 : memref<8x128xi32, #tpu.memory_space<vmem>>) target_semaphore(%dma_start3A_27 : memref<!tpu.dma_semaphore, #tpu.memory_space<semaphore_mem>>)
        %dma_start3A_30 = arith.constant 9 : i32
        %dma_start3A_31 = arith.constant 0 : i32
        %dma_start3A_32 = tpu.memref_slice %arg4[%mul3A_21, %dma_start3A_31] : memref<2560x128xi32, #tpu.memory_space<hbm>> -> memref<8x128xi32, #tpu.memory_space<hbm>>
        %dma_start3A_33 = tpu.memref_slice %arg13[%dma_start3A_30] : memref<11x!tpu.dma_semaphore, #tpu.memory_space<semaphore_mem>> -> memref<1x!tpu.dma_semaphore, #tpu.memory_space<semaphore_mem>>
        %dma_start3A_34 = tpu.memref_squeeze %dma_start3A_33 : memref<1x!tpu.dma_semaphore, #tpu.memory_space<semaphore_mem>> -> memref<!tpu.dma_semaphore, #tpu.memory_space<semaphore_mem>>
        %dma_start3A_35 = arith.constant 0 : i32
        %dma_start3A_36 = tpu.memref_slice %arg4[%mul3A_21, %dma_start3A_35] : memref<2560x128xi32, #tpu.memory_space<hbm>> -> memref<8x128xi32, #tpu.memory_space<hbm>>
        tpu.enqueue_dma source(%dma_start3A_36 : memref<8x128xi32, #tpu.memory_space<hbm>>) target(%arg9 : memref<8x128xi32, #tpu.memory_space<vmem>>) target_semaphore(%dma_start3A_34 : memref<!tpu.dma_semaphore, #tpu.memory_space<semaphore_mem>>)
        %dma_start3A_37 = arith.constant 10 : i32
        %dma_start3A_38 = tpu.memref_slice %arg5[%mul3A_23] : memref<327680xf32, #tpu.memory_space<hbm>> -> memref<1024xf32, #tpu.memory_space<hbm>>
        %dma_start3A_39 = tpu.memref_slice %arg13[%dma_start3A_37] : memref<11x!tpu.dma_semaphore, #tpu.memory_space<semaphore_mem>> -> memref<1x!tpu.dma_semaphore, #tpu.memory_space<semaphore_mem>>
        %dma_start3A_40 = tpu.memref_squeeze %dma_start3A_39 : memref<1x!tpu.dma_semaphore, #tpu.memory_space<semaphore_mem>> -> memref<!tpu.dma_semaphore, #tpu.memory_space<semaphore_mem>>
        %dma_start3A_41 = tpu.memref_slice %arg5[%mul3A_23] : memref<327680xf32, #tpu.memory_space<hbm>> -> memref<1024xf32, #tpu.memory_space<hbm>>
        tpu.enqueue_dma source(%dma_start3A_41 : memref<1024xf32, #tpu.memory_space<hbm>>) target(%arg10 : memref<1024xf32, #tpu.memory_space<vmem>>) target_semaphore(%dma_start3A_40 : memref<!tpu.dma_semaphore, #tpu.memory_space<semaphore_mem>>)
        %dma_wait3A = arith.constant 8 : i32
        %dma_wait3A_42 = arith.constant 0 : i32
        %dma_wait3A_43 = tpu.memref_slice %arg3[%mul3A_21, %dma_wait3A_42] : memref<2560x128xi32, #tpu.memory_space<hbm>> -> memref<8x128xi32, #tpu.memory_space<hbm>>
        %dma_wait3A_44 = tpu.memref_slice %arg13[%dma_wait3A] : memref<11x!tpu.dma_semaphore, #tpu.memory_space<semaphore_mem>> -> memref<1x!tpu.dma_semaphore, #tpu.memory_space<semaphore_mem>>
        %dma_wait3A_45 = tpu.memref_squeeze %dma_wait3A_44 : memref<1x!tpu.dma_semaphore, #tpu.memory_space<semaphore_mem>> -> memref<!tpu.dma_semaphore, #tpu.memory_space<semaphore_mem>>
        %dma_wait3A_46 = arith.constant 0 : i32
        %dma_wait3A_47 = tpu.memref_slice %arg3[%mul3A_21, %dma_wait3A_46] : memref<2560x128xi32, #tpu.memory_space<hbm>> -> memref<8x128xi32, #tpu.memory_space<hbm>>
        tpu.wait_dma2 semaphore(%dma_wait3A_45 : memref<!tpu.dma_semaphore, #tpu.memory_space<semaphore_mem>>) src(%dma_wait3A_47 : memref<8x128xi32, #tpu.memory_space<hbm>>) dst(%arg8 : memref<8x128xi32, #tpu.memory_space<vmem>>)
        %get3A = arith.constant 0 : i32
        %get3A_48 = arith.index_cast %get3A : i32 to index
        %get3A_49 = arith.constant 0 : index
        %get3A_50 = tpu.vector_load %arg8[%get3A_48, %get3A_49] {strides = array<i32>} : memref<8x128xi32, #tpu.memory_space<vmem>>, vector<16xi32>,
        %add3A_51 = vector.broadcast %mul3A_4 : i32 to vector<16xi32>
        %add3A_52 = arith.addi %get3A_50, %add3A_51 : vector<16xi32>
        %swap3A = arith.constant 0 : i32
        %swap3A_53 = arith.index_cast %swap3A : i32 to index
        %swap3A_54 = arith.constant 0 : index
        %swap3A_55 = tpu.vector_load %arg8[%swap3A_53, %swap3A_54] {strides = array<i32>} : memref<8x128xi32, #tpu.memory_space<vmem>>, vector<16xi32>,
        tpu.vector_store %arg8[%swap3A_53, %swap3A_54], %add3A_52 {strides = array<i32>} : memref<8x128xi32, #tpu.memory_space<vmem>>, vector<16xi32>,
        %get3A_56 = arith.constant 0 : i32
        %get3A_57 = arith.index_cast %get3A_56 : i32 to index
        %get3A_58 = arith.constant 16 : index
        %get3A_59 = tpu.vector_load %arg8[%get3A_57, %get3A_58] {strides = array<i32>} : memref<8x128xi32, #tpu.memory_space<vmem>>, vector<16xi32>,
        %add3A_60 = vector.broadcast %mul3A_4 : i32 to vector<16xi32>
        %add3A_61 = arith.addi %get3A_59, %add3A_60 : vector<16xi32>
        %swap3A_62 = arith.constant 0 : i32
        %swap3A_63 = arith.index_cast %swap3A_62 : i32 to index
        %swap3A_64 = arith.constant 16 : index
        %swap3A_65 = tpu.vector_load %arg8[%swap3A_63, %swap3A_64] {strides = array<i32>} : memref<8x128xi32, #tpu.memory_space<vmem>>, vector<16xi32>,
        tpu.vector_store %arg8[%swap3A_63, %swap3A_64], %add3A_61 {strides = array<i32>} : memref<8x128xi32, #tpu.memory_space<vmem>>, vector<16xi32>,
        %get3A_66 = arith.constant 0 : i32
        %get3A_67 = arith.index_cast %get3A_66 : i32 to index
        %get3A_68 = arith.constant 32 : index
        %get3A_69 = tpu.vector_load %arg8[%get3A_67, %get3A_68] {strides = array<i32>} : memref<8x128xi32, #tpu.memory_space<vmem>>, vector<16xi32>,
        %add3A_70 = vector.broadcast %mul3A_4 : i32 to vector<16xi32>
        %add3A_71 = arith.addi %get3A_69, %add3A_70 : vector<16xi32>
        %swap3A_72 = arith.constant 0 : i32
        %swap3A_73 = arith.index_cast %swap3A_72 : i32 to index
        %swap3A_74 = arith.constant 32 : index
        %swap3A_75 = tpu.vector_load %arg8[%swap3A_73, %swap3A_74] {strides = array<i32>} : memref<8x128xi32, #tpu.memory_space<vmem>>, vector<16xi32>,
        tpu.vector_store %arg8[%swap3A_73, %swap3A_74], %add3A_71 {strides = array<i32>} : memref<8x128xi32, #tpu.memory_space<vmem>>, vector<16xi32>,
        %get3A_76 = arith.constant 0 : i32
        %get3A_77 = arith.index_cast %get3A_76 : i32 to index
        %get3A_78 = arith.constant 48 : index
        %get3A_79 = tpu.vector_load %arg8[%get3A_77, %get3A_78] {strides = array<i32>} : memref<8x128xi32, #tpu.memory_space<vmem>>, vector<16xi32>,
        %add3A_80 = vector.broadcast %mul3A_4 : i32 to vector<16xi32>
        %add3A_81 = arith.addi %get3A_79, %add3A_80 : vector<16xi32>
        %swap3A_82 = arith.constant 0 : i32
        %swap3A_83 = arith.index_cast %swap3A_82 : i32 to index
        %swap3A_84 = arith.constant 48 : index
        %swap3A_85 = tpu.vector_load %arg8[%swap3A_83, %swap3A_84] {strides = array<i32>} : memref<8x128xi32, #tpu.memory_space<vmem>>, vector<16xi32>,
        tpu.vector_store %arg8[%swap3A_83, %swap3A_84], %add3A_81 {strides = array<i32>} : memref<8x128xi32, #tpu.memory_space<vmem>>, vector<16xi32>,
        %get3A_86 = arith.constant 0 : i32
        %get3A_87 = arith.index_cast %get3A_86 : i32 to index
        %get3A_88 = arith.constant 64 : index
        %get3A_89 = tpu.vector_load %arg8[%get3A_87, %get3A_88] {strides = array<i32>} : memref<8x128xi32, #tpu.memory_space<vmem>>, vector<16xi32>,
        %add3A_90 = vector.broadcast %mul3A_4 : i32 to vector<16xi32>
        %add3A_91 = arith.addi %get3A_89, %add3A_90 : vector<16xi32>
        %swap3A_92 = arith.constant 0 : i32
        %swap3A_93 = arith.index_cast %swap3A_92 : i32 to index
        %swap3A_94 = arith.constant 64 : index
        %swap3A_95 = tpu.vector_load %arg8[%swap3A_93, %swap3A_94] {strides = array<i32>} : memref<8x128xi32, #tpu.memory_space<vmem>>, vector<16xi32>,
        tpu.vector_store %arg8[%swap3A_93, %swap3A_94], %add3A_91 {strides = array<i32>} : memref<8x128xi32, #tpu.memory_space<vmem>>, vector<16xi32>,
        %get3A_96 = arith.constant 0 : i32
        %get3A_97 = arith.index_cast %get3A_96 : i32 to index
        %get3A_98 = arith.constant 80 : index
        %get3A_99 = tpu.vector_load %arg8[%get3A_97, %get3A_98] {strides = array<i32>} : memref<8x128xi32, #tpu.memory_space<vmem>>, vector<16xi32>,
        %add3A_100 = vector.broadcast %mul3A_4 : i32 to vector<16xi32>
        %add3A_101 = arith.addi %get3A_99, %add3A_100 : vector<16xi32>
        %swap3A_102 = arith.constant 0 : i32
        %swap3A_103 = arith.index_cast %swap3A_102 : i32 to index
        %swap3A_104 = arith.constant 80 : index
        %swap3A_105 = tpu.vector_load %arg8[%swap3A_103, %swap3A_104] {strides = array<i32>} : memref<8x128xi32, #tpu.memory_space<vmem>>, vector<16xi32>,
        tpu.vector_store %arg8[%swap3A_103, %swap3A_104], %add3A_101 {strides = array<i32>} : memref<8x128xi32, #tpu.memory_space<vmem>>, vector<16xi32>,
        %get3A_106 = arith.constant 0 : i32
        %get3A_107 = arith.index_cast %get3A_106 : i32 to index
        %get3A_108 = arith.constant 96 : index
        %get3A_109 = tpu.vector_load %arg8[%get3A_107, %get3A_108] {strides = array<i32>} : memref<8x128xi32, #tpu.memory_space<vmem>>, vector<16xi32>,
        %add3A_110 = vector.broadcast %mul3A_4 : i32 to vector<16xi32>
        %add3A_111 = arith.addi %get3A_109, %add3A_110 : vector<16xi32>
        %swap3A_112 = arith.constant 0 : i32
        %swap3A_113 = arith.index_cast %swap3A_112 : i32 to index
        %swap3A_114 = arith.constant 96 : index
        %swap3A_115 = tpu.vector_load %arg8[%swap3A_113, %swap3A_114] {strides = array<i32>} : memref<8x128xi32, #tpu.memory_space<vmem>>, vector<16xi32>,
        tpu.vector_store %arg8[%swap3A_113, %swap3A_114], %add3A_111 {strides = array<i32>} : memref<8x128xi32, #tpu.memory_space<vmem>>, vector<16xi32>,
        %get3A_116 = arith.constant 0 : i32
        %get3A_117 = arith.index_cast %get3A_116 : i32 to index
        %get3A_118 = arith.constant 112 : index
        %get3A_119 = tpu.vector_load %arg8[%get3A_117, %get3A_118] {strides = array<i32>} : memref<8x128xi32, #tpu.memory_space<vmem>>, vector<16xi32>,
        %add3A_120 = vector.broadcast %mul3A_4 : i32 to vector<16xi32>
        %add3A_121 = arith.addi %get3A_119, %add3A_120 : vector<16xi32>
        %swap3A_122 = arith.constant 0 : i32
        %swap3A_123 = arith.index_cast %swap3A_122 : i32 to index
        %swap3A_124 = arith.constant 112 : index
        %swap3A_125 = tpu.vector_load %arg8[%swap3A_123, %swap3A_124] {strides = array<i32>} : memref<8x128xi32, #tpu.memory_space<vmem>>, vector<16xi32>,
        tpu.vector_store %arg8[%swap3A_123, %swap3A_124], %add3A_121 {strides = array<i32>} : memref<8x128xi32, #tpu.memory_space<vmem>>, vector<16xi32>,
        %get3A_126 = arith.constant 1 : i32
        %get3A_127 = arith.index_cast %get3A_126 : i32 to index
        %get3A_128 = arith.constant 0 : index
        %get3A_129 = tpu.vector_load %arg8[%get3A_127, %get3A_128] {strides = array<i32>} : memref<8x128xi32, #tpu.memory_space<vmem>>, vector<16xi32>,
        %add3A_130 = vector.broadcast %mul3A_4 : i32 to vector<16xi32>
        %add3A_131 = arith.addi %get3A_129, %add3A_130 : vector<16xi32>
        %swap3A_132 = arith.constant 1 : i32
        %swap3A_133 = arith.index_cast %swap3A_132 : i32 to index
        %swap3A_134 = arith.constant 0 : index
        %swap3A_135 = tpu.vector_load %arg8[%swap3A_133, %swap3A_134] {strides = array<i32>} : memref<8x128xi32, #tpu.memory_space<vmem>>, vector<16xi32>,
        tpu.vector_store %arg8[%swap3A_133, %swap3A_134], %add3A_131 {strides = array<i32>} : memref<8x128xi32, #tpu.memory_space<vmem>>, vector<16xi32>,
        %get3A_136 = arith.constant 1 : i32
        %get3A_137 = arith.index_cast %get3A_136 : i32 to index
        %get3A_138 = arith.constant 16 : index
        %get3A_139 = tpu.vector_load %arg8[%get3A_137, %get3A_138] {strides = array<i32>} : memref<8x128xi32, #tpu.memory_space<vmem>>, vector<16xi32>,
        %add3A_140 = vector.broadcast %mul3A_4 : i32 to vector<16xi32>
        %add3A_141 = arith.addi %get3A_139, %add3A_140 : vector<16xi32>
        %swap3A_142 = arith.constant 1 : i32
        %swap3A_143 = arith.index_cast %swap3A_142 : i32 to index
        %swap3A_144 = arith.constant 16 : index
        %swap3A_145 = tpu.vector_load %arg8[%swap3A_143, %swap3A_144] {strides = array<i32>} : memref<8x128xi32, #tpu.memory_space<vmem>>, vector<16xi32>,
        tpu.vector_store %arg8[%swap3A_143, %swap3A_144], %add3A_141 {strides = array<i32>} : memref<8x128xi32, #tpu.memory_space<vmem>>, vector<16xi32>,
        %get3A_146 = arith.constant 1 : i32
        %get3A_147 = arith.index_cast %get3A_146 : i32 to index
        %get3A_148 = arith.constant 32 : index
        %get3A_149 = tpu.vector_load %arg8[%get3A_147, %get3A_148] {strides = array<i32>} : memref<8x128xi32, #tpu.memory_space<vmem>>, vector<16xi32>,
        %add3A_150 = vector.broadcast %mul3A_4 : i32 to vector<16xi32>
        %add3A_151 = arith.addi %get3A_149, %add3A_150 : vector<16xi32>
        %swap3A_152 = arith.constant 1 : i32
        %swap3A_153 = arith.index_cast %swap3A_152 : i32 to index
        %swap3A_154 = arith.constant 32 : index
        %swap3A_155 = tpu.vector_load %arg8[%swap3A_153, %swap3A_154] {strides = array<i32>} : memref<8x128xi32, #tpu.memory_space<vmem>>, vector<16xi32>,
        tpu.vector_store %arg8[%swap3A_153, %swap3A_154], %add3A_151 {strides = array<i32>} : memref<8x128xi32, #tpu.memory_space<vmem>>, vector<16xi32>,
        %get3A_156 = arith.constant 1 : i32
        %get3A_157 = arith.index_cast %get3A_156 : i32 to index
        %get3A_158 = arith.constant 48 : index
        %get3A_159 = tpu.vector_load %arg8[%get3A_157, %get3A_158] {strides = array<i32>} : memref<8x128xi32, #tpu.memory_space<vmem>>, vector<16xi32>,
        %add3A_160 = vector.broadcast %mul3A_4 : i32 to vector<16xi32>
        %add3A_161 = arith.addi %get3A_159, %add3A_160 : vector<16xi32>
        %swap3A_162 = arith.constant 1 : i32
        %swap3A_163 = arith.index_cast %swap3A_162 : i32 to index
        %swap3A_164 = arith.constant 48 : index
        %swap3A_165 = tpu.vector_load %arg8[%swap3A_163, %swap3A_164] {strides = array<i32>} : memref<8x128xi32, #tpu.memory_space<vmem>>, vector<16xi32>,
        tpu.vector_store %arg8[%swap3A_163, %swap3A_164], %add3A_161 {strides = array<i32>} : memref<8x128xi32, #tpu.memory_space<vmem>>, vector<16xi32>,
        %get3A_166 = arith.constant 1 : i32
        %get3A_167 = arith.index_cast %get3A_166 : i32 to index
        %get3A_168 = arith.constant 64 : index
        %get3A_169 = tpu.vector_load %arg8[%get3A_167, %get3A_168] {strides = array<i32>} : memref<8x128xi32, #tpu.memory_space<vmem>>, vector<16xi32>,
        %add3A_170 = vector.broadcast %mul3A_4 : i32 to vector<16xi32>
        %add3A_171 = arith.addi %get3A_169, %add3A_170 : vector<16xi32>
        %swap3A_172 = arith.constant 1 : i32
        %swap3A_173 = arith.index_cast %swap3A_172 : i32 to index
        %swap3A_174 = arith.constant 64 : index
        %swap3A_175 = tpu.vector_load %arg8[%swap3A_173, %swap3A_174] {strides = array<i32>} : memref<8x128xi32, #tpu.memory_space<vmem>>, vector<16xi32>,
        tpu.vector_store %arg8[%swap3A_173, %swap3A_174], %add3A_171 {strides = array<i32>} : memref<8x128xi32, #tpu.memory_space<vmem>>, vector<16xi32>,
        %get3A_176 = arith.constant 1 : i32
        %get3A_177 = arith.index_cast %get3A_176 : i32 to index
        %get3A_178 = arith.constant 80 : index
        %get3A_179 = tpu.vector_load %arg8[%get3A_177, %get3A_178] {strides = array<i32>} : memref<8x128xi32, #tpu.memory_space<vmem>>, vector<16xi32>,
        %add3A_180 = vector.broadcast %mul3A_4 : i32 to vector<16xi32>
        %add3A_181 = arith.addi %get3A_179, %add3A_180 : vector<16xi32>
        %swap3A_182 = arith.constant 1 : i32
        %swap3A_183 = arith.index_cast %swap3A_182 : i32 to index
        %swap3A_184 = arith.constant 80 : index
        %swap3A_185 = tpu.vector_load %arg8[%swap3A_183, %swap3A_184] {strides = array<i32>} : memref<8x128xi32, #tpu.memory_space<vmem>>, vector<16xi32>,
        tpu.vector_store %arg8[%swap3A_183, %swap3A_184], %add3A_181 {strides = array<i32>} : memref<8x128xi32, #tpu.memory_space<vmem>>, vector<16xi32>,
        %get3A_186 = arith.constant 1 : i32
        %get3A_187 = arith.index_cast %get3A_186 : i32 to index
        %get3A_188 = arith.constant 96 : index
        %get3A_189 = tpu.vector_load %arg8[%get3A_187, %get3A_188] {strides = array<i32>} : memref<8x128xi32, #tpu.memory_space<vmem>>, vector<16xi32>,
        %add3A_190 = vector.broadcast %mul3A_4 : i32 to vector<16xi32>
        %add3A_191 = arith.addi %get3A_189, %add3A_190 : vector<16xi32>
        %swap3A_192 = arith.constant 1 : i32
        %swap3A_193 = arith.index_cast %swap3A_192 : i32 to index
        %swap3A_194 = arith.constant 96 : index
        %swap3A_195 = tpu.vector_load %arg8[%swap3A_193, %swap3A_194] {strides = array<i32>} : memref<8x128xi32, #tpu.memory_space<vmem>>, vector<16xi32>,
        tpu.vector_store %arg8[%swap3A_193, %swap3A_194], %add3A_191 {strides = array<i32>} : memref<8x128xi32, #tpu.memory_space<vmem>>, vector<16xi32>,
        %get3A_196 = arith.constant 1 : i32
        %get3A_197 = arith.index_cast %get3A_196 : i32 to index
        %get3A_198 = arith.constant 112 : index
        %get3A_199 = tpu.vector_load %arg8[%get3A_197, %get3A_198] {strides = array<i32>} : memref<8x128xi32, #tpu.memory_space<vmem>>, vector<16xi32>,
        %add3A_200 = vector.broadcast %mul3A_4 : i32 to vector<16xi32>
        %add3A_201 = arith.addi %get3A_199, %add3A_200 : vector<16xi32>
        %swap3A_202 = arith.constant 1 : i32
        %swap3A_203 = arith.index_cast %swap3A_202 : i32 to index
        %swap3A_204 = arith.constant 112 : index
        %swap3A_205 = tpu.vector_load %arg8[%swap3A_203, %swap3A_204] {strides = array<i32>} : memref<8x128xi32, #tpu.memory_space<vmem>>, vector<16xi32>,
        tpu.vector_store %arg8[%swap3A_203, %swap3A_204], %add3A_201 {strides = array<i32>} : memref<8x128xi32, #tpu.memory_space<vmem>>, vector<16xi32>,
        %get3A_206 = arith.constant 2 : i32
        %get3A_207 = arith.index_cast %get3A_206 : i32 to index
        %get3A_208 = arith.constant 0 : index
        %get3A_209 = tpu.vector_load %arg8[%get3A_207, %get3A_208] {strides = array<i32>} : memref<8x128xi32, #tpu.memory_space<vmem>>, vector<16xi32>,
        %add3A_210 = vector.broadcast %mul3A_4 : i32 to vector<16xi32>
        %add3A_211 = arith.addi %get3A_209, %add3A_210 : vector<16xi32>
        %swap3A_212 = arith.constant 2 : i32
        %swap3A_213 = arith.index_cast %swap3A_212 : i32 to index
        %swap3A_214 = arith.constant 0 : index
        %swap3A_215 = tpu.vector_load %arg8[%swap3A_213, %swap3A_214] {strides = array<i32>} : memref<8x128xi32, #tpu.memory_space<vmem>>, vector<16xi32>,
        tpu.vector_store %arg8[%swap3A_213, %swap3A_214], %add3A_211 {strides = array<i32>} : memref<8x128xi32, #tpu.memory_space<vmem>>, vector<16xi32>,
        %get3A_216 = arith.constant 2 : i32
        %get3A_217 = arith.index_cast %get3A_216 : i32 to index
        %get3A_218 = arith.constant 16 : index
        %get3A_219 = tpu.vector_load %arg8[%get3A_217, %get3A_218] {strides = array<i32>} : memref<8x128xi32, #tpu.memory_space<vmem>>, vector<16xi32>,
        %add3A_220 = vector.broadcast %mul3A_4 : i32 to vector<16xi32>
        %add3A_221 = arith.addi %get3A_219, %add3A_220 : vector<16xi32>
        %swap3A_222 = arith.constant 2 : i32
        %swap3A_223 = arith.index_cast %swap3A_222 : i32 to index
        %swap3A_224 = arith.constant 16 : index
        %swap3A_225 = tpu.vector_load %arg8[%swap3A_223, %swap3A_224] {strides = array<i32>} : memref<8x128xi32, #tpu.memory_space<vmem>>, vector<16xi32>,
        tpu.vector_store %arg8[%swap3A_223, %swap3A_224], %add3A_221 {strides = array<i32>} : memref<8x128xi32, #tpu.memory_space<vmem>>, vector<16xi32>,
        %get3A_226 = arith.constant 2 : i32
        %get3A_227 = arith.index_cast %get3A_226 : i32 to index
        %get3A_228 = arith.constant 32 : index
        %get3A_229 = tpu.vector_load %arg8[%get3A_227, %get3A_228] {strides = array<i32>} : memref<8x128xi32, #tpu.memory_space<vmem>>, vector<16xi32>,
        %add3A_230 = vector.broadcast %mul3A_4 : i32 to vector<16xi32>
        %add3A_231 = arith.addi %get3A_229, %add3A_230 : vector<16xi32>
        %swap3A_232 = arith.constant 2 : i32
        %swap3A_233 = arith.index_cast %swap3A_232 : i32 to index
        %swap3A_234 = arith.constant 32 : index
        %swap3A_235 = tpu.vector_load %arg8[%swap3A_233, %swap3A_234] {strides = array<i32>} : memref<8x128xi32, #tpu.memory_space<vmem>>, vector<16xi32>,
        tpu.vector_store %arg8[%swap3A_233, %swap3A_234], %add3A_231 {strides = array<i32>} : memref<8x128xi32, #tpu.memory_space<vmem>>, vector<16xi32>,
        %get3A_236 = arith.constant 2 : i32
        %get3A_237 = arith.index_cast %get3A_236 : i32 to index
        %get3A_238 = arith.constant 48 : index
        %get3A_239 = tpu.vector_load %arg8[%get3A_237, %get3A_238] {strides = array<i32>} : memref<8x128xi32, #tpu.memory_space<vmem>>, vector<16xi32>,
        %add3A_240 = vector.broadcast %mul3A_4 : i32 to vector<16xi32>
        %add3A_241 = arith.addi %get3A_239, %add3A_240 : vector<16xi32>
        %swap3A_242 = arith.constant 2 : i32
        %swap3A_243 = arith.index_cast %swap3A_242 : i32 to index
        %swap3A_244 = arith.constant 48 : index
        %swap3A_245 = tpu.vector_load %arg8[%swap3A_243, %swap3A_244] {strides = array<i32>} : memref<8x128xi32, #tpu.memory_space<vmem>>, vector<16xi32>,
        tpu.vector_store %arg8[%swap3A_243, %swap3A_244], %add3A_241 {strides = array<i32>} : memref<8x128xi32, #tpu.memory_space<vmem>>, vector<16xi32>,
        %get3A_246 = arith.constant 2 : i32
        %get3A_247 = arith.index_cast %get3A_246 : i32 to index
        %get3A_248 = arith.constant 64 : index
        %get3A_249 = tpu.vector_load %arg8[%get3A_247, %get3A_248] {strides = array<i32>} : memref<8x128xi32, #tpu.memory_space<vmem>>, vector<16xi32>,
        %add3A_250 = vector.broadcast %mul3A_4 : i32 to vector<16xi32>
        %add3A_251 = arith.addi %get3A_249, %add3A_250 : vector<16xi32>
        %swap3A_252 = arith.constant 2 : i32
        %swap3A_253 = arith.index_cast %swap3A_252 : i32 to index
        %swap3A_254 = arith.constant 64 : index
        %swap3A_255 = tpu.vector_load %arg8[%swap3A_253, %swap3A_254] {strides = array<i32>} : memref<8x128xi32, #tpu.memory_space<vmem>>, vector<16xi32>,
        tpu.vector_store %arg8[%swap3A_253, %swap3A_254], %add3A_251 {strides = array<i32>} : memref<8x128xi32, #tpu.memory_space<vmem>>, vector<16xi32>,
        %get3A_256 = arith.constant 2 : i32
        %get3A_257 = arith.index_cast %get3A_256 : i32 to index
        %get3A_258 = arith.constant 80 : index
        %get3A_259 = tpu.vector_load %arg8[%get3A_257, %get3A_258] {strides = array<i32>} : memref<8x128xi32, #tpu.memory_space<vmem>>, vector<16xi32>,
        %add3A_260 = vector.broadcast %mul3A_4 : i32 to vector<16xi32>
        %add3A_261 = arith.addi %get3A_259, %add3A_260 : vector<16xi32>
        %swap3A_262 = arith.constant 2 : i32
        %swap3A_263 = arith.index_cast %swap3A_262 : i32 to index
        %swap3A_264 = arith.constant 80 : index
        %swap3A_265 = tpu.vector_load %arg8[%swap3A_263, %swap3A_264] {strides = array<i32>} : memref<8x128xi32, #tpu.memory_space<vmem>>, vector<16xi32>,
        tpu.vector_store %arg8[%swap3A_263, %swap3A_264], %add3A_261 {strides = array<i32>} : memref<8x128xi32, #tpu.memory_space<vmem>>, vector<16xi32>,
        %get3A_266 = arith.constant 2 : i32
        %get3A_267 = arith.index_cast %get3A_266 : i32 to index
        %get3A_268 = arith.constant 96 : index
        %get3A_269 = tpu.vector_load %arg8[%get3A_267, %get3A_268] {strides = array<i32>} : memref<8x128xi32, #tpu.memory_space<vmem>>, vector<16xi32>,
        %add3A_270 = vector.broadcast %mul3A_4 : i32 to vector<16xi32>
        %add3A_271 = arith.addi %get3A_269, %add3A_270 : vector<16xi32>
        %swap3A_272 = arith.constant 2 : i32
        %swap3A_273 = arith.index_cast %swap3A_272 : i32 to index
        %swap3A_274 = arith.constant 96 : index
        %swap3A_275 = tpu.vector_load %arg8[%swap3A_273, %swap3A_274] {strides = array<i32>} : memref<8x128xi32, #tpu.memory_space<vmem>>, vector<16xi32>,
        tpu.vector_store %arg8[%swap3A_273, %swap3A_274], %add3A_271 {strides = array<i32>} : memref<8x128xi32, #tpu.memory_space<vmem>>, vector<16xi32>,
        %get3A_276 = arith.constant 2 : i32
        %get3A_277 = arith.index_cast %get3A_276 : i32 to index
        %get3A_278 = arith.constant 112 : index
        %get3A_279 = tpu.vector_load %arg8[%get3A_277, %get3A_278] {strides = array<i32>} : memref<8x128xi32, #tpu.memory_space<vmem>>, vector<16xi32>,
        %add3A_280 = vector.broadcast %mul3A_4 : i32 to vector<16xi32>
        %add3A_281 = arith.addi %get3A_279, %add3A_280 : vector<16xi32>
        %swap3A_282 = arith.constant 2 : i32
        %swap3A_283 = arith.index_cast %swap3A_282 : i32 to index
        %swap3A_284 = arith.constant 112 : index
        %swap3A_285 = tpu.vector_load %arg8[%swap3A_283, %swap3A_284] {strides = array<i32>} : memref<8x128xi32, #tpu.memory_space<vmem>>, vector<16xi32>,
        tpu.vector_store %arg8[%swap3A_283, %swap3A_284], %add3A_281 {strides = array<i32>} : memref<8x128xi32, #tpu.memory_space<vmem>>, vector<16xi32>,
        %get3A_286 = arith.constant 3 : i32
        %get3A_287 = arith.index_cast %get3A_286 : i32 to index
        %get3A_288 = arith.constant 0 : index
        %get3A_289 = tpu.vector_load %arg8[%get3A_287, %get3A_288] {strides = array<i32>} : memref<8x128xi32, #tpu.memory_space<vmem>>, vector<16xi32>,
        %add3A_290 = vector.broadcast %mul3A_4 : i32 to vector<16xi32>
        %add3A_291 = arith.addi %get3A_289, %add3A_290 : vector<16xi32>
        %swap3A_292 = arith.constant 3 : i32
        %swap3A_293 = arith.index_cast %swap3A_292 : i32 to index
        %swap3A_294 = arith.constant 0 : index
        %swap3A_295 = tpu.vector_load %arg8[%swap3A_293, %swap3A_294] {strides = array<i32>} : memref<8x128xi32, #tpu.memory_space<vmem>>, vector<16xi32>,
        tpu.vector_store %arg8[%swap3A_293, %swap3A_294], %add3A_291 {strides = array<i32>} : memref<8x128xi32, #tpu.memory_space<vmem>>, vector<16xi32>,
        %get3A_296 = arith.constant 3 : i32
        %get3A_297 = arith.index_cast %get3A_296 : i32 to index
        %get3A_298 = arith.constant 16 : index
        %get3A_299 = tpu.vector_load %arg8[%get3A_297, %get3A_298] {strides = array<i32>} : memref<8x128xi32, #tpu.memory_space<vmem>>, vector<16xi32>,
        %add3A_300 = vector.broadcast %mul3A_4 : i32 to vector<16xi32>
        %add3A_301 = arith.addi %get3A_299, %add3A_300 : vector<16xi32>
        %swap3A_302 = arith.constant 3 : i32
        %swap3A_303 = arith.index_cast %swap3A_302 : i32 to index
        %swap3A_304 = arith.constant 16 : index
        %swap3A_305 = tpu.vector_load %arg8[%swap3A_303, %swap3A_304] {strides = array<i32>} : memref<8x128xi32, #tpu.memory_space<vmem>>, vector<16xi32>,
        tpu.vector_store %arg8[%swap3A_303, %swap3A_304], %add3A_301 {strides = array<i32>} : memref<8x128xi32, #tpu.memory_space<vmem>>, vector<16xi32>,
        %get3A_306 = arith.constant 3 : i32
        %get3A_307 = arith.index_cast %get3A_306 : i32 to index
        %get3A_308 = arith.constant 32 : index
        %get3A_309 = tpu.vector_load %arg8[%get3A_307, %get3A_308] {strides = array<i32>} : memref<8x128xi32, #tpu.memory_space<vmem>>, vector<16xi32>,
        %add3A_310 = vector.broadcast %mul3A_4 : i32 to vector<16xi32>
        %add3A_311 = arith.addi %get3A_309, %add3A_310 : vector<16xi32>
        %swap3A_312 = arith.constant 3 : i32
        %swap3A_313 = arith.index_cast %swap3A_312 : i32 to index
        %swap3A_314 = arith.constant 32 : index
        %swap3A_315 = tpu.vector_load %arg8[%swap3A_313, %swap3A_314] {strides = array<i32>} : memref<8x128xi32, #tpu.memory_space<vmem>>, vector<16xi32>,
        tpu.vector_store %arg8[%swap3A_313, %swap3A_314], %add3A_311 {strides = array<i32>} : memref<8x128xi32, #tpu.memory_space<vmem>>, vector<16xi32>,
        %get3A_316 = arith.constant 3 : i32
        %get3A_317 = arith.index_cast %get3A_316 : i32 to index
        %get3A_318 = arith.constant 48 : index
        %get3A_319 = tpu.vector_load %arg8[%get3A_317, %get3A_318] {strides = array<i32>} : memref<8x128xi32, #tpu.memory_space<vmem>>, vector<16xi32>,
        %add3A_320 = vector.broadcast %mul3A_4 : i32 to vector<16xi32>
        %add3A_321 = arith.addi %get3A_319, %add3A_320 : vector<16xi32>
        %swap3A_322 = arith.constant 3 : i32
        %swap3A_323 = arith.index_cast %swap3A_322 : i32 to index
        %swap3A_324 = arith.constant 48 : index
        %swap3A_325 = tpu.vector_load %arg8[%swap3A_323, %swap3A_324] {strides = array<i32>} : memref<8x128xi32, #tpu.memory_space<vmem>>, vector<16xi32>,
        tpu.vector_store %arg8[%swap3A_323, %swap3A_324], %add3A_321 {strides = array<i32>} : memref<8x128xi32, #tpu.memory_space<vmem>>, vector<16xi32>,
        %get3A_326 = arith.constant 3 : i32
        %get3A_327 = arith.index_cast %get3A_326 : i32 to index
        %get3A_328 = arith.constant 64 : index
        %get3A_329 = tpu.vector_load %arg8[%get3A_327, %get3A_328] {strides = array<i32>} : memref<8x128xi32, #tpu.memory_space<vmem>>, vector<16xi32>,
        %add3A_330 = vector.broadcast %mul3A_4 : i32 to vector<16xi32>
        %add3A_331 = arith.addi %get3A_329, %add3A_330 : vector<16xi32>
        %swap3A_332 = arith.constant 3 : i32
        %swap3A_333 = arith.index_cast %swap3A_332 : i32 to index
        %swap3A_334 = arith.constant 64 : index
        %swap3A_335 = tpu.vector_load %arg8[%swap3A_333, %swap3A_334] {strides = array<i32>} : memref<8x128xi32, #tpu.memory_space<vmem>>, vector<16xi32>,
        tpu.vector_store %arg8[%swap3A_333, %swap3A_334], %add3A_331 {strides = array<i32>} : memref<8x128xi32, #tpu.memory_space<vmem>>, vector<16xi32>,
        %get3A_336 = arith.constant 3 : i32
        %get3A_337 = arith.index_cast %get3A_336 : i32 to index
        %get3A_338 = arith.constant 80 : index
        %get3A_339 = tpu.vector_load %arg8[%get3A_337, %get3A_338] {strides = array<i32>} : memref<8x128xi32, #tpu.memory_space<vmem>>, vector<16xi32>,
        %add3A_340 = vector.broadcast %mul3A_4 : i32 to vector<16xi32>
        %add3A_341 = arith.addi %get3A_339, %add3A_340 : vector<16xi32>
        %swap3A_342 = arith.constant 3 : i32
        %swap3A_343 = arith.index_cast %swap3A_342 : i32 to index
        %swap3A_344 = arith.constant 80 : index
        %swap3A_345 = tpu.vector_load %arg8[%swap3A_343, %swap3A_344] {strides = array<i32>} : memref<8x128xi32, #tpu.memory_space<vmem>>, vector<16xi32>,
        tpu.vector_store %arg8[%swap3A_343, %swap3A_344], %add3A_341 {strides = array<i32>} : memref<8x128xi32, #tpu.memory_space<vmem>>, vector<16xi32>,
        %get3A_346 = arith.constant 3 : i32
        %get3A_347 = arith.index_cast %get3A_346 : i32 to index
        %get3A_348 = arith.constant 96 : index
        %get3A_349 = tpu.vector_load %arg8[%get3A_347, %get3A_348] {strides = array<i32>} : memref<8x128xi32, #tpu.memory_space<vmem>>, vector<16xi32>,
        %add3A_350 = vector.broadcast %mul3A_4 : i32 to vector<16xi32>
        %add3A_351 = arith.addi %get3A_349, %add3A_350 : vector<16xi32>
        %swap3A_352 = arith.constant 3 : i32
        %swap3A_353 = arith.index_cast %swap3A_352 : i32 to index
        %swap3A_354 = arith.constant 96 : index
        %swap3A_355 = tpu.vector_load %arg8[%swap3A_353, %swap3A_354] {strides = array<i32>} : memref<8x128xi32, #tpu.memory_space<vmem>>, vector<16xi32>,
        tpu.vector_store %arg8[%swap3A_353, %swap3A_354], %add3A_351 {strides = array<i32>} : memref<8x128xi32, #tpu.memory_space<vmem>>, vector<16xi32>,
        %get3A_356 = arith.constant 3 : i32
        %get3A_357 = arith.index_cast %get3A_356 : i32 to index
        %get3A_358 = arith.constant 112 : index
        %get3A_359 = tpu.vector_load %arg8[%get3A_357, %get3A_358] {strides = array<i32>} : memref<8x128xi32, #tpu.memory_space<vmem>>, vector<16xi32>,
        %add3A_360 = vector.broadcast %mul3A_4 : i32 to vector<16xi32>
        %add3A_361 = arith.addi %get3A_359, %add3A_360 : vector<16xi32>
        %swap3A_362 = arith.constant 3 : i32
        %swap3A_363 = arith.index_cast %swap3A_362 : i32 to index
        %swap3A_364 = arith.constant 112 : index
        %swap3A_365 = tpu.vector_load %arg8[%swap3A_363, %swap3A_364] {strides = array<i32>} : memref<8x128xi32, #tpu.memory_space<vmem>>, vector<16xi32>,
        tpu.vector_store %arg8[%swap3A_363, %swap3A_364], %add3A_361 {strides = array<i32>} : memref<8x128xi32, #tpu.memory_space<vmem>>, vector<16xi32>,
        %get3A_366 = arith.constant 4 : i32
        %get3A_367 = arith.index_cast %get3A_366 : i32 to index
        %get3A_368 = arith.constant 0 : index
        %get3A_369 = tpu.vector_load %arg8[%get3A_367, %get3A_368] {strides = array<i32>} : memref<8x128xi32, #tpu.memory_space<vmem>>, vector<16xi32>,
        %add3A_370 = vector.broadcast %mul3A_4 : i32 to vector<16xi32>
        %add3A_371 = arith.addi %get3A_369, %add3A_370 : vector<16xi32>
        %swap3A_372 = arith.constant 4 : i32
        %swap3A_373 = arith.index_cast %swap3A_372 : i32 to index
        %swap3A_374 = arith.constant 0 : index
        %swap3A_375 = tpu.vector_load %arg8[%swap3A_373, %swap3A_374] {strides = array<i32>} : memref<8x128xi32, #tpu.memory_space<vmem>>, vector<16xi32>,
        tpu.vector_store %arg8[%swap3A_373, %swap3A_374], %add3A_371 {strides = array<i32>} : memref<8x128xi32, #tpu.memory_space<vmem>>, vector<16xi32>,
        %get3A_376 = arith.constant 4 : i32
        %get3A_377 = arith.index_cast %get3A_376 : i32 to index
        %get3A_378 = arith.constant 16 : index
        %get3A_379 = tpu.vector_load %arg8[%get3A_377, %get3A_378] {strides = array<i32>} : memref<8x128xi32, #tpu.memory_space<vmem>>, vector<16xi32>,
        %add3A_380 = vector.broadcast %mul3A_4 : i32 to vector<16xi32>
        %add3A_381 = arith.addi %get3A_379, %add3A_380 : vector<16xi32>
        %swap3A_382 = arith.constant 4 : i32
        %swap3A_383 = arith.index_cast %swap3A_382 : i32 to index
        %swap3A_384 = arith.constant 16 : index
        %swap3A_385 = tpu.vector_load %arg8[%swap3A_383, %swap3A_384] {strides = array<i32>} : memref<8x128xi32, #tpu.memory_space<vmem>>, vector<16xi32>,
        tpu.vector_store %arg8[%swap3A_383, %swap3A_384], %add3A_381 {strides = array<i32>} : memref<8x128xi32, #tpu.memory_space<vmem>>, vector<16xi32>,
        %get3A_386 = arith.constant 4 : i32
        %get3A_387 = arith.index_cast %get3A_386 : i32 to index
        %get3A_388 = arith.constant 32 : index
        %get3A_389 = tpu.vector_load %arg8[%get3A_387, %get3A_388] {strides = array<i32>} : memref<8x128xi32, #tpu.memory_space<vmem>>, vector<16xi32>,
        %add3A_390 = vector.broadcast %mul3A_4 : i32 to vector<16xi32>
        %add3A_391 = arith.addi %get3A_389, %add3A_390 : vector<16xi32>
        %swap3A_392 = arith.constant 4 : i32
        %swap3A_393 = arith.index_cast %swap3A_392 : i32 to index
        %swap3A_394 = arith.constant 32 : index
        %swap3A_395 = tpu.vector_load %arg8[%swap3A_393, %swap3A_394] {strides = array<i32>} : memref<8x128xi32, #tpu.memory_space<vmem>>, vector<16xi32>,
        tpu.vector_store %arg8[%swap3A_393, %swap3A_394], %add3A_391 {strides = array<i32>} : memref<8x128xi32, #tpu.memory_space<vmem>>, vector<16xi32>,
        %get3A_396 = arith.constant 4 : i32
        %get3A_397 = arith.index_cast %get3A_396 : i32 to index
        %get3A_398 = arith.constant 48 : index
        %get3A_399 = tpu.vector_load %arg8[%get3A_397, %get3A_398] {strides = array<i32>} : memref<8x128xi32, #tpu.memory_space<vmem>>, vector<16xi32>,
        %add3A_400 = vector.broadcast %mul3A_4 : i32 to vector<16xi32>
        %add3A_401 = arith.addi %get3A_399, %add3A_400 : vector<16xi32>
        %swap3A_402 = arith.constant 4 : i32
        %swap3A_403 = arith.index_cast %swap3A_402 : i32 to index
        %swap3A_404 = arith.constant 48 : index
        %swap3A_405 = tpu.vector_load %arg8[%swap3A_403, %swap3A_404] {strides = array<i32>} : memref<8x128xi32, #tpu.memory_space<vmem>>, vector<16xi32>,
        tpu.vector_store %arg8[%swap3A_403, %swap3A_404], %add3A_401 {strides = array<i32>} : memref<8x128xi32, #tpu.memory_space<vmem>>, vector<16xi32>,
        %get3A_406 = arith.constant 4 : i32
        %get3A_407 = arith.index_cast %get3A_406 : i32 to index
        %get3A_408 = arith.constant 64 : index
        %get3A_409 = tpu.vector_load %arg8[%get3A_407, %get3A_408] {strides = array<i32>} : memref<8x128xi32, #tpu.memory_space<vmem>>, vector<16xi32>,
        %add3A_410 = vector.broadcast %mul3A_4 : i32 to vector<16xi32>
        %add3A_411 = arith.addi %get3A_409, %add3A_410 : vector<16xi32>
        %swap3A_412 = arith.constant 4 : i32
        %swap3A_413 = arith.index_cast %swap3A_412 : i32 to index
        %swap3A_414 = arith.constant 64 : index
        %swap3A_415 = tpu.vector_load %arg8[%swap3A_413, %swap3A_414] {strides = array<i32>} : memref<8x128xi32, #tpu.memory_space<vmem>>, vector<16xi32>,
        tpu.vector_store %arg8[%swap3A_413, %swap3A_414], %add3A_411 {strides = array<i32>} : memref<8x128xi32, #tpu.memory_space<vmem>>, vector<16xi32>,
        %get3A_416 = arith.constant 4 : i32
        %get3A_417 = arith.index_cast %get3A_416 : i32 to index
        %get3A_418 = arith.constant 80 : index
        %get3A_419 = tpu.vector_load %arg8[%get3A_417, %get3A_418] {strides = array<i32>} : memref<8x128xi32, #tpu.memory_space<vmem>>, vector<16xi32>,
        %add3A_420 = vector.broadcast %mul3A_4 : i32 to vector<16xi32>
        %add3A_421 = arith.addi %get3A_419, %add3A_420 : vector<16xi32>
        %swap3A_422 = arith.constant 4 : i32
        %swap3A_423 = arith.index_cast %swap3A_422 : i32 to index
        %swap3A_424 = arith.constant 80 : index
        %swap3A_425 = tpu.vector_load %arg8[%swap3A_423, %swap3A_424] {strides = array<i32>} : memref<8x128xi32, #tpu.memory_space<vmem>>, vector<16xi32>,
        tpu.vector_store %arg8[%swap3A_423, %swap3A_424], %add3A_421 {strides = array<i32>} : memref<8x128xi32, #tpu.memory_space<vmem>>, vector<16xi32>,
        %get3A_426 = arith.constant 4 : i32
        %get3A_427 = arith.index_cast %get3A_426 : i32 to index
        %get3A_428 = arith.constant 96 : index
        %get3A_429 = tpu.vector_load %arg8[%get3A_427, %get3A_428] {strides = array<i32>} : memref<8x128xi32, #tpu.memory_space<vmem>>, vector<16xi32>,
        %add3A_430 = vector.broadcast %mul3A_4 : i32 to vector<16xi32>
        %add3A_431 = arith.addi %get3A_429, %add3A_430 : vector<16xi32>
        %swap3A_432 = arith.constant 4 : i32
        %swap3A_433 = arith.index_cast %swap3A_432 : i32 to index
        %swap3A_434 = arith.constant 96 : index
        %swap3A_435 = tpu.vector_load %arg8[%swap3A_433, %swap3A_434] {strides = array<i32>} : memref<8x128xi32, #tpu.memory_space<vmem>>, vector<16xi32>,
        tpu.vector_store %arg8[%swap3A_433, %swap3A_434], %add3A_431 {strides = array<i32>} : memref<8x128xi32, #tpu.memory_space<vmem>>, vector<16xi32>,
        %get3A_436 = arith.constant 4 : i32
        %get3A_437 = arith.index_cast %get3A_436 : i32 to index
        %get3A_438 = arith.constant 112 : index
        %get3A_439 = tpu.vector_load %arg8[%get3A_437, %get3A_438] {strides = array<i32>} : memref<8x128xi32, #tpu.memory_space<vmem>>, vector<16xi32>,
        %add3A_440 = vector.broadcast %mul3A_4 : i32 to vector<16xi32>
        %add3A_441 = arith.addi %get3A_439, %add3A_440 : vector<16xi32>
        %swap3A_442 = arith.constant 4 : i32
        %swap3A_443 = arith.index_cast %swap3A_442 : i32 to index
        %swap3A_444 = arith.constant 112 : index
        %swap3A_445 = tpu.vector_load %arg8[%swap3A_443, %swap3A_444] {strides = array<i32>} : memref<8x128xi32, #tpu.memory_space<vmem>>, vector<16xi32>,
        tpu.vector_store %arg8[%swap3A_443, %swap3A_444], %add3A_441 {strides = array<i32>} : memref<8x128xi32, #tpu.memory_space<vmem>>, vector<16xi32>,
        %get3A_446 = arith.constant 5 : i32
        %get3A_447 = arith.index_cast %get3A_446 : i32 to index
        %get3A_448 = arith.constant 0 : index
        %get3A_449 = tpu.vector_load %arg8[%get3A_447, %get3A_448] {strides = array<i32>} : memref<8x128xi32, #tpu.memory_space<vmem>>, vector<16xi32>,
        %add3A_450 = vector.broadcast %mul3A_4 : i32 to vector<16xi32>
        %add3A_451 = arith.addi %get3A_449, %add3A_450 : vector<16xi32>
        %swap3A_452 = arith.constant 5 : i32
        %swap3A_453 = arith.index_cast %swap3A_452 : i32 to index
        %swap3A_454 = arith.constant 0 : index
        %swap3A_455 = tpu.vector_load %arg8[%swap3A_453, %swap3A_454] {strides = array<i32>} : memref<8x128xi32, #tpu.memory_space<vmem>>, vector<16xi32>,
        tpu.vector_store %arg8[%swap3A_453, %swap3A_454], %add3A_451 {strides = array<i32>} : memref<8x128xi32, #tpu.memory_space<vmem>>, vector<16xi32>,
        %get3A_456 = arith.constant 5 : i32
        %get3A_457 = arith.index_cast %get3A_456 : i32 to index
        %get3A_458 = arith.constant 16 : index
        %get3A_459 = tpu.vector_load %arg8[%get3A_457, %get3A_458] {strides = array<i32>} : memref<8x128xi32, #tpu.memory_space<vmem>>, vector<16xi32>,
        %add3A_460 = vector.broadcast %mul3A_4 : i32 to vector<16xi32>
        %add3A_461 = arith.addi %get3A_459, %add3A_460 : vector<16xi32>
        %swap3A_462 = arith.constant 5 : i32
        %swap3A_463 = arith.index_cast %swap3A_462 : i32 to index
        %swap3A_464 = arith.constant 16 : index
        %swap3A_465 = tpu.vector_load %arg8[%swap3A_463, %swap3A_464] {strides = array<i32>} : memref<8x128xi32, #tpu.memory_space<vmem>>, vector<16xi32>,
        tpu.vector_store %arg8[%swap3A_463, %swap3A_464], %add3A_461 {strides = array<i32>} : memref<8x128xi32, #tpu.memory_space<vmem>>, vector<16xi32>,
        %get3A_466 = arith.constant 5 : i32
        %get3A_467 = arith.index_cast %get3A_466 : i32 to index
        %get3A_468 = arith.constant 32 : index
        %get3A_469 = tpu.vector_load %arg8[%get3A_467, %get3A_468] {strides = array<i32>} : memref<8x128xi32, #tpu.memory_space<vmem>>, vector<16xi32>,
        %add3A_470 = vector.broadcast %mul3A_4 : i32 to vector<16xi32>
        %add3A_471 = arith.addi %get3A_469, %add3A_470 : vector<16xi32>
        %swap3A_472 = arith.constant 5 : i32
        %swap3A_473 = arith.index_cast %swap3A_472 : i32 to index
        %swap3A_474 = arith.constant 32 : index
        %swap3A_475 = tpu.vector_load %arg8[%swap3A_473, %swap3A_474] {strides = array<i32>} : memref<8x128xi32, #tpu.memory_space<vmem>>, vector<16xi32>,
        tpu.vector_store %arg8[%swap3A_473, %swap3A_474], %add3A_471 {strides = array<i32>} : memref<8x128xi32, #tpu.memory_space<vmem>>, vector<16xi32>,
        %get3A_476 = arith.constant 5 : i32
        %get3A_477 = arith.index_cast %get3A_476 : i32 to index
        %get3A_478 = arith.constant 48 : index
        %get3A_479 = tpu.vector_load %arg8[%get3A_477, %get3A_478] {strides = array<i32>} : memref<8x128xi32, #tpu.memory_space<vmem>>, vector<16xi32>,
        %add3A_480 = vector.broadcast %mul3A_4 : i32 to vector<16xi32>
        %add3A_481 = arith.addi %get3A_479, %add3A_480 : vector<16xi32>
        %swap3A_482 = arith.constant 5 : i32
        %swap3A_483 = arith.index_cast %swap3A_482 : i32 to index
        %swap3A_484 = arith.constant 48 : index
        %swap3A_485 = tpu.vector_load %arg8[%swap3A_483, %swap3A_484] {strides = array<i32>} : memref<8x128xi32, #tpu.memory_space<vmem>>, vector<16xi32>,
        tpu.vector_store %arg8[%swap3A_483, %swap3A_484], %add3A_481 {strides = array<i32>} : memref<8x128xi32, #tpu.memory_space<vmem>>, vector<16xi32>,
        %get3A_486 = arith.constant 5 : i32
        %get3A_487 = arith.index_cast %get3A_486 : i32 to index
        %get3A_488 = arith.constant 64 : index
        %get3A_489 = tpu.vector_load %arg8[%get3A_487, %get3A_488] {strides = array<i32>} : memref<8x128xi32, #tpu.memory_space<vmem>>, vector<16xi32>,
        %add3A_490 = vector.broadcast %mul3A_4 : i32 to vector<16xi32>
        %add3A_491 = arith.addi %get3A_489, %add3A_490 : vector<16xi32>
        %swap3A_492 = arith.constant 5 : i32
        %swap3A_493 = arith.index_cast %swap3A_492 : i32 to index
        %swap3A_494 = arith.constant 64 : index
        %swap3A_495 = tpu.vector_load %arg8[%swap3A_493, %swap3A_494] {strides = array<i32>} : memref<8x128xi32, #tpu.memory_space<vmem>>, vector<16xi32>,
        tpu.vector_store %arg8[%swap3A_493, %swap3A_494], %add3A_491 {strides = array<i32>} : memref<8x128xi32, #tpu.memory_space<vmem>>, vector<16xi32>,
        %get3A_496 = arith.constant 5 : i32
        %get3A_497 = arith.index_cast %get3A_496 : i32 to index
        %get3A_498 = arith.constant 80 : index
        %get3A_499 = tpu.vector_load %arg8[%get3A_497, %get3A_498] {strides = array<i32>} : memref<8x128xi32, #tpu.memory_space<vmem>>, vector<16xi32>,
        %add3A_500 = vector.broadcast %mul3A_4 : i32 to vector<16xi32>
        %add3A_501 = arith.addi %get3A_499, %add3A_500 : vector<16xi32>
        %swap3A_502 = arith.constant 5 : i32
        %swap3A_503 = arith.index_cast %swap3A_502 : i32 to index
        %swap3A_504 = arith.constant 80 : index
        %swap3A_505 = tpu.vector_load %arg8[%swap3A_503, %swap3A_504] {strides = array<i32>} : memref<8x128xi32, #tpu.memory_space<vmem>>, vector<16xi32>,
        tpu.vector_store %arg8[%swap3A_503, %swap3A_504], %add3A_501 {strides = array<i32>} : memref<8x128xi32, #tpu.memory_space<vmem>>, vector<16xi32>,
        %get3A_506 = arith.constant 5 : i32
        %get3A_507 = arith.index_cast %get3A_506 : i32 to index
        %get3A_508 = arith.constant 96 : index
        %get3A_509 = tpu.vector_load %arg8[%get3A_507, %get3A_508] {strides = array<i32>} : memref<8x128xi32, #tpu.memory_space<vmem>>, vector<16xi32>,
        %add3A_510 = vector.broadcast %mul3A_4 : i32 to vector<16xi32>
        %add3A_511 = arith.addi %get3A_509, %add3A_510 : vector<16xi32>
        %swap3A_512 = arith.constant 5 : i32
        %swap3A_513 = arith.index_cast %swap3A_512 : i32 to index
        %swap3A_514 = arith.constant 96 : index
        %swap3A_515 = tpu.vector_load %arg8[%swap3A_513, %swap3A_514] {strides = array<i32>} : memref<8x128xi32, #tpu.memory_space<vmem>>, vector<16xi32>,
        tpu.vector_store %arg8[%swap3A_513, %swap3A_514], %add3A_511 {strides = array<i32>} : memref<8x128xi32, #tpu.memory_space<vmem>>, vector<16xi32>,
        %get3A_516 = arith.constant 5 : i32
        %get3A_517 = arith.index_cast %get3A_516 : i32 to index
        %get3A_518 = arith.constant 112 : index
        %get3A_519 = tpu.vector_load %arg8[%get3A_517, %get3A_518] {strides = array<i32>} : memref<8x128xi32, #tpu.memory_space<vmem>>, vector<16xi32>,
        %add3A_520 = vector.broadcast %mul3A_4 : i32 to vector<16xi32>
        %add3A_521 = arith.addi %get3A_519, %add3A_520 : vector<16xi32>
        %swap3A_522 = arith.constant 5 : i32
        %swap3A_523 = arith.index_cast %swap3A_522 : i32 to index
        %swap3A_524 = arith.constant 112 : index
        %swap3A_525 = tpu.vector_load %arg8[%swap3A_523, %swap3A_524] {strides = array<i32>} : memref<8x128xi32, #tpu.memory_space<vmem>>, vector<16xi32>,
        tpu.vector_store %arg8[%swap3A_523, %swap3A_524], %add3A_521 {strides = array<i32>} : memref<8x128xi32, #tpu.memory_space<vmem>>, vector<16xi32>,
        %get3A_526 = arith.constant 6 : i32
        %get3A_527 = arith.index_cast %get3A_526 : i32 to index
        %get3A_528 = arith.constant 0 : index
        %get3A_529 = tpu.vector_load %arg8[%get3A_527, %get3A_528] {strides = array<i32>} : memref<8x128xi32, #tpu.memory_space<vmem>>, vector<16xi32>,
        %add3A_530 = vector.broadcast %mul3A_4 : i32 to vector<16xi32>
        %add3A_531 = arith.addi %get3A_529, %add3A_530 : vector<16xi32>
        %swap3A_532 = arith.constant 6 : i32
        %swap3A_533 = arith.index_cast %swap3A_532 : i32 to index
        %swap3A_534 = arith.constant 0 : index
        %swap3A_535 = tpu.vector_load %arg8[%swap3A_533, %swap3A_534] {strides = array<i32>} : memref<8x128xi32, #tpu.memory_space<vmem>>, vector<16xi32>,
        tpu.vector_store %arg8[%swap3A_533, %swap3A_534], %add3A_531 {strides = array<i32>} : memref<8x128xi32, #tpu.memory_space<vmem>>, vector<16xi32>,
        %get3A_536 = arith.constant 6 : i32
        %get3A_537 = arith.index_cast %get3A_536 : i32 to index
        %get3A_538 = arith.constant 16 : index
        %get3A_539 = tpu.vector_load %arg8[%get3A_537, %get3A_538] {strides = array<i32>} : memref<8x128xi32, #tpu.memory_space<vmem>>, vector<16xi32>,
        %add3A_540 = vector.broadcast %mul3A_4 : i32 to vector<16xi32>
        %add3A_541 = arith.addi %get3A_539, %add3A_540 : vector<16xi32>
        %swap3A_542 = arith.constant 6 : i32
        %swap3A_543 = arith.index_cast %swap3A_542 : i32 to index
        %swap3A_544 = arith.constant 16 : index
        %swap3A_545 = tpu.vector_load %arg8[%swap3A_543, %swap3A_544] {strides = array<i32>} : memref<8x128xi32, #tpu.memory_space<vmem>>, vector<16xi32>,
        tpu.vector_store %arg8[%swap3A_543, %swap3A_544], %add3A_541 {strides = array<i32>} : memref<8x128xi32, #tpu.memory_space<vmem>>, vector<16xi32>,
        %get3A_546 = arith.constant 6 : i32
        %get3A_547 = arith.index_cast %get3A_546 : i32 to index
        %get3A_548 = arith.constant 32 : index
        %get3A_549 = tpu.vector_load %arg8[%get3A_547, %get3A_548] {strides = array<i32>} : memref<8x128xi32, #tpu.memory_space<vmem>>, vector<16xi32>,
        %add3A_550 = vector.broadcast %mul3A_4 : i32 to vector<16xi32>
        %add3A_551 = arith.addi %get3A_549, %add3A_550 : vector<16xi32>
        %swap3A_552 = arith.constant 6 : i32
        %swap3A_553 = arith.index_cast %swap3A_552 : i32 to index
        %swap3A_554 = arith.constant 32 : index
        %swap3A_555 = tpu.vector_load %arg8[%swap3A_553, %swap3A_554] {strides = array<i32>} : memref<8x128xi32, #tpu.memory_space<vmem>>, vector<16xi32>,
        tpu.vector_store %arg8[%swap3A_553, %swap3A_554], %add3A_551 {strides = array<i32>} : memref<8x128xi32, #tpu.memory_space<vmem>>, vector<16xi32>,
        %get3A_556 = arith.constant 6 : i32
        %get3A_557 = arith.index_cast %get3A_556 : i32 to index
        %get3A_558 = arith.constant 48 : index
        %get3A_559 = tpu.vector_load %arg8[%get3A_557, %get3A_558] {strides = array<i32>} : memref<8x128xi32, #tpu.memory_space<vmem>>, vector<16xi32>,
        %add3A_560 = vector.broadcast %mul3A_4 : i32 to vector<16xi32>
        %add3A_561 = arith.addi %get3A_559, %add3A_560 : vector<16xi32>
        %swap3A_562 = arith.constant 6 : i32
        %swap3A_563 = arith.index_cast %swap3A_562 : i32 to index
        %swap3A_564 = arith.constant 48 : index
        %swap3A_565 = tpu.vector_load %arg8[%swap3A_563, %swap3A_564] {strides = array<i32>} : memref<8x128xi32, #tpu.memory_space<vmem>>, vector<16xi32>,
        tpu.vector_store %arg8[%swap3A_563, %swap3A_564], %add3A_561 {strides = array<i32>} : memref<8x128xi32, #tpu.memory_space<vmem>>, vector<16xi32>,
        %get3A_566 = arith.constant 6 : i32
        %get3A_567 = arith.index_cast %get3A_566 : i32 to index
        %get3A_568 = arith.constant 64 : index
        %get3A_569 = tpu.vector_load %arg8[%get3A_567, %get3A_568] {strides = array<i32>} : memref<8x128xi32, #tpu.memory_space<vmem>>, vector<16xi32>,
        %add3A_570 = vector.broadcast %mul3A_4 : i32 to vector<16xi32>
        %add3A_571 = arith.addi %get3A_569, %add3A_570 : vector<16xi32>
        %swap3A_572 = arith.constant 6 : i32
        %swap3A_573 = arith.index_cast %swap3A_572 : i32 to index
        %swap3A_574 = arith.constant 64 : index
        %swap3A_575 = tpu.vector_load %arg8[%swap3A_573, %swap3A_574] {strides = array<i32>} : memref<8x128xi32, #tpu.memory_space<vmem>>, vector<16xi32>,
        tpu.vector_store %arg8[%swap3A_573, %swap3A_574], %add3A_571 {strides = array<i32>} : memref<8x128xi32, #tpu.memory_space<vmem>>, vector<16xi32>,
        %get3A_576 = arith.constant 6 : i32
        %get3A_577 = arith.index_cast %get3A_576 : i32 to index
        %get3A_578 = arith.constant 80 : index
        %get3A_579 = tpu.vector_load %arg8[%get3A_577, %get3A_578] {strides = array<i32>} : memref<8x128xi32, #tpu.memory_space<vmem>>, vector<16xi32>,
        %add3A_580 = vector.broadcast %mul3A_4 : i32 to vector<16xi32>
        %add3A_581 = arith.addi %get3A_579, %add3A_580 : vector<16xi32>
        %swap3A_582 = arith.constant 6 : i32
        %swap3A_583 = arith.index_cast %swap3A_582 : i32 to index
        %swap3A_584 = arith.constant 80 : index
        %swap3A_585 = tpu.vector_load %arg8[%swap3A_583, %swap3A_584] {strides = array<i32>} : memref<8x128xi32, #tpu.memory_space<vmem>>, vector<16xi32>,
        tpu.vector_store %arg8[%swap3A_583, %swap3A_584], %add3A_581 {strides = array<i32>} : memref<8x128xi32, #tpu.memory_space<vmem>>, vector<16xi32>,
        %get3A_586 = arith.constant 6 : i32
        %get3A_587 = arith.index_cast %get3A_586 : i32 to index
        %get3A_588 = arith.constant 96 : index
        %get3A_589 = tpu.vector_load %arg8[%get3A_587, %get3A_588] {strides = array<i32>} : memref<8x128xi32, #tpu.memory_space<vmem>>, vector<16xi32>,
        %add3A_590 = vector.broadcast %mul3A_4 : i32 to vector<16xi32>
        %add3A_591 = arith.addi %get3A_589, %add3A_590 : vector<16xi32>
        %swap3A_592 = arith.constant 6 : i32
        %swap3A_593 = arith.index_cast %swap3A_592 : i32 to index
        %swap3A_594 = arith.constant 96 : index
        %swap3A_595 = tpu.vector_load %arg8[%swap3A_593, %swap3A_594] {strides = array<i32>} : memref<8x128xi32, #tpu.memory_space<vmem>>, vector<16xi32>,
        tpu.vector_store %arg8[%swap3A_593, %swap3A_594], %add3A_591 {strides = array<i32>} : memref<8x128xi32, #tpu.memory_space<vmem>>, vector<16xi32>,
        %get3A_596 = arith.constant 6 : i32
        %get3A_597 = arith.index_cast %get3A_596 : i32 to index
        %get3A_598 = arith.constant 112 : index
        %get3A_599 = tpu.vector_load %arg8[%get3A_597, %get3A_598] {strides = array<i32>} : memref<8x128xi32, #tpu.memory_space<vmem>>, vector<16xi32>,
        %add3A_600 = vector.broadcast %mul3A_4 : i32 to vector<16xi32>
        %add3A_601 = arith.addi %get3A_599, %add3A_600 : vector<16xi32>
        %swap3A_602 = arith.constant 6 : i32
        %swap3A_603 = arith.index_cast %swap3A_602 : i32 to index
        %swap3A_604 = arith.constant 112 : index
        %swap3A_605 = tpu.vector_load %arg8[%swap3A_603, %swap3A_604] {strides = array<i32>} : memref<8x128xi32, #tpu.memory_space<vmem>>, vector<16xi32>,
        tpu.vector_store %arg8[%swap3A_603, %swap3A_604], %add3A_601 {strides = array<i32>} : memref<8x128xi32, #tpu.memory_space<vmem>>, vector<16xi32>,
        %get3A_606 = arith.constant 7 : i32
        %get3A_607 = arith.index_cast %get3A_606 : i32 to index
        %get3A_608 = arith.constant 0 : index
        %get3A_609 = tpu.vector_load %arg8[%get3A_607, %get3A_608] {strides = array<i32>} : memref<8x128xi32, #tpu.memory_space<vmem>>, vector<16xi32>,
        %add3A_610 = vector.broadcast %mul3A_4 : i32 to vector<16xi32>
        %add3A_611 = arith.addi %get3A_609, %add3A_610 : vector<16xi32>
        %swap3A_612 = arith.constant 7 : i32
        %swap3A_613 = arith.index_cast %swap3A_612 : i32 to index
        %swap3A_614 = arith.constant 0 : index
        %swap3A_615 = tpu.vector_load %arg8[%swap3A_613, %swap3A_614] {strides = array<i32>} : memref<8x128xi32, #tpu.memory_space<vmem>>, vector<16xi32>,
        tpu.vector_store %arg8[%swap3A_613, %swap3A_614], %add3A_611 {strides = array<i32>} : memref<8x128xi32, #tpu.memory_space<vmem>>, vector<16xi32>,
        %get3A_616 = arith.constant 7 : i32
        %get3A_617 = arith.index_cast %get3A_616 : i32 to index
        %get3A_618 = arith.constant 16 : index
        %get3A_619 = tpu.vector_load %arg8[%get3A_617, %get3A_618] {strides = array<i32>} : memref<8x128xi32, #tpu.memory_space<vmem>>, vector<16xi32>,
        %add3A_620 = vector.broadcast %mul3A_4 : i32 to vector<16xi32>
        %add3A_621 = arith.addi %get3A_619, %add3A_620 : vector<16xi32>
        %swap3A_622 = arith.constant 7 : i32
        %swap3A_623 = arith.index_cast %swap3A_622 : i32 to index
        %swap3A_624 = arith.constant 16 : index
        %swap3A_625 = tpu.vector_load %arg8[%swap3A_623, %swap3A_624] {strides = array<i32>} : memref<8x128xi32, #tpu.memory_space<vmem>>, vector<16xi32>,
        tpu.vector_store %arg8[%swap3A_623, %swap3A_624], %add3A_621 {strides = array<i32>} : memref<8x128xi32, #tpu.memory_space<vmem>>, vector<16xi32>,
        %get3A_626 = arith.constant 7 : i32
        %get3A_627 = arith.index_cast %get3A_626 : i32 to index
        %get3A_628 = arith.constant 32 : index
        %get3A_629 = tpu.vector_load %arg8[%get3A_627, %get3A_628] {strides = array<i32>} : memref<8x128xi32, #tpu.memory_space<vmem>>, vector<16xi32>,
        %add3A_630 = vector.broadcast %mul3A_4 : i32 to vector<16xi32>
        %add3A_631 = arith.addi %get3A_629, %add3A_630 : vector<16xi32>
        %swap3A_632 = arith.constant 7 : i32
        %swap3A_633 = arith.index_cast %swap3A_632 : i32 to index
        %swap3A_634 = arith.constant 32 : index
        %swap3A_635 = tpu.vector_load %arg8[%swap3A_633, %swap3A_634] {strides = array<i32>} : memref<8x128xi32, #tpu.memory_space<vmem>>, vector<16xi32>,
        tpu.vector_store %arg8[%swap3A_633, %swap3A_634], %add3A_631 {strides = array<i32>} : memref<8x128xi32, #tpu.memory_space<vmem>>, vector<16xi32>,
        %get3A_636 = arith.constant 7 : i32
        %get3A_637 = arith.index_cast %get3A_636 : i32 to index
        %get3A_638 = arith.constant 48 : index
        %get3A_639 = tpu.vector_load %arg8[%get3A_637, %get3A_638] {strides = array<i32>} : memref<8x128xi32, #tpu.memory_space<vmem>>, vector<16xi32>,
        %add3A_640 = vector.broadcast %mul3A_4 : i32 to vector<16xi32>
        %add3A_641 = arith.addi %get3A_639, %add3A_640 : vector<16xi32>
        %swap3A_642 = arith.constant 7 : i32
        %swap3A_643 = arith.index_cast %swap3A_642 : i32 to index
        %swap3A_644 = arith.constant 48 : index
        %swap3A_645 = tpu.vector_load %arg8[%swap3A_643, %swap3A_644] {strides = array<i32>} : memref<8x128xi32, #tpu.memory_space<vmem>>, vector<16xi32>,
        tpu.vector_store %arg8[%swap3A_643, %swap3A_644], %add3A_641 {strides = array<i32>} : memref<8x128xi32, #tpu.memory_space<vmem>>, vector<16xi32>,
        %get3A_646 = arith.constant 7 : i32
        %get3A_647 = arith.index_cast %get3A_646 : i32 to index
        %get3A_648 = arith.constant 64 : index
        %get3A_649 = tpu.vector_load %arg8[%get3A_647, %get3A_648] {strides = array<i32>} : memref<8x128xi32, #tpu.memory_space<vmem>>, vector<16xi32>,
        %add3A_650 = vector.broadcast %mul3A_4 : i32 to vector<16xi32>
        %add3A_651 = arith.addi %get3A_649, %add3A_650 : vector<16xi32>
        %swap3A_652 = arith.constant 7 : i32
        %swap3A_653 = arith.index_cast %swap3A_652 : i32 to index
        %swap3A_654 = arith.constant 64 : index
        %swap3A_655 = tpu.vector_load %arg8[%swap3A_653, %swap3A_654] {strides = array<i32>} : memref<8x128xi32, #tpu.memory_space<vmem>>, vector<16xi32>,
        tpu.vector_store %arg8[%swap3A_653, %swap3A_654], %add3A_651 {strides = array<i32>} : memref<8x128xi32, #tpu.memory_space<vmem>>, vector<16xi32>,
        %get3A_656 = arith.constant 7 : i32
        %get3A_657 = arith.index_cast %get3A_656 : i32 to index
        %get3A_658 = arith.constant 80 : index
        %get3A_659 = tpu.vector_load %arg8[%get3A_657, %get3A_658] {strides = array<i32>} : memref<8x128xi32, #tpu.memory_space<vmem>>, vector<16xi32>,
        %add3A_660 = vector.broadcast %mul3A_4 : i32 to vector<16xi32>
        %add3A_661 = arith.addi %get3A_659, %add3A_660 : vector<16xi32>
        %swap3A_662 = arith.constant 7 : i32
        %swap3A_663 = arith.index_cast %swap3A_662 : i32 to index
        %swap3A_664 = arith.constant 80 : index
        %swap3A_665 = tpu.vector_load %arg8[%swap3A_663, %swap3A_664] {strides = array<i32>} : memref<8x128xi32, #tpu.memory_space<vmem>>, vector<16xi32>,
        tpu.vector_store %arg8[%swap3A_663, %swap3A_664], %add3A_661 {strides = array<i32>} : memref<8x128xi32, #tpu.memory_space<vmem>>, vector<16xi32>,
        %get3A_666 = arith.constant 7 : i32
        %get3A_667 = arith.index_cast %get3A_666 : i32 to index
        %get3A_668 = arith.constant 96 : index
        %get3A_669 = tpu.vector_load %arg8[%get3A_667, %get3A_668] {strides = array<i32>} : memref<8x128xi32, #tpu.memory_space<vmem>>, vector<16xi32>,
        %add3A_670 = vector.broadcast %mul3A_4 : i32 to vector<16xi32>
        %add3A_671 = arith.addi %get3A_669, %add3A_670 : vector<16xi32>
        %swap3A_672 = arith.constant 7 : i32
        %swap3A_673 = arith.index_cast %swap3A_672 : i32 to index
        %swap3A_674 = arith.constant 96 : index
        %swap3A_675 = tpu.vector_load %arg8[%swap3A_673, %swap3A_674] {strides = array<i32>} : memref<8x128xi32, #tpu.memory_space<vmem>>, vector<16xi32>,
        tpu.vector_store %arg8[%swap3A_673, %swap3A_674], %add3A_671 {strides = array<i32>} : memref<8x128xi32, #tpu.memory_space<vmem>>, vector<16xi32>,
        %get3A_676 = arith.constant 7 : i32
        %get3A_677 = arith.index_cast %get3A_676 : i32 to index
        %get3A_678 = arith.constant 112 : index
        %get3A_679 = tpu.vector_load %arg8[%get3A_677, %get3A_678] {strides = array<i32>} : memref<8x128xi32, #tpu.memory_space<vmem>>, vector<16xi32>,
        %add3A_680 = vector.broadcast %mul3A_4 : i32 to vector<16xi32>
        %add3A_681 = arith.addi %get3A_679, %add3A_680 : vector<16xi32>
        %swap3A_682 = arith.constant 7 : i32
        %swap3A_683 = arith.index_cast %swap3A_682 : i32 to index
        %swap3A_684 = arith.constant 112 : index
        %swap3A_685 = tpu.vector_load %arg8[%swap3A_683, %swap3A_684] {strides = array<i32>} : memref<8x128xi32, #tpu.memory_space<vmem>>, vector<16xi32>,
        tpu.vector_store %arg8[%swap3A_683, %swap3A_684], %add3A_681 {strides = array<i32>} : memref<8x128xi32, #tpu.memory_space<vmem>>, vector<16xi32>,
        %dma_start3A_686 = arith.constant 0 : i32
        %dma_start3A_687 = arith.constant 0 : i32
        %dma_start3A_688 = arith.constant 0 : i32
        %dma_start3A_689 = arith.constant 0 : i32
        %dma_start3A_690 = arith.constant 0 : i32
        %dma_start3A_691 = tpu.memref_slice %arg11[%dma_start3A_687, %dma_start3A_689, %dma_start3A_690] : memref<8x128x64xf32, #tpu.memory_space<vmem>> -> memref<1x128x64xf32, #tpu.memory_space<vmem>>
        %dma_start3A_692 = tpu.memref_squeeze %dma_start3A_691 : memref<1x128x64xf32, #tpu.memory_space<vmem>> -> memref<128x64xf32, #tpu.memory_space<vmem>>
        %dma_start3A_693 = arith.constant 0 : i32
        %dma_start3A_694 = tpu.memref_slice %arg8[%dma_start3A_686, %dma_start3A_693] : memref<8x128xi32, #tpu.memory_space<vmem>> -> memref<1x128xi32, #tpu.memory_space<vmem>>
        %dma_start3A_695 = tpu.memref_squeeze %dma_start3A_694 : memref<1x128xi32, #tpu.memory_space<vmem>> -> memref<128xi32, #tpu.memory_space<vmem>>
        %dma_start3A_696 = arith.constant 0 : i32
        %dma_start3A_697 = arith.constant 0 : i32
        %dma_start3A_698 = tpu.memref_slice %arg2[%dma_start3A_696, %dma_start3A_697] : memref<20000x64xf32, #tpu.memory_space<hbm>> -> memref<20000x64xf32, #tpu.memory_space<hbm>>
        %dma_start3A_699 = tpu.memref_slice %arg13[%dma_start3A_688] : memref<11x!tpu.dma_semaphore, #tpu.memory_space<semaphore_mem>> -> memref<1x!tpu.dma_semaphore, #tpu.memory_space<semaphore_mem>>
        %dma_start3A_700 = tpu.memref_squeeze %dma_start3A_699 : memref<1x!tpu.dma_semaphore, #tpu.memory_space<semaphore_mem>> -> memref<!tpu.dma_semaphore, #tpu.memory_space<semaphore_mem>>
        tpu.enqueue_indirect_dma source(%dma_start3A_698 : memref<20000x64xf32, #tpu.memory_space<hbm>>) target(%dma_start3A_692 : memref<128x64xf32, #tpu.memory_space<vmem>>) offsets(%dma_start3A_695 : memref<128xi32, #tpu.memory_space<vmem>>) semaphore(%dma_start3A_700 : memref<!tpu.dma_semaphore, #tpu.memory_space<semaphore_mem>>)
        %dma_start3A_701 = arith.constant 1 : i32
        %dma_start3A_702 = arith.constant 1 : i32
        %dma_start3A_703 = arith.constant 1 : i32
        %dma_start3A_704 = arith.constant 0 : i32
        %dma_start3A_705 = arith.constant 0 : i32
        %dma_start3A_706 = tpu.memref_slice %arg11[%dma_start3A_702, %dma_start3A_704, %dma_start3A_705] : memref<8x128x64xf32, #tpu.memory_space<vmem>> -> memref<1x128x64xf32, #tpu.memory_space<vmem>>
        %dma_start3A_707 = tpu.memref_squeeze %dma_start3A_706 : memref<1x128x64xf32, #tpu.memory_space<vmem>> -> memref<128x64xf32, #tpu.memory_space<vmem>>
        %dma_start3A_708 = arith.constant 0 : i32
        %dma_start3A_709 = tpu.memref_slice %arg8[%dma_start3A_701, %dma_start3A_708] : memref<8x128xi32, #tpu.memory_space<vmem>> -> memref<1x128xi32, #tpu.memory_space<vmem>>
        %dma_start3A_710 = tpu.memref_squeeze %dma_start3A_709 : memref<1x128xi32, #tpu.memory_space<vmem>> -> memref<128xi32, #tpu.memory_space<vmem>>
        %dma_start3A_711 = arith.constant 0 : i32
        %dma_start3A_712 = arith.constant 0 : i32
        %dma_start3A_713 = tpu.memref_slice %arg2[%dma_start3A_711, %dma_start3A_712] : memref<20000x64xf32, #tpu.memory_space<hbm>> -> memref<20000x64xf32, #tpu.memory_space<hbm>>
        %dma_start3A_714 = tpu.memref_slice %arg13[%dma_start3A_703] : memref<11x!tpu.dma_semaphore, #tpu.memory_space<semaphore_mem>> -> memref<1x!tpu.dma_semaphore, #tpu.memory_space<semaphore_mem>>
        %dma_start3A_715 = tpu.memref_squeeze %dma_start3A_714 : memref<1x!tpu.dma_semaphore, #tpu.memory_space<semaphore_mem>> -> memref<!tpu.dma_semaphore, #tpu.memory_space<semaphore_mem>>
        tpu.enqueue_indirect_dma source(%dma_start3A_713 : memref<20000x64xf32, #tpu.memory_space<hbm>>) target(%dma_start3A_707 : memref<128x64xf32, #tpu.memory_space<vmem>>) offsets(%dma_start3A_710 : memref<128xi32, #tpu.memory_space<vmem>>) semaphore(%dma_start3A_715 : memref<!tpu.dma_semaphore, #tpu.memory_space<semaphore_mem>>)
        %dma_start3A_716 = arith.constant 2 : i32
        %dma_start3A_717 = arith.constant 2 : i32
        %dma_start3A_718 = arith.constant 2 : i32
        %dma_start3A_719 = arith.constant 0 : i32
        %dma_start3A_720 = arith.constant 0 : i32
        %dma_start3A_721 = tpu.memref_slice %arg11[%dma_start3A_717, %dma_start3A_719, %dma_start3A_720] : memref<8x128x64xf32, #tpu.memory_space<vmem>> -> memref<1x128x64xf32, #tpu.memory_space<vmem>>
        %dma_start3A_722 = tpu.memref_squeeze %dma_start3A_721 : memref<1x128x64xf32, #tpu.memory_space<vmem>> -> memref<128x64xf32, #tpu.memory_space<vmem>>
        %dma_start3A_723 = arith.constant 0 : i32
        %dma_start3A_724 = tpu.memref_slice %arg8[%dma_start3A_716, %dma_start3A_723] : memref<8x128xi32, #tpu.memory_space<vmem>> -> memref<1x128xi32, #tpu.memory_space<vmem>>
        %dma_start3A_725 = tpu.memref_squeeze %dma_start3A_724 : memref<1x128xi32, #tpu.memory_space<vmem>> -> memref<128xi32, #tpu.memory_space<vmem>>
        %dma_start3A_726 = arith.constant 0 : i32
        %dma_start3A_727 = arith.constant 0 : i32
        %dma_start3A_728 = tpu.memref_slice %arg2[%dma_start3A_726, %dma_start3A_727] : memref<20000x64xf32, #tpu.memory_space<hbm>> -> memref<20000x64xf32, #tpu.memory_space<hbm>>
        %dma_start3A_729 = tpu.memref_slice %arg13[%dma_start3A_718] : memref<11x!tpu.dma_semaphore, #tpu.memory_space<semaphore_mem>> -> memref<1x!tpu.dma_semaphore, #tpu.memory_space<semaphore_mem>>
        %dma_start3A_730 = tpu.memref_squeeze %dma_start3A_729 : memref<1x!tpu.dma_semaphore, #tpu.memory_space<semaphore_mem>> -> memref<!tpu.dma_semaphore, #tpu.memory_space<semaphore_mem>>
        tpu.enqueue_indirect_dma source(%dma_start3A_728 : memref<20000x64xf32, #tpu.memory_space<hbm>>) target(%dma_start3A_722 : memref<128x64xf32, #tpu.memory_space<vmem>>) offsets(%dma_start3A_725 : memref<128xi32, #tpu.memory_space<vmem>>) semaphore(%dma_start3A_730 : memref<!tpu.dma_semaphore, #tpu.memory_space<semaphore_mem>>)
        %dma_start3A_731 = arith.constant 3 : i32
        %dma_start3A_732 = arith.constant 3 : i32
        %dma_start3A_733 = arith.constant 3 : i32
        %dma_start3A_734 = arith.constant 0 : i32
        %dma_start3A_735 = arith.constant 0 : i32
        %dma_start3A_736 = tpu.memref_slice %arg11[%dma_start3A_732, %dma_start3A_734, %dma_start3A_735] : memref<8x128x64xf32, #tpu.memory_space<vmem>> -> memref<1x128x64xf32, #tpu.memory_space<vmem>>
        %dma_start3A_737 = tpu.memref_squeeze %dma_start3A_736 : memref<1x128x64xf32, #tpu.memory_space<vmem>> -> memref<128x64xf32, #tpu.memory_space<vmem>>
        %dma_start3A_738 = arith.constant 0 : i32
        %dma_start3A_739 = tpu.memref_slice %arg8[%dma_start3A_731, %dma_start3A_738] : memref<8x128xi32, #tpu.memory_space<vmem>> -> memref<1x128xi32, #tpu.memory_space<vmem>>
        %dma_start3A_740 = tpu.memref_squeeze %dma_start3A_739 : memref<1x128xi32, #tpu.memory_space<vmem>> -> memref<128xi32, #tpu.memory_space<vmem>>
        %dma_start3A_741 = arith.constant 0 : i32
        %dma_start3A_742 = arith.constant 0 : i32
        %dma_start3A_743 = tpu.memref_slice %arg2[%dma_start3A_741, %dma_start3A_742] : memref<20000x64xf32, #tpu.memory_space<hbm>> -> memref<20000x64xf32, #tpu.memory_space<hbm>>
        %dma_start3A_744 = tpu.memref_slice %arg13[%dma_start3A_733] : memref<11x!tpu.dma_semaphore, #tpu.memory_space<semaphore_mem>> -> memref<1x!tpu.dma_semaphore, #tpu.memory_space<semaphore_mem>>
        %dma_start3A_745 = tpu.memref_squeeze %dma_start3A_744 : memref<1x!tpu.dma_semaphore, #tpu.memory_space<semaphore_mem>> -> memref<!tpu.dma_semaphore, #tpu.memory_space<semaphore_mem>>
        tpu.enqueue_indirect_dma source(%dma_start3A_743 : memref<20000x64xf32, #tpu.memory_space<hbm>>) target(%dma_start3A_737 : memref<128x64xf32, #tpu.memory_space<vmem>>) offsets(%dma_start3A_740 : memref<128xi32, #tpu.memory_space<vmem>>) semaphore(%dma_start3A_745 : memref<!tpu.dma_semaphore, #tpu.memory_space<semaphore_mem>>)
        %dma_start3A_746 = arith.constant 4 : i32
        %dma_start3A_747 = arith.constant 4 : i32
        %dma_start3A_748 = arith.constant 4 : i32
        %dma_start3A_749 = arith.constant 0 : i32
        %dma_start3A_750 = arith.constant 0 : i32
        %dma_start3A_751 = tpu.memref_slice %arg11[%dma_start3A_747, %dma_start3A_749, %dma_start3A_750] : memref<8x128x64xf32, #tpu.memory_space<vmem>> -> memref<1x128x64xf32, #tpu.memory_space<vmem>>
        %dma_start3A_752 = tpu.memref_squeeze %dma_start3A_751 : memref<1x128x64xf32, #tpu.memory_space<vmem>> -> memref<128x64xf32, #tpu.memory_space<vmem>>
        %dma_start3A_753 = arith.constant 0 : i32
        %dma_start3A_754 = tpu.memref_slice %arg8[%dma_start3A_746, %dma_start3A_753] : memref<8x128xi32, #tpu.memory_space<vmem>> -> memref<1x128xi32, #tpu.memory_space<vmem>>
        %dma_start3A_755 = tpu.memref_squeeze %dma_start3A_754 : memref<1x128xi32, #tpu.memory_space<vmem>> -> memref<128xi32, #tpu.memory_space<vmem>>
        %dma_start3A_756 = arith.constant 0 : i32
        %dma_start3A_757 = arith.constant 0 : i32
        %dma_start3A_758 = tpu.memref_slice %arg2[%dma_start3A_756, %dma_start3A_757] : memref<20000x64xf32, #tpu.memory_space<hbm>> -> memref<20000x64xf32, #tpu.memory_space<hbm>>
        %dma_start3A_759 = tpu.memref_slice %arg13[%dma_start3A_748] : memref<11x!tpu.dma_semaphore, #tpu.memory_space<semaphore_mem>> -> memref<1x!tpu.dma_semaphore, #tpu.memory_space<semaphore_mem>>
        %dma_start3A_760 = tpu.memref_squeeze %dma_start3A_759 : memref<1x!tpu.dma_semaphore, #tpu.memory_space<semaphore_mem>> -> memref<!tpu.dma_semaphore, #tpu.memory_space<semaphore_mem>>
        tpu.enqueue_indirect_dma source(%dma_start3A_758 : memref<20000x64xf32, #tpu.memory_space<hbm>>) target(%dma_start3A_752 : memref<128x64xf32, #tpu.memory_space<vmem>>) offsets(%dma_start3A_755 : memref<128xi32, #tpu.memory_space<vmem>>) semaphore(%dma_start3A_760 : memref<!tpu.dma_semaphore, #tpu.memory_space<semaphore_mem>>)
        %dma_start3A_761 = arith.constant 5 : i32
        %dma_start3A_762 = arith.constant 5 : i32
        %dma_start3A_763 = arith.constant 5 : i32
        %dma_start3A_764 = arith.constant 0 : i32
        %dma_start3A_765 = arith.constant 0 : i32
        %dma_start3A_766 = tpu.memref_slice %arg11[%dma_start3A_762, %dma_start3A_764, %dma_start3A_765] : memref<8x128x64xf32, #tpu.memory_space<vmem>> -> memref<1x128x64xf32, #tpu.memory_space<vmem>>
        %dma_start3A_767 = tpu.memref_squeeze %dma_start3A_766 : memref<1x128x64xf32, #tpu.memory_space<vmem>> -> memref<128x64xf32, #tpu.memory_space<vmem>>
        %dma_start3A_768 = arith.constant 0 : i32
        %dma_start3A_769 = tpu.memref_slice %arg8[%dma_start3A_761, %dma_start3A_768] : memref<8x128xi32, #tpu.memory_space<vmem>> -> memref<1x128xi32, #tpu.memory_space<vmem>>
        %dma_start3A_770 = tpu.memref_squeeze %dma_start3A_769 : memref<1x128xi32, #tpu.memory_space<vmem>> -> memref<128xi32, #tpu.memory_space<vmem>>
        %dma_start3A_771 = arith.constant 0 : i32
        %dma_start3A_772 = arith.constant 0 : i32
        %dma_start3A_773 = tpu.memref_slice %arg2[%dma_start3A_771, %dma_start3A_772] : memref<20000x64xf32, #tpu.memory_space<hbm>> -> memref<20000x64xf32, #tpu.memory_space<hbm>>
        %dma_start3A_774 = tpu.memref_slice %arg13[%dma_start3A_763] : memref<11x!tpu.dma_semaphore, #tpu.memory_space<semaphore_mem>> -> memref<1x!tpu.dma_semaphore, #tpu.memory_space<semaphore_mem>>
        %dma_start3A_775 = tpu.memref_squeeze %dma_start3A_774 : memref<1x!tpu.dma_semaphore, #tpu.memory_space<semaphore_mem>> -> memref<!tpu.dma_semaphore, #tpu.memory_space<semaphore_mem>>
        tpu.enqueue_indirect_dma source(%dma_start3A_773 : memref<20000x64xf32, #tpu.memory_space<hbm>>) target(%dma_start3A_767 : memref<128x64xf32, #tpu.memory_space<vmem>>) offsets(%dma_start3A_770 : memref<128xi32, #tpu.memory_space<vmem>>) semaphore(%dma_start3A_775 : memref<!tpu.dma_semaphore, #tpu.memory_space<semaphore_mem>>)
        %dma_start3A_776 = arith.constant 6 : i32
        %dma_start3A_777 = arith.constant 6 : i32
        %dma_start3A_778 = arith.constant 6 : i32
        %dma_start3A_779 = arith.constant 0 : i32
        %dma_start3A_780 = arith.constant 0 : i32
        %dma_start3A_781 = tpu.memref_slice %arg11[%dma_start3A_777, %dma_start3A_779, %dma_start3A_780] : memref<8x128x64xf32, #tpu.memory_space<vmem>> -> memref<1x128x64xf32, #tpu.memory_space<vmem>>
        %dma_start3A_782 = tpu.memref_squeeze %dma_start3A_781 : memref<1x128x64xf32, #tpu.memory_space<vmem>> -> memref<128x64xf32, #tpu.memory_space<vmem>>
        %dma_start3A_783 = arith.constant 0 : i32
        %dma_start3A_784 = tpu.memref_slice %arg8[%dma_start3A_776, %dma_start3A_783] : memref<8x128xi32, #tpu.memory_space<vmem>> -> memref<1x128xi32, #tpu.memory_space<vmem>>
        %dma_start3A_785 = tpu.memref_squeeze %dma_start3A_784 : memref<1x128xi32, #tpu.memory_space<vmem>> -> memref<128xi32, #tpu.memory_space<vmem>>
        %dma_start3A_786 = arith.constant 0 : i32
        %dma_start3A_787 = arith.constant 0 : i32
        %dma_start3A_788 = tpu.memref_slice %arg2[%dma_start3A_786, %dma_start3A_787] : memref<20000x64xf32, #tpu.memory_space<hbm>> -> memref<20000x64xf32, #tpu.memory_space<hbm>>
        %dma_start3A_789 = tpu.memref_slice %arg13[%dma_start3A_778] : memref<11x!tpu.dma_semaphore, #tpu.memory_space<semaphore_mem>> -> memref<1x!tpu.dma_semaphore, #tpu.memory_space<semaphore_mem>>
        %dma_start3A_790 = tpu.memref_squeeze %dma_start3A_789 : memref<1x!tpu.dma_semaphore, #tpu.memory_space<semaphore_mem>> -> memref<!tpu.dma_semaphore, #tpu.memory_space<semaphore_mem>>
        tpu.enqueue_indirect_dma source(%dma_start3A_788 : memref<20000x64xf32, #tpu.memory_space<hbm>>) target(%dma_start3A_782 : memref<128x64xf32, #tpu.memory_space<vmem>>) offsets(%dma_start3A_785 : memref<128xi32, #tpu.memory_space<vmem>>) semaphore(%dma_start3A_790 : memref<!tpu.dma_semaphore, #tpu.memory_space<semaphore_mem>>)
        %dma_start3A_791 = arith.constant 7 : i32
        %dma_start3A_792 = arith.constant 7 : i32
        %dma_start3A_793 = arith.constant 7 : i32
        %dma_start3A_794 = arith.constant 0 : i32
        %dma_start3A_795 = arith.constant 0 : i32
        %dma_start3A_796 = tpu.memref_slice %arg11[%dma_start3A_792, %dma_start3A_794, %dma_start3A_795] : memref<8x128x64xf32, #tpu.memory_space<vmem>> -> memref<1x128x64xf32, #tpu.memory_space<vmem>>
        %dma_start3A_797 = tpu.memref_squeeze %dma_start3A_796 : memref<1x128x64xf32, #tpu.memory_space<vmem>> -> memref<128x64xf32, #tpu.memory_space<vmem>>
        %dma_start3A_798 = arith.constant 0 : i32
        %dma_start3A_799 = tpu.memref_slice %arg8[%dma_start3A_791, %dma_start3A_798] : memref<8x128xi32, #tpu.memory_space<vmem>> -> memref<1x128xi32, #tpu.memory_space<vmem>>
        %dma_start3A_800 = tpu.memref_squeeze %dma_start3A_799 : memref<1x128xi32, #tpu.memory_space<vmem>> -> memref<128xi32, #tpu.memory_space<vmem>>
        %dma_start3A_801 = arith.constant 0 : i32
        %dma_start3A_802 = arith.constant 0 : i32
        %dma_start3A_803 = tpu.memref_slice %arg2[%dma_start3A_801, %dma_start3A_802] : memref<20000x64xf32, #tpu.memory_space<hbm>> -> memref<20000x64xf32, #tpu.memory_space<hbm>>
        %dma_start3A_804 = tpu.memref_slice %arg13[%dma_start3A_793] : memref<11x!tpu.dma_semaphore, #tpu.memory_space<semaphore_mem>> -> memref<1x!tpu.dma_semaphore, #tpu.memory_space<semaphore_mem>>
        %dma_start3A_805 = tpu.memref_squeeze %dma_start3A_804 : memref<1x!tpu.dma_semaphore, #tpu.memory_space<semaphore_mem>> -> memref<!tpu.dma_semaphore, #tpu.memory_space<semaphore_mem>>
        tpu.enqueue_indirect_dma source(%dma_start3A_803 : memref<20000x64xf32, #tpu.memory_space<hbm>>) target(%dma_start3A_797 : memref<128x64xf32, #tpu.memory_space<vmem>>) offsets(%dma_start3A_800 : memref<128xi32, #tpu.memory_space<vmem>>) semaphore(%dma_start3A_805 : memref<!tpu.dma_semaphore, #tpu.memory_space<semaphore_mem>>)
        %dma_wait3A_806 = arith.constant 10 : i32
        %dma_wait3A_807 = tpu.memref_slice %arg5[%mul3A_23] : memref<327680xf32, #tpu.memory_space<hbm>> -> memref<1024xf32, #tpu.memory_space<hbm>>
        %dma_wait3A_808 = tpu.memref_slice %arg13[%dma_wait3A_806] : memref<11x!tpu.dma_semaphore, #tpu.memory_space<semaphore_mem>> -> memref<1x!tpu.dma_semaphore, #tpu.memory_space<semaphore_mem>>
        %dma_wait3A_809 = tpu.memref_squeeze %dma_wait3A_808 : memref<1x!tpu.dma_semaphore, #tpu.memory_space<semaphore_mem>> -> memref<!tpu.dma_semaphore, #tpu.memory_space<semaphore_mem>>
        %dma_wait3A_810 = tpu.memref_slice %arg5[%mul3A_23] : memref<327680xf32, #tpu.memory_space<hbm>> -> memref<1024xf32, #tpu.memory_space<hbm>>
        tpu.wait_dma2 semaphore(%dma_wait3A_809 : memref<!tpu.dma_semaphore, #tpu.memory_space<semaphore_mem>>) src(%dma_wait3A_810 : memref<1024xf32, #tpu.memory_space<hbm>>) dst(%arg10 : memref<1024xf32, #tpu.memory_space<vmem>>)
        %dma_wait3A_811 = arith.constant 0 : i32
        %dma_wait3A_812 = arith.constant 0 : i32
        %dma_wait3A_813 = arith.constant 0 : i32
        %dma_wait3A_814 = arith.constant 0 : i32
        %dma_wait3A_815 = arith.constant 0 : i32
        %dma_wait3A_816 = tpu.memref_slice %arg11[%dma_wait3A_812, %dma_wait3A_814, %dma_wait3A_815] : memref<8x128x64xf32, #tpu.memory_space<vmem>> -> memref<1x128x64xf32, #tpu.memory_space<vmem>>
        %dma_wait3A_817 = tpu.memref_squeeze %dma_wait3A_816 : memref<1x128x64xf32, #tpu.memory_space<vmem>> -> memref<128x64xf32, #tpu.memory_space<vmem>>
        %dma_wait3A_818 = arith.constant 0 : i32
        %dma_wait3A_819 = tpu.memref_slice %arg8[%dma_wait3A_811, %dma_wait3A_818] : memref<8x128xi32, #tpu.memory_space<vmem>> -> memref<1x128xi32, #tpu.memory_space<vmem>>
        %dma_wait3A_820 = tpu.memref_squeeze %dma_wait3A_819 : memref<1x128xi32, #tpu.memory_space<vmem>> -> memref<128xi32, #tpu.memory_space<vmem>>
        %dma_wait3A_821 = arith.constant 0 : i32
        %dma_wait3A_822 = arith.constant 0 : i32
        %dma_wait3A_823 = tpu.memref_slice %arg2[%dma_wait3A_821, %dma_wait3A_822] : memref<20000x64xf32, #tpu.memory_space<hbm>> -> memref<20000x64xf32, #tpu.memory_space<hbm>>
        %dma_wait3A_824 = tpu.memref_slice %arg13[%dma_wait3A_813] : memref<11x!tpu.dma_semaphore, #tpu.memory_space<semaphore_mem>> -> memref<1x!tpu.dma_semaphore, #tpu.memory_space<semaphore_mem>>
        %dma_wait3A_825 = tpu.memref_squeeze %dma_wait3A_824 : memref<1x!tpu.dma_semaphore, #tpu.memory_space<semaphore_mem>> -> memref<!tpu.dma_semaphore, #tpu.memory_space<semaphore_mem>>
        tpu.wait_indirect_dma semaphore(%dma_wait3A_825 : memref<!tpu.dma_semaphore, #tpu.memory_space<semaphore_mem>>) src(%dma_wait3A_823 : memref<20000x64xf32, #tpu.memory_space<hbm>>) dst(%dma_wait3A_817 : memref<128x64xf32, #tpu.memory_space<vmem>>)
        %dma_wait3A_826 = arith.constant 1 : i32
        %dma_wait3A_827 = arith.constant 1 : i32
        %dma_wait3A_828 = arith.constant 1 : i32
        %dma_wait3A_829 = arith.constant 0 : i32
        %dma_wait3A_830 = arith.constant 0 : i32
        %dma_wait3A_831 = tpu.memref_slice %arg11[%dma_wait3A_827, %dma_wait3A_829, %dma_wait3A_830] : memref<8x128x64xf32, #tpu.memory_space<vmem>> -> memref<1x128x64xf32, #tpu.memory_space<vmem>>
        %dma_wait3A_832 = tpu.memref_squeeze %dma_wait3A_831 : memref<1x128x64xf32, #tpu.memory_space<vmem>> -> memref<128x64xf32, #tpu.memory_space<vmem>>
        %dma_wait3A_833 = arith.constant 0 : i32
        %dma_wait3A_834 = tpu.memref_slice %arg8[%dma_wait3A_826, %dma_wait3A_833] : memref<8x128xi32, #tpu.memory_space<vmem>> -> memref<1x128xi32, #tpu.memory_space<vmem>>
        %dma_wait3A_835 = tpu.memref_squeeze %dma_wait3A_834 : memref<1x128xi32, #tpu.memory_space<vmem>> -> memref<128xi32, #tpu.memory_space<vmem>>
        %dma_wait3A_836 = arith.constant 0 : i32
        %dma_wait3A_837 = arith.constant 0 : i32
        %dma_wait3A_838 = tpu.memref_slice %arg2[%dma_wait3A_836, %dma_wait3A_837] : memref<20000x64xf32, #tpu.memory_space<hbm>> -> memref<20000x64xf32, #tpu.memory_space<hbm>>
        %dma_wait3A_839 = tpu.memref_slice %arg13[%dma_wait3A_828] : memref<11x!tpu.dma_semaphore, #tpu.memory_space<semaphore_mem>> -> memref<1x!tpu.dma_semaphore, #tpu.memory_space<semaphore_mem>>
        %dma_wait3A_840 = tpu.memref_squeeze %dma_wait3A_839 : memref<1x!tpu.dma_semaphore, #tpu.memory_space<semaphore_mem>> -> memref<!tpu.dma_semaphore, #tpu.memory_space<semaphore_mem>>
        tpu.wait_indirect_dma semaphore(%dma_wait3A_840 : memref<!tpu.dma_semaphore, #tpu.memory_space<semaphore_mem>>) src(%dma_wait3A_838 : memref<20000x64xf32, #tpu.memory_space<hbm>>) dst(%dma_wait3A_832 : memref<128x64xf32, #tpu.memory_space<vmem>>)
        %dma_wait3A_841 = arith.constant 2 : i32
        %dma_wait3A_842 = arith.constant 2 : i32
        %dma_wait3A_843 = arith.constant 2 : i32
        %dma_wait3A_844 = arith.constant 0 : i32
        %dma_wait3A_845 = arith.constant 0 : i32
        %dma_wait3A_846 = tpu.memref_slice %arg11[%dma_wait3A_842, %dma_wait3A_844, %dma_wait3A_845] : memref<8x128x64xf32, #tpu.memory_space<vmem>> -> memref<1x128x64xf32, #tpu.memory_space<vmem>>
        %dma_wait3A_847 = tpu.memref_squeeze %dma_wait3A_846 : memref<1x128x64xf32, #tpu.memory_space<vmem>> -> memref<128x64xf32, #tpu.memory_space<vmem>>
        %dma_wait3A_848 = arith.constant 0 : i32
        %dma_wait3A_849 = tpu.memref_slice %arg8[%dma_wait3A_841, %dma_wait3A_848] : memref<8x128xi32, #tpu.memory_space<vmem>> -> memref<1x128xi32, #tpu.memory_space<vmem>>
        %dma_wait3A_850 = tpu.memref_squeeze %dma_wait3A_849 : memref<1x128xi32, #tpu.memory_space<vmem>> -> memref<128xi32, #tpu.memory_space<vmem>>
        %dma_wait3A_851 = arith.constant 0 : i32
        %dma_wait3A_852 = arith.constant 0 : i32
        %dma_wait3A_853 = tpu.memref_slice %arg2[%dma_wait3A_851, %dma_wait3A_852] : memref<20000x64xf32, #tpu.memory_space<hbm>> -> memref<20000x64xf32, #tpu.memory_space<hbm>>
        %dma_wait3A_854 = tpu.memref_slice %arg13[%dma_wait3A_843] : memref<11x!tpu.dma_semaphore, #tpu.memory_space<semaphore_mem>> -> memref<1x!tpu.dma_semaphore, #tpu.memory_space<semaphore_mem>>
        %dma_wait3A_855 = tpu.memref_squeeze %dma_wait3A_854 : memref<1x!tpu.dma_semaphore, #tpu.memory_space<semaphore_mem>> -> memref<!tpu.dma_semaphore, #tpu.memory_space<semaphore_mem>>
        tpu.wait_indirect_dma semaphore(%dma_wait3A_855 : memref<!tpu.dma_semaphore, #tpu.memory_space<semaphore_mem>>) src(%dma_wait3A_853 : memref<20000x64xf32, #tpu.memory_space<hbm>>) dst(%dma_wait3A_847 : memref<128x64xf32, #tpu.memory_space<vmem>>)
        %dma_wait3A_856 = arith.constant 3 : i32
        %dma_wait3A_857 = arith.constant 3 : i32
        %dma_wait3A_858 = arith.constant 3 : i32
        %dma_wait3A_859 = arith.constant 0 : i32
        %dma_wait3A_860 = arith.constant 0 : i32
        %dma_wait3A_861 = tpu.memref_slice %arg11[%dma_wait3A_857, %dma_wait3A_859, %dma_wait3A_860] : memref<8x128x64xf32, #tpu.memory_space<vmem>> -> memref<1x128x64xf32, #tpu.memory_space<vmem>>
        %dma_wait3A_862 = tpu.memref_squeeze %dma_wait3A_861 : memref<1x128x64xf32, #tpu.memory_space<vmem>> -> memref<128x64xf32, #tpu.memory_space<vmem>>
        %dma_wait3A_863 = arith.constant 0 : i32
        %dma_wait3A_864 = tpu.memref_slice %arg8[%dma_wait3A_856, %dma_wait3A_863] : memref<8x128xi32, #tpu.memory_space<vmem>> -> memref<1x128xi32, #tpu.memory_space<vmem>>
        %dma_wait3A_865 = tpu.memref_squeeze %dma_wait3A_864 : memref<1x128xi32, #tpu.memory_space<vmem>> -> memref<128xi32, #tpu.memory_space<vmem>>
        %dma_wait3A_866 = arith.constant 0 : i32
        %dma_wait3A_867 = arith.constant 0 : i32
        %dma_wait3A_868 = tpu.memref_slice %arg2[%dma_wait3A_866, %dma_wait3A_867] : memref<20000x64xf32, #tpu.memory_space<hbm>> -> memref<20000x64xf32, #tpu.memory_space<hbm>>
        %dma_wait3A_869 = tpu.memref_slice %arg13[%dma_wait3A_858] : memref<11x!tpu.dma_semaphore, #tpu.memory_space<semaphore_mem>> -> memref<1x!tpu.dma_semaphore, #tpu.memory_space<semaphore_mem>>
        %dma_wait3A_870 = tpu.memref_squeeze %dma_wait3A_869 : memref<1x!tpu.dma_semaphore, #tpu.memory_space<semaphore_mem>> -> memref<!tpu.dma_semaphore, #tpu.memory_space<semaphore_mem>>
        tpu.wait_indirect_dma semaphore(%dma_wait3A_870 : memref<!tpu.dma_semaphore, #tpu.memory_space<semaphore_mem>>) src(%dma_wait3A_868 : memref<20000x64xf32, #tpu.memory_space<hbm>>) dst(%dma_wait3A_862 : memref<128x64xf32, #tpu.memory_space<vmem>>)
        %dma_wait3A_871 = arith.constant 4 : i32
        %dma_wait3A_872 = arith.constant 4 : i32
        %dma_wait3A_873 = arith.constant 4 : i32
        %dma_wait3A_874 = arith.constant 0 : i32
        %dma_wait3A_875 = arith.constant 0 : i32
        %dma_wait3A_876 = tpu.memref_slice %arg11[%dma_wait3A_872, %dma_wait3A_874, %dma_wait3A_875] : memref<8x128x64xf32, #tpu.memory_space<vmem>> -> memref<1x128x64xf32, #tpu.memory_space<vmem>>
        %dma_wait3A_877 = tpu.memref_squeeze %dma_wait3A_876 : memref<1x128x64xf32, #tpu.memory_space<vmem>> -> memref<128x64xf32, #tpu.memory_space<vmem>>
        %dma_wait3A_878 = arith.constant 0 : i32
        %dma_wait3A_879 = tpu.memref_slice %arg8[%dma_wait3A_871, %dma_wait3A_878] : memref<8x128xi32, #tpu.memory_space<vmem>> -> memref<1x128xi32, #tpu.memory_space<vmem>>
        %dma_wait3A_880 = tpu.memref_squeeze %dma_wait3A_879 : memref<1x128xi32, #tpu.memory_space<vmem>> -> memref<128xi32, #tpu.memory_space<vmem>>
        %dma_wait3A_881 = arith.constant 0 : i32
        %dma_wait3A_882 = arith.constant 0 : i32
        %dma_wait3A_883 = tpu.memref_slice %arg2[%dma_wait3A_881, %dma_wait3A_882] : memref<20000x64xf32, #tpu.memory_space<hbm>> -> memref<20000x64xf32, #tpu.memory_space<hbm>>
        %dma_wait3A_884 = tpu.memref_slice %arg13[%dma_wait3A_873] : memref<11x!tpu.dma_semaphore, #tpu.memory_space<semaphore_mem>> -> memref<1x!tpu.dma_semaphore, #tpu.memory_space<semaphore_mem>>
        %dma_wait3A_885 = tpu.memref_squeeze %dma_wait3A_884 : memref<1x!tpu.dma_semaphore, #tpu.memory_space<semaphore_mem>> -> memref<!tpu.dma_semaphore, #tpu.memory_space<semaphore_mem>>
        tpu.wait_indirect_dma semaphore(%dma_wait3A_885 : memref<!tpu.dma_semaphore, #tpu.memory_space<semaphore_mem>>) src(%dma_wait3A_883 : memref<20000x64xf32, #tpu.memory_space<hbm>>) dst(%dma_wait3A_877 : memref<128x64xf32, #tpu.memory_space<vmem>>)
        %dma_wait3A_886 = arith.constant 5 : i32
        %dma_wait3A_887 = arith.constant 5 : i32
        %dma_wait3A_888 = arith.constant 5 : i32
        %dma_wait3A_889 = arith.constant 0 : i32
        %dma_wait3A_890 = arith.constant 0 : i32
        %dma_wait3A_891 = tpu.memref_slice %arg11[%dma_wait3A_887, %dma_wait3A_889, %dma_wait3A_890] : memref<8x128x64xf32, #tpu.memory_space<vmem>> -> memref<1x128x64xf32, #tpu.memory_space<vmem>>
        %dma_wait3A_892 = tpu.memref_squeeze %dma_wait3A_891 : memref<1x128x64xf32, #tpu.memory_space<vmem>> -> memref<128x64xf32, #tpu.memory_space<vmem>>
        %dma_wait3A_893 = arith.constant 0 : i32
        %dma_wait3A_894 = tpu.memref_slice %arg8[%dma_wait3A_886, %dma_wait3A_893] : memref<8x128xi32, #tpu.memory_space<vmem>> -> memref<1x128xi32, #tpu.memory_space<vmem>>
        %dma_wait3A_895 = tpu.memref_squeeze %dma_wait3A_894 : memref<1x128xi32, #tpu.memory_space<vmem>> -> memref<128xi32, #tpu.memory_space<vmem>>
        %dma_wait3A_896 = arith.constant 0 : i32
        %dma_wait3A_897 = arith.constant 0 : i32
        %dma_wait3A_898 = tpu.memref_slice %arg2[%dma_wait3A_896, %dma_wait3A_897] : memref<20000x64xf32, #tpu.memory_space<hbm>> -> memref<20000x64xf32, #tpu.memory_space<hbm>>
        %dma_wait3A_899 = tpu.memref_slice %arg13[%dma_wait3A_888] : memref<11x!tpu.dma_semaphore, #tpu.memory_space<semaphore_mem>> -> memref<1x!tpu.dma_semaphore, #tpu.memory_space<semaphore_mem>>
        %dma_wait3A_900 = tpu.memref_squeeze %dma_wait3A_899 : memref<1x!tpu.dma_semaphore, #tpu.memory_space<semaphore_mem>> -> memref<!tpu.dma_semaphore, #tpu.memory_space<semaphore_mem>>
        tpu.wait_indirect_dma semaphore(%dma_wait3A_900 : memref<!tpu.dma_semaphore, #tpu.memory_space<semaphore_mem>>) src(%dma_wait3A_898 : memref<20000x64xf32, #tpu.memory_space<hbm>>) dst(%dma_wait3A_892 : memref<128x64xf32, #tpu.memory_space<vmem>>)
        %dma_wait3A_901 = arith.constant 6 : i32
        %dma_wait3A_902 = arith.constant 6 : i32
        %dma_wait3A_903 = arith.constant 6 : i32
        %dma_wait3A_904 = arith.constant 0 : i32
        %dma_wait3A_905 = arith.constant 0 : i32
        %dma_wait3A_906 = tpu.memref_slice %arg11[%dma_wait3A_902, %dma_wait3A_904, %dma_wait3A_905] : memref<8x128x64xf32, #tpu.memory_space<vmem>> -> memref<1x128x64xf32, #tpu.memory_space<vmem>>
        %dma_wait3A_907 = tpu.memref_squeeze %dma_wait3A_906 : memref<1x128x64xf32, #tpu.memory_space<vmem>> -> memref<128x64xf32, #tpu.memory_space<vmem>>
        %dma_wait3A_908 = arith.constant 0 : i32
        %dma_wait3A_909 = tpu.memref_slice %arg8[%dma_wait3A_901, %dma_wait3A_908] : memref<8x128xi32, #tpu.memory_space<vmem>> -> memref<1x128xi32, #tpu.memory_space<vmem>>
        %dma_wait3A_910 = tpu.memref_squeeze %dma_wait3A_909 : memref<1x128xi32, #tpu.memory_space<vmem>> -> memref<128xi32, #tpu.memory_space<vmem>>
        %dma_wait3A_911 = arith.constant 0 : i32
        %dma_wait3A_912 = arith.constant 0 : i32
        %dma_wait3A_913 = tpu.memref_slice %arg2[%dma_wait3A_911, %dma_wait3A_912] : memref<20000x64xf32, #tpu.memory_space<hbm>> -> memref<20000x64xf32, #tpu.memory_space<hbm>>
        %dma_wait3A_914 = tpu.memref_slice %arg13[%dma_wait3A_903] : memref<11x!tpu.dma_semaphore, #tpu.memory_space<semaphore_mem>> -> memref<1x!tpu.dma_semaphore, #tpu.memory_space<semaphore_mem>>
        %dma_wait3A_915 = tpu.memref_squeeze %dma_wait3A_914 : memref<1x!tpu.dma_semaphore, #tpu.memory_space<semaphore_mem>> -> memref<!tpu.dma_semaphore, #tpu.memory_space<semaphore_mem>>
        tpu.wait_indirect_dma semaphore(%dma_wait3A_915 : memref<!tpu.dma_semaphore, #tpu.memory_space<semaphore_mem>>) src(%dma_wait3A_913 : memref<20000x64xf32, #tpu.memory_space<hbm>>) dst(%dma_wait3A_907 : memref<128x64xf32, #tpu.memory_space<vmem>>)
        %dma_wait3A_916 = arith.constant 7 : i32
        %dma_wait3A_917 = arith.constant 7 : i32
        %dma_wait3A_918 = arith.constant 7 : i32
        %dma_wait3A_919 = arith.constant 0 : i32
        %dma_wait3A_920 = arith.constant 0 : i32
        %dma_wait3A_921 = tpu.memref_slice %arg11[%dma_wait3A_917, %dma_wait3A_919, %dma_wait3A_920] : memref<8x128x64xf32, #tpu.memory_space<vmem>> -> memref<1x128x64xf32, #tpu.memory_space<vmem>>
        %dma_wait3A_922 = tpu.memref_squeeze %dma_wait3A_921 : memref<1x128x64xf32, #tpu.memory_space<vmem>> -> memref<128x64xf32, #tpu.memory_space<vmem>>
        %dma_wait3A_923 = arith.constant 0 : i32
        %dma_wait3A_924 = tpu.memref_slice %arg8[%dma_wait3A_916, %dma_wait3A_923] : memref<8x128xi32, #tpu.memory_space<vmem>> -> memref<1x128xi32, #tpu.memory_space<vmem>>
        %dma_wait3A_925 = tpu.memref_squeeze %dma_wait3A_924 : memref<1x128xi32, #tpu.memory_space<vmem>> -> memref<128xi32, #tpu.memory_space<vmem>>
        %dma_wait3A_926 = arith.constant 0 : i32
        %dma_wait3A_927 = arith.constant 0 : i32
        %dma_wait3A_928 = tpu.memref_slice %arg2[%dma_wait3A_926, %dma_wait3A_927] : memref<20000x64xf32, #tpu.memory_space<hbm>> -> memref<20000x64xf32, #tpu.memory_space<hbm>>
        %dma_wait3A_929 = tpu.memref_slice %arg13[%dma_wait3A_918] : memref<11x!tpu.dma_semaphore, #tpu.memory_space<semaphore_mem>> -> memref<1x!tpu.dma_semaphore, #tpu.memory_space<semaphore_mem>>
        %dma_wait3A_930 = tpu.memref_squeeze %dma_wait3A_929 : memref<1x!tpu.dma_semaphore, #tpu.memory_space<semaphore_mem>> -> memref<!tpu.dma_semaphore, #tpu.memory_space<semaphore_mem>>
        tpu.wait_indirect_dma semaphore(%dma_wait3A_930 : memref<!tpu.dma_semaphore, #tpu.memory_space<semaphore_mem>>) src(%dma_wait3A_928 : memref<20000x64xf32, #tpu.memory_space<hbm>>) dst(%dma_wait3A_922 : memref<128x64xf32, #tpu.memory_space<vmem>>)
        %scan3A_931 = arith.constant 0 : i32
        %scan3A_932 = arith.constant 0 : i32
        %scan3A_933 = arith.constant 8 : i32
        %scan3A_934 = arith.addi %scan3A_932, %scan3A_933 : i32
        %scan3A_935 = arith.constant 1 : i32
        scf.for %scan3A_959 = %scan3A_932 to %scan3A_934 step %scan3A_935  : i32 {
          %scan3A_960 = arith.constant 0 : i32
          %scan3A_961 = arith.constant 0 : i32
          %scan3A_962 = arith.constant 8 : i32
          %scan3A_963 = arith.addi %scan3A_961, %scan3A_962 : i32
          %scan3A_964 = arith.constant 1 : i32
          scf.for %scan3A_966 = %scan3A_961 to %scan3A_963 step %scan3A_964  : i32 {
            %mul3A_967 = arith.constant 16 : i32
            %mul3A_968 = arith.muli %scan3A_966, %mul3A_967 : i32
            %add3A_969 = arith.constant 0 : i32
            %add3A_970 = arith.addi %mul3A_968, %add3A_969 : i32
            %mul3A_971 = arith.constant 128 : i32
            %mul3A_972 = arith.muli %scan3A_959, %mul3A_971 : i32
            %add3A_973 = arith.addi %mul3A_972, %add3A_970 : i32
            %broadcast_in_dim3A = vector.broadcast %add3A_973 : i32 to vector<16xi32>
            %gather3A = tpu.vector_load_idx %arg10[%broadcast_in_dim3A] : memref<1024xf32, #tpu.memory_space<vmem>>[vector<16xi32>], vector<16xf32>,
            %get3A_974 = arith.index_cast %scan3A_959 : i32 to index
            %get3A_975 = arith.index_cast %add3A_970 : i32 to index
            %get3A_976 = arith.constant 0 : index
            %get3A_977 = tpu.vector_load %arg11[%get3A_974, %get3A_975, %get3A_976] {strides = array<i32>} : memref<8x128x64xf32, #tpu.memory_space<vmem>>, vector<16xf32>,
            %mul3A_978 = arith.mulf %get3A_977, %gather3A : vector<16xf32>
            %swap3A_979 = arith.index_cast %scan3A_959 : i32 to index
            %swap3A_980 = arith.index_cast %add3A_970 : i32 to index
            %swap3A_981 = arith.constant 0 : index
            %swap3A_982 = tpu.vector_load %arg11[%swap3A_979, %swap3A_980, %swap3A_981] {strides = array<i32>} : memref<8x128x64xf32, #tpu.memory_space<vmem>>, vector<16xf32>,
            tpu.vector_store %arg11[%swap3A_979, %swap3A_980, %swap3A_981], %mul3A_978 {strides = array<i32>} : memref<8x128x64xf32, #tpu.memory_space<vmem>>, vector<16xf32>,
            %get3A_983 = arith.index_cast %scan3A_959 : i32 to index
            %get3A_984 = arith.index_cast %add3A_970 : i32 to index
            %get3A_985 = arith.constant 16 : index
            %get3A_986 = tpu.vector_load %arg11[%get3A_983, %get3A_984, %get3A_985] {strides = array<i32>} : memref<8x128x64xf32, #tpu.memory_space<vmem>>, vector<16xf32>,
            %mul3A_987 = arith.mulf %get3A_986, %gather3A : vector<16xf32>
            %swap3A_988 = arith.index_cast %scan3A_959 : i32 to index
            %swap3A_989 = arith.index_cast %add3A_970 : i32 to index
            %swap3A_990 = arith.constant 16 : index
            %swap3A_991 = tpu.vector_load %arg11[%swap3A_988, %swap3A_989, %swap3A_990] {strides = array<i32>} : memref<8x128x64xf32, #tpu.memory_space<vmem>>, vector<16xf32>,
            tpu.vector_store %arg11[%swap3A_988, %swap3A_989, %swap3A_990], %mul3A_987 {strides = array<i32>} : memref<8x128x64xf32, #tpu.memory_space<vmem>>, vector<16xf32>,
            %get3A_992 = arith.index_cast %scan3A_959 : i32 to index
            %get3A_993 = arith.index_cast %add3A_970 : i32 to index
            %get3A_994 = arith.constant 32 : index
            %get3A_995 = tpu.vector_load %arg11[%get3A_992, %get3A_993, %get3A_994] {strides = array<i32>} : memref<8x128x64xf32, #tpu.memory_space<vmem>>, vector<16xf32>,
            %mul3A_996 = arith.mulf %get3A_995, %gather3A : vector<16xf32>
            %swap3A_997 = arith.index_cast %scan3A_959 : i32 to index
            %swap3A_998 = arith.index_cast %add3A_970 : i32 to index
            %swap3A_999 = arith.constant 32 : index
            %swap3A_1000 = tpu.vector_load %arg11[%swap3A_997, %swap3A_998, %swap3A_999] {strides = array<i32>} : memref<8x128x64xf32, #tpu.memory_space<vmem>>, vector<16xf32>,
            tpu.vector_store %arg11[%swap3A_997, %swap3A_998, %swap3A_999], %mul3A_996 {strides = array<i32>} : memref<8x128x64xf32, #tpu.memory_space<vmem>>, vector<16xf32>,
            %get3A_1001 = arith.index_cast %scan3A_959 : i32 to index
            %get3A_1002 = arith.index_cast %add3A_970 : i32 to index
            %get3A_1003 = arith.constant 48 : index
            %get3A_1004 = tpu.vector_load %arg11[%get3A_1001, %get3A_1002, %get3A_1003] {strides = array<i32>} : memref<8x128x64xf32, #tpu.memory_space<vmem>>, vector<16xf32>,
            %mul3A_1005 = arith.mulf %get3A_1004, %gather3A : vector<16xf32>
            %swap3A_1006 = arith.index_cast %scan3A_959 : i32 to index
            %swap3A_1007 = arith.index_cast %add3A_970 : i32 to index
            %swap3A_1008 = arith.constant 48 : index
            %swap3A_1009 = tpu.vector_load %arg11[%swap3A_1006, %swap3A_1007, %swap3A_1008] {strides = array<i32>} : memref<8x128x64xf32, #tpu.memory_space<vmem>>, vector<16xf32>,
            tpu.vector_store %arg11[%swap3A_1006, %swap3A_1007, %swap3A_1008], %mul3A_1005 {strides = array<i32>} : memref<8x128x64xf32, #tpu.memory_space<vmem>>, vector<16xf32>,
            %mul3A_1010 = arith.constant 16 : i32
            %mul3A_1011 = arith.muli %scan3A_966, %mul3A_1010 : i32
            %add3A_1012 = arith.constant 1 : i32
            %add3A_1013 = arith.addi %mul3A_1011, %add3A_1012 : i32
            %mul3A_1014 = arith.constant 128 : i32
            %mul3A_1015 = arith.muli %scan3A_959, %mul3A_1014 : i32
            %add3A_1016 = arith.addi %mul3A_1015, %add3A_1013 : i32
            %broadcast_in_dim3A_1017 = vector.broadcast %add3A_1016 : i32 to vector<16xi32>
            %gather3A_1018 = tpu.vector_load_idx %arg10[%broadcast_in_dim3A_1017] : memref<1024xf32, #tpu.memory_space<vmem>>[vector<16xi32>], vector<16xf32>,
            %get3A_1019 = arith.index_cast %scan3A_959 : i32 to index
            %get3A_1020 = arith.index_cast %add3A_1013 : i32 to index
            %get3A_1021 = arith.constant 0 : index
            %get3A_1022 = tpu.vector_load %arg11[%get3A_1019, %get3A_1020, %get3A_1021] {strides = array<i32>} : memref<8x128x64xf32, #tpu.memory_space<vmem>>, vector<16xf32>,
            %mul3A_1023 = arith.mulf %get3A_1022, %gather3A_1018 : vector<16xf32>
            %swap3A_1024 = arith.index_cast %scan3A_959 : i32 to index
            %swap3A_1025 = arith.index_cast %add3A_1013 : i32 to index
            %swap3A_1026 = arith.constant 0 : index
            %swap3A_1027 = tpu.vector_load %arg11[%swap3A_1024, %swap3A_1025, %swap3A_1026] {strides = array<i32>} : memref<8x128x64xf32, #tpu.memory_space<vmem>>, vector<16xf32>,
            tpu.vector_store %arg11[%swap3A_1024, %swap3A_1025, %swap3A_1026], %mul3A_1023 {strides = array<i32>} : memref<8x128x64xf32, #tpu.memory_space<vmem>>, vector<16xf32>,
            %get3A_1028 = arith.index_cast %scan3A_959 : i32 to index
            %get3A_1029 = arith.index_cast %add3A_1013 : i32 to index
            %get3A_1030 = arith.constant 16 : index
            %get3A_1031 = tpu.vector_load %arg11[%get3A_1028, %get3A_1029, %get3A_1030] {strides = array<i32>} : memref<8x128x64xf32, #tpu.memory_space<vmem>>, vector<16xf32>,
            %mul3A_1032 = arith.mulf %get3A_1031, %gather3A_1018 : vector<16xf32>
            %swap3A_1033 = arith.index_cast %scan3A_959 : i32 to index
            %swap3A_1034 = arith.index_cast %add3A_1013 : i32 to index
            %swap3A_1035 = arith.constant 16 : index
            %swap3A_1036 = tpu.vector_load %arg11[%swap3A_1033, %swap3A_1034, %swap3A_1035] {strides = array<i32>} : memref<8x128x64xf32, #tpu.memory_space<vmem>>, vector<16xf32>,
            tpu.vector_store %arg11[%swap3A_1033, %swap3A_1034, %swap3A_1035], %mul3A_1032 {strides = array<i32>} : memref<8x128x64xf32, #tpu.memory_space<vmem>>, vector<16xf32>,
            %get3A_1037 = arith.index_cast %scan3A_959 : i32 to index
            %get3A_1038 = arith.index_cast %add3A_1013 : i32 to index
            %get3A_1039 = arith.constant 32 : index
            %get3A_1040 = tpu.vector_load %arg11[%get3A_1037, %get3A_1038, %get3A_1039] {strides = array<i32>} : memref<8x128x64xf32, #tpu.memory_space<vmem>>, vector<16xf32>,
            %mul3A_1041 = arith.mulf %get3A_1040, %gather3A_1018 : vector<16xf32>
            %swap3A_1042 = arith.index_cast %scan3A_959 : i32 to index
            %swap3A_1043 = arith.index_cast %add3A_1013 : i32 to index
            %swap3A_1044 = arith.constant 32 : index
            %swap3A_1045 = tpu.vector_load %arg11[%swap3A_1042, %swap3A_1043, %swap3A_1044] {strides = array<i32>} : memref<8x128x64xf32, #tpu.memory_space<vmem>>, vector<16xf32>,
            tpu.vector_store %arg11[%swap3A_1042, %swap3A_1043, %swap3A_1044], %mul3A_1041 {strides = array<i32>} : memref<8x128x64xf32, #tpu.memory_space<vmem>>, vector<16xf32>,
            %get3A_1046 = arith.index_cast %scan3A_959 : i32 to index
            %get3A_1047 = arith.index_cast %add3A_1013 : i32 to index
            %get3A_1048 = arith.constant 48 : index
            %get3A_1049 = tpu.vector_load %arg11[%get3A_1046, %get3A_1047, %get3A_1048] {strides = array<i32>} : memref<8x128x64xf32, #tpu.memory_space<vmem>>, vector<16xf32>,
            %mul3A_1050 = arith.mulf %get3A_1049, %gather3A_1018 : vector<16xf32>
            %swap3A_1051 = arith.index_cast %scan3A_959 : i32 to index
            %swap3A_1052 = arith.index_cast %add3A_1013 : i32 to index
            %swap3A_1053 = arith.constant 48 : index
            %swap3A_1054 = tpu.vector_load %arg11[%swap3A_1051, %swap3A_1052, %swap3A_1053] {strides = array<i32>} : memref<8x128x64xf32, #tpu.memory_space<vmem>>, vector<16xf32>,
            tpu.vector_store %arg11[%swap3A_1051, %swap3A_1052, %swap3A_1053], %mul3A_1050 {strides = array<i32>} : memref<8x128x64xf32, #tpu.memory_space<vmem>>, vector<16xf32>,
            %mul3A_1055 = arith.constant 16 : i32
            %mul3A_1056 = arith.muli %scan3A_966, %mul3A_1055 : i32
            %add3A_1057 = arith.constant 2 : i32
            %add3A_1058 = arith.addi %mul3A_1056, %add3A_1057 : i32
            %mul3A_1059 = arith.constant 128 : i32
            %mul3A_1060 = arith.muli %scan3A_959, %mul3A_1059 : i32
            %add3A_1061 = arith.addi %mul3A_1060, %add3A_1058 : i32
            %broadcast_in_dim3A_1062 = vector.broadcast %add3A_1061 : i32 to vector<16xi32>
            %gather3A_1063 = tpu.vector_load_idx %arg10[%broadcast_in_dim3A_1062] : memref<1024xf32, #tpu.memory_space<vmem>>[vector<16xi32>], vector<16xf32>,
            %get3A_1064 = arith.index_cast %scan3A_959 : i32 to index
            %get3A_1065 = arith.index_cast %add3A_1058 : i32 to index
            %get3A_1066 = arith.constant 0 : index
            %get3A_1067 = tpu.vector_load %arg11[%get3A_1064, %get3A_1065, %get3A_1066] {strides = array<i32>} : memref<8x128x64xf32, #tpu.memory_space<vmem>>, vector<16xf32>,
            %mul3A_1068 = arith.mulf %get3A_1067, %gather3A_1063 : vector<16xf32>
            %swap3A_1069 = arith.index_cast %scan3A_959 : i32 to index
            %swap3A_1070 = arith.index_cast %add3A_1058 : i32 to index
            %swap3A_1071 = arith.constant 0 : index
            %swap3A_1072 = tpu.vector_load %arg11[%swap3A_1069, %swap3A_1070, %swap3A_1071] {strides = array<i32>} : memref<8x128x64xf32, #tpu.memory_space<vmem>>, vector<16xf32>,
            tpu.vector_store %arg11[%swap3A_1069, %swap3A_1070, %swap3A_1071], %mul3A_1068 {strides = array<i32>} : memref<8x128x64xf32, #tpu.memory_space<vmem>>, vector<16xf32>,
            %get3A_1073 = arith.index_cast %scan3A_959 : i32 to index
            %get3A_1074 = arith.index_cast %add3A_1058 : i32 to index
            %get3A_1075 = arith.constant 16 : index
            %get3A_1076 = tpu.vector_load %arg11[%get3A_1073, %get3A_1074, %get3A_1075] {strides = array<i32>} : memref<8x128x64xf32, #tpu.memory_space<vmem>>, vector<16xf32>,
            %mul3A_1077 = arith.mulf %get3A_1076, %gather3A_1063 : vector<16xf32>
            %swap3A_1078 = arith.index_cast %scan3A_959 : i32 to index
            %swap3A_1079 = arith.index_cast %add3A_1058 : i32 to index
            %swap3A_1080 = arith.constant 16 : index
            %swap3A_1081 = tpu.vector_load %arg11[%swap3A_1078, %swap3A_1079, %swap3A_1080] {strides = array<i32>} : memref<8x128x64xf32, #tpu.memory_space<vmem>>, vector<16xf32>,
            tpu.vector_store %arg11[%swap3A_1078, %swap3A_1079, %swap3A_1080], %mul3A_1077 {strides = array<i32>} : memref<8x128x64xf32, #tpu.memory_space<vmem>>, vector<16xf32>,
            %get3A_1082 = arith.index_cast %scan3A_959 : i32 to index
            %get3A_1083 = arith.index_cast %add3A_1058 : i32 to index
            %get3A_1084 = arith.constant 32 : index
            %get3A_1085 = tpu.vector_load %arg11[%get3A_1082, %get3A_1083, %get3A_1084] {strides = array<i32>} : memref<8x128x64xf32, #tpu.memory_space<vmem>>, vector<16xf32>,
            %mul3A_1086 = arith.mulf %get3A_1085, %gather3A_1063 : vector<16xf32>
            %swap3A_1087 = arith.index_cast %scan3A_959 : i32 to index
            %swap3A_1088 = arith.index_cast %add3A_1058 : i32 to index
            %swap3A_1089 = arith.constant 32 : index
            %swap3A_1090 = tpu.vector_load %arg11[%swap3A_1087, %swap3A_1088, %swap3A_1089] {strides = array<i32>} : memref<8x128x64xf32, #tpu.memory_space<vmem>>, vector<16xf32>,
            tpu.vector_store %arg11[%swap3A_1087, %swap3A_1088, %swap3A_1089], %mul3A_1086 {strides = array<i32>} : memref<8x128x64xf32, #tpu.memory_space<vmem>>, vector<16xf32>,
            %get3A_1091 = arith.index_cast %scan3A_959 : i32 to index
            %get3A_1092 = arith.index_cast %add3A_1058 : i32 to index
            %get3A_1093 = arith.constant 48 : index
            %get3A_1094 = tpu.vector_load %arg11[%get3A_1091, %get3A_1092, %get3A_1093] {strides = array<i32>} : memref<8x128x64xf32, #tpu.memory_space<vmem>>, vector<16xf32>,
            %mul3A_1095 = arith.mulf %get3A_1094, %gather3A_1063 : vector<16xf32>
            %swap3A_1096 = arith.index_cast %scan3A_959 : i32 to index
            %swap3A_1097 = arith.index_cast %add3A_1058 : i32 to index
            %swap3A_1098 = arith.constant 48 : index
            %swap3A_1099 = tpu.vector_load %arg11[%swap3A_1096, %swap3A_1097, %swap3A_1098] {strides = array<i32>} : memref<8x128x64xf32, #tpu.memory_space<vmem>>, vector<16xf32>,
            tpu.vector_store %arg11[%swap3A_1096, %swap3A_1097, %swap3A_1098], %mul3A_1095 {strides = array<i32>} : memref<8x128x64xf32, #tpu.memory_space<vmem>>, vector<16xf32>,
            %mul3A_1100 = arith.constant 16 : i32
            %mul3A_1101 = arith.muli %scan3A_966, %mul3A_1100 : i32
            %add3A_1102 = arith.constant 3 : i32
            %add3A_1103 = arith.addi %mul3A_1101, %add3A_1102 : i32
            %mul3A_1104 = arith.constant 128 : i32
            %mul3A_1105 = arith.muli %scan3A_959, %mul3A_1104 : i32
            %add3A_1106 = arith.addi %mul3A_1105, %add3A_1103 : i32
            %broadcast_in_dim3A_1107 = vector.broadcast %add3A_1106 : i32 to vector<16xi32>
            %gather3A_1108 = tpu.vector_load_idx %arg10[%broadcast_in_dim3A_1107] : memref<1024xf32, #tpu.memory_space<vmem>>[vector<16xi32>], vector<16xf32>,
            %get3A_1109 = arith.index_cast %scan3A_959 : i32 to index
            %get3A_1110 = arith.index_cast %add3A_1103 : i32 to index
            %get3A_1111 = arith.constant 0 : index
            %get3A_1112 = tpu.vector_load %arg11[%get3A_1109, %get3A_1110, %get3A_1111] {strides = array<i32>} : memref<8x128x64xf32, #tpu.memory_space<vmem>>, vector<16xf32>,
            %mul3A_1113 = arith.mulf %get3A_1112, %gather3A_1108 : vector<16xf32>
            %swap3A_1114 = arith.index_cast %scan3A_959 : i32 to index
            %swap3A_1115 = arith.index_cast %add3A_1103 : i32 to index
            %swap3A_1116 = arith.constant 0 : index
            %swap3A_1117 = tpu.vector_load %arg11[%swap3A_1114, %swap3A_1115, %swap3A_1116] {strides = array<i32>} : memref<8x128x64xf32, #tpu.memory_space<vmem>>, vector<16xf32>,
            tpu.vector_store %arg11[%swap3A_1114, %swap3A_1115, %swap3A_1116], %mul3A_1113 {strides = array<i32>} : memref<8x128x64xf32, #tpu.memory_space<vmem>>, vector<16xf32>,
            %get3A_1118 = arith.index_cast %scan3A_959 : i32 to index
            %get3A_1119 = arith.index_cast %add3A_1103 : i32 to index
            %get3A_1120 = arith.constant 16 : index
            %get3A_1121 = tpu.vector_load %arg11[%get3A_1118, %get3A_1119, %get3A_1120] {strides = array<i32>} : memref<8x128x64xf32, #tpu.memory_space<vmem>>, vector<16xf32>,
            %mul3A_1122 = arith.mulf %get3A_1121, %gather3A_1108 : vector<16xf32>
            %swap3A_1123 = arith.index_cast %scan3A_959 : i32 to index
            %swap3A_1124 = arith.index_cast %add3A_1103 : i32 to index
            %swap3A_1125 = arith.constant 16 : index
            %swap3A_1126 = tpu.vector_load %arg11[%swap3A_1123, %swap3A_1124, %swap3A_1125] {strides = array<i32>} : memref<8x128x64xf32, #tpu.memory_space<vmem>>, vector<16xf32>,
            tpu.vector_store %arg11[%swap3A_1123, %swap3A_1124, %swap3A_1125], %mul3A_1122 {strides = array<i32>} : memref<8x128x64xf32, #tpu.memory_space<vmem>>, vector<16xf32>,
            %get3A_1127 = arith.index_cast %scan3A_959 : i32 to index
            %get3A_1128 = arith.index_cast %add3A_1103 : i32 to index
            %get3A_1129 = arith.constant 32 : index
            %get3A_1130 = tpu.vector_load %arg11[%get3A_1127, %get3A_1128, %get3A_1129] {strides = array<i32>} : memref<8x128x64xf32, #tpu.memory_space<vmem>>, vector<16xf32>,
            %mul3A_1131 = arith.mulf %get3A_1130, %gather3A_1108 : vector<16xf32>
            %swap3A_1132 = arith.index_cast %scan3A_959 : i32 to index
            %swap3A_1133 = arith.index_cast %add3A_1103 : i32 to index
            %swap3A_1134 = arith.constant 32 : index
            %swap3A_1135 = tpu.vector_load %arg11[%swap3A_1132, %swap3A_1133, %swap3A_1134] {strides = array<i32>} : memref<8x128x64xf32, #tpu.memory_space<vmem>>, vector<16xf32>,
            tpu.vector_store %arg11[%swap3A_1132, %swap3A_1133, %swap3A_1134], %mul3A_1131 {strides = array<i32>} : memref<8x128x64xf32, #tpu.memory_space<vmem>>, vector<16xf32>,
            %get3A_1136 = arith.index_cast %scan3A_959 : i32 to index
            %get3A_1137 = arith.index_cast %add3A_1103 : i32 to index
            %get3A_1138 = arith.constant 48 : index
            %get3A_1139 = tpu.vector_load %arg11[%get3A_1136, %get3A_1137, %get3A_1138] {strides = array<i32>} : memref<8x128x64xf32, #tpu.memory_space<vmem>>, vector<16xf32>,
            %mul3A_1140 = arith.mulf %get3A_1139, %gather3A_1108 : vector<16xf32>
            %swap3A_1141 = arith.index_cast %scan3A_959 : i32 to index
            %swap3A_1142 = arith.index_cast %add3A_1103 : i32 to index
            %swap3A_1143 = arith.constant 48 : index
            %swap3A_1144 = tpu.vector_load %arg11[%swap3A_1141, %swap3A_1142, %swap3A_1143] {strides = array<i32>} : memref<8x128x64xf32, #tpu.memory_space<vmem>>, vector<16xf32>,
            tpu.vector_store %arg11[%swap3A_1141, %swap3A_1142, %swap3A_1143], %mul3A_1140 {strides = array<i32>} : memref<8x128x64xf32, #tpu.memory_space<vmem>>, vector<16xf32>,
            %mul3A_1145 = arith.constant 16 : i32
            %mul3A_1146 = arith.muli %scan3A_966, %mul3A_1145 : i32
            %add3A_1147 = arith.constant 4 : i32
            %add3A_1148 = arith.addi %mul3A_1146, %add3A_1147 : i32
            %mul3A_1149 = arith.constant 128 : i32
            %mul3A_1150 = arith.muli %scan3A_959, %mul3A_1149 : i32
            %add3A_1151 = arith.addi %mul3A_1150, %add3A_1148 : i32
            %broadcast_in_dim3A_1152 = vector.broadcast %add3A_1151 : i32 to vector<16xi32>
            %gather3A_1153 = tpu.vector_load_idx %arg10[%broadcast_in_dim3A_1152] : memref<1024xf32, #tpu.memory_space<vmem>>[vector<16xi32>], vector<16xf32>,
            %get3A_1154 = arith.index_cast %scan3A_959 : i32 to index
            %get3A_1155 = arith.index_cast %add3A_1148 : i32 to index
            %get3A_1156 = arith.constant 0 : index
            %get3A_1157 = tpu.vector_load %arg11[%get3A_1154, %get3A_1155, %get3A_1156] {strides = array<i32>} : memref<8x128x64xf32, #tpu.memory_space<vmem>>, vector<16xf32>,
            %mul3A_1158 = arith.mulf %get3A_1157, %gather3A_1153 : vector<16xf32>
            %swap3A_1159 = arith.index_cast %scan3A_959 : i32 to index
            %swap3A_1160 = arith.index_cast %add3A_1148 : i32 to index
            %swap3A_1161 = arith.constant 0 : index
            %swap3A_1162 = tpu.vector_load %arg11[%swap3A_1159, %swap3A_1160, %swap3A_1161] {strides = array<i32>} : memref<8x128x64xf32, #tpu.memory_space<vmem>>, vector<16xf32>,
            tpu.vector_store %arg11[%swap3A_1159, %swap3A_1160, %swap3A_1161], %mul3A_1158 {strides = array<i32>} : memref<8x128x64xf32, #tpu.memory_space<vmem>>, vector<16xf32>,
            %get3A_1163 = arith.index_cast %scan3A_959 : i32 to index
            %get3A_1164 = arith.index_cast %add3A_1148 : i32 to index
            %get3A_1165 = arith.constant 16 : index
            %get3A_1166 = tpu.vector_load %arg11[%get3A_1163, %get3A_1164, %get3A_1165] {strides = array<i32>} : memref<8x128x64xf32, #tpu.memory_space<vmem>>, vector<16xf32>,
            %mul3A_1167 = arith.mulf %get3A_1166, %gather3A_1153 : vector<16xf32>
            %swap3A_1168 = arith.index_cast %scan3A_959 : i32 to index
            %swap3A_1169 = arith.index_cast %add3A_1148 : i32 to index
            %swap3A_1170 = arith.constant 16 : index
            %swap3A_1171 = tpu.vector_load %arg11[%swap3A_1168, %swap3A_1169, %swap3A_1170] {strides = array<i32>} : memref<8x128x64xf32, #tpu.memory_space<vmem>>, vector<16xf32>,
            tpu.vector_store %arg11[%swap3A_1168, %swap3A_1169, %swap3A_1170], %mul3A_1167 {strides = array<i32>} : memref<8x128x64xf32, #tpu.memory_space<vmem>>, vector<16xf32>,
            %get3A_1172 = arith.index_cast %scan3A_959 : i32 to index
            %get3A_1173 = arith.index_cast %add3A_1148 : i32 to index
            %get3A_1174 = arith.constant 32 : index
            %get3A_1175 = tpu.vector_load %arg11[%get3A_1172, %get3A_1173, %get3A_1174] {strides = array<i32>} : memref<8x128x64xf32, #tpu.memory_space<vmem>>, vector<16xf32>,
            %mul3A_1176 = arith.mulf %get3A_1175, %gather3A_1153 : vector<16xf32>
            %swap3A_1177 = arith.index_cast %scan3A_959 : i32 to index
            %swap3A_1178 = arith.index_cast %add3A_1148 : i32 to index
            %swap3A_1179 = arith.constant 32 : index
            %swap3A_1180 = tpu.vector_load %arg11[%swap3A_1177, %swap3A_1178, %swap3A_1179] {strides = array<i32>} : memref<8x128x64xf32, #tpu.memory_space<vmem>>, vector<16xf32>,
            tpu.vector_store %arg11[%swap3A_1177, %swap3A_1178, %swap3A_1179], %mul3A_1176 {strides = array<i32>} : memref<8x128x64xf32, #tpu.memory_space<vmem>>, vector<16xf32>,
            %get3A_1181 = arith.index_cast %scan3A_959 : i32 to index
            %get3A_1182 = arith.index_cast %add3A_1148 : i32 to index
            %get3A_1183 = arith.constant 48 : index
            %get3A_1184 = tpu.vector_load %arg11[%get3A_1181, %get3A_1182, %get3A_1183] {strides = array<i32>} : memref<8x128x64xf32, #tpu.memory_space<vmem>>, vector<16xf32>,
            %mul3A_1185 = arith.mulf %get3A_1184, %gather3A_1153 : vector<16xf32>
            %swap3A_1186 = arith.index_cast %scan3A_959 : i32 to index
            %swap3A_1187 = arith.index_cast %add3A_1148 : i32 to index
            %swap3A_1188 = arith.constant 48 : index
            %swap3A_1189 = tpu.vector_load %arg11[%swap3A_1186, %swap3A_1187, %swap3A_1188] {strides = array<i32>} : memref<8x128x64xf32, #tpu.memory_space<vmem>>, vector<16xf32>,
            tpu.vector_store %arg11[%swap3A_1186, %swap3A_1187, %swap3A_1188], %mul3A_1185 {strides = array<i32>} : memref<8x128x64xf32, #tpu.memory_space<vmem>>, vector<16xf32>,
            %mul3A_1190 = arith.constant 16 : i32
            %mul3A_1191 = arith.muli %scan3A_966, %mul3A_1190 : i32
            %add3A_1192 = arith.constant 5 : i32
            %add3A_1193 = arith.addi %mul3A_1191, %add3A_1192 : i32
            %mul3A_1194 = arith.constant 128 : i32
            %mul3A_1195 = arith.muli %scan3A_959, %mul3A_1194 : i32
            %add3A_1196 = arith.addi %mul3A_1195, %add3A_1193 : i32
            %broadcast_in_dim3A_1197 = vector.broadcast %add3A_1196 : i32 to vector<16xi32>
            %gather3A_1198 = tpu.vector_load_idx %arg10[%broadcast_in_dim3A_1197] : memref<1024xf32, #tpu.memory_space<vmem>>[vector<16xi32>], vector<16xf32>,
            %get3A_1199 = arith.index_cast %scan3A_959 : i32 to index
            %get3A_1200 = arith.index_cast %add3A_1193 : i32 to index
            %get3A_1201 = arith.constant 0 : index
            %get3A_1202 = tpu.vector_load %arg11[%get3A_1199, %get3A_1200, %get3A_1201] {strides = array<i32>} : memref<8x128x64xf32, #tpu.memory_space<vmem>>, vector<16xf32>,
            %mul3A_1203 = arith.mulf %get3A_1202, %gather3A_1198 : vector<16xf32>
            %swap3A_1204 = arith.index_cast %scan3A_959 : i32 to index
            %swap3A_1205 = arith.index_cast %add3A_1193 : i32 to index
            %swap3A_1206 = arith.constant 0 : index
            %swap3A_1207 = tpu.vector_load %arg11[%swap3A_1204, %swap3A_1205, %swap3A_1206] {strides = array<i32>} : memref<8x128x64xf32, #tpu.memory_space<vmem>>, vector<16xf32>,
            tpu.vector_store %arg11[%swap3A_1204, %swap3A_1205, %swap3A_1206], %mul3A_1203 {strides = array<i32>} : memref<8x128x64xf32, #tpu.memory_space<vmem>>, vector<16xf32>,
            %get3A_1208 = arith.index_cast %scan3A_959 : i32 to index
            %get3A_1209 = arith.index_cast %add3A_1193 : i32 to index
            %get3A_1210 = arith.constant 16 : index
            %get3A_1211 = tpu.vector_load %arg11[%get3A_1208, %get3A_1209, %get3A_1210] {strides = array<i32>} : memref<8x128x64xf32, #tpu.memory_space<vmem>>, vector<16xf32>,
            %mul3A_1212 = arith.mulf %get3A_1211, %gather3A_1198 : vector<16xf32>
            %swap3A_1213 = arith.index_cast %scan3A_959 : i32 to index
            %swap3A_1214 = arith.index_cast %add3A_1193 : i32 to index
            %swap3A_1215 = arith.constant 16 : index
            %swap3A_1216 = tpu.vector_load %arg11[%swap3A_1213, %swap3A_1214, %swap3A_1215] {strides = array<i32>} : memref<8x128x64xf32, #tpu.memory_space<vmem>>, vector<16xf32>,
            tpu.vector_store %arg11[%swap3A_1213, %swap3A_1214, %swap3A_1215], %mul3A_1212 {strides = array<i32>} : memref<8x128x64xf32, #tpu.memory_space<vmem>>, vector<16xf32>,
            %get3A_1217 = arith.index_cast %scan3A_959 : i32 to index
            %get3A_1218 = arith.index_cast %add3A_1193 : i32 to index
            %get3A_1219 = arith.constant 32 : index
            %get3A_1220 = tpu.vector_load %arg11[%get3A_1217, %get3A_1218, %get3A_1219] {strides = array<i32>} : memref<8x128x64xf32, #tpu.memory_space<vmem>>, vector<16xf32>,
            %mul3A_1221 = arith.mulf %get3A_1220, %gather3A_1198 : vector<16xf32>
            %swap3A_1222 = arith.index_cast %scan3A_959 : i32 to index
            %swap3A_1223 = arith.index_cast %add3A_1193 : i32 to index
            %swap3A_1224 = arith.constant 32 : index
            %swap3A_1225 = tpu.vector_load %arg11[%swap3A_1222, %swap3A_1223, %swap3A_1224] {strides = array<i32>} : memref<8x128x64xf32, #tpu.memory_space<vmem>>, vector<16xf32>,
            tpu.vector_store %arg11[%swap3A_1222, %swap3A_1223, %swap3A_1224], %mul3A_1221 {strides = array<i32>} : memref<8x128x64xf32, #tpu.memory_space<vmem>>, vector<16xf32>,
            %get3A_1226 = arith.index_cast %scan3A_959 : i32 to index
            %get3A_1227 = arith.index_cast %add3A_1193 : i32 to index
            %get3A_1228 = arith.constant 48 : index
            %get3A_1229 = tpu.vector_load %arg11[%get3A_1226, %get3A_1227, %get3A_1228] {strides = array<i32>} : memref<8x128x64xf32, #tpu.memory_space<vmem>>, vector<16xf32>,
            %mul3A_1230 = arith.mulf %get3A_1229, %gather3A_1198 : vector<16xf32>
            %swap3A_1231 = arith.index_cast %scan3A_959 : i32 to index
            %swap3A_1232 = arith.index_cast %add3A_1193 : i32 to index
            %swap3A_1233 = arith.constant 48 : index
            %swap3A_1234 = tpu.vector_load %arg11[%swap3A_1231, %swap3A_1232, %swap3A_1233] {strides = array<i32>} : memref<8x128x64xf32, #tpu.memory_space<vmem>>, vector<16xf32>,
            tpu.vector_store %arg11[%swap3A_1231, %swap3A_1232, %swap3A_1233], %mul3A_1230 {strides = array<i32>} : memref<8x128x64xf32, #tpu.memory_space<vmem>>, vector<16xf32>,
            %mul3A_1235 = arith.constant 16 : i32
            %mul3A_1236 = arith.muli %scan3A_966, %mul3A_1235 : i32
            %add3A_1237 = arith.constant 6 : i32
            %add3A_1238 = arith.addi %mul3A_1236, %add3A_1237 : i32
            %mul3A_1239 = arith.constant 128 : i32
            %mul3A_1240 = arith.muli %scan3A_959, %mul3A_1239 : i32
            %add3A_1241 = arith.addi %mul3A_1240, %add3A_1238 : i32
            %broadcast_in_dim3A_1242 = vector.broadcast %add3A_1241 : i32 to vector<16xi32>
            %gather3A_1243 = tpu.vector_load_idx %arg10[%broadcast_in_dim3A_1242] : memref<1024xf32, #tpu.memory_space<vmem>>[vector<16xi32>], vector<16xf32>,
            %get3A_1244 = arith.index_cast %scan3A_959 : i32 to index
            %get3A_1245 = arith.index_cast %add3A_1238 : i32 to index
            %get3A_1246 = arith.constant 0 : index
            %get3A_1247 = tpu.vector_load %arg11[%get3A_1244, %get3A_1245, %get3A_1246] {strides = array<i32>} : memref<8x128x64xf32, #tpu.memory_space<vmem>>, vector<16xf32>,
            %mul3A_1248 = arith.mulf %get3A_1247, %gather3A_1243 : vector<16xf32>
            %swap3A_1249 = arith.index_cast %scan3A_959 : i32 to index
            %swap3A_1250 = arith.index_cast %add3A_1238 : i32 to index
            %swap3A_1251 = arith.constant 0 : index
            %swap3A_1252 = tpu.vector_load %arg11[%swap3A_1249, %swap3A_1250, %swap3A_1251] {strides = array<i32>} : memref<8x128x64xf32, #tpu.memory_space<vmem>>, vector<16xf32>,
            tpu.vector_store %arg11[%swap3A_1249, %swap3A_1250, %swap3A_1251], %mul3A_1248 {strides = array<i32>} : memref<8x128x64xf32, #tpu.memory_space<vmem>>, vector<16xf32>,
            %get3A_1253 = arith.index_cast %scan3A_959 : i32 to index
            %get3A_1254 = arith.index_cast %add3A_1238 : i32 to index
            %get3A_1255 = arith.constant 16 : index
            %get3A_1256 = tpu.vector_load %arg11[%get3A_1253, %get3A_1254, %get3A_1255] {strides = array<i32>} : memref<8x128x64xf32, #tpu.memory_space<vmem>>, vector<16xf32>,
            %mul3A_1257 = arith.mulf %get3A_1256, %gather3A_1243 : vector<16xf32>
            %swap3A_1258 = arith.index_cast %scan3A_959 : i32 to index
            %swap3A_1259 = arith.index_cast %add3A_1238 : i32 to index
            %swap3A_1260 = arith.constant 16 : index
            %swap3A_1261 = tpu.vector_load %arg11[%swap3A_1258, %swap3A_1259, %swap3A_1260] {strides = array<i32>} : memref<8x128x64xf32, #tpu.memory_space<vmem>>, vector<16xf32>,
            tpu.vector_store %arg11[%swap3A_1258, %swap3A_1259, %swap3A_1260], %mul3A_1257 {strides = array<i32>} : memref<8x128x64xf32, #tpu.memory_space<vmem>>, vector<16xf32>,
            %get3A_1262 = arith.index_cast %scan3A_959 : i32 to index
            %get3A_1263 = arith.index_cast %add3A_1238 : i32 to index
            %get3A_1264 = arith.constant 32 : index
            %get3A_1265 = tpu.vector_load %arg11[%get3A_1262, %get3A_1263, %get3A_1264] {strides = array<i32>} : memref<8x128x64xf32, #tpu.memory_space<vmem>>, vector<16xf32>,
            %mul3A_1266 = arith.mulf %get3A_1265, %gather3A_1243 : vector<16xf32>
            %swap3A_1267 = arith.index_cast %scan3A_959 : i32 to index
            %swap3A_1268 = arith.index_cast %add3A_1238 : i32 to index
            %swap3A_1269 = arith.constant 32 : index
            %swap3A_1270 = tpu.vector_load %arg11[%swap3A_1267, %swap3A_1268, %swap3A_1269] {strides = array<i32>} : memref<8x128x64xf32, #tpu.memory_space<vmem>>, vector<16xf32>,
            tpu.vector_store %arg11[%swap3A_1267, %swap3A_1268, %swap3A_1269], %mul3A_1266 {strides = array<i32>} : memref<8x128x64xf32, #tpu.memory_space<vmem>>, vector<16xf32>,
            %get3A_1271 = arith.index_cast %scan3A_959 : i32 to index
            %get3A_1272 = arith.index_cast %add3A_1238 : i32 to index
            %get3A_1273 = arith.constant 48 : index
            %get3A_1274 = tpu.vector_load %arg11[%get3A_1271, %get3A_1272, %get3A_1273] {strides = array<i32>} : memref<8x128x64xf32, #tpu.memory_space<vmem>>, vector<16xf32>,
            %mul3A_1275 = arith.mulf %get3A_1274, %gather3A_1243 : vector<16xf32>
            %swap3A_1276 = arith.index_cast %scan3A_959 : i32 to index
            %swap3A_1277 = arith.index_cast %add3A_1238 : i32 to index
            %swap3A_1278 = arith.constant 48 : index
            %swap3A_1279 = tpu.vector_load %arg11[%swap3A_1276, %swap3A_1277, %swap3A_1278] {strides = array<i32>} : memref<8x128x64xf32, #tpu.memory_space<vmem>>, vector<16xf32>,
            tpu.vector_store %arg11[%swap3A_1276, %swap3A_1277, %swap3A_1278], %mul3A_1275 {strides = array<i32>} : memref<8x128x64xf32, #tpu.memory_space<vmem>>, vector<16xf32>,
            %mul3A_1280 = arith.constant 16 : i32
            %mul3A_1281 = arith.muli %scan3A_966, %mul3A_1280 : i32
            %add3A_1282 = arith.constant 7 : i32
            %add3A_1283 = arith.addi %mul3A_1281, %add3A_1282 : i32
            %mul3A_1284 = arith.constant 128 : i32
            %mul3A_1285 = arith.muli %scan3A_959, %mul3A_1284 : i32
            %add3A_1286 = arith.addi %mul3A_1285, %add3A_1283 : i32
            %broadcast_in_dim3A_1287 = vector.broadcast %add3A_1286 : i32 to vector<16xi32>
            %gather3A_1288 = tpu.vector_load_idx %arg10[%broadcast_in_dim3A_1287] : memref<1024xf32, #tpu.memory_space<vmem>>[vector<16xi32>], vector<16xf32>,
            %get3A_1289 = arith.index_cast %scan3A_959 : i32 to index
            %get3A_1290 = arith.index_cast %add3A_1283 : i32 to index
            %get3A_1291 = arith.constant 0 : index
            %get3A_1292 = tpu.vector_load %arg11[%get3A_1289, %get3A_1290, %get3A_1291] {strides = array<i32>} : memref<8x128x64xf32, #tpu.memory_space<vmem>>, vector<16xf32>,
            %mul3A_1293 = arith.mulf %get3A_1292, %gather3A_1288 : vector<16xf32>
            %swap3A_1294 = arith.index_cast %scan3A_959 : i32 to index
            %swap3A_1295 = arith.index_cast %add3A_1283 : i32 to index
            %swap3A_1296 = arith.constant 0 : index
            %swap3A_1297 = tpu.vector_load %arg11[%swap3A_1294, %swap3A_1295, %swap3A_1296] {strides = array<i32>} : memref<8x128x64xf32, #tpu.memory_space<vmem>>, vector<16xf32>,
            tpu.vector_store %arg11[%swap3A_1294, %swap3A_1295, %swap3A_1296], %mul3A_1293 {strides = array<i32>} : memref<8x128x64xf32, #tpu.memory_space<vmem>>, vector<16xf32>,
            %get3A_1298 = arith.index_cast %scan3A_959 : i32 to index
            %get3A_1299 = arith.index_cast %add3A_1283 : i32 to index
            %get3A_1300 = arith.constant 16 : index
            %get3A_1301 = tpu.vector_load %arg11[%get3A_1298, %get3A_1299, %get3A_1300] {strides = array<i32>} : memref<8x128x64xf32, #tpu.memory_space<vmem>>, vector<16xf32>,
            %mul3A_1302 = arith.mulf %get3A_1301, %gather3A_1288 : vector<16xf32>
            %swap3A_1303 = arith.index_cast %scan3A_959 : i32 to index
            %swap3A_1304 = arith.index_cast %add3A_1283 : i32 to index
            %swap3A_1305 = arith.constant 16 : index
            %swap3A_1306 = tpu.vector_load %arg11[%swap3A_1303, %swap3A_1304, %swap3A_1305] {strides = array<i32>} : memref<8x128x64xf32, #tpu.memory_space<vmem>>, vector<16xf32>,
            tpu.vector_store %arg11[%swap3A_1303, %swap3A_1304, %swap3A_1305], %mul3A_1302 {strides = array<i32>} : memref<8x128x64xf32, #tpu.memory_space<vmem>>, vector<16xf32>,
            %get3A_1307 = arith.index_cast %scan3A_959 : i32 to index
            %get3A_1308 = arith.index_cast %add3A_1283 : i32 to index
            %get3A_1309 = arith.constant 32 : index
            %get3A_1310 = tpu.vector_load %arg11[%get3A_1307, %get3A_1308, %get3A_1309] {strides = array<i32>} : memref<8x128x64xf32, #tpu.memory_space<vmem>>, vector<16xf32>,
            %mul3A_1311 = arith.mulf %get3A_1310, %gather3A_1288 : vector<16xf32>
            %swap3A_1312 = arith.index_cast %scan3A_959 : i32 to index
            %swap3A_1313 = arith.index_cast %add3A_1283 : i32 to index
            %swap3A_1314 = arith.constant 32 : index
            %swap3A_1315 = tpu.vector_load %arg11[%swap3A_1312, %swap3A_1313, %swap3A_1314] {strides = array<i32>} : memref<8x128x64xf32, #tpu.memory_space<vmem>>, vector<16xf32>,
            tpu.vector_store %arg11[%swap3A_1312, %swap3A_1313, %swap3A_1314], %mul3A_1311 {strides = array<i32>} : memref<8x128x64xf32, #tpu.memory_space<vmem>>, vector<16xf32>,
            %get3A_1316 = arith.index_cast %scan3A_959 : i32 to index
            %get3A_1317 = arith.index_cast %add3A_1283 : i32 to index
            %get3A_1318 = arith.constant 48 : index
            %get3A_1319 = tpu.vector_load %arg11[%get3A_1316, %get3A_1317, %get3A_1318] {strides = array<i32>} : memref<8x128x64xf32, #tpu.memory_space<vmem>>, vector<16xf32>,
            %mul3A_1320 = arith.mulf %get3A_1319, %gather3A_1288 : vector<16xf32>
            %swap3A_1321 = arith.index_cast %scan3A_959 : i32 to index
            %swap3A_1322 = arith.index_cast %add3A_1283 : i32 to index
            %swap3A_1323 = arith.constant 48 : index
            %swap3A_1324 = tpu.vector_load %arg11[%swap3A_1321, %swap3A_1322, %swap3A_1323] {strides = array<i32>} : memref<8x128x64xf32, #tpu.memory_space<vmem>>, vector<16xf32>,
            tpu.vector_store %arg11[%swap3A_1321, %swap3A_1322, %swap3A_1323], %mul3A_1320 {strides = array<i32>} : memref<8x128x64xf32, #tpu.memory_space<vmem>>, vector<16xf32>,
            %mul3A_1325 = arith.constant 16 : i32
            %mul3A_1326 = arith.muli %scan3A_966, %mul3A_1325 : i32
            %add3A_1327 = arith.constant 8 : i32
            %add3A_1328 = arith.addi %mul3A_1326, %add3A_1327 : i32
            %mul3A_1329 = arith.constant 128 : i32
            %mul3A_1330 = arith.muli %scan3A_959, %mul3A_1329 : i32
            %add3A_1331 = arith.addi %mul3A_1330, %add3A_1328 : i32
            %broadcast_in_dim3A_1332 = vector.broadcast %add3A_1331 : i32 to vector<16xi32>
            %gather3A_1333 = tpu.vector_load_idx %arg10[%broadcast_in_dim3A_1332] : memref<1024xf32, #tpu.memory_space<vmem>>[vector<16xi32>], vector<16xf32>,
            %get3A_1334 = arith.index_cast %scan3A_959 : i32 to index
            %get3A_1335 = arith.index_cast %add3A_1328 : i32 to index
            %get3A_1336 = arith.constant 0 : index
            %get3A_1337 = tpu.vector_load %arg11[%get3A_1334, %get3A_1335, %get3A_1336] {strides = array<i32>} : memref<8x128x64xf32, #tpu.memory_space<vmem>>, vector<16xf32>,
            %mul3A_1338 = arith.mulf %get3A_1337, %gather3A_1333 : vector<16xf32>
            %swap3A_1339 = arith.index_cast %scan3A_959 : i32 to index
            %swap3A_1340 = arith.index_cast %add3A_1328 : i32 to index
            %swap3A_1341 = arith.constant 0 : index
            %swap3A_1342 = tpu.vector_load %arg11[%swap3A_1339, %swap3A_1340, %swap3A_1341] {strides = array<i32>} : memref<8x128x64xf32, #tpu.memory_space<vmem>>, vector<16xf32>,
            tpu.vector_store %arg11[%swap3A_1339, %swap3A_1340, %swap3A_1341], %mul3A_1338 {strides = array<i32>} : memref<8x128x64xf32, #tpu.memory_space<vmem>>, vector<16xf32>,
            %get3A_1343 = arith.index_cast %scan3A_959 : i32 to index
            %get3A_1344 = arith.index_cast %add3A_1328 : i32 to index
            %get3A_1345 = arith.constant 16 : index
            %get3A_1346 = tpu.vector_load %arg11[%get3A_1343, %get3A_1344, %get3A_1345] {strides = array<i32>} : memref<8x128x64xf32, #tpu.memory_space<vmem>>, vector<16xf32>,
            %mul3A_1347 = arith.mulf %get3A_1346, %gather3A_1333 : vector<16xf32>
            %swap3A_1348 = arith.index_cast %scan3A_959 : i32 to index
            %swap3A_1349 = arith.index_cast %add3A_1328 : i32 to index
            %swap3A_1350 = arith.constant 16 : index
            %swap3A_1351 = tpu.vector_load %arg11[%swap3A_1348, %swap3A_1349, %swap3A_1350] {strides = array<i32>} : memref<8x128x64xf32, #tpu.memory_space<vmem>>, vector<16xf32>,
            tpu.vector_store %arg11[%swap3A_1348, %swap3A_1349, %swap3A_1350], %mul3A_1347 {strides = array<i32>} : memref<8x128x64xf32, #tpu.memory_space<vmem>>, vector<16xf32>,
            %get3A_1352 = arith.index_cast %scan3A_959 : i32 to index
            %get3A_1353 = arith.index_cast %add3A_1328 : i32 to index
            %get3A_1354 = arith.constant 32 : index
            %get3A_1355 = tpu.vector_load %arg11[%get3A_1352, %get3A_1353, %get3A_1354] {strides = array<i32>} : memref<8x128x64xf32, #tpu.memory_space<vmem>>, vector<16xf32>,
            %mul3A_1356 = arith.mulf %get3A_1355, %gather3A_1333 : vector<16xf32>
            %swap3A_1357 = arith.index_cast %scan3A_959 : i32 to index
            %swap3A_1358 = arith.index_cast %add3A_1328 : i32 to index
            %swap3A_1359 = arith.constant 32 : index
            %swap3A_1360 = tpu.vector_load %arg11[%swap3A_1357, %swap3A_1358, %swap3A_1359] {strides = array<i32>} : memref<8x128x64xf32, #tpu.memory_space<vmem>>, vector<16xf32>,
            tpu.vector_store %arg11[%swap3A_1357, %swap3A_1358, %swap3A_1359], %mul3A_1356 {strides = array<i32>} : memref<8x128x64xf32, #tpu.memory_space<vmem>>, vector<16xf32>,
            %get3A_1361 = arith.index_cast %scan3A_959 : i32 to index
            %get3A_1362 = arith.index_cast %add3A_1328 : i32 to index
            %get3A_1363 = arith.constant 48 : index
            %get3A_1364 = tpu.vector_load %arg11[%get3A_1361, %get3A_1362, %get3A_1363] {strides = array<i32>} : memref<8x128x64xf32, #tpu.memory_space<vmem>>, vector<16xf32>,
            %mul3A_1365 = arith.mulf %get3A_1364, %gather3A_1333 : vector<16xf32>
            %swap3A_1366 = arith.index_cast %scan3A_959 : i32 to index
            %swap3A_1367 = arith.index_cast %add3A_1328 : i32 to index
            %swap3A_1368 = arith.constant 48 : index
            %swap3A_1369 = tpu.vector_load %arg11[%swap3A_1366, %swap3A_1367, %swap3A_1368] {strides = array<i32>} : memref<8x128x64xf32, #tpu.memory_space<vmem>>, vector<16xf32>,
            tpu.vector_store %arg11[%swap3A_1366, %swap3A_1367, %swap3A_1368], %mul3A_1365 {strides = array<i32>} : memref<8x128x64xf32, #tpu.memory_space<vmem>>, vector<16xf32>,
            %mul3A_1370 = arith.constant 16 : i32
            %mul3A_1371 = arith.muli %scan3A_966, %mul3A_1370 : i32
            %add3A_1372 = arith.constant 9 : i32
            %add3A_1373 = arith.addi %mul3A_1371, %add3A_1372 : i32
            %mul3A_1374 = arith.constant 128 : i32
            %mul3A_1375 = arith.muli %scan3A_959, %mul3A_1374 : i32
            %add3A_1376 = arith.addi %mul3A_1375, %add3A_1373 : i32
            %broadcast_in_dim3A_1377 = vector.broadcast %add3A_1376 : i32 to vector<16xi32>
            %gather3A_1378 = tpu.vector_load_idx %arg10[%broadcast_in_dim3A_1377] : memref<1024xf32, #tpu.memory_space<vmem>>[vector<16xi32>], vector<16xf32>,
            %get3A_1379 = arith.index_cast %scan3A_959 : i32 to index
            %get3A_1380 = arith.index_cast %add3A_1373 : i32 to index
            %get3A_1381 = arith.constant 0 : index
            %get3A_1382 = tpu.vector_load %arg11[%get3A_1379, %get3A_1380, %get3A_1381] {strides = array<i32>} : memref<8x128x64xf32, #tpu.memory_space<vmem>>, vector<16xf32>,
            %mul3A_1383 = arith.mulf %get3A_1382, %gather3A_1378 : vector<16xf32>
            %swap3A_1384 = arith.index_cast %scan3A_959 : i32 to index
            %swap3A_1385 = arith.index_cast %add3A_1373 : i32 to index
            %swap3A_1386 = arith.constant 0 : index
            %swap3A_1387 = tpu.vector_load %arg11[%swap3A_1384, %swap3A_1385, %swap3A_1386] {strides = array<i32>} : memref<8x128x64xf32, #tpu.memory_space<vmem>>, vector<16xf32>,
            tpu.vector_store %arg11[%swap3A_1384, %swap3A_1385, %swap3A_1386], %mul3A_1383 {strides = array<i32>} : memref<8x128x64xf32, #tpu.memory_space<vmem>>, vector<16xf32>,
            %get3A_1388 = arith.index_cast %scan3A_959 : i32 to index
            %get3A_1389 = arith.index_cast %add3A_1373 : i32 to index
            %get3A_1390 = arith.constant 16 : index
            %get3A_1391 = tpu.vector_load %arg11[%get3A_1388, %get3A_1389, %get3A_1390] {strides = array<i32>} : memref<8x128x64xf32, #tpu.memory_space<vmem>>, vector<16xf32>,
            %mul3A_1392 = arith.mulf %get3A_1391, %gather3A_1378 : vector<16xf32>
            %swap3A_1393 = arith.index_cast %scan3A_959 : i32 to index
            %swap3A_1394 = arith.index_cast %add3A_1373 : i32 to index
            %swap3A_1395 = arith.constant 16 : index
            %swap3A_1396 = tpu.vector_load %arg11[%swap3A_1393, %swap3A_1394, %swap3A_1395] {strides = array<i32>} : memref<8x128x64xf32, #tpu.memory_space<vmem>>, vector<16xf32>,
            tpu.vector_store %arg11[%swap3A_1393, %swap3A_1394, %swap3A_1395], %mul3A_1392 {strides = array<i32>} : memref<8x128x64xf32, #tpu.memory_space<vmem>>, vector<16xf32>,
            %get3A_1397 = arith.index_cast %scan3A_959 : i32 to index
            %get3A_1398 = arith.index_cast %add3A_1373 : i32 to index
            %get3A_1399 = arith.constant 32 : index
            %get3A_1400 = tpu.vector_load %arg11[%get3A_1397, %get3A_1398, %get3A_1399] {strides = array<i32>} : memref<8x128x64xf32, #tpu.memory_space<vmem>>, vector<16xf32>,
            %mul3A_1401 = arith.mulf %get3A_1400, %gather3A_1378 : vector<16xf32>
            %swap3A_1402 = arith.index_cast %scan3A_959 : i32 to index
            %swap3A_1403 = arith.index_cast %add3A_1373 : i32 to index
            %swap3A_1404 = arith.constant 32 : index
            %swap3A_1405 = tpu.vector_load %arg11[%swap3A_1402, %swap3A_1403, %swap3A_1404] {strides = array<i32>} : memref<8x128x64xf32, #tpu.memory_space<vmem>>, vector<16xf32>,
            tpu.vector_store %arg11[%swap3A_1402, %swap3A_1403, %swap3A_1404], %mul3A_1401 {strides = array<i32>} : memref<8x128x64xf32, #tpu.memory_space<vmem>>, vector<16xf32>,
            %get3A_1406 = arith.index_cast %scan3A_959 : i32 to index
            %get3A_1407 = arith.index_cast %add3A_1373 : i32 to index
            %get3A_1408 = arith.constant 48 : index
            %get3A_1409 = tpu.vector_load %arg11[%get3A_1406, %get3A_1407, %get3A_1408] {strides = array<i32>} : memref<8x128x64xf32, #tpu.memory_space<vmem>>, vector<16xf32>,
            %mul3A_1410 = arith.mulf %get3A_1409, %gather3A_1378 : vector<16xf32>
            %swap3A_1411 = arith.index_cast %scan3A_959 : i32 to index
            %swap3A_1412 = arith.index_cast %add3A_1373 : i32 to index
            %swap3A_1413 = arith.constant 48 : index
            %swap3A_1414 = tpu.vector_load %arg11[%swap3A_1411, %swap3A_1412, %swap3A_1413] {strides = array<i32>} : memref<8x128x64xf32, #tpu.memory_space<vmem>>, vector<16xf32>,
            tpu.vector_store %arg11[%swap3A_1411, %swap3A_1412, %swap3A_1413], %mul3A_1410 {strides = array<i32>} : memref<8x128x64xf32, #tpu.memory_space<vmem>>, vector<16xf32>,
            %mul3A_1415 = arith.constant 16 : i32
            %mul3A_1416 = arith.muli %scan3A_966, %mul3A_1415 : i32
            %add3A_1417 = arith.constant 10 : i32
            %add3A_1418 = arith.addi %mul3A_1416, %add3A_1417 : i32
            %mul3A_1419 = arith.constant 128 : i32
            %mul3A_1420 = arith.muli %scan3A_959, %mul3A_1419 : i32
            %add3A_1421 = arith.addi %mul3A_1420, %add3A_1418 : i32
            %broadcast_in_dim3A_1422 = vector.broadcast %add3A_1421 : i32 to vector<16xi32>
            %gather3A_1423 = tpu.vector_load_idx %arg10[%broadcast_in_dim3A_1422] : memref<1024xf32, #tpu.memory_space<vmem>>[vector<16xi32>], vector<16xf32>,
            %get3A_1424 = arith.index_cast %scan3A_959 : i32 to index
            %get3A_1425 = arith.index_cast %add3A_1418 : i32 to index
            %get3A_1426 = arith.constant 0 : index
            %get3A_1427 = tpu.vector_load %arg11[%get3A_1424, %get3A_1425, %get3A_1426] {strides = array<i32>} : memref<8x128x64xf32, #tpu.memory_space<vmem>>, vector<16xf32>,
            %mul3A_1428 = arith.mulf %get3A_1427, %gather3A_1423 : vector<16xf32>
            %swap3A_1429 = arith.index_cast %scan3A_959 : i32 to index
            %swap3A_1430 = arith.index_cast %add3A_1418 : i32 to index
            %swap3A_1431 = arith.constant 0 : index
            %swap3A_1432 = tpu.vector_load %arg11[%swap3A_1429, %swap3A_1430, %swap3A_1431] {strides = array<i32>} : memref<8x128x64xf32, #tpu.memory_space<vmem>>, vector<16xf32>,
            tpu.vector_store %arg11[%swap3A_1429, %swap3A_1430, %swap3A_1431], %mul3A_1428 {strides = array<i32>} : memref<8x128x64xf32, #tpu.memory_space<vmem>>, vector<16xf32>,
            %get3A_1433 = arith.index_cast %scan3A_959 : i32 to index
            %get3A_1434 = arith.index_cast %add3A_1418 : i32 to index
            %get3A_1435 = arith.constant 16 : index
            %get3A_1436 = tpu.vector_load %arg11[%get3A_1433, %get3A_1434, %get3A_1435] {strides = array<i32>} : memref<8x128x64xf32, #tpu.memory_space<vmem>>, vector<16xf32>,
            %mul3A_1437 = arith.mulf %get3A_1436, %gather3A_1423 : vector<16xf32>
            %swap3A_1438 = arith.index_cast %scan3A_959 : i32 to index
            %swap3A_1439 = arith.index_cast %add3A_1418 : i32 to index
            %swap3A_1440 = arith.constant 16 : index
            %swap3A_1441 = tpu.vector_load %arg11[%swap3A_1438, %swap3A_1439, %swap3A_1440] {strides = array<i32>} : memref<8x128x64xf32, #tpu.memory_space<vmem>>, vector<16xf32>,
            tpu.vector_store %arg11[%swap3A_1438, %swap3A_1439, %swap3A_1440], %mul3A_1437 {strides = array<i32>} : memref<8x128x64xf32, #tpu.memory_space<vmem>>, vector<16xf32>,
            %get3A_1442 = arith.index_cast %scan3A_959 : i32 to index
            %get3A_1443 = arith.index_cast %add3A_1418 : i32 to index
            %get3A_1444 = arith.constant 32 : index
            %get3A_1445 = tpu.vector_load %arg11[%get3A_1442, %get3A_1443, %get3A_1444] {strides = array<i32>} : memref<8x128x64xf32, #tpu.memory_space<vmem>>, vector<16xf32>,
            %mul3A_1446 = arith.mulf %get3A_1445, %gather3A_1423 : vector<16xf32>
            %swap3A_1447 = arith.index_cast %scan3A_959 : i32 to index
            %swap3A_1448 = arith.index_cast %add3A_1418 : i32 to index
            %swap3A_1449 = arith.constant 32 : index
            %swap3A_1450 = tpu.vector_load %arg11[%swap3A_1447, %swap3A_1448, %swap3A_1449] {strides = array<i32>} : memref<8x128x64xf32, #tpu.memory_space<vmem>>, vector<16xf32>,
            tpu.vector_store %arg11[%swap3A_1447, %swap3A_1448, %swap3A_1449], %mul3A_1446 {strides = array<i32>} : memref<8x128x64xf32, #tpu.memory_space<vmem>>, vector<16xf32>,
            %get3A_1451 = arith.index_cast %scan3A_959 : i32 to index
            %get3A_1452 = arith.index_cast %add3A_1418 : i32 to index
            %get3A_1453 = arith.constant 48 : index
            %get3A_1454 = tpu.vector_load %arg11[%get3A_1451, %get3A_1452, %get3A_1453] {strides = array<i32>} : memref<8x128x64xf32, #tpu.memory_space<vmem>>, vector<16xf32>,
            %mul3A_1455 = arith.mulf %get3A_1454, %gather3A_1423 : vector<16xf32>
            %swap3A_1456 = arith.index_cast %scan3A_959 : i32 to index
            %swap3A_1457 = arith.index_cast %add3A_1418 : i32 to index
            %swap3A_1458 = arith.constant 48 : index
            %swap3A_1459 = tpu.vector_load %arg11[%swap3A_1456, %swap3A_1457, %swap3A_1458] {strides = array<i32>} : memref<8x128x64xf32, #tpu.memory_space<vmem>>, vector<16xf32>,
            tpu.vector_store %arg11[%swap3A_1456, %swap3A_1457, %swap3A_1458], %mul3A_1455 {strides = array<i32>} : memref<8x128x64xf32, #tpu.memory_space<vmem>>, vector<16xf32>,
            %mul3A_1460 = arith.constant 16 : i32
            %mul3A_1461 = arith.muli %scan3A_966, %mul3A_1460 : i32
            %add3A_1462 = arith.constant 11 : i32
            %add3A_1463 = arith.addi %mul3A_1461, %add3A_1462 : i32
            %mul3A_1464 = arith.constant 128 : i32
            %mul3A_1465 = arith.muli %scan3A_959, %mul3A_1464 : i32
            %add3A_1466 = arith.addi %mul3A_1465, %add3A_1463 : i32
            %broadcast_in_dim3A_1467 = vector.broadcast %add3A_1466 : i32 to vector<16xi32>
            %gather3A_1468 = tpu.vector_load_idx %arg10[%broadcast_in_dim3A_1467] : memref<1024xf32, #tpu.memory_space<vmem>>[vector<16xi32>], vector<16xf32>,
            %get3A_1469 = arith.index_cast %scan3A_959 : i32 to index
            %get3A_1470 = arith.index_cast %add3A_1463 : i32 to index
            %get3A_1471 = arith.constant 0 : index
            %get3A_1472 = tpu.vector_load %arg11[%get3A_1469, %get3A_1470, %get3A_1471] {strides = array<i32>} : memref<8x128x64xf32, #tpu.memory_space<vmem>>, vector<16xf32>,
            %mul3A_1473 = arith.mulf %get3A_1472, %gather3A_1468 : vector<16xf32>
            %swap3A_1474 = arith.index_cast %scan3A_959 : i32 to index
            %swap3A_1475 = arith.index_cast %add3A_1463 : i32 to index
            %swap3A_1476 = arith.constant 0 : index
            %swap3A_1477 = tpu.vector_load %arg11[%swap3A_1474, %swap3A_1475, %swap3A_1476] {strides = array<i32>} : memref<8x128x64xf32, #tpu.memory_space<vmem>>, vector<16xf32>,
            tpu.vector_store %arg11[%swap3A_1474, %swap3A_1475, %swap3A_1476], %mul3A_1473 {strides = array<i32>} : memref<8x128x64xf32, #tpu.memory_space<vmem>>, vector<16xf32>,
            %get3A_1478 = arith.index_cast %scan3A_959 : i32 to index
            %get3A_1479 = arith.index_cast %add3A_1463 : i32 to index
            %get3A_1480 = arith.constant 16 : index
            %get3A_1481 = tpu.vector_load %arg11[%get3A_1478, %get3A_1479, %get3A_1480] {strides = array<i32>} : memref<8x128x64xf32, #tpu.memory_space<vmem>>, vector<16xf32>,
            %mul3A_1482 = arith.mulf %get3A_1481, %gather3A_1468 : vector<16xf32>
            %swap3A_1483 = arith.index_cast %scan3A_959 : i32 to index
            %swap3A_1484 = arith.index_cast %add3A_1463 : i32 to index
            %swap3A_1485 = arith.constant 16 : index
            %swap3A_1486 = tpu.vector_load %arg11[%swap3A_1483, %swap3A_1484, %swap3A_1485] {strides = array<i32>} : memref<8x128x64xf32, #tpu.memory_space<vmem>>, vector<16xf32>,
            tpu.vector_store %arg11[%swap3A_1483, %swap3A_1484, %swap3A_1485], %mul3A_1482 {strides = array<i32>} : memref<8x128x64xf32, #tpu.memory_space<vmem>>, vector<16xf32>,
            %get3A_1487 = arith.index_cast %scan3A_959 : i32 to index
            %get3A_1488 = arith.index_cast %add3A_1463 : i32 to index
            %get3A_1489 = arith.constant 32 : index
            %get3A_1490 = tpu.vector_load %arg11[%get3A_1487, %get3A_1488, %get3A_1489] {strides = array<i32>} : memref<8x128x64xf32, #tpu.memory_space<vmem>>, vector<16xf32>,
            %mul3A_1491 = arith.mulf %get3A_1490, %gather3A_1468 : vector<16xf32>
            %swap3A_1492 = arith.index_cast %scan3A_959 : i32 to index
            %swap3A_1493 = arith.index_cast %add3A_1463 : i32 to index
            %swap3A_1494 = arith.constant 32 : index
            %swap3A_1495 = tpu.vector_load %arg11[%swap3A_1492, %swap3A_1493, %swap3A_1494] {strides = array<i32>} : memref<8x128x64xf32, #tpu.memory_space<vmem>>, vector<16xf32>,
            tpu.vector_store %arg11[%swap3A_1492, %swap3A_1493, %swap3A_1494], %mul3A_1491 {strides = array<i32>} : memref<8x128x64xf32, #tpu.memory_space<vmem>>, vector<16xf32>,
            %get3A_1496 = arith.index_cast %scan3A_959 : i32 to index
            %get3A_1497 = arith.index_cast %add3A_1463 : i32 to index
            %get3A_1498 = arith.constant 48 : index
            %get3A_1499 = tpu.vector_load %arg11[%get3A_1496, %get3A_1497, %get3A_1498] {strides = array<i32>} : memref<8x128x64xf32, #tpu.memory_space<vmem>>, vector<16xf32>,
            %mul3A_1500 = arith.mulf %get3A_1499, %gather3A_1468 : vector<16xf32>
            %swap3A_1501 = arith.index_cast %scan3A_959 : i32 to index
            %swap3A_1502 = arith.index_cast %add3A_1463 : i32 to index
            %swap3A_1503 = arith.constant 48 : index
            %swap3A_1504 = tpu.vector_load %arg11[%swap3A_1501, %swap3A_1502, %swap3A_1503] {strides = array<i32>} : memref<8x128x64xf32, #tpu.memory_space<vmem>>, vector<16xf32>,
            tpu.vector_store %arg11[%swap3A_1501, %swap3A_1502, %swap3A_1503], %mul3A_1500 {strides = array<i32>} : memref<8x128x64xf32, #tpu.memory_space<vmem>>, vector<16xf32>,
            %mul3A_1505 = arith.constant 16 : i32
            %mul3A_1506 = arith.muli %scan3A_966, %mul3A_1505 : i32
            %add3A_1507 = arith.constant 12 : i32
            %add3A_1508 = arith.addi %mul3A_1506, %add3A_1507 : i32
            %mul3A_1509 = arith.constant 128 : i32
            %mul3A_1510 = arith.muli %scan3A_959, %mul3A_1509 : i32
            %add3A_1511 = arith.addi %mul3A_1510, %add3A_1508 : i32
            %broadcast_in_dim3A_1512 = vector.broadcast %add3A_1511 : i32 to vector<16xi32>
            %gather3A_1513 = tpu.vector_load_idx %arg10[%broadcast_in_dim3A_1512] : memref<1024xf32, #tpu.memory_space<vmem>>[vector<16xi32>], vector<16xf32>,
            %get3A_1514 = arith.index_cast %scan3A_959 : i32 to index
            %get3A_1515 = arith.index_cast %add3A_1508 : i32 to index
            %get3A_1516 = arith.constant 0 : index
            %get3A_1517 = tpu.vector_load %arg11[%get3A_1514, %get3A_1515, %get3A_1516] {strides = array<i32>} : memref<8x128x64xf32, #tpu.memory_space<vmem>>, vector<16xf32>,
            %mul3A_1518 = arith.mulf %get3A_1517, %gather3A_1513 : vector<16xf32>
            %swap3A_1519 = arith.index_cast %scan3A_959 : i32 to index
            %swap3A_1520 = arith.index_cast %add3A_1508 : i32 to index
            %swap3A_1521 = arith.constant 0 : index
            %swap3A_1522 = tpu.vector_load %arg11[%swap3A_1519, %swap3A_1520, %swap3A_1521] {strides = array<i32>} : memref<8x128x64xf32, #tpu.memory_space<vmem>>, vector<16xf32>,
            tpu.vector_store %arg11[%swap3A_1519, %swap3A_1520, %swap3A_1521], %mul3A_1518 {strides = array<i32>} : memref<8x128x64xf32, #tpu.memory_space<vmem>>, vector<16xf32>,
            %get3A_1523 = arith.index_cast %scan3A_959 : i32 to index
            %get3A_1524 = arith.index_cast %add3A_1508 : i32 to index
            %get3A_1525 = arith.constant 16 : index
            %get3A_1526 = tpu.vector_load %arg11[%get3A_1523, %get3A_1524, %get3A_1525] {strides = array<i32>} : memref<8x128x64xf32, #tpu.memory_space<vmem>>, vector<16xf32>,
            %mul3A_1527 = arith.mulf %get3A_1526, %gather3A_1513 : vector<16xf32>
            %swap3A_1528 = arith.index_cast %scan3A_959 : i32 to index
            %swap3A_1529 = arith.index_cast %add3A_1508 : i32 to index
            %swap3A_1530 = arith.constant 16 : index
            %swap3A_1531 = tpu.vector_load %arg11[%swap3A_1528, %swap3A_1529, %swap3A_1530] {strides = array<i32>} : memref<8x128x64xf32, #tpu.memory_space<vmem>>, vector<16xf32>,
            tpu.vector_store %arg11[%swap3A_1528, %swap3A_1529, %swap3A_1530], %mul3A_1527 {strides = array<i32>} : memref<8x128x64xf32, #tpu.memory_space<vmem>>, vector<16xf32>,
            %get3A_1532 = arith.index_cast %scan3A_959 : i32 to index
            %get3A_1533 = arith.index_cast %add3A_1508 : i32 to index
            %get3A_1534 = arith.constant 32 : index
            %get3A_1535 = tpu.vector_load %arg11[%get3A_1532, %get3A_1533, %get3A_1534] {strides = array<i32>} : memref<8x128x64xf32, #tpu.memory_space<vmem>>, vector<16xf32>,
            %mul3A_1536 = arith.mulf %get3A_1535, %gather3A_1513 : vector<16xf32>
            %swap3A_1537 = arith.index_cast %scan3A_959 : i32 to index
            %swap3A_1538 = arith.index_cast %add3A_1508 : i32 to index
            %swap3A_1539 = arith.constant 32 : index
            %swap3A_1540 = tpu.vector_load %arg11[%swap3A_1537, %swap3A_1538, %swap3A_1539] {strides = array<i32>} : memref<8x128x64xf32, #tpu.memory_space<vmem>>, vector<16xf32>,
            tpu.vector_store %arg11[%swap3A_1537, %swap3A_1538, %swap3A_1539], %mul3A_1536 {strides = array<i32>} : memref<8x128x64xf32, #tpu.memory_space<vmem>>, vector<16xf32>,
            %get3A_1541 = arith.index_cast %scan3A_959 : i32 to index
            %get3A_1542 = arith.index_cast %add3A_1508 : i32 to index
            %get3A_1543 = arith.constant 48 : index
            %get3A_1544 = tpu.vector_load %arg11[%get3A_1541, %get3A_1542, %get3A_1543] {strides = array<i32>} : memref<8x128x64xf32, #tpu.memory_space<vmem>>, vector<16xf32>,
            %mul3A_1545 = arith.mulf %get3A_1544, %gather3A_1513 : vector<16xf32>
            %swap3A_1546 = arith.index_cast %scan3A_959 : i32 to index
            %swap3A_1547 = arith.index_cast %add3A_1508 : i32 to index
            %swap3A_1548 = arith.constant 48 : index
            %swap3A_1549 = tpu.vector_load %arg11[%swap3A_1546, %swap3A_1547, %swap3A_1548] {strides = array<i32>} : memref<8x128x64xf32, #tpu.memory_space<vmem>>, vector<16xf32>,
            tpu.vector_store %arg11[%swap3A_1546, %swap3A_1547, %swap3A_1548], %mul3A_1545 {strides = array<i32>} : memref<8x128x64xf32, #tpu.memory_space<vmem>>, vector<16xf32>,
            %mul3A_1550 = arith.constant 16 : i32
            %mul3A_1551 = arith.muli %scan3A_966, %mul3A_1550 : i32
            %add3A_1552 = arith.constant 13 : i32
            %add3A_1553 = arith.addi %mul3A_1551, %add3A_1552 : i32
            %mul3A_1554 = arith.constant 128 : i32
            %mul3A_1555 = arith.muli %scan3A_959, %mul3A_1554 : i32
            %add3A_1556 = arith.addi %mul3A_1555, %add3A_1553 : i32
            %broadcast_in_dim3A_1557 = vector.broadcast %add3A_1556 : i32 to vector<16xi32>
            %gather3A_1558 = tpu.vector_load_idx %arg10[%broadcast_in_dim3A_1557] : memref<1024xf32, #tpu.memory_space<vmem>>[vector<16xi32>], vector<16xf32>,
            %get3A_1559 = arith.index_cast %scan3A_959 : i32 to index
            %get3A_1560 = arith.index_cast %add3A_1553 : i32 to index
            %get3A_1561 = arith.constant 0 : index
            %get3A_1562 = tpu.vector_load %arg11[%get3A_1559, %get3A_1560, %get3A_1561] {strides = array<i32>} : memref<8x128x64xf32, #tpu.memory_space<vmem>>, vector<16xf32>,
            %mul3A_1563 = arith.mulf %get3A_1562, %gather3A_1558 : vector<16xf32>
            %swap3A_1564 = arith.index_cast %scan3A_959 : i32 to index
            %swap3A_1565 = arith.index_cast %add3A_1553 : i32 to index
            %swap3A_1566 = arith.constant 0 : index
            %swap3A_1567 = tpu.vector_load %arg11[%swap3A_1564, %swap3A_1565, %swap3A_1566] {strides = array<i32>} : memref<8x128x64xf32, #tpu.memory_space<vmem>>, vector<16xf32>,
            tpu.vector_store %arg11[%swap3A_1564, %swap3A_1565, %swap3A_1566], %mul3A_1563 {strides = array<i32>} : memref<8x128x64xf32, #tpu.memory_space<vmem>>, vector<16xf32>,
            %get3A_1568 = arith.index_cast %scan3A_959 : i32 to index
            %get3A_1569 = arith.index_cast %add3A_1553 : i32 to index
            %get3A_1570 = arith.constant 16 : index
            %get3A_1571 = tpu.vector_load %arg11[%get3A_1568, %get3A_1569, %get3A_1570] {strides = array<i32>} : memref<8x128x64xf32, #tpu.memory_space<vmem>>, vector<16xf32>,
            %mul3A_1572 = arith.mulf %get3A_1571, %gather3A_1558 : vector<16xf32>
            %swap3A_1573 = arith.index_cast %scan3A_959 : i32 to index
            %swap3A_1574 = arith.index_cast %add3A_1553 : i32 to index
            %swap3A_1575 = arith.constant 16 : index
            %swap3A_1576 = tpu.vector_load %arg11[%swap3A_1573, %swap3A_1574, %swap3A_1575] {strides = array<i32>} : memref<8x128x64xf32, #tpu.memory_space<vmem>>, vector<16xf32>,
            tpu.vector_store %arg11[%swap3A_1573, %swap3A_1574, %swap3A_1575], %mul3A_1572 {strides = array<i32>} : memref<8x128x64xf32, #tpu.memory_space<vmem>>, vector<16xf32>,
            %get3A_1577 = arith.index_cast %scan3A_959 : i32 to index
            %get3A_1578 = arith.index_cast %add3A_1553 : i32 to index
            %get3A_1579 = arith.constant 32 : index
            %get3A_1580 = tpu.vector_load %arg11[%get3A_1577, %get3A_1578, %get3A_1579] {strides = array<i32>} : memref<8x128x64xf32, #tpu.memory_space<vmem>>, vector<16xf32>,
            %mul3A_1581 = arith.mulf %get3A_1580, %gather3A_1558 : vector<16xf32>
            %swap3A_1582 = arith.index_cast %scan3A_959 : i32 to index
            %swap3A_1583 = arith.index_cast %add3A_1553 : i32 to index
            %swap3A_1584 = arith.constant 32 : index
            %swap3A_1585 = tpu.vector_load %arg11[%swap3A_1582, %swap3A_1583, %swap3A_1584] {strides = array<i32>} : memref<8x128x64xf32, #tpu.memory_space<vmem>>, vector<16xf32>,
            tpu.vector_store %arg11[%swap3A_1582, %swap3A_1583, %swap3A_1584], %mul3A_1581 {strides = array<i32>} : memref<8x128x64xf32, #tpu.memory_space<vmem>>, vector<16xf32>,
            %get3A_1586 = arith.index_cast %scan3A_959 : i32 to index
            %get3A_1587 = arith.index_cast %add3A_1553 : i32 to index
            %get3A_1588 = arith.constant 48 : index
            %get3A_1589 = tpu.vector_load %arg11[%get3A_1586, %get3A_1587, %get3A_1588] {strides = array<i32>} : memref<8x128x64xf32, #tpu.memory_space<vmem>>, vector<16xf32>,
            %mul3A_1590 = arith.mulf %get3A_1589, %gather3A_1558 : vector<16xf32>
            %swap3A_1591 = arith.index_cast %scan3A_959 : i32 to index
            %swap3A_1592 = arith.index_cast %add3A_1553 : i32 to index
            %swap3A_1593 = arith.constant 48 : index
            %swap3A_1594 = tpu.vector_load %arg11[%swap3A_1591, %swap3A_1592, %swap3A_1593] {strides = array<i32>} : memref<8x128x64xf32, #tpu.memory_space<vmem>>, vector<16xf32>,
            tpu.vector_store %arg11[%swap3A_1591, %swap3A_1592, %swap3A_1593], %mul3A_1590 {strides = array<i32>} : memref<8x128x64xf32, #tpu.memory_space<vmem>>, vector<16xf32>,
            %mul3A_1595 = arith.constant 16 : i32
            %mul3A_1596 = arith.muli %scan3A_966, %mul3A_1595 : i32
            %add3A_1597 = arith.constant 14 : i32
            %add3A_1598 = arith.addi %mul3A_1596, %add3A_1597 : i32
            %mul3A_1599 = arith.constant 128 : i32
            %mul3A_1600 = arith.muli %scan3A_959, %mul3A_1599 : i32
            %add3A_1601 = arith.addi %mul3A_1600, %add3A_1598 : i32
            %broadcast_in_dim3A_1602 = vector.broadcast %add3A_1601 : i32 to vector<16xi32>
            %gather3A_1603 = tpu.vector_load_idx %arg10[%broadcast_in_dim3A_1602] : memref<1024xf32, #tpu.memory_space<vmem>>[vector<16xi32>], vector<16xf32>,
            %get3A_1604 = arith.index_cast %scan3A_959 : i32 to index
            %get3A_1605 = arith.index_cast %add3A_1598 : i32 to index
            %get3A_1606 = arith.constant 0 : index
            %get3A_1607 = tpu.vector_load %arg11[%get3A_1604, %get3A_1605, %get3A_1606] {strides = array<i32>} : memref<8x128x64xf32, #tpu.memory_space<vmem>>, vector<16xf32>,
            %mul3A_1608 = arith.mulf %get3A_1607, %gather3A_1603 : vector<16xf32>
            %swap3A_1609 = arith.index_cast %scan3A_959 : i32 to index
            %swap3A_1610 = arith.index_cast %add3A_1598 : i32 to index
            %swap3A_1611 = arith.constant 0 : index
            %swap3A_1612 = tpu.vector_load %arg11[%swap3A_1609, %swap3A_1610, %swap3A_1611] {strides = array<i32>} : memref<8x128x64xf32, #tpu.memory_space<vmem>>, vector<16xf32>,
            tpu.vector_store %arg11[%swap3A_1609, %swap3A_1610, %swap3A_1611], %mul3A_1608 {strides = array<i32>} : memref<8x128x64xf32, #tpu.memory_space<vmem>>, vector<16xf32>,
            %get3A_1613 = arith.index_cast %scan3A_959 : i32 to index
            %get3A_1614 = arith.index_cast %add3A_1598 : i32 to index
            %get3A_1615 = arith.constant 16 : index
            %get3A_1616 = tpu.vector_load %arg11[%get3A_1613, %get3A_1614, %get3A_1615] {strides = array<i32>} : memref<8x128x64xf32, #tpu.memory_space<vmem>>, vector<16xf32>,
            %mul3A_1617 = arith.mulf %get3A_1616, %gather3A_1603 : vector<16xf32>
            %swap3A_1618 = arith.index_cast %scan3A_959 : i32 to index
            %swap3A_1619 = arith.index_cast %add3A_1598 : i32 to index
            %swap3A_1620 = arith.constant 16 : index
            %swap3A_1621 = tpu.vector_load %arg11[%swap3A_1618, %swap3A_1619, %swap3A_1620] {strides = array<i32>} : memref<8x128x64xf32, #tpu.memory_space<vmem>>, vector<16xf32>,
            tpu.vector_store %arg11[%swap3A_1618, %swap3A_1619, %swap3A_1620], %mul3A_1617 {strides = array<i32>} : memref<8x128x64xf32, #tpu.memory_space<vmem>>, vector<16xf32>,
            %get3A_1622 = arith.index_cast %scan3A_959 : i32 to index
            %get3A_1623 = arith.index_cast %add3A_1598 : i32 to index
            %get3A_1624 = arith.constant 32 : index
            %get3A_1625 = tpu.vector_load %arg11[%get3A_1622, %get3A_1623, %get3A_1624] {strides = array<i32>} : memref<8x128x64xf32, #tpu.memory_space<vmem>>, vector<16xf32>,
            %mul3A_1626 = arith.mulf %get3A_1625, %gather3A_1603 : vector<16xf32>
            %swap3A_1627 = arith.index_cast %scan3A_959 : i32 to index
            %swap3A_1628 = arith.index_cast %add3A_1598 : i32 to index
            %swap3A_1629 = arith.constant 32 : index
            %swap3A_1630 = tpu.vector_load %arg11[%swap3A_1627, %swap3A_1628, %swap3A_1629] {strides = array<i32>} : memref<8x128x64xf32, #tpu.memory_space<vmem>>, vector<16xf32>,
            tpu.vector_store %arg11[%swap3A_1627, %swap3A_1628, %swap3A_1629], %mul3A_1626 {strides = array<i32>} : memref<8x128x64xf32, #tpu.memory_space<vmem>>, vector<16xf32>,
            %get3A_1631 = arith.index_cast %scan3A_959 : i32 to index
            %get3A_1632 = arith.index_cast %add3A_1598 : i32 to index
            %get3A_1633 = arith.constant 48 : index
            %get3A_1634 = tpu.vector_load %arg11[%get3A_1631, %get3A_1632, %get3A_1633] {strides = array<i32>} : memref<8x128x64xf32, #tpu.memory_space<vmem>>, vector<16xf32>,
            %mul3A_1635 = arith.mulf %get3A_1634, %gather3A_1603 : vector<16xf32>
            %swap3A_1636 = arith.index_cast %scan3A_959 : i32 to index
            %swap3A_1637 = arith.index_cast %add3A_1598 : i32 to index
            %swap3A_1638 = arith.constant 48 : index
            %swap3A_1639 = tpu.vector_load %arg11[%swap3A_1636, %swap3A_1637, %swap3A_1638] {strides = array<i32>} : memref<8x128x64xf32, #tpu.memory_space<vmem>>, vector<16xf32>,
            tpu.vector_store %arg11[%swap3A_1636, %swap3A_1637, %swap3A_1638], %mul3A_1635 {strides = array<i32>} : memref<8x128x64xf32, #tpu.memory_space<vmem>>, vector<16xf32>,
            %mul3A_1640 = arith.constant 16 : i32
            %mul3A_1641 = arith.muli %scan3A_966, %mul3A_1640 : i32
            %add3A_1642 = arith.constant 15 : i32
            %add3A_1643 = arith.addi %mul3A_1641, %add3A_1642 : i32
            %mul3A_1644 = arith.constant 128 : i32
            %mul3A_1645 = arith.muli %scan3A_959, %mul3A_1644 : i32
            %add3A_1646 = arith.addi %mul3A_1645, %add3A_1643 : i32
            %broadcast_in_dim3A_1647 = vector.broadcast %add3A_1646 : i32 to vector<16xi32>
            %gather3A_1648 = tpu.vector_load_idx %arg10[%broadcast_in_dim3A_1647] : memref<1024xf32, #tpu.memory_space<vmem>>[vector<16xi32>], vector<16xf32>,
            %get3A_1649 = arith.index_cast %scan3A_959 : i32 to index
            %get3A_1650 = arith.index_cast %add3A_1643 : i32 to index
            %get3A_1651 = arith.constant 0 : index
            %get3A_1652 = tpu.vector_load %arg11[%get3A_1649, %get3A_1650, %get3A_1651] {strides = array<i32>} : memref<8x128x64xf32, #tpu.memory_space<vmem>>, vector<16xf32>,
            %mul3A_1653 = arith.mulf %get3A_1652, %gather3A_1648 : vector<16xf32>
            %swap3A_1654 = arith.index_cast %scan3A_959 : i32 to index
            %swap3A_1655 = arith.index_cast %add3A_1643 : i32 to index
            %swap3A_1656 = arith.constant 0 : index
            %swap3A_1657 = tpu.vector_load %arg11[%swap3A_1654, %swap3A_1655, %swap3A_1656] {strides = array<i32>} : memref<8x128x64xf32, #tpu.memory_space<vmem>>, vector<16xf32>,
            tpu.vector_store %arg11[%swap3A_1654, %swap3A_1655, %swap3A_1656], %mul3A_1653 {strides = array<i32>} : memref<8x128x64xf32, #tpu.memory_space<vmem>>, vector<16xf32>,
            %get3A_1658 = arith.index_cast %scan3A_959 : i32 to index
            %get3A_1659 = arith.index_cast %add3A_1643 : i32 to index
            %get3A_1660 = arith.constant 16 : index
            %get3A_1661 = tpu.vector_load %arg11[%get3A_1658, %get3A_1659, %get3A_1660] {strides = array<i32>} : memref<8x128x64xf32, #tpu.memory_space<vmem>>, vector<16xf32>,
            %mul3A_1662 = arith.mulf %get3A_1661, %gather3A_1648 : vector<16xf32>
            %swap3A_1663 = arith.index_cast %scan3A_959 : i32 to index
            %swap3A_1664 = arith.index_cast %add3A_1643 : i32 to index
            %swap3A_1665 = arith.constant 16 : index
            %swap3A_1666 = tpu.vector_load %arg11[%swap3A_1663, %swap3A_1664, %swap3A_1665] {strides = array<i32>} : memref<8x128x64xf32, #tpu.memory_space<vmem>>, vector<16xf32>,
            tpu.vector_store %arg11[%swap3A_1663, %swap3A_1664, %swap3A_1665], %mul3A_1662 {strides = array<i32>} : memref<8x128x64xf32, #tpu.memory_space<vmem>>, vector<16xf32>,
            %get3A_1667 = arith.index_cast %scan3A_959 : i32 to index
            %get3A_1668 = arith.index_cast %add3A_1643 : i32 to index
            %get3A_1669 = arith.constant 32 : index
            %get3A_1670 = tpu.vector_load %arg11[%get3A_1667, %get3A_1668, %get3A_1669] {strides = array<i32>} : memref<8x128x64xf32, #tpu.memory_space<vmem>>, vector<16xf32>,
            %mul3A_1671 = arith.mulf %get3A_1670, %gather3A_1648 : vector<16xf32>
            %swap3A_1672 = arith.index_cast %scan3A_959 : i32 to index
            %swap3A_1673 = arith.index_cast %add3A_1643 : i32 to index
            %swap3A_1674 = arith.constant 32 : index
            %swap3A_1675 = tpu.vector_load %arg11[%swap3A_1672, %swap3A_1673, %swap3A_1674] {strides = array<i32>} : memref<8x128x64xf32, #tpu.memory_space<vmem>>, vector<16xf32>,
            tpu.vector_store %arg11[%swap3A_1672, %swap3A_1673, %swap3A_1674], %mul3A_1671 {strides = array<i32>} : memref<8x128x64xf32, #tpu.memory_space<vmem>>, vector<16xf32>,
            %get3A_1676 = arith.index_cast %scan3A_959 : i32 to index
            %get3A_1677 = arith.index_cast %add3A_1643 : i32 to index
            %get3A_1678 = arith.constant 48 : index
            %get3A_1679 = tpu.vector_load %arg11[%get3A_1676, %get3A_1677, %get3A_1678] {strides = array<i32>} : memref<8x128x64xf32, #tpu.memory_space<vmem>>, vector<16xf32>,
            %mul3A_1680 = arith.mulf %get3A_1679, %gather3A_1648 : vector<16xf32>
            %swap3A_1681 = arith.index_cast %scan3A_959 : i32 to index
            %swap3A_1682 = arith.index_cast %add3A_1643 : i32 to index
            %swap3A_1683 = arith.constant 48 : index
            %swap3A_1684 = tpu.vector_load %arg11[%swap3A_1681, %swap3A_1682, %swap3A_1683] {strides = array<i32>} : memref<8x128x64xf32, #tpu.memory_space<vmem>>, vector<16xf32>,
            tpu.vector_store %arg11[%swap3A_1681, %swap3A_1682, %swap3A_1683], %mul3A_1680 {strides = array<i32>} : memref<8x128x64xf32, #tpu.memory_space<vmem>>, vector<16xf32>,
          }
          %scan3A_965 = arith.constant 8 : i32
        }
        %scan3A_936 = arith.constant 8 : i32
        %dma_wait3A_937 = arith.constant 9 : i32
        %dma_wait3A_938 = arith.constant 0 : i32
        %dma_wait3A_939 = tpu.memref_slice %arg4[%mul3A_21, %dma_wait3A_938] : memref<2560x128xi32, #tpu.memory_space<hbm>> -> memref<8x128xi32, #tpu.memory_space<hbm>>
        %dma_wait3A_940 = tpu.memref_slice %arg13[%dma_wait3A_937] : memref<11x!tpu.dma_semaphore, #tpu.memory_space<semaphore_mem>> -> memref<1x!tpu.dma_semaphore, #tpu.memory_space<semaphore_mem>>
        %dma_wait3A_941 = tpu.memref_squeeze %dma_wait3A_940 : memref<1x!tpu.dma_semaphore, #tpu.memory_space<semaphore_mem>> -> memref<!tpu.dma_semaphore, #tpu.memory_space<semaphore_mem>>
        %dma_wait3A_942 = arith.constant 0 : i32
        %dma_wait3A_943 = tpu.memref_slice %arg4[%mul3A_21, %dma_wait3A_942] : memref<2560x128xi32, #tpu.memory_space<hbm>> -> memref<8x128xi32, #tpu.memory_space<hbm>>
        tpu.wait_dma2 semaphore(%dma_wait3A_941 : memref<!tpu.dma_semaphore, #tpu.memory_space<semaphore_mem>>) src(%dma_wait3A_943 : memref<8x128xi32, #tpu.memory_space<hbm>>) dst(%arg9 : memref<8x128xi32, #tpu.memory_space<vmem>>)
        %run_scoped3A = arith.constant 0 : i32
        %run_scoped3A_944 = arith.constant 0 : i32
        "tpu.region"() ({
          %run_scoped3A_959 = tpu.sem_alloc : memref<!tpu.dma_semaphore, #tpu.memory_space<semaphore_mem>>
          %dma_start3A_960 = arith.constant 0 : i32
          %dma_start3A_961 = arith.constant 0 : i32
          %dma_start3A_962 = tpu.memref_slice %arg11[%run_scoped3A, %dma_start3A_960, %dma_start3A_961] : memref<8x128x64xf32, #tpu.memory_space<vmem>> -> memref<1x128x64xf32, #tpu.memory_space<vmem>>
          %dma_start3A_963 = tpu.memref_squeeze %dma_start3A_962 : memref<1x128x64xf32, #tpu.memory_space<vmem>> -> memref<128x64xf32, #tpu.memory_space<vmem>>
          %dma_start3A_964 = arith.constant 0 : i32
          %dma_start3A_965 = tpu.memref_slice %arg9[%run_scoped3A_944, %dma_start3A_964] : memref<8x128xi32, #tpu.memory_space<vmem>> -> memref<1x128xi32, #tpu.memory_space<vmem>>
          %dma_start3A_966 = tpu.memref_squeeze %dma_start3A_965 : memref<1x128xi32, #tpu.memory_space<vmem>> -> memref<128xi32, #tpu.memory_space<vmem>>
          %dma_start3A_967 = arith.constant 0 : i32
          %dma_start3A_968 = arith.constant 0 : i32
          %dma_start3A_969 = tpu.memref_slice %arg12[%dma_start3A_967, %dma_start3A_968] : memref<10240x64xf32, #tpu.memory_space<vmem_shared>> -> memref<10240x64xf32, #tpu.memory_space<vmem_shared>>
          tpu.enqueue_indirect_dma source(%dma_start3A_963 : memref<128x64xf32, #tpu.memory_space<vmem>>) target(%dma_start3A_969 : memref<10240x64xf32, #tpu.memory_space<vmem_shared>>) offsets(%dma_start3A_966 : memref<128xi32, #tpu.memory_space<vmem>>) semaphore(%run_scoped3A_959 : memref<!tpu.dma_semaphore, #tpu.memory_space<semaphore_mem>>) {add = true}
          %dma_wait3A_970 = arith.constant 0 : i32
          %dma_wait3A_971 = arith.constant 0 : i32
          %dma_wait3A_972 = tpu.memref_slice %arg11[%run_scoped3A, %dma_wait3A_970, %dma_wait3A_971] : memref<8x128x64xf32, #tpu.memory_space<vmem>> -> memref<1x128x64xf32, #tpu.memory_space<vmem>>
          %dma_wait3A_973 = tpu.memref_squeeze %dma_wait3A_972 : memref<1x128x64xf32, #tpu.memory_space<vmem>> -> memref<128x64xf32, #tpu.memory_space<vmem>>
          %dma_wait3A_974 = arith.constant 0 : i32
          %dma_wait3A_975 = tpu.memref_slice %arg9[%run_scoped3A_944, %dma_wait3A_974] : memref<8x128xi32, #tpu.memory_space<vmem>> -> memref<1x128xi32, #tpu.memory_space<vmem>>
          %dma_wait3A_976 = tpu.memref_squeeze %dma_wait3A_975 : memref<1x128xi32, #tpu.memory_space<vmem>> -> memref<128xi32, #tpu.memory_space<vmem>>
          %dma_wait3A_977 = arith.constant 0 : i32
          %dma_wait3A_978 = arith.constant 0 : i32
          %dma_wait3A_979 = tpu.memref_slice %arg12[%dma_wait3A_977, %dma_wait3A_978] : memref<10240x64xf32, #tpu.memory_space<vmem_shared>> -> memref<10240x64xf32, #tpu.memory_space<vmem_shared>>
          tpu.wait_indirect_dma semaphore(%run_scoped3A_959 : memref<!tpu.dma_semaphore, #tpu.memory_space<semaphore_mem>>) src(%dma_wait3A_973 : memref<128x64xf32, #tpu.memory_space<vmem>>) dst(%dma_wait3A_979 : memref<10240x64xf32, #tpu.memory_space<vmem_shared>>)
          tpu.yield
        }) : () -> ()
        %run_scoped3A_945 = arith.constant 1 : i32
        %run_scoped3A_946 = arith.constant 1 : i32
        "tpu.region"() ({
          %run_scoped3A_959 = tpu.sem_alloc : memref<!tpu.dma_semaphore, #tpu.memory_space<semaphore_mem>>
          %dma_start3A_960 = arith.constant 0 : i32
          %dma_start3A_961 = arith.constant 0 : i32
          %dma_start3A_962 = tpu.memref_slice %arg11[%run_scoped3A_945, %dma_start3A_960, %dma_start3A_961] : memref<8x128x64xf32, #tpu.memory_space<vmem>> -> memref<1x128x64xf32, #tpu.memory_space<vmem>>
          %dma_start3A_963 = tpu.memref_squeeze %dma_start3A_962 : memref<1x128x64xf32, #tpu.memory_space<vmem>> -> memref<128x64xf32, #tpu.memory_space<vmem>>
          %dma_start3A_964 = arith.constant 0 : i32
          %dma_start3A_965 = tpu.memref_slice %arg9[%run_scoped3A_946, %dma_start3A_964] : memref<8x128xi32, #tpu.memory_space<vmem>> -> memref<1x128xi32, #tpu.memory_space<vmem>>
          %dma_start3A_966 = tpu.memref_squeeze %dma_start3A_965 : memref<1x128xi32, #tpu.memory_space<vmem>> -> memref<128xi32, #tpu.memory_space<vmem>>
          %dma_start3A_967 = arith.constant 0 : i32
          %dma_start3A_968 = arith.constant 0 : i32
          %dma_start3A_969 = tpu.memref_slice %arg12[%dma_start3A_967, %dma_start3A_968] : memref<10240x64xf32, #tpu.memory_space<vmem_shared>> -> memref<10240x64xf32, #tpu.memory_space<vmem_shared>>
          tpu.enqueue_indirect_dma source(%dma_start3A_963 : memref<128x64xf32, #tpu.memory_space<vmem>>) target(%dma_start3A_969 : memref<10240x64xf32, #tpu.memory_space<vmem_shared>>) offsets(%dma_start3A_966 : memref<128xi32, #tpu.memory_space<vmem>>) semaphore(%run_scoped3A_959 : memref<!tpu.dma_semaphore, #tpu.memory_space<semaphore_mem>>) {add = true}
          %dma_wait3A_970 = arith.constant 0 : i32
          %dma_wait3A_971 = arith.constant 0 : i32
          %dma_wait3A_972 = tpu.memref_slice %arg11[%run_scoped3A_945, %dma_wait3A_970, %dma_wait3A_971] : memref<8x128x64xf32, #tpu.memory_space<vmem>> -> memref<1x128x64xf32, #tpu.memory_space<vmem>>
          %dma_wait3A_973 = tpu.memref_squeeze %dma_wait3A_972 : memref<1x128x64xf32, #tpu.memory_space<vmem>> -> memref<128x64xf32, #tpu.memory_space<vmem>>
          %dma_wait3A_974 = arith.constant 0 : i32
          %dma_wait3A_975 = tpu.memref_slice %arg9[%run_scoped3A_946, %dma_wait3A_974] : memref<8x128xi32, #tpu.memory_space<vmem>> -> memref<1x128xi32, #tpu.memory_space<vmem>>
          %dma_wait3A_976 = tpu.memref_squeeze %dma_wait3A_975 : memref<1x128xi32, #tpu.memory_space<vmem>> -> memref<128xi32, #tpu.memory_space<vmem>>
          %dma_wait3A_977 = arith.constant 0 : i32
          %dma_wait3A_978 = arith.constant 0 : i32
          %dma_wait3A_979 = tpu.memref_slice %arg12[%dma_wait3A_977, %dma_wait3A_978] : memref<10240x64xf32, #tpu.memory_space<vmem_shared>> -> memref<10240x64xf32, #tpu.memory_space<vmem_shared>>
          tpu.wait_indirect_dma semaphore(%run_scoped3A_959 : memref<!tpu.dma_semaphore, #tpu.memory_space<semaphore_mem>>) src(%dma_wait3A_973 : memref<128x64xf32, #tpu.memory_space<vmem>>) dst(%dma_wait3A_979 : memref<10240x64xf32, #tpu.memory_space<vmem_shared>>)
          tpu.yield
        }) : () -> ()
        %run_scoped3A_947 = arith.constant 2 : i32
        %run_scoped3A_948 = arith.constant 2 : i32
        "tpu.region"() ({
          %run_scoped3A_959 = tpu.sem_alloc : memref<!tpu.dma_semaphore, #tpu.memory_space<semaphore_mem>>
          %dma_start3A_960 = arith.constant 0 : i32
          %dma_start3A_961 = arith.constant 0 : i32
          %dma_start3A_962 = tpu.memref_slice %arg11[%run_scoped3A_947, %dma_start3A_960, %dma_start3A_961] : memref<8x128x64xf32, #tpu.memory_space<vmem>> -> memref<1x128x64xf32, #tpu.memory_space<vmem>>
          %dma_start3A_963 = tpu.memref_squeeze %dma_start3A_962 : memref<1x128x64xf32, #tpu.memory_space<vmem>> -> memref<128x64xf32, #tpu.memory_space<vmem>>
          %dma_start3A_964 = arith.constant 0 : i32
          %dma_start3A_965 = tpu.memref_slice %arg9[%run_scoped3A_948, %dma_start3A_964] : memref<8x128xi32, #tpu.memory_space<vmem>> -> memref<1x128xi32, #tpu.memory_space<vmem>>
          %dma_start3A_966 = tpu.memref_squeeze %dma_start3A_965 : memref<1x128xi32, #tpu.memory_space<vmem>> -> memref<128xi32, #tpu.memory_space<vmem>>
          %dma_start3A_967 = arith.constant 0 : i32
          %dma_start3A_968 = arith.constant 0 : i32
          %dma_start3A_969 = tpu.memref_slice %arg12[%dma_start3A_967, %dma_start3A_968] : memref<10240x64xf32, #tpu.memory_space<vmem_shared>> -> memref<10240x64xf32, #tpu.memory_space<vmem_shared>>
          tpu.enqueue_indirect_dma source(%dma_start3A_963 : memref<128x64xf32, #tpu.memory_space<vmem>>) target(%dma_start3A_969 : memref<10240x64xf32, #tpu.memory_space<vmem_shared>>) offsets(%dma_start3A_966 : memref<128xi32, #tpu.memory_space<vmem>>) semaphore(%run_scoped3A_959 : memref<!tpu.dma_semaphore, #tpu.memory_space<semaphore_mem>>) {add = true}
          %dma_wait3A_970 = arith.constant 0 : i32
          %dma_wait3A_971 = arith.constant 0 : i32
          %dma_wait3A_972 = tpu.memref_slice %arg11[%run_scoped3A_947, %dma_wait3A_970, %dma_wait3A_971] : memref<8x128x64xf32, #tpu.memory_space<vmem>> -> memref<1x128x64xf32, #tpu.memory_space<vmem>>
          %dma_wait3A_973 = tpu.memref_squeeze %dma_wait3A_972 : memref<1x128x64xf32, #tpu.memory_space<vmem>> -> memref<128x64xf32, #tpu.memory_space<vmem>>
          %dma_wait3A_974 = arith.constant 0 : i32
          %dma_wait3A_975 = tpu.memref_slice %arg9[%run_scoped3A_948, %dma_wait3A_974] : memref<8x128xi32, #tpu.memory_space<vmem>> -> memref<1x128xi32, #tpu.memory_space<vmem>>
          %dma_wait3A_976 = tpu.memref_squeeze %dma_wait3A_975 : memref<1x128xi32, #tpu.memory_space<vmem>> -> memref<128xi32, #tpu.memory_space<vmem>>
          %dma_wait3A_977 = arith.constant 0 : i32
          %dma_wait3A_978 = arith.constant 0 : i32
          %dma_wait3A_979 = tpu.memref_slice %arg12[%dma_wait3A_977, %dma_wait3A_978] : memref<10240x64xf32, #tpu.memory_space<vmem_shared>> -> memref<10240x64xf32, #tpu.memory_space<vmem_shared>>
          tpu.wait_indirect_dma semaphore(%run_scoped3A_959 : memref<!tpu.dma_semaphore, #tpu.memory_space<semaphore_mem>>) src(%dma_wait3A_973 : memref<128x64xf32, #tpu.memory_space<vmem>>) dst(%dma_wait3A_979 : memref<10240x64xf32, #tpu.memory_space<vmem_shared>>)
          tpu.yield
        }) : () -> ()
        %run_scoped3A_949 = arith.constant 3 : i32
        %run_scoped3A_950 = arith.constant 3 : i32
        "tpu.region"() ({
          %run_scoped3A_959 = tpu.sem_alloc : memref<!tpu.dma_semaphore, #tpu.memory_space<semaphore_mem>>
          %dma_start3A_960 = arith.constant 0 : i32
          %dma_start3A_961 = arith.constant 0 : i32
          %dma_start3A_962 = tpu.memref_slice %arg11[%run_scoped3A_949, %dma_start3A_960, %dma_start3A_961] : memref<8x128x64xf32, #tpu.memory_space<vmem>> -> memref<1x128x64xf32, #tpu.memory_space<vmem>>
          %dma_start3A_963 = tpu.memref_squeeze %dma_start3A_962 : memref<1x128x64xf32, #tpu.memory_space<vmem>> -> memref<128x64xf32, #tpu.memory_space<vmem>>
          %dma_start3A_964 = arith.constant 0 : i32
          %dma_start3A_965 = tpu.memref_slice %arg9[%run_scoped3A_950, %dma_start3A_964] : memref<8x128xi32, #tpu.memory_space<vmem>> -> memref<1x128xi32, #tpu.memory_space<vmem>>
          %dma_start3A_966 = tpu.memref_squeeze %dma_start3A_965 : memref<1x128xi32, #tpu.memory_space<vmem>> -> memref<128xi32, #tpu.memory_space<vmem>>
          %dma_start3A_967 = arith.constant 0 : i32
          %dma_start3A_968 = arith.constant 0 : i32
          %dma_start3A_969 = tpu.memref_slice %arg12[%dma_start3A_967, %dma_start3A_968] : memref<10240x64xf32, #tpu.memory_space<vmem_shared>> -> memref<10240x64xf32, #tpu.memory_space<vmem_shared>>
          tpu.enqueue_indirect_dma source(%dma_start3A_963 : memref<128x64xf32, #tpu.memory_space<vmem>>) target(%dma_start3A_969 : memref<10240x64xf32, #tpu.memory_space<vmem_shared>>) offsets(%dma_start3A_966 : memref<128xi32, #tpu.memory_space<vmem>>) semaphore(%run_scoped3A_959 : memref<!tpu.dma_semaphore, #tpu.memory_space<semaphore_mem>>) {add = true}
          %dma_wait3A_970 = arith.constant 0 : i32
          %dma_wait3A_971 = arith.constant 0 : i32
          %dma_wait3A_972 = tpu.memref_slice %arg11[%run_scoped3A_949, %dma_wait3A_970, %dma_wait3A_971] : memref<8x128x64xf32, #tpu.memory_space<vmem>> -> memref<1x128x64xf32, #tpu.memory_space<vmem>>
          %dma_wait3A_973 = tpu.memref_squeeze %dma_wait3A_972 : memref<1x128x64xf32, #tpu.memory_space<vmem>> -> memref<128x64xf32, #tpu.memory_space<vmem>>
          %dma_wait3A_974 = arith.constant 0 : i32
          %dma_wait3A_975 = tpu.memref_slice %arg9[%run_scoped3A_950, %dma_wait3A_974] : memref<8x128xi32, #tpu.memory_space<vmem>> -> memref<1x128xi32, #tpu.memory_space<vmem>>
          %dma_wait3A_976 = tpu.memref_squeeze %dma_wait3A_975 : memref<1x128xi32, #tpu.memory_space<vmem>> -> memref<128xi32, #tpu.memory_space<vmem>>
          %dma_wait3A_977 = arith.constant 0 : i32
          %dma_wait3A_978 = arith.constant 0 : i32
          %dma_wait3A_979 = tpu.memref_slice %arg12[%dma_wait3A_977, %dma_wait3A_978] : memref<10240x64xf32, #tpu.memory_space<vmem_shared>> -> memref<10240x64xf32, #tpu.memory_space<vmem_shared>>
          tpu.wait_indirect_dma semaphore(%run_scoped3A_959 : memref<!tpu.dma_semaphore, #tpu.memory_space<semaphore_mem>>) src(%dma_wait3A_973 : memref<128x64xf32, #tpu.memory_space<vmem>>) dst(%dma_wait3A_979 : memref<10240x64xf32, #tpu.memory_space<vmem_shared>>)
          tpu.yield
        }) : () -> ()
        %run_scoped3A_951 = arith.constant 4 : i32
        %run_scoped3A_952 = arith.constant 4 : i32
        "tpu.region"() ({
          %run_scoped3A_959 = tpu.sem_alloc : memref<!tpu.dma_semaphore, #tpu.memory_space<semaphore_mem>>
          %dma_start3A_960 = arith.constant 0 : i32
          %dma_start3A_961 = arith.constant 0 : i32
          %dma_start3A_962 = tpu.memref_slice %arg11[%run_scoped3A_951, %dma_start3A_960, %dma_start3A_961] : memref<8x128x64xf32, #tpu.memory_space<vmem>> -> memref<1x128x64xf32, #tpu.memory_space<vmem>>
          %dma_start3A_963 = tpu.memref_squeeze %dma_start3A_962 : memref<1x128x64xf32, #tpu.memory_space<vmem>> -> memref<128x64xf32, #tpu.memory_space<vmem>>
          %dma_start3A_964 = arith.constant 0 : i32
          %dma_start3A_965 = tpu.memref_slice %arg9[%run_scoped3A_952, %dma_start3A_964] : memref<8x128xi32, #tpu.memory_space<vmem>> -> memref<1x128xi32, #tpu.memory_space<vmem>>
          %dma_start3A_966 = tpu.memref_squeeze %dma_start3A_965 : memref<1x128xi32, #tpu.memory_space<vmem>> -> memref<128xi32, #tpu.memory_space<vmem>>
          %dma_start3A_967 = arith.constant 0 : i32
          %dma_start3A_968 = arith.constant 0 : i32
          %dma_start3A_969 = tpu.memref_slice %arg12[%dma_start3A_967, %dma_start3A_968] : memref<10240x64xf32, #tpu.memory_space<vmem_shared>> -> memref<10240x64xf32, #tpu.memory_space<vmem_shared>>
          tpu.enqueue_indirect_dma source(%dma_start3A_963 : memref<128x64xf32, #tpu.memory_space<vmem>>) target(%dma_start3A_969 : memref<10240x64xf32, #tpu.memory_space<vmem_shared>>) offsets(%dma_start3A_966 : memref<128xi32, #tpu.memory_space<vmem>>) semaphore(%run_scoped3A_959 : memref<!tpu.dma_semaphore, #tpu.memory_space<semaphore_mem>>) {add = true}
          %dma_wait3A_970 = arith.constant 0 : i32
          %dma_wait3A_971 = arith.constant 0 : i32
          %dma_wait3A_972 = tpu.memref_slice %arg11[%run_scoped3A_951, %dma_wait3A_970, %dma_wait3A_971] : memref<8x128x64xf32, #tpu.memory_space<vmem>> -> memref<1x128x64xf32, #tpu.memory_space<vmem>>
          %dma_wait3A_973 = tpu.memref_squeeze %dma_wait3A_972 : memref<1x128x64xf32, #tpu.memory_space<vmem>> -> memref<128x64xf32, #tpu.memory_space<vmem>>
          %dma_wait3A_974 = arith.constant 0 : i32
          %dma_wait3A_975 = tpu.memref_slice %arg9[%run_scoped3A_952, %dma_wait3A_974] : memref<8x128xi32, #tpu.memory_space<vmem>> -> memref<1x128xi32, #tpu.memory_space<vmem>>
          %dma_wait3A_976 = tpu.memref_squeeze %dma_wait3A_975 : memref<1x128xi32, #tpu.memory_space<vmem>> -> memref<128xi32, #tpu.memory_space<vmem>>
          %dma_wait3A_977 = arith.constant 0 : i32
          %dma_wait3A_978 = arith.constant 0 : i32
          %dma_wait3A_979 = tpu.memref_slice %arg12[%dma_wait3A_977, %dma_wait3A_978] : memref<10240x64xf32, #tpu.memory_space<vmem_shared>> -> memref<10240x64xf32, #tpu.memory_space<vmem_shared>>
          tpu.wait_indirect_dma semaphore(%run_scoped3A_959 : memref<!tpu.dma_semaphore, #tpu.memory_space<semaphore_mem>>) src(%dma_wait3A_973 : memref<128x64xf32, #tpu.memory_space<vmem>>) dst(%dma_wait3A_979 : memref<10240x64xf32, #tpu.memory_space<vmem_shared>>)
          tpu.yield
        }) : () -> ()
        %run_scoped3A_953 = arith.constant 5 : i32
        %run_scoped3A_954 = arith.constant 5 : i32
        "tpu.region"() ({
          %run_scoped3A_959 = tpu.sem_alloc : memref<!tpu.dma_semaphore, #tpu.memory_space<semaphore_mem>>
          %dma_start3A_960 = arith.constant 0 : i32
          %dma_start3A_961 = arith.constant 0 : i32
          %dma_start3A_962 = tpu.memref_slice %arg11[%run_scoped3A_953, %dma_start3A_960, %dma_start3A_961] : memref<8x128x64xf32, #tpu.memory_space<vmem>> -> memref<1x128x64xf32, #tpu.memory_space<vmem>>
          %dma_start3A_963 = tpu.memref_squeeze %dma_start3A_962 : memref<1x128x64xf32, #tpu.memory_space<vmem>> -> memref<128x64xf32, #tpu.memory_space<vmem>>
          %dma_start3A_964 = arith.constant 0 : i32
          %dma_start3A_965 = tpu.memref_slice %arg9[%run_scoped3A_954, %dma_start3A_964] : memref<8x128xi32, #tpu.memory_space<vmem>> -> memref<1x128xi32, #tpu.memory_space<vmem>>
          %dma_start3A_966 = tpu.memref_squeeze %dma_start3A_965 : memref<1x128xi32, #tpu.memory_space<vmem>> -> memref<128xi32, #tpu.memory_space<vmem>>
          %dma_start3A_967 = arith.constant 0 : i32
          %dma_start3A_968 = arith.constant 0 : i32
          %dma_start3A_969 = tpu.memref_slice %arg12[%dma_start3A_967, %dma_start3A_968] : memref<10240x64xf32, #tpu.memory_space<vmem_shared>> -> memref<10240x64xf32, #tpu.memory_space<vmem_shared>>
          tpu.enqueue_indirect_dma source(%dma_start3A_963 : memref<128x64xf32, #tpu.memory_space<vmem>>) target(%dma_start3A_969 : memref<10240x64xf32, #tpu.memory_space<vmem_shared>>) offsets(%dma_start3A_966 : memref<128xi32, #tpu.memory_space<vmem>>) semaphore(%run_scoped3A_959 : memref<!tpu.dma_semaphore, #tpu.memory_space<semaphore_mem>>) {add = true}
          %dma_wait3A_970 = arith.constant 0 : i32
          %dma_wait3A_971 = arith.constant 0 : i32
          %dma_wait3A_972 = tpu.memref_slice %arg11[%run_scoped3A_953, %dma_wait3A_970, %dma_wait3A_971] : memref<8x128x64xf32, #tpu.memory_space<vmem>> -> memref<1x128x64xf32, #tpu.memory_space<vmem>>
          %dma_wait3A_973 = tpu.memref_squeeze %dma_wait3A_972 : memref<1x128x64xf32, #tpu.memory_space<vmem>> -> memref<128x64xf32, #tpu.memory_space<vmem>>
          %dma_wait3A_974 = arith.constant 0 : i32
          %dma_wait3A_975 = tpu.memref_slice %arg9[%run_scoped3A_954, %dma_wait3A_974] : memref<8x128xi32, #tpu.memory_space<vmem>> -> memref<1x128xi32, #tpu.memory_space<vmem>>
          %dma_wait3A_976 = tpu.memref_squeeze %dma_wait3A_975 : memref<1x128xi32, #tpu.memory_space<vmem>> -> memref<128xi32, #tpu.memory_space<vmem>>
          %dma_wait3A_977 = arith.constant 0 : i32
          %dma_wait3A_978 = arith.constant 0 : i32
          %dma_wait3A_979 = tpu.memref_slice %arg12[%dma_wait3A_977, %dma_wait3A_978] : memref<10240x64xf32, #tpu.memory_space<vmem_shared>> -> memref<10240x64xf32, #tpu.memory_space<vmem_shared>>
          tpu.wait_indirect_dma semaphore(%run_scoped3A_959 : memref<!tpu.dma_semaphore, #tpu.memory_space<semaphore_mem>>) src(%dma_wait3A_973 : memref<128x64xf32, #tpu.memory_space<vmem>>) dst(%dma_wait3A_979 : memref<10240x64xf32, #tpu.memory_space<vmem_shared>>)
          tpu.yield
        }) : () -> ()
        %run_scoped3A_955 = arith.constant 6 : i32
        %run_scoped3A_956 = arith.constant 6 : i32
        "tpu.region"() ({
          %run_scoped3A_959 = tpu.sem_alloc : memref<!tpu.dma_semaphore, #tpu.memory_space<semaphore_mem>>
          %dma_start3A_960 = arith.constant 0 : i32
          %dma_start3A_961 = arith.constant 0 : i32
          %dma_start3A_962 = tpu.memref_slice %arg11[%run_scoped3A_955, %dma_start3A_960, %dma_start3A_961] : memref<8x128x64xf32, #tpu.memory_space<vmem>> -> memref<1x128x64xf32, #tpu.memory_space<vmem>>
          %dma_start3A_963 = tpu.memref_squeeze %dma_start3A_962 : memref<1x128x64xf32, #tpu.memory_space<vmem>> -> memref<128x64xf32, #tpu.memory_space<vmem>>
          %dma_start3A_964 = arith.constant 0 : i32
          %dma_start3A_965 = tpu.memref_slice %arg9[%run_scoped3A_956, %dma_start3A_964] : memref<8x128xi32, #tpu.memory_space<vmem>> -> memref<1x128xi32, #tpu.memory_space<vmem>>
          %dma_start3A_966 = tpu.memref_squeeze %dma_start3A_965 : memref<1x128xi32, #tpu.memory_space<vmem>> -> memref<128xi32, #tpu.memory_space<vmem>>
          %dma_start3A_967 = arith.constant 0 : i32
          %dma_start3A_968 = arith.constant 0 : i32
          %dma_start3A_969 = tpu.memref_slice %arg12[%dma_start3A_967, %dma_start3A_968] : memref<10240x64xf32, #tpu.memory_space<vmem_shared>> -> memref<10240x64xf32, #tpu.memory_space<vmem_shared>>
          tpu.enqueue_indirect_dma source(%dma_start3A_963 : memref<128x64xf32, #tpu.memory_space<vmem>>) target(%dma_start3A_969 : memref<10240x64xf32, #tpu.memory_space<vmem_shared>>) offsets(%dma_start3A_966 : memref<128xi32, #tpu.memory_space<vmem>>) semaphore(%run_scoped3A_959 : memref<!tpu.dma_semaphore, #tpu.memory_space<semaphore_mem>>) {add = true}
          %dma_wait3A_970 = arith.constant 0 : i32
          %dma_wait3A_971 = arith.constant 0 : i32
          %dma_wait3A_972 = tpu.memref_slice %arg11[%run_scoped3A_955, %dma_wait3A_970, %dma_wait3A_971] : memref<8x128x64xf32, #tpu.memory_space<vmem>> -> memref<1x128x64xf32, #tpu.memory_space<vmem>>
          %dma_wait3A_973 = tpu.memref_squeeze %dma_wait3A_972 : memref<1x128x64xf32, #tpu.memory_space<vmem>> -> memref<128x64xf32, #tpu.memory_space<vmem>>
          %dma_wait3A_974 = arith.constant 0 : i32
          %dma_wait3A_975 = tpu.memref_slice %arg9[%run_scoped3A_956, %dma_wait3A_974] : memref<8x128xi32, #tpu.memory_space<vmem>> -> memref<1x128xi32, #tpu.memory_space<vmem>>
          %dma_wait3A_976 = tpu.memref_squeeze %dma_wait3A_975 : memref<1x128xi32, #tpu.memory_space<vmem>> -> memref<128xi32, #tpu.memory_space<vmem>>
          %dma_wait3A_977 = arith.constant 0 : i32
          %dma_wait3A_978 = arith.constant 0 : i32
          %dma_wait3A_979 = tpu.memref_slice %arg12[%dma_wait3A_977, %dma_wait3A_978] : memref<10240x64xf32, #tpu.memory_space<vmem_shared>> -> memref<10240x64xf32, #tpu.memory_space<vmem_shared>>
          tpu.wait_indirect_dma semaphore(%run_scoped3A_959 : memref<!tpu.dma_semaphore, #tpu.memory_space<semaphore_mem>>) src(%dma_wait3A_973 : memref<128x64xf32, #tpu.memory_space<vmem>>) dst(%dma_wait3A_979 : memref<10240x64xf32, #tpu.memory_space<vmem_shared>>)
          tpu.yield
        }) : () -> ()
        %run_scoped3A_957 = arith.constant 7 : i32
        %run_scoped3A_958 = arith.constant 7 : i32
        "tpu.region"() ({
          %run_scoped3A_959 = tpu.sem_alloc : memref<!tpu.dma_semaphore, #tpu.memory_space<semaphore_mem>>
          %dma_start3A_960 = arith.constant 0 : i32
          %dma_start3A_961 = arith.constant 0 : i32
          %dma_start3A_962 = tpu.memref_slice %arg11[%run_scoped3A_957, %dma_start3A_960, %dma_start3A_961] : memref<8x128x64xf32, #tpu.memory_space<vmem>> -> memref<1x128x64xf32, #tpu.memory_space<vmem>>
          %dma_start3A_963 = tpu.memref_squeeze %dma_start3A_962 : memref<1x128x64xf32, #tpu.memory_space<vmem>> -> memref<128x64xf32, #tpu.memory_space<vmem>>
          %dma_start3A_964 = arith.constant 0 : i32
          %dma_start3A_965 = tpu.memref_slice %arg9[%run_scoped3A_958, %dma_start3A_964] : memref<8x128xi32, #tpu.memory_space<vmem>> -> memref<1x128xi32, #tpu.memory_space<vmem>>
          %dma_start3A_966 = tpu.memref_squeeze %dma_start3A_965 : memref<1x128xi32, #tpu.memory_space<vmem>> -> memref<128xi32, #tpu.memory_space<vmem>>
          %dma_start3A_967 = arith.constant 0 : i32
          %dma_start3A_968 = arith.constant 0 : i32
          %dma_start3A_969 = tpu.memref_slice %arg12[%dma_start3A_967, %dma_start3A_968] : memref<10240x64xf32, #tpu.memory_space<vmem_shared>> -> memref<10240x64xf32, #tpu.memory_space<vmem_shared>>
          tpu.enqueue_indirect_dma source(%dma_start3A_963 : memref<128x64xf32, #tpu.memory_space<vmem>>) target(%dma_start3A_969 : memref<10240x64xf32, #tpu.memory_space<vmem_shared>>) offsets(%dma_start3A_966 : memref<128xi32, #tpu.memory_space<vmem>>) semaphore(%run_scoped3A_959 : memref<!tpu.dma_semaphore, #tpu.memory_space<semaphore_mem>>) {add = true}
          %dma_wait3A_970 = arith.constant 0 : i32
          %dma_wait3A_971 = arith.constant 0 : i32
          %dma_wait3A_972 = tpu.memref_slice %arg11[%run_scoped3A_957, %dma_wait3A_970, %dma_wait3A_971] : memref<8x128x64xf32, #tpu.memory_space<vmem>> -> memref<1x128x64xf32, #tpu.memory_space<vmem>>
          %dma_wait3A_973 = tpu.memref_squeeze %dma_wait3A_972 : memref<1x128x64xf32, #tpu.memory_space<vmem>> -> memref<128x64xf32, #tpu.memory_space<vmem>>
          %dma_wait3A_974 = arith.constant 0 : i32
          %dma_wait3A_975 = tpu.memref_slice %arg9[%run_scoped3A_958, %dma_wait3A_974] : memref<8x128xi32, #tpu.memory_space<vmem>> -> memref<1x128xi32, #tpu.memory_space<vmem>>
          %dma_wait3A_976 = tpu.memref_squeeze %dma_wait3A_975 : memref<1x128xi32, #tpu.memory_space<vmem>> -> memref<128xi32, #tpu.memory_space<vmem>>
          %dma_wait3A_977 = arith.constant 0 : i32
          %dma_wait3A_978 = arith.constant 0 : i32
          %dma_wait3A_979 = tpu.memref_slice %arg12[%dma_wait3A_977, %dma_wait3A_978] : memref<10240x64xf32, #tpu.memory_space<vmem_shared>> -> memref<10240x64xf32, #tpu.memory_space<vmem_shared>>
          tpu.wait_indirect_dma semaphore(%run_scoped3A_959 : memref<!tpu.dma_semaphore, #tpu.memory_space<semaphore_mem>>) src(%dma_wait3A_973 : memref<128x64xf32, #tpu.memory_space<vmem>>) dst(%dma_wait3A_979 : memref<10240x64xf32, #tpu.memory_space<vmem_shared>>)
          tpu.yield
        }) : () -> ()
      } else {
      }
    }
    %scan3A_9 = arith.constant 20 : i32
    %barrier3A_10 = arith.constant 0 : index
    tpu.barrier barrier_id(%barrier3A_10)
    %mul3A_11 = arith.constant 640 : i32
    %mul3A_12 = arith.muli %arg1, %mul3A_11 : i32
    %mul3A_13 = arith.constant 640 : i32
    %mul3A_14 = arith.muli %arg1, %mul3A_13 : i32
    "tpu.region"() ({
      %run_scoped3A = tpu.sem_alloc : memref<!tpu.dma_semaphore, #tpu.memory_space<semaphore_mem>>
      %dma_start3A = arith.constant 0 : i32
      %dma_start3A_15 = tpu.memref_slice %arg7[%arg0, %mul3A_14, %dma_start3A] : memref<2x10240x64xf32, #tpu.memory_space<hbm>> -> memref<1x640x64xf32, #tpu.memory_space<hbm>>
      %dma_start3A_16 = tpu.memref_squeeze %dma_start3A_15 : memref<1x640x64xf32, #tpu.memory_space<hbm>> -> memref<640x64xf32, #tpu.memory_space<hbm>>
      %dma_start3A_17 = arith.constant 0 : i32
      %dma_start3A_18 = tpu.memref_slice %arg12[%mul3A_12, %dma_start3A_17] : memref<10240x64xf32, #tpu.memory_space<vmem_shared>> -> memref<640x64xf32, #tpu.memory_space<vmem_shared>>
      tpu.enqueue_dma source(%dma_start3A_18 : memref<640x64xf32, #tpu.memory_space<vmem_shared>>) target(%dma_start3A_16 : memref<640x64xf32, #tpu.memory_space<hbm>>) target_semaphore(%run_scoped3A : memref<!tpu.dma_semaphore, #tpu.memory_space<semaphore_mem>>)
      %dma_wait3A = arith.constant 0 : i32
      %dma_wait3A_19 = tpu.memref_slice %arg7[%arg0, %mul3A_14, %dma_wait3A] : memref<2x10240x64xf32, #tpu.memory_space<hbm>> -> memref<1x640x64xf32, #tpu.memory_space<hbm>>
      %dma_wait3A_20 = tpu.memref_squeeze %dma_wait3A_19 : memref<1x640x64xf32, #tpu.memory_space<hbm>> -> memref<640x64xf32, #tpu.memory_space<hbm>>
      %dma_wait3A_21 = arith.constant 0 : i32
      %dma_wait3A_22 = tpu.memref_slice %arg12[%mul3A_12, %dma_wait3A_21] : memref<10240x64xf32, #tpu.memory_space<vmem_shared>> -> memref<640x64xf32, #tpu.memory_space<vmem_shared>>
      tpu.wait_dma2 semaphore(%run_scoped3A : memref<!tpu.dma_semaphore, #tpu.memory_space<semaphore_mem>>) src(%dma_wait3A_22 : memref<640x64xf32, #tpu.memory_space<vmem_shared>>) dst(%dma_wait3A_20 : memref<640x64xf32, #tpu.memory_space<hbm>>)
      tpu.yield
    }) : () -> ()
    return
  }
}

module attributes {stable_mosaic.version = 14 : i64} {
  func.func @_mm_body(%arg0: i32, %arg1: memref<2x2000x64xf32, #tpu.memory_space<vmem>>, %arg2: memref<128x128xf32, #tpu.memory_space<vmem>>, %arg3: memref<2000x128xbf16, #tpu.memory_space<vmem>>) attributes {dimension_semantics = [#tpu.dimension_semantics<arbitrary>], iteration_bounds = array<i64: 5>, scalar_prefetch = 0 : i64, scratch_operands = 0 : i64, tpu.core_type = #tpu.core_type<tc>, window_params = [{transform_indices = @transform_0, window_bounds = array<i64: 2, 2000, 64>}, {pipeline_mode = #tpu.pipeline_mode<synchronous>, transform_indices = @transform_1, window_bounds = array<i64: 128, 128>}, {transform_indices = @transform_2, window_bounds = array<i64: 2000, 128>}]} {
    %get3A = arith.constant 0 : index
    %get3A_0 = arith.constant 0 : index
    %get3A_1 = arith.constant 0 : index
    %get3A_2 = vector.load %arg1[%get3A, %get3A_0, %get3A_1] : memref<2x2000x64xf32, #tpu.memory_space<vmem>>, vector<1x2000x64xf32>
    %get3A_3 = vector.shape_cast %get3A_2 : vector<1x2000x64xf32> to vector<2000x64xf32>
    %get3A_4 = arith.constant 1 : index
    %get3A_5 = arith.constant 0 : index
    %get3A_6 = arith.constant 0 : index
    %get3A_7 = vector.load %arg1[%get3A_4, %get3A_5, %get3A_6] : memref<2x2000x64xf32, #tpu.memory_space<vmem>>, vector<1x2000x64xf32>
    %get3A_8 = vector.shape_cast %get3A_7 : vector<1x2000x64xf32> to vector<2000x64xf32>
    %get3A_9 = arith.constant 0 : index
    %get3A_10 = arith.constant 0 : index
    %get3A_11 = vector.load %arg2[%get3A_9, %get3A_10] : memref<128x128xf32, #tpu.memory_space<vmem>>, vector<64x128xf32>
    %dot_general3A = arith.constant dense<0.000000e+00> : vector<2000x128xf32>
    %dot_general3A_12 = tpu.matmul %get3A_3, %get3A_11, %dot_general3A {dimension_numbers = #tpu.dot_dimension_numbers<[1], [0], [0], [1], [0, 0, 1, 1], [], []>, transpose_lhs_hint = false} : vector<2000x64xf32>, vector<64x128xf32>, vector<2000x128xf32> -> vector<2000x128xf32>
    %get3A_13 = arith.constant 64 : index
    %get3A_14 = arith.constant 0 : index
    %get3A_15 = vector.load %arg2[%get3A_13, %get3A_14] : memref<128x128xf32, #tpu.memory_space<vmem>>, vector<64x128xf32>
    %dot_general3A_16 = arith.constant dense<0.000000e+00> : vector<2000x128xf32>
    %dot_general3A_17 = tpu.matmul %get3A_8, %get3A_15, %dot_general3A_16 {dimension_numbers = #tpu.dot_dimension_numbers<[1], [0], [0], [1], [0, 0, 1, 1], [], []>, transpose_lhs_hint = false} : vector<2000x64xf32>, vector<64x128xf32>, vector<2000x128xf32> -> vector<2000x128xf32>
    %add3A = arith.addf %dot_general3A_12, %dot_general3A_17 : vector<2000x128xf32>
    %max3A = arith.constant 0.000000e+00 : f32
    %max3A_18 = vector.broadcast %max3A : f32 to vector<2000x128xf32>
    %max3A_19 = arith.maximumf %add3A, %max3A_18 : vector<2000x128xf32>
    %convert_element_type3A = arith.truncf %max3A_19 : vector<2000x128xf32> to vector<2000x128xbf16>
    %swap3A = arith.constant 0 : index
    %swap3A_20 = arith.constant 0 : index
    %swap3A_21 = vector.load %arg3[%swap3A, %swap3A_20] : memref<2000x128xbf16, #tpu.memory_space<vmem>>, vector<2000x128xbf16>
    tpu.vector_store %arg3[%swap3A, %swap3A_20], %convert_element_type3A {strides = array<i32>} : memref<2000x128xbf16, #tpu.memory_space<vmem>>, vector<2000x128xbf16>,
    return
  }
  func.func @transform_0(%arg0: i32) -> (i32, i32, i32) {
    %c0_i32 = arith.constant 0 : i32
    %c0_i32_0 = arith.constant 0 : i32
    %c0_i32_1 = arith.constant 0 : i32
    return %c0_i32, %arg0, %c0_i32_0 : i32, i32, i32
  }
  func.func @transform_1(%arg0: i32) -> (i32, i32) {
    %c0_i32 = arith.constant 0 : i32
    %c0_i32_0 = arith.constant 0 : i32
    %c0_i32_1 = arith.constant 0 : i32
    return %c0_i32, %c0_i32_0 : i32, i32
  }
  func.func @transform_2(%arg0: i32) -> (i32, i32) {
    %c0_i32 = arith.constant 0 : i32
    %c0_i32_0 = arith.constant 0 : i32
    return %arg0, %c0_i32 : i32, i32
  }
}

module attributes {stable_mosaic.version = 14 : i64} {
  func.func @_loss_body(%arg0: memref<1600x2048xf32, #tpu.memory_space<vmem>>, %arg1: memref<2048x128xf32, #tpu.memory_space<vmem>>, %arg2: memref<1x1xf32, #tpu.memory_space<smem>>) attributes {dimension_semantics = [], scalar_prefetch = 0 : i64, scratch_operands = 0 : i64, tpu.core_type = #tpu.core_type<tc>} {
    %get3A = arith.constant 0 : index
    %get3A_0 = arith.constant 0 : index
    %get3A_1 = vector.load %arg0[%get3A, %get3A_0] : memref<1600x2048xf32, #tpu.memory_space<vmem>>, vector<1600x2048xf32>
    %get3A_2 = arith.constant 0 : index
    %get3A_3 = arith.constant 0 : index
    %get3A_4 = vector.load %arg1[%get3A_2, %get3A_3] : memref<2048x128xf32, #tpu.memory_space<vmem>>, vector<2048x128xf32>
    %dot_general3A = arith.constant dense<0.000000e+00> : vector<1600x128xf32>
    %dot_general3A_5 = tpu.matmul %get3A_1, %get3A_4, %dot_general3A {dimension_numbers = #tpu.dot_dimension_numbers<[1], [0], [0], [1], [0, 0, 1, 1], [], []>, transpose_lhs_hint = false} : vector<1600x2048xf32>, vector<2048x128xf32>, vector<1600x128xf32> -> vector<1600x128xf32>
    %iota3A = tpu.iota {dimensions = array<i32: 0>} : vector<1600x128xi32>
    %iota3A_6 = tpu.iota {dimensions = array<i32: 1>} : vector<1600x128xi32>
    %mul3A = arith.constant 128 : i32
    %mul3A_7 = vector.broadcast %mul3A : i32 to vector<1600x128xi32>
    %mul3A_8 = arith.muli %iota3A, %mul3A_7 : vector<1600x128xi32>
    %add3A = arith.addi %mul3A_8, %iota3A_6 : vector<1600x128xi32>
    %lt3A = arith.constant 100000 : i32
    %lt3A_9 = vector.broadcast %lt3A : i32 to vector<1600x128xi32>
    %lt3A_10 = arith.cmpi slt, %add3A, %lt3A_9 : vector<1600x128xi32>
    %neg3A = arith.constant 0.000000e+00 : f32
    %neg3A_11 = vector.broadcast %neg3A : f32 to vector<1600x128xf32>
    %neg3A_12 = arith.subf %neg3A_11, %dot_general3A_5 : vector<1600x128xf32>
    %custom_jvp_call3A = arith.constant 0.000000e+00 : f32
    %max3A = vector.broadcast %custom_jvp_call3A : f32 to vector<1600x128xf32>
    %max3A_13 = arith.maximumf %neg3A_12, %max3A : vector<1600x128xf32>
    %sub3A = vector.broadcast %custom_jvp_call3A : f32 to vector<1600x128xf32>
    %sub3A_14 = arith.subf %neg3A_12, %sub3A : vector<1600x128xf32>
    %ne3A = arith.cmpf one, %sub3A_14, %sub3A_14 : vector<1600x128xf32>
    %add3A_15 = vector.broadcast %custom_jvp_call3A : f32 to vector<1600x128xf32>
    %add3A_16 = arith.addf %neg3A_12, %add3A_15 : vector<1600x128xf32>
    %abs3A = math.absf %sub3A_14 : vector<1600x128xf32>
    %neg3A_17 = arith.constant 0.000000e+00 : f32
    %neg3A_18 = vector.broadcast %neg3A_17 : f32 to vector<1600x128xf32>
    %neg3A_19 = arith.subf %neg3A_18, %abs3A : vector<1600x128xf32>
    %exp3A = math.exp %neg3A_19 : vector<1600x128xf32>
    %log1p3A = math.log1p %exp3A : vector<1600x128xf32>
    %add3A_20 = arith.addf %max3A_13, %log1p3A : vector<1600x128xf32>
    %select_n3A = arith.select %ne3A, %add3A_16, %add3A_20 : vector<1600x128xi1>, vector<1600x128xf32>
    %jit3A = arith.constant 0.000000e+00 : f32
    %broadcast_in_dim3A = vector.broadcast %jit3A : f32 to vector<1600x128xf32>
    %select_n3A_21 = arith.select %lt3A_10, %select_n3A, %broadcast_in_dim3A : vector<1600x128xi1>, vector<1600x128xf32>
    %ge3A = arith.constant 102400 : i32
    %ge3A_22 = vector.broadcast %ge3A : i32 to vector<1600x128xi32>
    %ge3A_23 = arith.cmpi sge, %add3A, %ge3A_22 : vector<1600x128xi32>
    %lt3A_24 = arith.constant 202400 : i32
    %lt3A_25 = vector.broadcast %lt3A_24 : i32 to vector<1600x128xi32>
    %lt3A_26 = arith.cmpi slt, %add3A, %lt3A_25 : vector<1600x128xi32>
    %and3A = arith.andi %ge3A_23, %lt3A_26 : vector<1600x128xi1>
    %custom_jvp_call3A_27 = arith.constant 0.000000e+00 : f32
    %max3A_28 = vector.broadcast %custom_jvp_call3A_27 : f32 to vector<1600x128xf32>
    %max3A_29 = arith.maximumf %dot_general3A_5, %max3A_28 : vector<1600x128xf32>
    %sub3A_30 = vector.broadcast %custom_jvp_call3A_27 : f32 to vector<1600x128xf32>
    %sub3A_31 = arith.subf %dot_general3A_5, %sub3A_30 : vector<1600x128xf32>
    %ne3A_32 = arith.cmpf one, %sub3A_31, %sub3A_31 : vector<1600x128xf32>
    %add3A_33 = vector.broadcast %custom_jvp_call3A_27 : f32 to vector<1600x128xf32>
    %add3A_34 = arith.addf %dot_general3A_5, %add3A_33 : vector<1600x128xf32>
    %abs3A_35 = math.absf %sub3A_31 : vector<1600x128xf32>
    %neg3A_36 = arith.constant 0.000000e+00 : f32
    %neg3A_37 = vector.broadcast %neg3A_36 : f32 to vector<1600x128xf32>
    %neg3A_38 = arith.subf %neg3A_37, %abs3A_35 : vector<1600x128xf32>
    %exp3A_39 = math.exp %neg3A_38 : vector<1600x128xf32>
    %log1p3A_40 = math.log1p %exp3A_39 : vector<1600x128xf32>
    %add3A_41 = arith.addf %max3A_29, %log1p3A_40 : vector<1600x128xf32>
    %select_n3A_42 = arith.select %ne3A_32, %add3A_34, %add3A_41 : vector<1600x128xi1>, vector<1600x128xf32>
    %jit3A_43 = arith.constant 0.000000e+00 : f32
    %broadcast_in_dim3A_44 = vector.broadcast %jit3A_43 : f32 to vector<1600x128xf32>
    %select_n3A_45 = arith.select %and3A, %select_n3A_42, %broadcast_in_dim3A_44 : vector<1600x128xi1>, vector<1600x128xf32>
    %add3A_46 = arith.addf %select_n3A_21, %select_n3A_45 : vector<1600x128xf32>
    %reduce_sum3A = vector.shape_cast %add3A_46 : vector<1600x128xf32> to vector<1x1600x128xf32>
    %reduce_sum3A_47 = arith.constant dense<0.000000e+00> : vector<1xf32>
    %reduce_sum3A_48 = vector.multi_reduction <add>, %reduce_sum3A, %reduce_sum3A_47 [1, 2] : vector<1x1600x128xf32> to vector<1xf32>
    %reduce_sum3A_49 = vector.shape_cast %reduce_sum3A_48 : vector<1xf32> to vector<1x1x1xf32>
    %reduce_sum3A_50 = vector.extract %reduce_sum3A_49[0, 0, 0] : f32 from vector<1x1x1xf32>
    %div3A = arith.constant 1.000000e+05 : f32
    %div3A_51 = arith.divf %reduce_sum3A_50, %div3A : f32
    %swap3A = arith.constant 0 : index
    %swap3A_52 = arith.constant 0 : index
    %swap3A_53 = memref.load %arg2[%swap3A, %swap3A_52] : memref<1x1xf32, #tpu.memory_space<smem>>
    memref.store %div3A_51, %arg2[%swap3A, %swap3A_52] : memref<1x1xf32, #tpu.memory_space<smem>>
    return
  }
}

</mosaic_0001>

<sc_bundles>
// kernel: kernel.6.cloned.1.call-start
scs
__scs_entry_jumppad:
0x0: {  	(pc) =	sbr.rel $0x88, $3  }
0x1: {  	(tag) =	ssettag $0x0;
	lr =	simm.s32 $0x1  }
0x2: {  	[smem:$0x3F9B] =	sst lr;
	_ =	strace $0xD0000000  }
0x3: {  	_ = 	snop  }
0x4: {  	_ = 	snop  }
0x5: {  	_ = 	snop  }
0x6: {  	_ = 	snop  }
0x7: {  	_ = 	snop  }
__scs_overlays_trampoline_lowered:
0x8: {  	[smem:$0x3FAA] =	sst s0  }
0x9: {  	[smem:$0x3FAB] =	sst s1  }
0xa: {  	[smem:$0x3FAC] =	sst s2  }
0xb: {  	[smem:$0x3FAD] =	sst s3  }
0xc: {  	[smem:$0x3FAE] =	sst s4  }
0xd: {  	[smem:$0x3FAF] =	sst s5  }
0xe: {  	[smem:$0x3FB0] =	sst s6  }
0xf: {  	[smem:$0x3FB1] =	sst s7  }
0x10: {  	[smem:$0x3FB2] =	sst s8  }
0x11: {  	[smem:$0x3FB3] =	sst s9;
	s0 =	simm.s32 @!p0 $0x0  }
0x12: {  	s1 =	sld [smem:$0x3F99];
	s0 =	simm.s32 @p0 $0x1  }
0x13: {  	[smem:$0x3FB4] =	sst s0;
	s0 =	simm.s32 @!p1 $0x0  }
0x14: {  	s2 =	sld [smem:$0x3F98];
	s0 =	simm.s32 @p1 $0x1  }
0x15: {  	[smem:$0x3FB5] =	sst s0;
	s0 =	simm.s32 @!p2 $0x0  }
0x16: {  	s3 =	sld [smem:$0x3FDB];
	s0 =	simm.s32 @p2 $0x1  }
0x17: {  	s4 =	simm.s32 $0x1BF5;
	[smem:$0x3FB7] =	sst s0  }
0x18: {  	s0 =	sld [smem:$0x3F9A];
	_ =	swait.ge [sflag:s4], $0x0  }
0x19: {  	s7 =	sld [smem:$0x3F9B]  }
0x1a: {  	s8 =	sadd.s32 $0xFFFFE003, lr  }
0x1b: {  	s9 =	sadd.s32 $0xFFFFFEF7, lr;
	s5 =	simm.s32 $0xFFFFFFFF;
	p2 =	slt.u32 s8, $0xFFFFF086  }
0x1c: {  	p1 =	slt.u32 s9, $0xF7A;
	s5 =	simm.s32 @!p2 $0x0  }
0x1d: {  	s5 =	simm.s32 @p1 $0x1;
	p0 =	seq.s32 s7, s2  }
0x1e: {  	s7 =	smul.u32 @!p0 $0xF7A, s2;
	p2 =	seq.s32 @!p0 s5, $0x0  }
0x1f: {  	s9 =	smul.u32 $0xF7A, s1;
	s8 =	simm.s32 @!p0 $0x1BF5;
	p2 =	por !p2, p0  }
0x20: {  	[sflag:s8] =	ssyncset.s32 @!p0 $0xFFFFF086;
	s6 =	sadd.s32 @!p0 s3, s7;
	s7 =	simm.s32 @!p0 $0x108  }
0x21: {  	s3 =	sadd.s32 s3, s9;
	s6 =	sadd.s32 @!p0 $0x88, s6;
	s7 =	simm.s32 @p2 $0x1082  }
0x22: {  	[simem:s7], [sflag:s8] =	dma.local @!p0 [hbm:s6], $0xF7A  }
0x23: {  	s9 =	sor.u32 $0xD0000000, s2;
	s6 =	simm.s32 $0x108;
	_ =	swait.ge @!p0 [sflag:s8], $0x0  }
0x24: {  	s3 =	sadd.s32 $0x88, s3;
	s6 =	simm.s32 @!p1 $0x1082;
	[sflag:s4] =	ssyncset.s32 $0xFFFFF086  }
0x25: {  	[simem:s6], [sflag:s4] =	dma.local [hbm:s3], $0xF7A  }
0x26: {  	[smem:$0x3F9B] =	sst s1;
	(tag) =	ssettag s2;
	_ =	strace s9  }
0x27: {  	s1 =	sld [smem:$0x3FAB]  }
0x28: {  	s2 =	sld [smem:$0x3FAC]  }
0x29: {  	s4 =	sld [smem:$0x3FAE]  }
0x2a: {  	p0 =	seq.s32 s5, $0x0;
	s5 =	sld [smem:$0x3FAF]  }
0x2b: {  	s6 =	sld [smem:$0x3FB0]  }
0x2c: {  	s7 =	sld [smem:$0x3FB1]  }
0x2d: {  	s3 =	simm.s32 $0x108;
	s8 =	sld [smem:$0x3FB2]  }
0x2e: {  	s3 =	simm.s32 @!p0 $0x1082;
	s9 =	sld [smem:$0x3FB3]  }
0x2f: {  	lr =	sadd.s32 s0, s3;
	s0 =	sld [smem:$0x3FAA]  }
0x30: {  	s3 =	sld [smem:$0x3FAD]  }
0x31: {  	[smem:$0x3FB6] =	sst s10  }
0x32: {  	s10 =	sld [smem:$0x3FB4];
	_ =	sdelay $0x3  }
0x33: {  	p0 =	seq.s32 s10, $0x1;
	s10 =	sld [smem:$0x3FB6];
	_ =	sdelay $0x3  }
0x34: {  	[smem:$0x3FB6] =	sst s10  }
0x35: {  	s10 =	sld [smem:$0x3FB5];
	_ =	sdelay $0x3  }
0x36: {  	p1 =	seq.s32 s10, $0x1;
	s10 =	sld [smem:$0x3FB6];
	_ =	sdelay $0x3  }
0x37: {  	[smem:$0x3FB6] =	sst s10  }
0x38: {  	s10 =	sld [smem:$0x3FB7]  }
0x39: {  	_ = 	snop;
	(pc) =	sbr.ind lr, $3  }
0x3a: {  	_ = 	snop  }
0x3b: {  	_ = 	snop  }
0x3c: {  	p2 =	seq.s32 s10, $0x1;
	s10 =	sld [smem:$0x3FB6]  }
0x3d: {  	_ =	shalt  }
0x3e: {  	_ =	shalt  }
0x3f: {  	_ =	shalt  }
0x40: {  	_ =	shalt  }
0x41: {  	_ =	shalt  }
0x42: {  	_ =	shalt  }
0x43: {  	_ =	shalt  }
0x44: {  	_ =	shalt  }
0x45: {  	_ =	shalt  }
0x46: {  	_ =	shalt  }
0x47: {  	_ =	shalt  }
0x48: {  	_ =	shalt  }
0x49: {  	_ =	shalt  }
0x4a: {  	_ =	shalt  }
0x4b: {  	_ =	shalt  }
0x4c: {  	_ =	shalt  }
0x4d: {  	_ =	shalt  }
0x4e: {  	_ =	shalt  }
0x4f: {  	_ =	shalt  }
0x50: {  	_ =	shalt  }
0x51: {  	_ =	shalt  }
0x52: {  	_ =	shalt  }
0x53: {  	_ =	shalt  }
0x54: {  	_ =	shalt  }
0x55: {  	_ =	shalt  }
0x56: {  	_ =	shalt  }
0x57: {  	_ =	shalt  }
0x58: {  	_ =	shalt  }
0x59: {  	_ =	shalt  }
0x5a: {  	_ =	shalt  }
0x5b: {  	_ =	shalt  }
0x5c: {  	_ =	shalt  }
0x5d: {  	_ =	shalt  }
0x5e: {  	_ =	shalt  }
0x5f: {  	_ =	shalt  }
0x60: {  	_ =	shalt  }
0x61: {  	_ =	shalt  }
0x62: {  	_ =	shalt  }
0x63: {  	_ =	shalt  }
0x64: {  	_ =	shalt  }
0x65: {  	_ =	shalt  }
0x66: {  	_ =	shalt  }
0x67: {  	_ =	shalt  }
0x68: {  	_ =	shalt  }
0x69: {  	_ =	shalt  }
0x6a: {  	_ =	shalt  }
0x6b: {  	_ =	shalt  }
0x6c: {  	_ =	shalt  }
0x6d: {  	_ =	shalt  }
0x6e: {  	_ =	shalt  }
0x6f: {  	_ =	shalt  }
0x70: {  	_ =	shalt  }
0x71: {  	_ =	shalt  }
0x72: {  	_ =	shalt  }
0x73: {  	_ =	shalt  }
0x74: {  	_ =	shalt  }
0x75: {  	_ =	shalt  }
0x76: {  	_ =	shalt  }
0x77: {  	_ =	shalt  }
0x78: {  	_ =	shalt  }
0x79: {  	_ =	shalt  }
0x7a: {  	_ =	shalt  }
0x7b: {  	_ =	shalt  }
0x7c: {  	_ =	shalt  }
0x7d: {  	_ =	shalt  }
0x7e: {  	_ =	shalt  }
0x7f: {  	_ =	shalt  }
0x80: {  	_ =	shalt  }
0x81: {  	_ =	shalt  }
0x82: {  	_ =	shalt  }
0x83: {  	_ =	shalt  }
0x84: {  	_ =	shalt  }
0x85: {  	_ =	shalt  }
0x86: {  	_ =	shalt  }
0x87: {  	_ =	shalt  }
.Lfunc_end0:
.L_simem_size_0:
called_computation_lowered:
.L_overlay_start_0:
0x88: {  	s2 =	sld [smem:$0x3FD9]  }
0x89: {  	s3 =	sld [smem:$0x3FFE];
	_ =	sdelay $0x1  }
0x8a: {  	s1 =	srdreg.scid  }
0x8b: {  	s0 =	sand.u32 $0x1, s1  }
0x8c: {  	s16 =	sshll.u32 s0, $0xA;
	s2 =	sadd.s32 s3, s2  }
0x8d: {  	s2 =	sadd.s32 s2, s16  }
0x8e: {  	[smem:$0x3FC2] =	sst s2  }
0x8f: {  	_ = 	snop  }
0x90: {  	(tm) =	ssettm $0x1  }
0x91: {  	s17 =	sld [smem:$0x3FFB];
	_ =	sdelay $0x3  }
0x92: {  	_ =	strace s17  }
0x93: {  	s2 =	sld [smem:$0x3FFC];
	_ =	sdelay $0x3  }
0x94: {  	_ =	strace s2  }
0x95: {  	s2 =	sld [smem:$0x3FFD];
	_ =	sdelay $0x3  }
0x96: {  	_ =	strace s2  }
0x97: {  	_ =	strace $0x8FFFFFFF  }
0x98: {  	s18 =	sld [smem:$0x3FDB];
	_ =	sdelay $0x1  }
0x99: {  	s19 =	simm.s32 $_scs_section_size  }
0x9a: {  	s4 =	simm.s32 $_size__tile_overlayer_lowered;
	s5 =	simm.s32 $_tile_overlayer_lowered  }
0x9b: {  	s22 =	simm.s32 $0x1BFF;
	s21 =	sshll.u32 s5, $0x1;
	s2 =	sadd.s32 s19, s18  }
0x9c: {  	s6 =	simm.s32 $0x0;
	s20 =	sshll.u32 s4, $0x1;
	s4 =	sadd.s32 s21, s2  }
0x9d: {  	[timem:s6], [sflag:s22] =	dma.local [hbm:s4], s20  }
0x9e: {  	_ =	swait.ge [sflag:s22], s20  }
0x9f: {  	s3 =	ssub.s32 $0x0, s20;
	[sflag:s22] =	ssyncset.done $0x0  }
0xa0: {  	[sflag:s22] =	ssyncadd.s32 s3;
	_ =	sdelay $0x1  }
0xa1: {  	s23 =	simm.s32 $0x1B8B  }
0xa2: {  	_ =	swait.ge [sflag:s23], $0x1  }
0xa3: {  	[sflag:s23] =	ssyncset.done $0x0  }
0xa4: {  	s25 =	simm.s32 $0x1B8E;
	s24 =	sld [smem:$0x3FFE];
	[sflag:s23] =	ssyncadd.s32 $0xFFFFFFFF  }
0xa5: {  	s26 =	simm.s32 $execute0_lowered;
	[smem:$0x3FD2] =	sst s25  }
0xa6: {  	s4 =	sshll.u32 s26, $0x1;
	_ =	strace $0x80000046;
	[dreg:$0x1] =	wrdreg $0xFFFFFFFF  }
0xa7: {  	s28 =	simm.s32 $_size_execute0_lowered;
	s2 =	sadd.s32 s2, s4;
	[dreg:$0x0] =	wrdreg $0x0  }
0xa8: {  	s4 =	sshll.u32 s28, $0x1;
	[dreg:$0x2] =	wrdreg s2  }
0xa9: {  	[dreg:$0x3] =	wrdreg s4  }
0xaa: {  	[dreg:$0x4] =	wrdreg $0xC0  }
0xab: {  	_ =	task [dreg:s6], $0x5FFFF  }
0xac: {  	[dreg:$0x1] =	wrdreg $0xFFFFFFFF  }
0xad: {  	[dreg:$0x0] =	wrdreg $0x60  }
0xae: {  	[dreg:$0x2] =	wrdreg s24  }
0xaf: {  	[dreg:$0x3] =	wrdreg $0x10C000  }
0xb0: {  	[dreg:$0x4] =	wrdreg $0x9  }
0xb1: {  	_ =	task.clear_ibuf [dreg:s6], $0x5FFFF;
	_ =	strace $0x90000046  }
0xb2: {  	s29 =	simm.s32 $0x9;
	_ =	strace $0x80000048  }
0xb3: {  	_ =	swait.ge [sflag:s29], $0x1  }
0xb4: {  	[sflag:s29] =	ssyncadd.s32 $0xFFFFFFFF  }
0xb5: {  	_ =	strace $0x90000048  }
0xb6: {  	_ =	sfence  }
0xb7: {  	s30 =	sld [smem:$0x0];
	_ =	sdelay $0x2  }
0xb8: {  	s31 =	sshll.u32 s1, $0xD;
	s1 =	sshrl.u32 s1, $0x2  }
0xb9: {  	s3 =	sand.u32 $0x4000, s31;
	s1 =	sadd.s32 s1, s30  }
0xba: {  	s0 =	sor.u32 s3, s0;
	s1 =	sshll.u32 s1, $0x11  }
0xbb: {  	s0 =	sor.u32 s1, s0  }
0xbc: {  	s0 =	sadd.s32 $0x8F2B, s0  }
0xbd: {  	[sflag:s0] =	ssyncadd.remote.s32 $0x1  }
0xbe: {  	_ =	sfence.sel $0xFFFF  }
0xbf: {  	[dreg:$0x0] =	wrdreg $0xFFFFFFFF;
	(pc) =	sbr.abs _section_cstart, $3  }
0xc0: {  	[dreg:$0x1] =	wrdreg $0xFFFFFFFF  }
0xc1: {  	_ =	task.clear_ibuf [dreg:s6], $0x2FFFF;
	_ =	strace $0x9FFFFFFF  }
0xc2: {  	(tm) =	ssettm $0x7FFFFFFF  }
0xc3: {  	_ =	shalt  }
tec
execute0_lowered:
.L_overlay_start_1:
0x0: {  	(tag) =	ssettag $0x1  }
0x1: {  	s2 =	rddreg [dreg:$0x0]  }
0x2: {  	s3 =	rddreg [dreg:$0x1];
	s9 =	simm.s32 $0x0;
	s8 =	stileid.u32  }
0x3: {  	s0 =	srdreg.scid;
	s14 =	simm.s32 $0xC;
	s16 =	simm.s32 $0x800  }
0x4: {  	s18 =	simm.s32 $0x80;
	s10 =	simm.s32 $0xC00;
	s11 =	simm.s32 $0x2C00  }
0x5: {  	s12 =	simm.s32 $0x4C00;
	s15 =	simm.s32 $0x6C00;
	s17 =	simm.s32 $0x8C00  }
0x6: {  	s19 =	simm.s32 $0xAC00;
	s20 =	simm.s32 $0xCC00;
	s22 =	simm.s32 $0xEC00  }
0x7: {  	s13 =	simm.s32 $0x4;
	s21 =	simm.s32 $0x6;
	s28 =	simm.s32 $0xA  }
0x8: {  	s30 =	simm.s32 $0xD;
	[smem:$0x7FF] =	sst s9;
	s1 =	smul.u32 $0xA000, s8  }
0x9: {  	s0 =	sand.u32 $0x1, s0;
	s5 =	sadd.s32 $0x27200, s2;
	s23 =	sadd.s32 $0x31200, s2  }
0xa: {  	s24 =	sadd.s32 $0x3B200, s2;
	_ =	strace $0x80000047;
	[dreg:$0x4] =	wrdreg s5  }
0xb: {  	s26 =	sshll.u32 s8, $0x6;
	s29 =	sshll.u32 s8, $0x7;
	[dreg:$0x5] =	wrdreg s23  }
0xc: {  	s8 =	simm.s32 $0x400;
	s4 =	smul.u32 $0xA0000, s0;
	[dreg:$0x6] =	wrdreg s24  }
0xd: {  	s6 =	ssub.s32 $0x2, s0;
	s0 =	smul.u32 $0x2710, s0;
	s25 =	sshrl.u32 s1, $0x3  }
0xe: {  	[dreg:$0x9] =	wrdreg s29;
	s7 =	sshrl.u32 s6, $0x1;
	s5 =	sadd.s32 s25, s2  }
0xf: {  	s4 =	sadd.s32 s1, s4;
	s6 =	ssub.s32 s6, s7;
	s5 =	sadd.s32 $0x45200, s5  }
0x10: {  	s1 =	sadd.s32 s1, s3;
	s31 =	smax.u32 s6, $0x1;
	[dreg:$0x7] =	wrdreg s5  }
0x11: {  	s4 =	sshrl.u32 s4, $0x3;
	s1 =	sshrl.u32 s1, $0x3;
	[dreg:$0xb] =	wrdreg s31  }
0x12: {  	s4 =	sadd.s32 s4, s2;
	s5 =	sor.u32 $0x1C0C, s26;
	[dreg:$0xc] =	wrdreg s1  }
0x13: {  	v1 =	vimm.s32 $0x0;
	vm0 =	vcmask $0x300;
	s23 =	simm.s32 $0x7;
	s4 =	sadd.s32 $0x59200, s4;
	[dreg:$0x8] =	wrdreg s5  }
0x14: {  	v1 =	vsel vm0, $0x3, v1;
	s25 =	simm.s32 $0x8;
	v0 =	vmov s0;
	[dreg:$0xa] =	wrdreg s4;
	s4 =	simm.s32 $0x5  }
.LBB2_1:
0x15: {  	[dreg:$0x3] =	wrdreg s9  }
0x16: {  	s0 =	rddreg [dreg:$0x7]  }
0x17: {  	[spmem:s1], [sflag:s5] =	dma.local [hbm:s0], $0x1400  }
0x18: {  	_ =	swait.ge [sflag:s14], $0x1400  }
0x19: {  	[sflag:s14] =	ssyncset.done $0x0  }
0x1a: {  	[sflag:s14] =	ssyncadd.s32 $0xFFFFEC00  }
0x1b: {  	s0 =	simm.s32 $0x0;
	[bflag:$0x0] =	sbarrier.arrive $0xFFFF  }
.LBB2_2:
0x1c: {  	s5 =	sshll.u32 s0, $0xB;
	s1 =	rddreg [dreg:$0x9]  }
0x1d: {  	s29 =	rddreg [dreg:$0x4];
	s6 =	sor.u32 s1, s5  }
0x1e: {  	s31 =	rddreg [dreg:$0x5];
	s5 =	simm.s32 $0x0;
	s7 =	sadd.s32 s29, s6  }
0x1f: {  	[tilespmem:s5], [sflag:$0x9] =	stream.linear.gather [hbm4b:s7+s5], $0x400, $0x38;
	[tilespmem:$0x1AC00] =	vst v63  }
0x20: {  	s1 =	sadd.s32 s31, s6  }
0x21: {  	[tilespmem:s8], [sflag:$0xA] =	stream.linear.gather [hbm4b:s1+s5], $0x400, $0x38;
	[tilespmem:$0x1AC00] =	vst v63  }
0x22: {  	s8 =	rddreg [dreg:$0x6]  }
0x23: {  	s9 =	simm.s32 $0x9;
	s6 =	sadd.s32 s8, s6  }
0x24: {  	[tilespmem:s16], [sflag:$0xB] =	stream.linear.gather [hbm4b:s6+s5], $0x400, $0x38;
	[tilespmem:$0x1AC00] =	vst v63  }
0x25: {  	_ =	swait.ge [sflag:s9], $0x400  }
0x26: {  	[sflag:s9] =	ssyncset.done $0x0  }
0x27: {  	[sflag:s9] =	ssyncadd.s32 $0xFFFFFC00  }
0x28: {  	v2 =	vld [tilespmem:$0x0]  }
0x29: {  	v3 =	vld [tilespmem:$0x10]  }
0x2a: {  	v4 =	vld [tilespmem:$0x20]  }
0x2b: {  	v5 =	vld [tilespmem:$0x30]  }
0x2c: {  	v6 =	vld [tilespmem:$0x40]  }
0x2d: {  	v7 =	vld [tilespmem:$0x50];
	v2 =	vadd.s32 v0, v2  }
0x2e: {  	[tilespmem:$0x0] =	vst v2;
	v2 =	vadd.s32 v0, v3;
	v3 =	vld [tilespmem:$0x60]  }
0x2f: {  	v18 =	vld [tilespmem:$0x70];
	[tilespmem:$0x10] =	vst v2;
	v2 =	vadd.s32 v0, v4  }
0x30: {  	v19 =	vld [tilespmem:$0x80];
	[tilespmem:$0x20] =	vst v2;
	v2 =	vadd.s32 v0, v5  }
0x31: {  	v20 =	vld [tilespmem:$0x90];
	[tilespmem:$0x30] =	vst v2;
	v2 =	vadd.s32 v0, v6  }
0x32: {  	v21 =	vld [tilespmem:$0xA0];
	[tilespmem:$0x40] =	vst v2;
	v2 =	vadd.s32 v0, v7  }
0x33: {  	[tilespmem:$0x50] =	vst v2;
	v2 =	vadd.s32 v0, v3;
	v3 =	vld [tilespmem:$0xB0]  }
0x34: {  	v22 =	vld [tilespmem:$0xC0];
	[tilespmem:$0x60] =	vst v2;
	v2 =	vadd.s32 v0, v18  }
0x35: {  	v23 =	vld [tilespmem:$0xD0];
	[tilespmem:$0x70] =	vst v2;
	v2 =	vadd.s32 v0, v19  }
0x36: {  	v24 =	vld [tilespmem:$0xE0];
	[tilespmem:$0x80] =	vst v2;
	v2 =	vadd.s32 v0, v20  }
0x37: {  	v25 =	vld [tilespmem:$0xF0];
	[tilespmem:$0x90] =	vst v2;
	v2 =	vadd.s32 v0, v21  }
0x38: {  	[tilespmem:$0xA0] =	vst v2;
	v2 =	vadd.s32 v0, v3;
	v3 =	vld [tilespmem:$0x100]  }
0x39: {  	v26 =	vld [tilespmem:$0x110];
	[tilespmem:$0xB0] =	vst v2;
	v2 =	vadd.s32 v0, v22  }
0x3a: {  	v27 =	vld [tilespmem:$0x120];
	[tilespmem:$0xC0] =	vst v2;
	v2 =	vadd.s32 v0, v23  }
0x3b: {  	v28 =	vld [tilespmem:$0x130];
	[tilespmem:$0xD0] =	vst v2;
	v2 =	vadd.s32 v0, v24  }
0x3c: {  	v29 =	vld [tilespmem:$0x140];
	[tilespmem:$0xE0] =	vst v2;
	v2 =	vadd.s32 v0, v25  }
0x3d: {  	[tilespmem:$0xF0] =	vst v2;
	v2 =	vadd.s32 v0, v3;
	v3 =	vld [tilespmem:$0x150]  }
0x3e: {  	v30 =	vld [tilespmem:$0x160];
	[tilespmem:$0x100] =	vst v2;
	v2 =	vadd.s32 v0, v26  }
0x3f: {  	v31 =	vld [tilespmem:$0x170];
	[tilespmem:$0x110] =	vst v2;
	v2 =	vadd.s32 v0, v27  }
0x40: {  	v32 =	vld [tilespmem:$0x180];
	[tilespmem:$0x120] =	vst v2;
	v2 =	vadd.s32 v0, v28  }
0x41: {  	v33 =	vld [tilespmem:$0x190];
	[tilespmem:$0x130] =	vst v2;
	v2 =	vadd.s32 v0, v29  }
0x42: {  	[tilespmem:$0x140] =	vst v2;
	v2 =	vadd.s32 v0, v3;
	v3 =	vld [tilespmem:$0x1A0]  }
0x43: {  	v34 =	vld [tilespmem:$0x1B0];
	[tilespmem:$0x150] =	vst v2;
	v2 =	vadd.s32 v0, v30  }
0x44: {  	v35 =	vld [tilespmem:$0x1C0];
	[tilespmem:$0x160] =	vst v2;
	v2 =	vadd.s32 v0, v31  }
0x45: {  	v36 =	vld [tilespmem:$0x1D0];
	[tilespmem:$0x170] =	vst v2;
	v2 =	vadd.s32 v0, v32  }
0x46: {  	v37 =	vld [tilespmem:$0x1E0];
	[tilespmem:$0x180] =	vst v2;
	v2 =	vadd.s32 v0, v33  }
0x47: {  	[tilespmem:$0x190] =	vst v2;
	v2 =	vadd.s32 v0, v3;
	v3 =	vld [tilespmem:$0x1F0]  }
0x48: {  	v38 =	vld [tilespmem:$0x200];
	[tilespmem:$0x1A0] =	vst v2;
	v2 =	vadd.s32 v0, v34  }
0x49: {  	v39 =	vld [tilespmem:$0x210];
	[tilespmem:$0x1B0] =	vst v2;
	v2 =	vadd.s32 v0, v35  }
0x4a: {  	v40 =	vld [tilespmem:$0x220];
	[tilespmem:$0x1C0] =	vst v2;
	v2 =	vadd.s32 v0, v36  }
0x4b: {  	v41 =	vld [tilespmem:$0x230];
	[tilespmem:$0x1D0] =	vst v2;
	v2 =	vadd.s32 v0, v37  }
0x4c: {  	[tilespmem:$0x1E0] =	vst v2;
	v2 =	vadd.s32 v0, v3;
	v3 =	vld [tilespmem:$0x240]  }
0x4d: {  	v42 =	vld [tilespmem:$0x250];
	[tilespmem:$0x1F0] =	vst v2;
	v2 =	vadd.s32 v0, v38  }
0x4e: {  	v43 =	vld [tilespmem:$0x260];
	[tilespmem:$0x200] =	vst v2;
	v2 =	vadd.s32 v0, v39  }
0x4f: {  	v44 =	vld [tilespmem:$0x270];
	[tilespmem:$0x210] =	vst v2;
	v2 =	vadd.s32 v0, v40  }
0x50: {  	v45 =	vld [tilespmem:$0x280];
	[tilespmem:$0x220] =	vst v2;
	v2 =	vadd.s32 v0, v41  }
0x51: {  	[tilespmem:$0x230] =	vst v2;
	v2 =	vadd.s32 v0, v3;
	v3 =	vld [tilespmem:$0x290]  }
0x52: {  	v46 =	vld [tilespmem:$0x2A0];
	[tilespmem:$0x240] =	vst v2;
	v2 =	vadd.s32 v0, v42  }
0x53: {  	v47 =	vld [tilespmem:$0x2B0];
	[tilespmem:$0x250] =	vst v2;
	v2 =	vadd.s32 v0, v43  }
0x54: {  	v48 =	vld [tilespmem:$0x2C0];
	[tilespmem:$0x260] =	vst v2;
	v2 =	vadd.s32 v0, v44  }
0x55: {  	v49 =	vld [tilespmem:$0x2D0];
	[tilespmem:$0x270] =	vst v2;
	v2 =	vadd.s32 v0, v45  }
0x56: {  	[tilespmem:$0x280] =	vst v2;
	v2 =	vadd.s32 v0, v3;
	v3 =	vld [tilespmem:$0x2E0]  }
0x57: {  	v50 =	vld [tilespmem:$0x2F0];
	[tilespmem:$0x290] =	vst v2;
	v2 =	vadd.s32 v0, v46  }
0x58: {  	v51 =	vld [tilespmem:$0x300];
	[tilespmem:$0x2A0] =	vst v2;
	v2 =	vadd.s32 v0, v47  }
0x59: {  	v52 =	vld [tilespmem:$0x310];
	[tilespmem:$0x2B0] =	vst v2;
	v2 =	vadd.s32 v0, v48  }
0x5a: {  	v53 =	vld [tilespmem:$0x320];
	[tilespmem:$0x2C0] =	vst v2;
	v2 =	vadd.s32 v0, v49  }
0x5b: {  	[tilespmem:$0x2D0] =	vst v2;
	v2 =	vadd.s32 v0, v3;
	v3 =	vld [tilespmem:$0x330]  }
0x5c: {  	v54 =	vld [tilespmem:$0x340];
	[tilespmem:$0x2E0] =	vst v2;
	v2 =	vadd.s32 v0, v50  }
0x5d: {  	v55 =	vld [tilespmem:$0x350];
	[tilespmem:$0x2F0] =	vst v2;
	v2 =	vadd.s32 v0, v51  }
0x5e: {  	v56 =	vld [tilespmem:$0x360];
	[tilespmem:$0x300] =	vst v2;
	v2 =	vadd.s32 v0, v52  }
0x5f: {  	v57 =	vld [tilespmem:$0x370];
	[tilespmem:$0x310] =	vst v2;
	v2 =	vadd.s32 v0, v53  }
0x60: {  	[tilespmem:$0x320] =	vst v2;
	v2 =	vadd.s32 v0, v3;
	v3 =	vld [tilespmem:$0x380]  }
0x61: {  	v58 =	vld [tilespmem:$0x390];
	[tilespmem:$0x330] =	vst v2;
	v2 =	vadd.s32 v0, v54  }
0x62: {  	v59 =	vld [tilespmem:$0x3A0];
	[tilespmem:$0x340] =	vst v2;
	v2 =	vadd.s32 v0, v55  }
0x63: {  	v60 =	vld [tilespmem:$0x3B0];
	[tilespmem:$0x350] =	vst v2;
	v2 =	vadd.s32 v0, v56  }
0x64: {  	v61 =	vld [tilespmem:$0x3C0];
	[tilespmem:$0x360] =	vst v2;
	v2 =	vadd.s32 v0, v57  }
0x65: {  	[tilespmem:$0x370] =	vst v2;
	v2 =	vadd.s32 v0, v3;
	v3 =	vld [tilespmem:$0x3D0]  }
0x66: {  	v62 =	vld [tilespmem:$0x3E0];
	[tilespmem:$0x380] =	vst v2;
	v2 =	vadd.s32 v0, v58  }
0x67: {  	v63 =	vld [tilespmem:$0x3F0];
	[tilespmem:$0x390] =	vst v2;
	v2 =	vadd.s32 v0, v59  }
0x68: {  	[tilespmem:$0x3A0] =	vst v2;
	v2 =	vadd.s32 v0, v60  }
0x69: {  	[tilespmem:$0x3B0] =	vst v2;
	v2 =	vadd.s32 v0, v61  }
0x6a: {  	[tilespmem:$0x3C0] =	vst v2;
	v2 =	vadd.s32 v0, v3  }
0x6b: {  	[tilespmem:$0x3D0] =	vst v2;
	v2 =	vadd.s32 v0, v62  }
0x6c: {  	[tilespmem:$0x3E0] =	vst v2;
	v2 =	vadd.s32 v0, v63  }
0x6d: {  	[tilespmem:$0x3F0] =	vst v2  }
0x6e: {  	[tilespmem:s10], [sflag:$0x1] =	stream.indirect.gather [hbm4b:s2+s18], $0x40, s5, s18, $0xb8;
	[tilespmem:$0x1AC00] =	vst v63  }
0x6f: {  	_ = 	snop  }
0x70: {  	[tilespmem:s11], [sflag:$0x2] =	stream.indirect.gather [hbm4b:s2+s18], $0x40, s18, s18, $0xb8;
	[tilespmem:$0x1AC00] =	vst v63  }
0x71: {  	s11 =	simm.s32 $0x100  }
0x72: {  	[tilespmem:s12], [sflag:$0x3] =	stream.indirect.gather [hbm4b:s2+s18], $0x40, s11, s18, $0xb8;
	[tilespmem:$0x1AC00] =	vst v63  }
0x73: {  	s12 =	simm.s32 $0x180  }
0x74: {  	[tilespmem:s15], [sflag:$0x4] =	stream.indirect.gather [hbm4b:s2+s18], $0x40, s12, s18, $0xb8;
	[tilespmem:$0x1AC00] =	vst v63  }
0x75: {  	s15 =	simm.s32 $0x200  }
0x76: {  	[tilespmem:s17], [sflag:$0x5] =	stream.indirect.gather [hbm4b:s2+s18], $0x40, s15, s18, $0xb8;
	[tilespmem:$0x1AC00] =	vst v63  }
0x77: {  	s17 =	simm.s32 $0x280  }
0x78: {  	[tilespmem:s19], [sflag:$0x6] =	stream.indirect.gather [hbm4b:s2+s18], $0x40, s17, s18, $0xb8;
	[tilespmem:$0x1AC00] =	vst v63  }
0x79: {  	s19 =	simm.s32 $0x300  }
0x7a: {  	[tilespmem:s20], [sflag:$0x7] =	stream.indirect.gather [hbm4b:s2+s18], $0x40, s19, s18, $0xb8;
	[tilespmem:$0x1AC00] =	vst v63  }
0x7b: {  	s24 =	simm.s32 $0xB;
	s20 =	simm.s32 $0x380  }
0x7c: {  	[tilespmem:s22], [sflag:$0x8] =	stream.indirect.gather [hbm4b:s2+s18], $0x40, s20, s18, $0xb8;
	[tilespmem:$0x1AC00] =	vst v63  }
0x7d: {  	_ =	swait.ge [sflag:s24], $0x400  }
0x7e: {  	[sflag:s24] =	ssyncset.done $0x0  }
0x7f: {  	s26 =	simm.s32 $0x1;
	[sflag:s24] =	ssyncadd.s32 $0xFFFFFC00  }
0x80: {  	_ =	swait.ge [sflag:s26], $0x2000  }
0x81: {  	[sflag:s26] =	ssyncset.done $0x0  }
0x82: {  	s29 =	simm.s32 $0x2;
	[sflag:s26] =	ssyncadd.s32 $0xFFFFE000  }
0x83: {  	_ =	swait.ge [sflag:s29], $0x2000  }
0x84: {  	[sflag:s29] =	ssyncset.done $0x0  }
0x85: {  	s31 =	simm.s32 $0x3;
	[sflag:s29] =	ssyncadd.s32 $0xFFFFE000  }
0x86: {  	_ =	swait.ge [sflag:s31], $0x2000  }
0x87: {  	[sflag:s31] =	ssyncset.done $0x0  }
0x88: {  	[sflag:s31] =	ssyncadd.s32 $0xFFFFE000  }
0x89: {  	_ =	swait.ge [sflag:s13], $0x2000  }
0x8a: {  	[sflag:s13] =	ssyncset.done $0x0  }
0x8b: {  	[sflag:s13] =	ssyncadd.s32 $0xFFFFE000  }
0x8c: {  	_ =	swait.ge [sflag:s4], $0x2000  }
0x8d: {  	[sflag:s4] =	ssyncset.done $0x0  }
0x8e: {  	[sflag:s4] =	ssyncadd.s32 $0xFFFFE000  }
0x8f: {  	_ =	swait.ge [sflag:s21], $0x2000  }
0x90: {  	[sflag:s21] =	ssyncset.done $0x0  }
0x91: {  	[sflag:s21] =	ssyncadd.s32 $0xFFFFE000  }
0x92: {  	_ =	swait.ge [sflag:s23], $0x2000  }
0x93: {  	[sflag:s23] =	ssyncset.done $0x0  }
0x94: {  	[sflag:s23] =	ssyncadd.s32 $0xFFFFE000  }
0x95: {  	_ =	swait.ge [sflag:s25], $0x2000  }
0x96: {  	[sflag:s25] =	ssyncset.done $0x0  }
0x97: {  	s7 =	simm.s32 $0x0;
	s19 =	simm.s32 $0xE00;
	[sflag:s25] =	ssyncadd.s32 $0xFFFFE000  }
.LBB2_3:
0x98: {  	s6 =	sadd.s32 $0x0, s5  }
0x99: {  	v2 =	vmov s6  }
0x9a: {  	v2 =	vshrl.u32 v2, $0x3  }
0x9b: {  	v2 =	vshll.u32 v2, v1  }
0x9c: {  	v2 =	vbroadcast v2, $0x0;
	_ =	sdelay $0x4  }
0x9d: {  	v3 =	vld [tilespmem:s19+$0xFFFFFE30]  }
0x9e: {  	s10 =	sadd.s32 $0x1, s6;
	v2 =	vld.idx.msk [tilespmem:v2+s16+$0x0], $0xffff  }
0x9f: {  	v5 =	vld [tilespmem:s19+$0xFFFFFE00];
	v4 =	vmov s10  }
0xa0: {  	v6 =	vld [tilespmem:s19+$0xFFFFFE10];
	v4 =	vshrl.u32 v4, $0x3  }
0xa1: {  	v7 =	vld [tilespmem:s19+$0xFFFFFE20];
	v4 =	vshll.u32 v4, v1  }
0xa2: {  	v4 =	vadd.s32 $0x1, v4  }
0xa3: {  	v4 =	vbroadcast v4, $0x0;
	v3 =	vmul.f32 v3, v2  }
0xa4: {  	v5 =	vmul.f32 v5, v2  }
0xa5: {  	v6 =	vmul.f32 v6, v2;
	[tilespmem:s19+$0xFFFFFE30] =	vst v3  }
0xa6: {  	v2 =	vmul.f32 v7, v2;
	[tilespmem:s19+$0xFFFFFE00] =	vst v5  }
0xa7: {  	[tilespmem:s19+$0xFFFFFE10] =	vst v6  }
0xa8: {  	[tilespmem:s19+$0xFFFFFE20] =	vst v2;
	v3 =	vld [tilespmem:s19+$0xFFFFFE40]  }
0xa9: {  	s8 =	sadd.s32 $0x2, s6;
	v2 =	vld.idx.msk [tilespmem:v4+s16+$0x0], $0xffff  }
0xaa: {  	v5 =	vld [tilespmem:s19+$0xFFFFFE50];
	v4 =	vmov s8  }
0xab: {  	v6 =	vld [tilespmem:s19+$0xFFFFFE70];
	v4 =	vshrl.u32 v4, $0x3  }
0xac: {  	v7 =	vld [tilespmem:s19+$0xFFFFFE60];
	v4 =	vshll.u32 v4, v1  }
0xad: {  	v4 =	vadd.s32 $0x2, v4  }
0xae: {  	v4 =	vbroadcast v4, $0x0;
	v3 =	vmul.f32 v3, v2  }
0xaf: {  	v5 =	vmul.f32 v5, v2  }
0xb0: {  	v6 =	vmul.f32 v6, v2;
	[tilespmem:s19+$0xFFFFFE40] =	vst v3  }
0xb1: {  	v2 =	vmul.f32 v7, v2;
	[tilespmem:s19+$0xFFFFFE50] =	vst v5  }
0xb2: {  	[tilespmem:s19+$0xFFFFFE70] =	vst v6  }
0xb3: {  	[tilespmem:s19+$0xFFFFFE60] =	vst v2;
	v3 =	vld [tilespmem:s19+$0xFFFFFE80]  }
0xb4: {  	s9 =	sadd.s32 $0x3, s6;
	v2 =	vld.idx.msk [tilespmem:v4+s16+$0x0], $0xffff  }
0xb5: {  	v5 =	vld [tilespmem:s19+$0xFFFFFEB0];
	v4 =	vmov s9  }
0xb6: {  	v6 =	vld [tilespmem:s19+$0xFFFFFE90];
	v4 =	vshrl.u32 v4, $0x3  }
0xb7: {  	v7 =	vld [tilespmem:s19+$0xFFFFFEA0];
	v4 =	vshll.u32 v4, v1  }
0xb8: {  	v4 =	vadd.s32 $0x3, v4  }
0xb9: {  	v4 =	vbroadcast v4, $0x0;
	v3 =	vmul.f32 v3, v2  }
0xba: {  	v5 =	vmul.f32 v5, v2  }
0xbb: {  	v6 =	vmul.f32 v6, v2;
	[tilespmem:s19+$0xFFFFFE80] =	vst v3  }
0xbc: {  	v2 =	vmul.f32 v7, v2;
	[tilespmem:s19+$0xFFFFFEB0] =	vst v5  }
0xbd: {  	[tilespmem:s19+$0xFFFFFE90] =	vst v6  }
0xbe: {  	[tilespmem:s19+$0xFFFFFEA0] =	vst v2;
	v3 =	vld [tilespmem:s19+$0xFFFFFEC0]  }
0xbf: {  	s11 =	sadd.s32 $0x4, s6;
	v2 =	vld.idx.msk [tilespmem:v4+s16+$0x0], $0xffff  }
0xc0: {  	v5 =	vld [tilespmem:s19+$0xFFFFFED0];
	v4 =	vmov s11  }
0xc1: {  	v6 =	vld [tilespmem:s19+$0xFFFFFEF0];
	v4 =	vshrl.u32 v4, $0x3  }
0xc2: {  	v7 =	vld [tilespmem:s19+$0xFFFFFEE0];
	v4 =	vshll.u32 v4, v1  }
0xc3: {  	v4 =	vadd.s32 $0x4, v4  }
0xc4: {  	v4 =	vbroadcast v4, $0x0;
	v3 =	vmul.f32 v3, v2  }
0xc5: {  	v5 =	vmul.f32 v5, v2  }
0xc6: {  	v6 =	vmul.f32 v6, v2;
	[tilespmem:s19+$0xFFFFFEC0] =	vst v3  }
0xc7: {  	v2 =	vmul.f32 v7, v2;
	[tilespmem:s19+$0xFFFFFED0] =	vst v5  }
0xc8: {  	[tilespmem:s19+$0xFFFFFEF0] =	vst v6  }
0xc9: {  	[tilespmem:s19+$0xFFFFFEE0] =	vst v2;
	v3 =	vld [tilespmem:s19+$0xFFFFFF00]  }
0xca: {  	s12 =	sadd.s32 $0x5, s6;
	v2 =	vld.idx.msk [tilespmem:v4+s16+$0x0], $0xffff  }
0xcb: {  	v5 =	vld [tilespmem:s19+$0xFFFFFF20];
	v4 =	vmov s12  }
0xcc: {  	v6 =	vld [tilespmem:s19+$0xFFFFFF10];
	v4 =	vshrl.u32 v4, $0x3  }
0xcd: {  	v7 =	vld [tilespmem:s19+$0xFFFFFF30];
	v4 =	vshll.u32 v4, v1  }
0xce: {  	v4 =	vadd.s32 $0x5, v4  }
0xcf: {  	v4 =	vbroadcast v4, $0x0;
	v3 =	vmul.f32 v3, v2  }
0xd0: {  	v5 =	vmul.f32 v5, v2  }
0xd1: {  	v6 =	vmul.f32 v6, v2;
	[tilespmem:s19+$0xFFFFFF00] =	vst v3  }
0xd2: {  	v2 =	vmul.f32 v7, v2;
	[tilespmem:s19+$0xFFFFFF20] =	vst v5  }
0xd3: {  	[tilespmem:s19+$0xFFFFFF10] =	vst v6  }
0xd4: {  	[tilespmem:s19+$0xFFFFFF30] =	vst v2;
	v3 =	vld [tilespmem:s19+$0xFFFFFF40]  }
0xd5: {  	s15 =	sadd.s32 $0x6, s6;
	v2 =	vld.idx.msk [tilespmem:v4+s16+$0x0], $0xffff  }
0xd6: {  	v5 =	vld [tilespmem:s19+$0xFFFFFF60];
	v4 =	vmov s15  }
0xd7: {  	v6 =	vld [tilespmem:s19+$0xFFFFFF50];
	v4 =	vshrl.u32 v4, $0x3  }
0xd8: {  	v7 =	vld [tilespmem:s19+$0xFFFFFF70];
	v4 =	vshll.u32 v4, v1  }
0xd9: {  	v4 =	vadd.s32 $0x6, v4  }
0xda: {  	v4 =	vbroadcast v4, $0x0;
	v3 =	vmul.f32 v3, v2  }
0xdb: {  	v5 =	vmul.f32 v5, v2  }
0xdc: {  	v6 =	vmul.f32 v6, v2;
	[tilespmem:s19+$0xFFFFFF40] =	vst v3  }
0xdd: {  	v2 =	vmul.f32 v7, v2;
	[tilespmem:s19+$0xFFFFFF60] =	vst v5  }
0xde: {  	[tilespmem:s19+$0xFFFFFF50] =	vst v6  }
0xdf: {  	[tilespmem:s19+$0xFFFFFF70] =	vst v2;
	v3 =	vld [tilespmem:s19+$0xFFFFFF80]  }
0xe0: {  	s17 =	sadd.s32 $0x7, s6;
	v2 =	vld.idx.msk [tilespmem:v4+s16+$0x0], $0xffff  }
0xe1: {  	v5 =	vld [tilespmem:s19+$0xFFFFFF90];
	v4 =	vmov s17  }
0xe2: {  	v6 =	vld [tilespmem:s19+$0xFFFFFFB0];
	v4 =	vshrl.u32 v4, $0x3  }
0xe3: {  	v7 =	vld [tilespmem:s19+$0xFFFFFFA0];
	v4 =	vshll.u32 v4, v1  }
0xe4: {  	v4 =	vadd.s32 $0x7, v4  }
0xe5: {  	v4 =	vbroadcast v4, $0x0;
	v3 =	vmul.f32 v3, v2  }
0xe6: {  	v5 =	vmul.f32 v5, v2  }
0xe7: {  	v6 =	vmul.f32 v6, v2;
	[tilespmem:s19+$0xFFFFFF80] =	vst v3  }
0xe8: {  	v2 =	vmul.f32 v7, v2;
	[tilespmem:s19+$0xFFFFFF90] =	vst v5  }
0xe9: {  	[tilespmem:s19+$0xFFFFFFB0] =	vst v6  }
0xea: {  	[tilespmem:s19+$0xFFFFFFA0] =	vst v2;
	v3 =	vld [tilespmem:s19+$0xFFFFFFC0]  }
0xeb: {  	v2 =	vld.idx.msk [tilespmem:v4+s16+$0x0], $0xffff  }
0xec: {  	s20 =	sadd.s32 $0x8, s6;
	v4 =	vld [tilespmem:s19+$0xFFFFFFD0]  }
0xed: {  	v5 =	vmov s20;
	v6 =	vld [tilespmem:s19+$0xFFFFFFE0]  }
0xee: {  	v7 =	vld [tilespmem:s19+$0xFFFFFFF0];
	v5 =	vshrl.u32 v5, $0x3  }
0xef: {  	v5 =	vshll.u32 v5, v1  }
0xf0: {  	v5 =	vbroadcast v5, $0x0;
	v3 =	vmul.f32 v3, v2  }
0xf1: {  	v4 =	vmul.f32 v4, v2  }
0xf2: {  	v6 =	vmul.f32 v6, v2;
	[tilespmem:s19+$0xFFFFFFC0] =	vst v3  }
0xf3: {  	v2 =	vmul.f32 v7, v2;
	[tilespmem:s19+$0xFFFFFFD0] =	vst v4  }
0xf4: {  	[tilespmem:s19+$0xFFFFFFE0] =	vst v6  }
0xf5: {  	[tilespmem:s19+$0xFFFFFFF0] =	vst v2;
	v3 =	vld [tilespmem:s19+$0x0]  }
0xf6: {  	s22 =	sadd.s32 $0x9, s6;
	v2 =	vld.idx.msk [tilespmem:v5+s16+$0x0], $0xffff  }
0xf7: {  	v4 =	vmov s22;
	v5 =	vld [tilespmem:s19+$0x30]  }
0xf8: {  	v6 =	vld [tilespmem:s19+$0x10];
	v4 =	vshrl.u32 v4, $0x3  }
0xf9: {  	v7 =	vld [tilespmem:s19+$0x20];
	v4 =	vshll.u32 v4, v1  }
0xfa: {  	v4 =	vadd.s32 $0x1, v4  }
0xfb: {  	v4 =	vbroadcast v4, $0x0;
	v3 =	vmul.f32 v3, v2  }
0xfc: {  	v5 =	vmul.f32 v5, v2  }
0xfd: {  	v6 =	vmul.f32 v6, v2;
	[tilespmem:s19+$0x0] =	vst v3  }
0xfe: {  	v2 =	vmul.f32 v7, v2;
	[tilespmem:s19+$0x30] =	vst v5  }
0xff: {  	[tilespmem:s19+$0x10] =	vst v6  }
0x100: {  	[tilespmem:s19+$0x20] =	vst v2;
	v3 =	vld [tilespmem:s19+$0x40]  }
0x101: {  	s24 =	sadd.s32 $0xA, s6;
	v2 =	vld.idx.msk [tilespmem:v4+s16+$0x0], $0xffff  }
0x102: {  	v5 =	vld [tilespmem:s19+$0x50];
	v4 =	vmov s24  }
0x103: {  	v6 =	vld [tilespmem:s19+$0x60];
	v4 =	vshrl.u32 v4, $0x3  }
0x104: {  	v7 =	vld [tilespmem:s19+$0x70];
	v4 =	vshll.u32 v4, v1  }
0x105: {  	v4 =	vadd.s32 $0x2, v4  }
0x106: {  	v4 =	vbroadcast v4, $0x0;
	v3 =	vmul.f32 v3, v2  }
0x107: {  	v5 =	vmul.f32 v5, v2  }
0x108: {  	v6 =	vmul.f32 v6, v2;
	[tilespmem:s19+$0x40] =	vst v3  }
0x109: {  	v2 =	vmul.f32 v7, v2;
	[tilespmem:s19+$0x50] =	vst v5  }
0x10a: {  	[tilespmem:s19+$0x60] =	vst v6  }
0x10b: {  	[tilespmem:s19+$0x70] =	vst v2  }
0x10c: {  	v2 =	vld.idx.msk [tilespmem:v4+s16+$0x0], $0xffff  }
0x10d: {  	s26 =	sadd.s32 $0xB, s6;
	v4 =	vld [tilespmem:s19+$0x80]  }
0x10e: {  	v3 =	vld [tilespmem:s19+$0xA0];
	v5 =	vmov s26  }
0x10f: {  	v6 =	vld [tilespmem:s19+$0xB0];
	v5 =	vshrl.u32 v5, $0x3  }
0x110: {  	v7 =	vld [tilespmem:s19+$0x90];
	v5 =	vshll.u32 v5, v1  }
0x111: {  	v5 =	vadd.s32 $0x3, v5  }
0x112: {  	v5 =	vbroadcast v5, $0x0;
	v4 =	vmul.f32 v4, v2  }
0x113: {  	v3 =	vmul.f32 v3, v2  }
0x114: {  	v6 =	vmul.f32 v6, v2;
	[tilespmem:s19+$0x80] =	vst v4  }
0x115: {  	v2 =	vmul.f32 v7, v2;
	[tilespmem:s19+$0xA0] =	vst v3  }
0x116: {  	[tilespmem:s19+$0xB0] =	vst v6  }
0x117: {  	[tilespmem:s19+$0x90] =	vst v2;
	v2 =	vld [tilespmem:s19+$0xC0]  }
0x118: {  	v5 =	vld.idx.msk [tilespmem:v5+s16+$0x0], $0xffff  }
0x119: {  	s29 =	sadd.s32 $0xC, s6;
	v3 =	vld [tilespmem:s19+$0xE0]  }
0x11a: {  	s31 =	sadd.s32 $0xE, s6;
	s15 =	sadd.s32 $0xD, s6;
	s6 =	sadd.s32 $0xF, s6;
	v7 =	vld [tilespmem:s19+$0xF0];
	v4 =	vmov s29  }
0x11b: {  	v8 =	vld [tilespmem:s19+$0xD0];
	v10 =	vmov s6;
	v4 =	vshrl.u32 v4, $0x3  }
0x11c: {  	v10 =	vshrl.u32 v10, $0x3;
	v6 =	vmov s15;
	v4 =	vshll.u32 v4, v1  }
0x11d: {  	v9 =	vadd.s32 $0x4, v4;
	v4 =	vmov s31;
	v2 =	vmul.f32 v2, v5  }
0x11e: {  	v6 =	vshrl.u32 v6, $0x3;
	v4 =	vshrl.u32 v4, $0x3;
	v11 =	vmul.f32 v3, v5  }
0x11f: {  	v6 =	vshll.u32 v6, v1;
	v3 =	vshll.u32 v4, v1;
	v7 =	vmul.f32 v7, v5;
	[tilespmem:s19+$0xC0] =	vst v2  }
0x120: {  	v4 =	vadd.s32 $0x5, v6;
	v6 =	vmul.f32 v8, v5;
	v2 =	vshll.u32 v10, v1;
	[tilespmem:s19+$0xE0] =	vst v11  }
0x121: {  	s10 =	smov.u32 s19;
	s6 =	smov.u32 s19;
	s15 =	simm.s32 $0x10;
	v5 =	vbroadcast v9, $0x0;
	v3 =	vadd.s32 $0x6, v3;
	[tilespmem:s19+$0xF0] =	vst v7;
	v2 =	vadd.s32 $0x7, v2  }
.LBB2_4:
0x122: {  	p0 =	sne.s32 s15, $0x70  }
0x123: {  	[tilespmem:s6+$0xD0] =	vst v6;
	s10 =	sadd.s32 $0x400, s10;
	s20 =	smov.u32 s15;
	s15 =	sadd.s32 $0x10, s15  }
0x124: {  	_ =	sdelay $0x1  }
0x125: {  	v6 =	vld [tilespmem:s6+$0x130]  }
0x126: {  	v7 =	vld [tilespmem:s6+$0x110]  }
0x127: {  	v5 =	vld.idx.msk [tilespmem:v5+s16+$0x0], $0xffff  }
0x128: {  	v8 =	vld [tilespmem:s6+$0x100]  }
0x129: {  	v9 =	vld [tilespmem:s6+$0x120];
	_ =	sdelay $0x2  }
0x12a: {  	v4 =	vbroadcast v4, $0x0  }
0x12b: {  	v6 =	vmul.f32 v6, v5;
	v8 =	vmul.f32 v8, v5  }
0x12c: {  	v7 =	vmul.f32 v7, v5;
	v5 =	vmul.f32 v9, v5  }
0x12d: {  	[tilespmem:s6+$0x130] =	vst v6  }
0x12e: {  	[tilespmem:s6+$0x100] =	vst v8  }
0x12f: {  	[tilespmem:s6+$0x110] =	vst v7;
	v6 =	vld [tilespmem:s6+$0x140]  }
0x130: {  	[tilespmem:s6+$0x120] =	vst v5;
	v5 =	vld [tilespmem:s6+$0x170]  }
0x131: {  	v4 =	vld.idx.msk [tilespmem:v4+s16+$0x0], $0xffff  }
0x132: {  	v7 =	vld [tilespmem:s6+$0x150]  }
0x133: {  	v8 =	vld [tilespmem:s6+$0x160];
	_ =	sdelay $0x2  }
0x134: {  	v3 =	vbroadcast v3, $0x0  }
0x135: {  	v6 =	vmul.f32 v6, v4;
	v7 =	vmul.f32 v7, v4  }
0x136: {  	v8 =	vmul.f32 v8, v4;
	v4 =	vmul.f32 v5, v4  }
0x137: {  	[tilespmem:s6+$0x140] =	vst v6  }
0x138: {  	[tilespmem:s6+$0x150] =	vst v7  }
0x139: {  	[tilespmem:s6+$0x170] =	vst v4;
	v4 =	vld [tilespmem:s6+$0x180]  }
0x13a: {  	[tilespmem:s6+$0x160] =	vst v8;
	v5 =	vld [tilespmem:s6+$0x1B0]  }
0x13b: {  	v3 =	vld.idx.msk [tilespmem:v3+s16+$0x0], $0xffff  }
0x13c: {  	v6 =	vld [tilespmem:s6+$0x190]  }
0x13d: {  	v7 =	vld [tilespmem:s6+$0x1A0];
	_ =	sdelay $0x2  }
0x13e: {  	v2 =	vbroadcast v2, $0x0  }
0x13f: {  	v4 =	vmul.f32 v4, v3;
	v6 =	vmul.f32 v6, v3  }
0x140: {  	v7 =	vmul.f32 v7, v3;
	v3 =	vmul.f32 v5, v3  }
0x141: {  	[tilespmem:s6+$0x180] =	vst v4  }
0x142: {  	[tilespmem:s6+$0x190] =	vst v6  }
0x143: {  	[tilespmem:s6+$0x1B0] =	vst v3;
	v3 =	vld [tilespmem:s6+$0x1C0]  }
0x144: {  	[tilespmem:s6+$0x1A0] =	vst v7;
	v4 =	vld [tilespmem:s6+$0x1F0]  }
0x145: {  	v2 =	vld.idx.msk [tilespmem:v2+s16+$0x0], $0xffff  }
0x146: {  	v5 =	vld [tilespmem:s6+$0x1D0]  }
0x147: {  	v6 =	vld [tilespmem:s6+$0x1E0];
	_ =	sdelay $0x3  }
0x148: {  	s20 =	sadd.s32 s20, s5;
	v3 =	vmul.f32 v3, v2;
	v5 =	vmul.f32 v5, v2  }
0x149: {  	s22 =	sadd.s32 $0x1, s20;
	s24 =	sadd.s32 $0x2, s20;
	s26 =	sadd.s32 $0x3, s20;
	v7 =	vmov s20;
	v6 =	vmul.f32 v6, v2;
	v2 =	vmul.f32 v4, v2  }
0x14a: {  	s29 =	sadd.s32 $0x4, s20;
	s31 =	sadd.s32 $0x5, s20;
	s1 =	sadd.s32 $0x6, s20;
	v8 =	vmov s24;
	v4 =	vshrl.u32 v7, $0x3;
	v7 =	vmov s22;
	[tilespmem:s6+$0x1C0] =	vst v3  }
0x14b: {  	s17 =	sadd.s32 $0x7, s20;
	s8 =	sadd.s32 $0x8, s20;
	s11 =	sadd.s32 $0x9, s20;
	v3 =	vshll.u32 v4, v1;
	v4 =	vshrl.u32 v7, $0x3;
	v7 =	vshrl.u32 v8, $0x3;
	[tilespmem:s6+$0x1D0] =	vst v5  }
0x14c: {  	s12 =	sadd.s32 $0xA, s20;
	s9 =	sadd.s32 $0xB, s20;
	s24 =	sadd.s32 $0xC, s20;
	v3 =	vbroadcast v3, $0x0;
	v4 =	vshll.u32 v4, v1;
	v5 =	vshll.u32 v7, v1;
	[tilespmem:s6+$0x1F0] =	vst v2  }
0x14d: {  	s22 =	sadd.s32 $0xE, s20;
	v2 =	vadd.s32 $0x1, v4;
	v13 =	vadd.s32 $0x2, v5;
	v4 =	vmov s26;
	s26 =	sadd.s32 $0xD, s20;
	s20 =	sadd.s32 $0xF, s20;
	[tilespmem:s6+$0x1E0] =	vst v6  }
0x14e: {  	v5 =	vmov s29;
	v4 =	vshrl.u32 v4, $0x3;
	v6 =	vmov s31;
	s6 =	smov.u32 s10  }
0x14f: {  	v5 =	vshrl.u32 v5, $0x3;
	v4 =	vshll.u32 v4, v1;
	v6 =	vshrl.u32 v6, $0x3  }
0x150: {  	v14 =	vadd.s32 $0x3, v4;
	v4 =	vshll.u32 v5, v1;
	v5 =	vshll.u32 v6, v1;
	v7 =	vld [tilespmem:s10+$0xFFFFFE20]  }
0x151: {  	v15 =	vadd.s32 $0x4, v4;
	v12 =	vadd.s32 $0x5, v5;
	v4 =	vmov s1;
	v6 =	vld [tilespmem:s10+$0xFFFFFE30]  }
0x152: {  	v8 =	vmov s8;
	v5 =	vmov s17;
	v4 =	vshrl.u32 v4, $0x3;
	v3 =	vld.idx.msk [tilespmem:v3+s16+$0x0], $0xffff  }
0x153: {  	v8 =	vshrl.u32 v8, $0x3;
	v5 =	vshrl.u32 v5, $0x3;
	v4 =	vshll.u32 v4, v1;
	v16 =	vld [tilespmem:s10+$0xFFFFFE00]  }
0x154: {  	v9 =	vshll.u32 v8, v1;
	v11 =	vadd.s32 $0x6, v4;
	v4 =	vshll.u32 v5, v1;
	v17 =	vld [tilespmem:s10+$0xFFFFFE10]  }
0x155: {  	v5 =	vmov s12;
	v10 =	vadd.s32 $0x7, v4;
	v4 =	vmov s11  }
0x156: {  	v18 =	vmov s9;
	v5 =	vshrl.u32 v5, $0x3;
	v4 =	vshrl.u32 v4, $0x3  }
0x157: {  	v2 =	vbroadcast v2, $0x0;
	v5 =	vshll.u32 v5, v1;
	v4 =	vshll.u32 v4, v1  }
0x158: {  	v6 =	vmul.f32 v6, v3;
	v8 =	vadd.s32 $0x1, v4;
	v16 =	vmul.f32 v16, v3  }
0x159: {  	v4 =	vmul.f32 v17, v3;
	v3 =	vmul.f32 v7, v3;
	v7 =	vadd.s32 $0x2, v5  }
0x15a: {  	v5 =	vshrl.u32 v18, $0x3;
	v17 =	vmov s26;
	[tilespmem:s10+$0xFFFFFE30] =	vst v6;
	v6 =	vmov s24  }
0x15b: {  	v5 =	vshll.u32 v5, v1;
	v17 =	vshrl.u32 v17, $0x3;
	[tilespmem:s10+$0xFFFFFE00] =	vst v16;
	v16 =	vshrl.u32 v6, $0x3  }
0x15c: {  	v6 =	vadd.s32 $0x3, v5;
	[tilespmem:s10+$0xFFFFFE10] =	vst v4;
	v18 =	vld [tilespmem:s10+$0xFFFFFE70];
	v4 =	vshll.u32 v16, v1;
	v16 =	vshll.u32 v17, v1  }
0x15d: {  	[tilespmem:s10+$0xFFFFFE20] =	vst v3;
	v17 =	vld [tilespmem:s10+$0xFFFFFE50];
	v5 =	vadd.s32 $0x4, v4;
	v4 =	vadd.s32 $0x5, v16;
	v3 =	vmov s22  }
0x15e: {  	v16 =	vld.idx.msk [tilespmem:v2+s16+$0x0], $0xffff;
	v2 =	vshrl.u32 v3, $0x3;
	v3 =	vmov s20  }
0x15f: {  	v19 =	vld [tilespmem:s10+$0xFFFFFE40];
	v2 =	vshll.u32 v2, v1;
	v20 =	vshrl.u32 v3, $0x3  }
0x160: {  	v21 =	vld [tilespmem:s10+$0xFFFFFE60];
	v3 =	vadd.s32 $0x6, v2;
	v2 =	vshll.u32 v20, v1  }
0x161: {  	v2 =	vadd.s32 $0x7, v2;
	_ =	sdelay $0x1  }
0x162: {  	v13 =	vbroadcast v13, $0x0  }
0x163: {  	v17 =	vmul.f32 v17, v16;
	v19 =	vmul.f32 v19, v16  }
0x164: {  	v20 =	vmul.f32 v21, v16;
	v16 =	vmul.f32 v18, v16  }
0x165: {  	[tilespmem:s10+$0xFFFFFE40] =	vst v19  }
0x166: {  	[tilespmem:s10+$0xFFFFFE50] =	vst v17  }
0x167: {  	[tilespmem:s10+$0xFFFFFE70] =	vst v16;
	v16 =	vld [tilespmem:s10+$0xFFFFFEB0]  }
0x168: {  	[tilespmem:s10+$0xFFFFFE60] =	vst v20;
	v17 =	vld [tilespmem:s10+$0xFFFFFE90]  }
0x169: {  	v13 =	vld.idx.msk [tilespmem:v13+s16+$0x0], $0xffff  }
0x16a: {  	v18 =	vld [tilespmem:s10+$0xFFFFFE80]  }
0x16b: {  	v19 =	vld [tilespmem:s10+$0xFFFFFEA0];
	_ =	sdelay $0x2  }
0x16c: {  	v14 =	vbroadcast v14, $0x0  }
0x16d: {  	v17 =	vmul.f32 v17, v13;
	v18 =	vmul.f32 v18, v13  }
0x16e: {  	v19 =	vmul.f32 v19, v13;
	v13 =	vmul.f32 v16, v13  }
0x16f: {  	[tilespmem:s10+$0xFFFFFE80] =	vst v18  }
0x170: {  	[tilespmem:s10+$0xFFFFFEB0] =	vst v13  }
0x171: {  	[tilespmem:s10+$0xFFFFFE90] =	vst v17;
	v13 =	vld [tilespmem:s10+$0xFFFFFEF0]  }
0x172: {  	[tilespmem:s10+$0xFFFFFEA0] =	vst v19;
	v16 =	vld [tilespmem:s10+$0xFFFFFED0]  }
0x173: {  	v14 =	vld.idx.msk [tilespmem:v14+s16+$0x0], $0xffff  }
0x174: {  	v17 =	vld [tilespmem:s10+$0xFFFFFEC0]  }
0x175: {  	v18 =	vld [tilespmem:s10+$0xFFFFFEE0];
	_ =	sdelay $0x2  }
0x176: {  	v15 =	vbroadcast v15, $0x0  }
0x177: {  	v16 =	vmul.f32 v16, v14;
	v17 =	vmul.f32 v17, v14  }
0x178: {  	v13 =	vmul.f32 v13, v14;
	v18 =	vmul.f32 v18, v14  }
0x179: {  	[tilespmem:s10+$0xFFFFFEC0] =	vst v17  }
0x17a: {  	[tilespmem:s10+$0xFFFFFED0] =	vst v16  }
0x17b: {  	[tilespmem:s10+$0xFFFFFEF0] =	vst v13;
	v13 =	vld [tilespmem:s10+$0xFFFFFF30]  }
0x17c: {  	[tilespmem:s10+$0xFFFFFEE0] =	vst v18;
	v14 =	vld [tilespmem:s10+$0xFFFFFF10]  }
0x17d: {  	v15 =	vld.idx.msk [tilespmem:v15+s16+$0x0], $0xffff  }
0x17e: {  	v16 =	vld [tilespmem:s10+$0xFFFFFF00]  }
0x17f: {  	v17 =	vld [tilespmem:s10+$0xFFFFFF20];
	_ =	sdelay $0x2  }
0x180: {  	v12 =	vbroadcast v12, $0x0  }
0x181: {  	v14 =	vmul.f32 v14, v15;
	v16 =	vmul.f32 v16, v15  }
0x182: {  	v13 =	vmul.f32 v13, v15;
	v17 =	vmul.f32 v17, v15  }
0x183: {  	[tilespmem:s10+$0xFFFFFF00] =	vst v16  }
0x184: {  	[tilespmem:s10+$0xFFFFFF20] =	vst v17  }
0x185: {  	[tilespmem:s10+$0xFFFFFF10] =	vst v14;
	v14 =	vld [tilespmem:s10+$0xFFFFFF70]  }
0x186: {  	[tilespmem:s10+$0xFFFFFF30] =	vst v13;
	v13 =	vld [tilespmem:s10+$0xFFFFFF50]  }
0x187: {  	v12 =	vld.idx.msk [tilespmem:v12+s16+$0x0], $0xffff  }
0x188: {  	v15 =	vld [tilespmem:s10+$0xFFFFFF40]  }
0x189: {  	v16 =	vld [tilespmem:s10+$0xFFFFFF60];
	_ =	sdelay $0x2  }
0x18a: {  	v11 =	vbroadcast v11, $0x0  }
0x18b: {  	v13 =	vmul.f32 v13, v12;
	v15 =	vmul.f32 v15, v12  }
0x18c: {  	v16 =	vmul.f32 v16, v12;
	v12 =	vmul.f32 v14, v12  }
0x18d: {  	[tilespmem:s10+$0xFFFFFF40] =	vst v15  }
0x18e: {  	[tilespmem:s10+$0xFFFFFF60] =	vst v16  }
0x18f: {  	[tilespmem:s10+$0xFFFFFF50] =	vst v13;
	v13 =	vld [tilespmem:s10+$0xFFFFFFB0]  }
0x190: {  	[tilespmem:s10+$0xFFFFFF70] =	vst v12;
	v12 =	vld [tilespmem:s10+$0xFFFFFF90]  }
0x191: {  	v11 =	vld.idx.msk [tilespmem:v11+s16+$0x0], $0xffff  }
0x192: {  	v14 =	vld [tilespmem:s10+$0xFFFFFF80]  }
0x193: {  	v15 =	vld [tilespmem:s10+$0xFFFFFFA0];
	_ =	sdelay $0x2  }
0x194: {  	v10 =	vbroadcast v10, $0x0  }
0x195: {  	v12 =	vmul.f32 v12, v11;
	v14 =	vmul.f32 v14, v11  }
0x196: {  	v15 =	vmul.f32 v15, v11;
	v11 =	vmul.f32 v13, v11  }
0x197: {  	[tilespmem:s10+$0xFFFFFF80] =	vst v14  }
0x198: {  	[tilespmem:s10+$0xFFFFFF90] =	vst v12  }
0x199: {  	[tilespmem:s10+$0xFFFFFFB0] =	vst v11;
	v11 =	vld [tilespmem:s10+$0xFFFFFFF0]  }
0x19a: {  	[tilespmem:s10+$0xFFFFFFA0] =	vst v15;
	v12 =	vld [tilespmem:s10+$0xFFFFFFD0]  }
0x19b: {  	v10 =	vld.idx.msk [tilespmem:v10+s16+$0x0], $0xffff  }
0x19c: {  	v13 =	vld [tilespmem:s10+$0xFFFFFFC0]  }
0x19d: {  	v14 =	vld [tilespmem:s10+$0xFFFFFFE0];
	_ =	sdelay $0x2  }
0x19e: {  	v9 =	vbroadcast v9, $0x0  }
0x19f: {  	v12 =	vmul.f32 v12, v10;
	v13 =	vmul.f32 v13, v10  }
0x1a0: {  	v14 =	vmul.f32 v14, v10;
	v10 =	vmul.f32 v11, v10  }
0x1a1: {  	[tilespmem:s10+$0xFFFFFFC0] =	vst v13  }
0x1a2: {  	[tilespmem:s10+$0xFFFFFFD0] =	vst v12  }
0x1a3: {  	[tilespmem:s10+$0xFFFFFFE0] =	vst v14;
	v11 =	vld [tilespmem:s10+$0x30]  }
0x1a4: {  	[tilespmem:s10+$0xFFFFFFF0] =	vst v10;
	v10 =	vld [tilespmem:s10+$0x10]  }
0x1a5: {  	v9 =	vld.idx.msk [tilespmem:v9+s16+$0x0], $0xffff  }
0x1a6: {  	v12 =	vld [tilespmem:s10+$0x0]  }
0x1a7: {  	v13 =	vld [tilespmem:s10+$0x20];
	_ =	sdelay $0x2  }
0x1a8: {  	v8 =	vbroadcast v8, $0x0  }
0x1a9: {  	v10 =	vmul.f32 v10, v9;
	v12 =	vmul.f32 v12, v9  }
0x1aa: {  	v13 =	vmul.f32 v13, v9;
	v9 =	vmul.f32 v11, v9  }
0x1ab: {  	[tilespmem:s10+$0x0] =	vst v12  }
0x1ac: {  	[tilespmem:s10+$0x30] =	vst v9  }
0x1ad: {  	[tilespmem:s10+$0x10] =	vst v10;
	v9 =	vld [tilespmem:s10+$0x70]  }
0x1ae: {  	[tilespmem:s10+$0x20] =	vst v13;
	v10 =	vld [tilespmem:s10+$0x50]  }
0x1af: {  	v8 =	vld.idx.msk [tilespmem:v8+s16+$0x0], $0xffff  }
0x1b0: {  	v11 =	vld [tilespmem:s10+$0x40]  }
0x1b1: {  	v12 =	vld [tilespmem:s10+$0x60];
	_ =	sdelay $0x2  }
0x1b2: {  	v7 =	vbroadcast v7, $0x0  }
0x1b3: {  	v10 =	vmul.f32 v10, v8;
	v11 =	vmul.f32 v11, v8  }
0x1b4: {  	v12 =	vmul.f32 v12, v8;
	v8 =	vmul.f32 v9, v8  }
0x1b5: {  	[tilespmem:s10+$0x40] =	vst v11  }
0x1b6: {  	[tilespmem:s10+$0x50] =	vst v10  }
0x1b7: {  	[tilespmem:s10+$0x60] =	vst v12;
	v9 =	vld [tilespmem:s10+$0xA0]  }
0x1b8: {  	[tilespmem:s10+$0x70] =	vst v8;
	v8 =	vld [tilespmem:s10+$0xB0]  }
0x1b9: {  	v7 =	vld.idx.msk [tilespmem:v7+s16+$0x0], $0xffff  }
0x1ba: {  	v10 =	vld [tilespmem:s10+$0x80]  }
0x1bb: {  	v11 =	vld [tilespmem:s10+$0x90];
	_ =	sdelay $0x2  }
0x1bc: {  	v6 =	vbroadcast v6, $0x0  }
0x1bd: {  	v8 =	vmul.f32 v8, v7;
	v10 =	vmul.f32 v10, v7  }
0x1be: {  	v11 =	vmul.f32 v11, v7;
	v7 =	vmul.f32 v9, v7  }
0x1bf: {  	[tilespmem:s10+$0x80] =	vst v10  }
0x1c0: {  	[tilespmem:s10+$0xA0] =	vst v7  }
0x1c1: {  	[tilespmem:s10+$0xB0] =	vst v8;
	v7 =	vld [tilespmem:s10+$0xF0]  }
0x1c2: {  	[tilespmem:s10+$0x90] =	vst v11;
	v8 =	vld [tilespmem:s10+$0xC0]  }
0x1c3: {  	v9 =	vld.idx.msk [tilespmem:v6+s16+$0x0], $0xffff  }
0x1c4: {  	v6 =	vld [tilespmem:s10+$0xD0]  }
0x1c5: {  	v10 =	vld [tilespmem:s10+$0xE0];
	_ =	sdelay $0x3  }
.Ltmp0:
0x1c6: {  	v8 =	vmul.f32 v8, v9;
	v6 =	vmul.f32 v6, v9;
	(pc) =	sbr.rel @p0 .LBB2_4-.Ltmp0, $4  }
0x1c7: {  	v7 =	vmul.f32 v7, v9;
	v10 =	vmul.f32 v10, v9  }
0x1c8: {  	[tilespmem:s10+$0xC0] =	vst v8  }
0x1c9: {  	[tilespmem:s10+$0xE0] =	vst v10  }
0x1ca: {  	v5 =	vbroadcast v5, $0x0;
	[tilespmem:s10+$0xF0] =	vst v7  }
0x1cb: {  	_ =	sdelay $0x3  }
0x1cc: {  	[tilespmem:s6+$0xD0] =	vst v6;
	v52 =	vld [tilespmem:s6+$0x130]  }
0x1cd: {  	v5 =	vld.idx.msk [tilespmem:v5+s16+$0x0], $0xffff  }
0x1ce: {  	v7 =	vld [tilespmem:s6+$0x100]  }
0x1cf: {  	v8 =	vld [tilespmem:s6+$0x110]  }
0x1d0: {  	v9 =	vld [tilespmem:s6+$0x120];
	_ =	sdelay $0x1  }
0x1d1: {  	v4 =	vbroadcast v4, $0x0;
	v6 =	vmul.f32 v52, v5  }
0x1d2: {  	v7 =	vmul.f32 v7, v5  }
0x1d3: {  	v8 =	vmul.f32 v8, v5;
	[tilespmem:s6+$0x130] =	vst v6  }
0x1d4: {  	v5 =	vmul.f32 v9, v5;
	[tilespmem:s6+$0x100] =	vst v7  }
0x1d5: {  	[tilespmem:s6+$0x110] =	vst v8  }
0x1d6: {  	v53 =	vld [tilespmem:s6+$0x140];
	[tilespmem:s6+$0x120] =	vst v5  }
0x1d7: {  	v4 =	vld.idx.msk [tilespmem:v4+s16+$0x0], $0xffff  }
0x1d8: {  	v54 =	vld [tilespmem:s6+$0x150]  }
0x1d9: {  	v55 =	vld [tilespmem:s6+$0x170]  }
0x1da: {  	v56 =	vld [tilespmem:s6+$0x160];
	_ =	sdelay $0x1  }
0x1db: {  	v3 =	vbroadcast v3, $0x0;
	v6 =	vmul.f32 v53, v4  }
0x1dc: {  	v5 =	vmul.f32 v54, v4  }
0x1dd: {  	v7 =	vmul.f32 v55, v4;
	[tilespmem:s6+$0x140] =	vst v6  }
0x1de: {  	v4 =	vmul.f32 v56, v4;
	[tilespmem:s6+$0x150] =	vst v5  }
0x1df: {  	[tilespmem:s6+$0x170] =	vst v7  }
0x1e0: {  	v57 =	vld [tilespmem:s6+$0x180];
	[tilespmem:s6+$0x160] =	vst v4  }
0x1e1: {  	v3 =	vld.idx.msk [tilespmem:v3+s16+$0x0], $0xffff  }
0x1e2: {  	v58 =	vld [tilespmem:s6+$0x190]  }
0x1e3: {  	v59 =	vld [tilespmem:s6+$0x1B0]  }
0x1e4: {  	v60 =	vld [tilespmem:s6+$0x1A0];
	_ =	sdelay $0x1  }
0x1e5: {  	v2 =	vbroadcast v2, $0x0;
	v5 =	vmul.f32 v57, v3  }
0x1e6: {  	v4 =	vmul.f32 v58, v3  }
0x1e7: {  	v6 =	vmul.f32 v59, v3;
	[tilespmem:s6+$0x180] =	vst v5  }
0x1e8: {  	v3 =	vmul.f32 v60, v3;
	[tilespmem:s6+$0x190] =	vst v4  }
0x1e9: {  	[tilespmem:s6+$0x1B0] =	vst v6  }
0x1ea: {  	v61 =	vld [tilespmem:s6+$0x1C0];
	[tilespmem:s6+$0x1A0] =	vst v3  }
0x1eb: {  	v2 =	vld.idx.msk [tilespmem:v2+s16+$0x0], $0xffff  }
0x1ec: {  	v3 =	vld [tilespmem:s6+$0x1D0]  }
0x1ed: {  	v62 =	vld [tilespmem:s6+$0x1F0]  }
0x1ee: {  	v63 =	vld [tilespmem:s6+$0x1E0]  }
0x1ef: {  	s7 =	sadd.s32 $0x1, s7  }
0x1f0: {  	p0 =	sne.s32 s7, $0x8;
	v4 =	vmul.f32 v61, v2  }
.Ltmp1:
0x1f1: {  	v3 =	vmul.f32 v3, v2;
	(pc) =	sbr.rel @p0 .LBB2_3-.Ltmp1, $4  }
0x1f2: {  	v5 =	vmul.f32 v62, v2;
	[tilespmem:s6+$0x1C0] =	vst v4  }
0x1f3: {  	v2 =	vmul.f32 v63, v2;
	[tilespmem:s6+$0x1D0] =	vst v3  }
0x1f4: {  	[tilespmem:s6+$0x1F0] =	vst v5  }
0x1f5: {  	s5 =	sadd.s32 $0x80, s5;
	s19 =	sadd.s32 $0x2000, s19;
	[tilespmem:s6+$0x1E0] =	vst v2  }
0x1f6: {  	_ =	swait.ge [sflag:s28], $0x400  }
0x1f7: {  	[sflag:s28] =	ssyncset.done $0x0  }
0x1f8: {  	s8 =	simm.s32 $0x400;
	s10 =	simm.s32 $0xC00;
	[sflag:s28] =	ssyncadd.s32 $0xFFFFFC00  }
0x1f9: {  	[spmem:s3] =	stream.indirect.scatter.add.f32 [tilespmem:s10], [sflag:$0xD], $0x40, s8, s18, $0xb8;
	[tilespmem:$0x1AC00] =	vst v63  }
0x1fa: {  	_ =	swait.ge [sflag:s30], $0x2000  }
0x1fb: {  	[sflag:s30] =	ssyncset.done $0x0  }
0x1fc: {  	s11 =	simm.s32 $0x2C00;
	s1 =	simm.s32 $0x480;
	[sflag:s30] =	ssyncadd.s32 $0xFFFFE000  }
0x1fd: {  	[spmem:s3] =	stream.indirect.scatter.add.f32 [tilespmem:s11], [sflag:$0xD], $0x40, s1, s18, $0xb8;
	[tilespmem:$0x1AC00] =	vst v63  }
0x1fe: {  	_ =	swait.ge [sflag:s30], $0x2000  }
0x1ff: {  	[sflag:s30] =	ssyncset.done $0x0  }
0x200: {  	s12 =	simm.s32 $0x4C00;
	s20 =	simm.s32 $0x500;
	[sflag:s30] =	ssyncadd.s32 $0xFFFFE000  }
0x201: {  	[spmem:s3] =	stream.indirect.scatter.add.f32 [tilespmem:s12], [sflag:$0xD], $0x40, s20, s18, $0xb8;
	[tilespmem:$0x1AC00] =	vst v63  }
0x202: {  	_ =	swait.ge [sflag:s30], $0x2000  }
0x203: {  	[sflag:s30] =	ssyncset.done $0x0  }
0x204: {  	s15 =	simm.s32 $0x6C00;
	s22 =	simm.s32 $0x580;
	[sflag:s30] =	ssyncadd.s32 $0xFFFFE000  }
0x205: {  	[spmem:s3] =	stream.indirect.scatter.add.f32 [tilespmem:s15], [sflag:$0xD], $0x40, s22, s18, $0xb8;
	[tilespmem:$0x1AC00] =	vst v63  }
0x206: {  	_ =	swait.ge [sflag:s30], $0x2000  }
0x207: {  	[sflag:s30] =	ssyncset.done $0x0  }
0x208: {  	s17 =	simm.s32 $0x8C00;
	s24 =	simm.s32 $0x600;
	[sflag:s30] =	ssyncadd.s32 $0xFFFFE000  }
0x209: {  	[spmem:s3] =	stream.indirect.scatter.add.f32 [tilespmem:s17], [sflag:$0xD], $0x40, s24, s18, $0xb8;
	[tilespmem:$0x1AC00] =	vst v63  }
0x20a: {  	_ =	swait.ge [sflag:s30], $0x2000  }
0x20b: {  	[sflag:s30] =	ssyncset.done $0x0  }
0x20c: {  	s19 =	simm.s32 $0xAC00;
	s26 =	simm.s32 $0x680;
	[sflag:s30] =	ssyncadd.s32 $0xFFFFE000  }
0x20d: {  	[spmem:s3] =	stream.indirect.scatter.add.f32 [tilespmem:s19], [sflag:$0xD], $0x40, s26, s18, $0xb8;
	[tilespmem:$0x1AC00] =	vst v63  }
0x20e: {  	_ =	swait.ge [sflag:s30], $0x2000  }
0x20f: {  	[sflag:s30] =	ssyncset.done $0x0  }
0x210: {  	s29 =	simm.s32 $0x700;
	s20 =	simm.s32 $0xCC00;
	[sflag:s30] =	ssyncadd.s32 $0xFFFFE000  }
0x211: {  	[spmem:s3] =	stream.indirect.scatter.add.f32 [tilespmem:s20], [sflag:$0xD], $0x40, s29, s18, $0xb8;
	[tilespmem:$0x1AC00] =	vst v63  }
0x212: {  	s0 =	sadd.s32 $0x1, s0;
	_ =	swait.ge [sflag:s30], $0x2000  }
0x213: {  	s31 =	simm.s32 $0x780;
	p0 =	sne.s32 s0, $0x14;
	[sflag:s30] =	ssyncset.done $0x0  }
.Ltmp2:
0x214: {  	s22 =	simm.s32 $0xEC00;
	[sflag:s30] =	ssyncadd.s32 $0xFFFFE000;
	(pc) =	sbr.rel @p0 .LBB2_2-.Ltmp2, $4  }
0x215: {  	[spmem:s3] =	stream.indirect.scatter.add.f32 [tilespmem:s22], [sflag:$0xC], $0x40, s31, s18, $0xb8;
	[tilespmem:$0x1AC00] =	vst v63  }
0x216: {  	_ =	swait.ge [sflag:s14], $0x2000  }
0x217: {  	[sflag:s14] =	ssyncset.done $0x0  }
0x218: {  	[sflag:s14] =	ssyncadd.s32 $0xFFFFE000  }
0x219: {  	[bflag:$0x0] =	sbarrier.arrive $0xFFFF  }
0x21a: {  	s5 =	rddreg [dreg:$0x8]  }
0x21b: {  	s0 =	rddreg [dreg:$0xa]  }
0x21c: {  	s1 =	rddreg [dreg:$0xc]  }
0x21d: {  	[hbm:s0], [sflag:s5] =	dma.local [spmem:s1], $0x1400  }
0x21e: {  	_ =	swait.ge [sflag:s14], $0x1400  }
0x21f: {  	s9 =	rddreg [dreg:$0x3]  }
0x220: {  	s31 =	rddreg [dreg:$0xb];
	s9 =	sadd.s32 $0x1, s9  }
0x221: {  	p0 =	sne.s32 s9, s31  }
.Ltmp3:
0x222: {  	_ = 	snop;
	(pc) =	sbr.rel @p0 .LBB2_1-.Ltmp3, $3  }
0x223: {  	_ =	sdelay $0x1  }
0x224: {  	[sflag:s14] =	ssyncset.done $0x0  }
0x225: {  	[sflag:s14] =	ssyncadd.s32 $0xFFFFEC00  }
0x226: {  	_ =	sfence.sel $0x180000  }
0x227: {  	[bflag:$0x0] =	sbarrier.arrive $0xFFFF  }
0x228: {  	_ =	strace $0x90000047  }
0x229: {  	s0 =	stileid.u32;
	[bflag:$0x2] =	sbarrier.arrive $0xFFFF  }
0x22a: {  	p0 =	sne.s32 s0, $0x0;
	s0 =	rddreg [dreg:$0x2]  }
0x22b: {  	s0 =	sadd.s32 @!p0 $0x100000, s0  }
0x22c: {  	[sflag:s0] =	ssyncadd.tile.s32 @!p0 $0x1;
	_ =	shalt  }
.Lfunc_end2:
_tile_overlayer_lowered:
.L_overlay_start_2:
0x22d: {  	(tag) =	ssettag $0x2  }
0x22e: {  	s0 =	rddreg [dreg:$0x0];
	s2 =	stileid.u32  }
0x22f: {  	s1 =	rddreg [dreg:$0x1];
	p0 =	sne.s32 s2, $0x0  }
0x230: {  	s3 =	rddreg [dreg:$0x2];
	[bflag:$0x3] =	sbarrier.arrive $0xFFFF;
	s2 =	simm.s32 @!p0 $0x1C0C  }
0x231: {  	[timem:s3], [sflag:s2] =	dma.local @!p0 [hbm:s0], s1  }
0x232: {  	s0 =	simm.s32 @!p0 $0xC  }
0x233: {  	_ =	swait.ge @!p0 [sflag:s0], s1  }
0x234: {  	s1 =	ssub.s32 @!p0 $0x0, s1;
	[sflag:s0] =	ssyncset.done @!p0 $0x0  }
0x235: {  	[sflag:s0] =	ssyncadd.s32 @!p0 s1  }
0x236: {  	[bflag:$0x3] =	sbarrier.arrive $0xFFFF  }
0x237: {  	_ =	shalt  }

// kernel: kernel.9.cloned.1.call-start
scs
__scs_entry_jumppad:
0x0: {  	(pc) =	sbr.rel $0x88, $3  }
0x1: {  	(tag) =	ssettag $0x0;
	lr =	simm.s32 $0x1  }
0x2: {  	[smem:$0x3F9B] =	sst lr;
	_ =	strace $0xD0000000  }
0x3: {  	_ = 	snop  }
0x4: {  	_ = 	snop  }
0x5: {  	_ = 	snop  }
0x6: {  	_ = 	snop  }
0x7: {  	_ = 	snop  }
__scs_overlays_trampoline_lowered:
0x8: {  	[smem:$0x3FAA] =	sst s0  }
0x9: {  	[smem:$0x3FAB] =	sst s1  }
0xa: {  	[smem:$0x3FAC] =	sst s2  }
0xb: {  	[smem:$0x3FAD] =	sst s3  }
0xc: {  	[smem:$0x3FAE] =	sst s4  }
0xd: {  	[smem:$0x3FAF] =	sst s5  }
0xe: {  	[smem:$0x3FB0] =	sst s6  }
0xf: {  	[smem:$0x3FB1] =	sst s7  }
0x10: {  	[smem:$0x3FB2] =	sst s8  }
0x11: {  	[smem:$0x3FB3] =	sst s9;
	s0 =	simm.s32 @!p0 $0x0  }
0x12: {  	s1 =	sld [smem:$0x3F99];
	s0 =	simm.s32 @p0 $0x1  }
0x13: {  	[smem:$0x3FB4] =	sst s0;
	s0 =	simm.s32 @!p1 $0x0  }
0x14: {  	s2 =	sld [smem:$0x3F98];
	s0 =	simm.s32 @p1 $0x1  }
0x15: {  	[smem:$0x3FB5] =	sst s0;
	s0 =	simm.s32 @!p2 $0x0  }
0x16: {  	s3 =	sld [smem:$0x3FDB];
	s0 =	simm.s32 @p2 $0x1  }
0x17: {  	s4 =	simm.s32 $0x1BF5;
	[smem:$0x3FB7] =	sst s0  }
0x18: {  	s0 =	sld [smem:$0x3F9A];
	_ =	swait.ge [sflag:s4], $0x0  }
0x19: {  	s7 =	sld [smem:$0x3F9B]  }
0x1a: {  	s8 =	sadd.s32 $0xFFFFE003, lr  }
0x1b: {  	s9 =	sadd.s32 $0xFFFFFEF7, lr;
	s5 =	simm.s32 $0xFFFFFFFF;
	p2 =	slt.u32 s8, $0xFFFFF086  }
0x1c: {  	p1 =	slt.u32 s9, $0xF7A;
	s5 =	simm.s32 @!p2 $0x0  }
0x1d: {  	s5 =	simm.s32 @p1 $0x1;
	p0 =	seq.s32 s7, s2  }
0x1e: {  	s7 =	smul.u32 @!p0 $0xF7A, s2;
	p2 =	seq.s32 @!p0 s5, $0x0  }
0x1f: {  	s9 =	smul.u32 $0xF7A, s1;
	s8 =	simm.s32 @!p0 $0x1BF5;
	p2 =	por !p2, p0  }
0x20: {  	[sflag:s8] =	ssyncset.s32 @!p0 $0xFFFFF086;
	s6 =	sadd.s32 @!p0 s3, s7;
	s7 =	simm.s32 @!p0 $0x108  }
0x21: {  	s3 =	sadd.s32 s3, s9;
	s6 =	sadd.s32 @!p0 $0x88, s6;
	s7 =	simm.s32 @p2 $0x1082  }
0x22: {  	[simem:s7], [sflag:s8] =	dma.local @!p0 [hbm:s6], $0xF7A  }
0x23: {  	s9 =	sor.u32 $0xD0000000, s2;
	s6 =	simm.s32 $0x108;
	_ =	swait.ge @!p0 [sflag:s8], $0x0  }
0x24: {  	s3 =	sadd.s32 $0x88, s3;
	s6 =	simm.s32 @!p1 $0x1082;
	[sflag:s4] =	ssyncset.s32 $0xFFFFF086  }
0x25: {  	[simem:s6], [sflag:s4] =	dma.local [hbm:s3], $0xF7A  }
0x26: {  	[smem:$0x3F9B] =	sst s1;
	(tag) =	ssettag s2;
	_ =	strace s9  }
0x27: {  	s1 =	sld [smem:$0x3FAB]  }
0x28: {  	s2 =	sld [smem:$0x3FAC]  }
0x29: {  	s4 =	sld [smem:$0x3FAE]  }
0x2a: {  	p0 =	seq.s32 s5, $0x0;
	s5 =	sld [smem:$0x3FAF]  }
0x2b: {  	s6 =	sld [smem:$0x3FB0]  }
0x2c: {  	s7 =	sld [smem:$0x3FB1]  }
0x2d: {  	s3 =	simm.s32 $0x108;
	s8 =	sld [smem:$0x3FB2]  }
0x2e: {  	s3 =	simm.s32 @!p0 $0x1082;
	s9 =	sld [smem:$0x3FB3]  }
0x2f: {  	lr =	sadd.s32 s0, s3;
	s0 =	sld [smem:$0x3FAA]  }
0x30: {  	s3 =	sld [smem:$0x3FAD]  }
0x31: {  	[smem:$0x3FB6] =	sst s10  }
0x32: {  	s10 =	sld [smem:$0x3FB4];
	_ =	sdelay $0x3  }
0x33: {  	p0 =	seq.s32 s10, $0x1;
	s10 =	sld [smem:$0x3FB6];
	_ =	sdelay $0x3  }
0x34: {  	[smem:$0x3FB6] =	sst s10  }
0x35: {  	s10 =	sld [smem:$0x3FB5];
	_ =	sdelay $0x3  }
0x36: {  	p1 =	seq.s32 s10, $0x1;
	s10 =	sld [smem:$0x3FB6];
	_ =	sdelay $0x3  }
0x37: {  	[smem:$0x3FB6] =	sst s10  }
0x38: {  	s10 =	sld [smem:$0x3FB7]  }
0x39: {  	_ = 	snop;
	(pc) =	sbr.ind lr, $3  }
0x3a: {  	_ = 	snop  }
0x3b: {  	_ = 	snop  }
0x3c: {  	p2 =	seq.s32 s10, $0x1;
	s10 =	sld [smem:$0x3FB6]  }
0x3d: {  	_ =	shalt  }
0x3e: {  	_ =	shalt  }
0x3f: {  	_ =	shalt  }
0x40: {  	_ =	shalt  }
0x41: {  	_ =	shalt  }
0x42: {  	_ =	shalt  }
0x43: {  	_ =	shalt  }
0x44: {  	_ =	shalt  }
0x45: {  	_ =	shalt  }
0x46: {  	_ =	shalt  }
0x47: {  	_ =	shalt  }
0x48: {  	_ =	shalt  }
0x49: {  	_ =	shalt  }
0x4a: {  	_ =	shalt  }
0x4b: {  	_ =	shalt  }
0x4c: {  	_ =	shalt  }
0x4d: {  	_ =	shalt  }
0x4e: {  	_ =	shalt  }
0x4f: {  	_ =	shalt  }
0x50: {  	_ =	shalt  }
0x51: {  	_ =	shalt  }
0x52: {  	_ =	shalt  }
0x53: {  	_ =	shalt  }
0x54: {  	_ =	shalt  }
0x55: {  	_ =	shalt  }
0x56: {  	_ =	shalt  }
0x57: {  	_ =	shalt  }
0x58: {  	_ =	shalt  }
0x59: {  	_ =	shalt  }
0x5a: {  	_ =	shalt  }
0x5b: {  	_ =	shalt  }
0x5c: {  	_ =	shalt  }
0x5d: {  	_ =	shalt  }
0x5e: {  	_ =	shalt  }
0x5f: {  	_ =	shalt  }
0x60: {  	_ =	shalt  }
0x61: {  	_ =	shalt  }
0x62: {  	_ =	shalt  }
0x63: {  	_ =	shalt  }
0x64: {  	_ =	shalt  }
0x65: {  	_ =	shalt  }
0x66: {  	_ =	shalt  }
0x67: {  	_ =	shalt  }
0x68: {  	_ =	shalt  }
0x69: {  	_ =	shalt  }
0x6a: {  	_ =	shalt  }
0x6b: {  	_ =	shalt  }
0x6c: {  	_ =	shalt  }
0x6d: {  	_ =	shalt  }
0x6e: {  	_ =	shalt  }
0x6f: {  	_ =	shalt  }
0x70: {  	_ =	shalt  }
0x71: {  	_ =	shalt  }
0x72: {  	_ =	shalt  }
0x73: {  	_ =	shalt  }
0x74: {  	_ =	shalt  }
0x75: {  	_ =	shalt  }
0x76: {  	_ =	shalt  }
0x77: {  	_ =	shalt  }
0x78: {  	_ =	shalt  }
0x79: {  	_ =	shalt  }
0x7a: {  	_ =	shalt  }
0x7b: {  	_ =	shalt  }
0x7c: {  	_ =	shalt  }
0x7d: {  	_ =	shalt  }
0x7e: {  	_ =	shalt  }
0x7f: {  	_ =	shalt  }
0x80: {  	_ =	shalt  }
0x81: {  	_ =	shalt  }
0x82: {  	_ =	shalt  }
0x83: {  	_ =	shalt  }
0x84: {  	_ =	shalt  }
0x85: {  	_ =	shalt  }
0x86: {  	_ =	shalt  }
0x87: {  	_ =	shalt  }
.Lfunc_end0:
.L_simem_size_0:
called_computation.1_lowered:
.L_overlay_start_0:
0x88: {  	s2 =	sld [smem:$0x3FD9]  }
0x89: {  	s3 =	sld [smem:$0x3FFE];
	_ =	sdelay $0x1  }
0x8a: {  	s1 =	srdreg.scid  }
0x8b: {  	s0 =	sand.u32 $0x1, s1  }
0x8c: {  	s16 =	sshll.u32 s0, $0xA;
	s2 =	sadd.s32 s3, s2  }
0x8d: {  	s2 =	sadd.s32 s2, s16  }
0x8e: {  	[smem:$0x3FC2] =	sst s2  }
0x8f: {  	_ = 	snop  }
0x90: {  	(tm) =	ssettm $0x1  }
0x91: {  	s17 =	sld [smem:$0x3FFB];
	_ =	sdelay $0x3  }
0x92: {  	_ =	strace s17  }
0x93: {  	s2 =	sld [smem:$0x3FFC];
	_ =	sdelay $0x3  }
0x94: {  	_ =	strace s2  }
0x95: {  	s2 =	sld [smem:$0x3FFD];
	_ =	sdelay $0x3  }
0x96: {  	_ =	strace s2  }
0x97: {  	_ =	strace $0x8FFFFFFF  }
0x98: {  	s18 =	sld [smem:$0x3FDB];
	_ =	sdelay $0x1  }
0x99: {  	s19 =	simm.s32 $_scs_section_size  }
0x9a: {  	s4 =	simm.s32 $_size__tile_overlayer_lowered;
	s5 =	simm.s32 $_tile_overlayer_lowered  }
0x9b: {  	s22 =	simm.s32 $0x1BFF;
	s21 =	sshll.u32 s5, $0x1;
	s2 =	sadd.s32 s19, s18  }
0x9c: {  	s6 =	simm.s32 $0x0;
	s20 =	sshll.u32 s4, $0x1;
	s4 =	sadd.s32 s21, s2  }
0x9d: {  	[timem:s6], [sflag:s22] =	dma.local [hbm:s4], s20  }
0x9e: {  	_ =	swait.ge [sflag:s22], s20  }
0x9f: {  	s3 =	ssub.s32 $0x0, s20;
	[sflag:s22] =	ssyncset.done $0x0  }
0xa0: {  	[sflag:s22] =	ssyncadd.s32 s3;
	_ =	sdelay $0x1  }
0xa1: {  	s23 =	simm.s32 $0x1B8B  }
0xa2: {  	_ =	swait.ge [sflag:s23], $0x1  }
0xa3: {  	[sflag:s23] =	ssyncset.done $0x0  }
0xa4: {  	s25 =	simm.s32 $0x1B8E;
	s24 =	sld [smem:$0x3FFE];
	[sflag:s23] =	ssyncadd.s32 $0xFFFFFFFF  }
0xa5: {  	s26 =	simm.s32 $execute0_lowered;
	[smem:$0x3FD2] =	sst s25  }
0xa6: {  	s4 =	sshll.u32 s26, $0x1;
	_ =	strace $0x80000049;
	[dreg:$0x1] =	wrdreg $0xFFFFFFFF  }
0xa7: {  	s28 =	simm.s32 $_size_execute0_lowered;
	s2 =	sadd.s32 s2, s4;
	[dreg:$0x0] =	wrdreg $0x0  }
0xa8: {  	s4 =	sshll.u32 s28, $0x1;
	[dreg:$0x2] =	wrdreg s2  }
0xa9: {  	[dreg:$0x3] =	wrdreg s4  }
0xaa: {  	[dreg:$0x4] =	wrdreg $0xC0  }
0xab: {  	_ =	task [dreg:s6], $0x5FFFF  }
0xac: {  	[dreg:$0x1] =	wrdreg $0xFFFFFFFF  }
0xad: {  	[dreg:$0x0] =	wrdreg $0x60  }
0xae: {  	[dreg:$0x2] =	wrdreg s24  }
0xaf: {  	[dreg:$0x3] =	wrdreg $0x9  }
0xb0: {  	_ =	task.clear_ibuf [dreg:s6], $0x4FFFF;
	_ =	strace $0x90000049  }
0xb1: {  	s29 =	simm.s32 $0x9;
	_ =	strace $0x8000004B  }
0xb2: {  	_ =	swait.ge [sflag:s29], $0x1  }
0xb3: {  	[sflag:s29] =	ssyncadd.s32 $0xFFFFFFFF  }
0xb4: {  	_ =	strace $0x9000004B  }
0xb5: {  	_ =	sfence  }
0xb6: {  	s30 =	sld [smem:$0x0];
	_ =	sdelay $0x2  }
0xb7: {  	s31 =	sshll.u32 s1, $0xD;
	s1 =	sshrl.u32 s1, $0x2  }
0xb8: {  	s3 =	sand.u32 $0x4000, s31;
	s1 =	sadd.s32 s1, s30  }
0xb9: {  	s0 =	sor.u32 s3, s0;
	s1 =	sshll.u32 s1, $0x11  }
0xba: {  	s0 =	sor.u32 s1, s0  }
0xbb: {  	s0 =	sadd.s32 $0x8F2B, s0  }
0xbc: {  	[sflag:s0] =	ssyncadd.remote.s32 $0x1  }
0xbd: {  	_ =	sfence.sel $0xFFFF  }
0xbe: {  	[dreg:$0x0] =	wrdreg $0xFFFFFFFF;
	(pc) =	sbr.abs _section_cstart, $3  }
0xbf: {  	[dreg:$0x1] =	wrdreg $0xFFFFFFFF  }
0xc0: {  	_ =	task.clear_ibuf [dreg:s6], $0x2FFFF;
	_ =	strace $0x9FFFFFFF  }
0xc1: {  	(tm) =	ssettm $0x7FFFFFFF  }
tec
execute0_lowered:
.L_overlay_start_1:
0x0: {  	(tag) =	ssettag $0x1  }
0x1: {  	s1 =	rddreg [dreg:$0x0];
	s2 =	simm.s32 $0x0  }
0x2: {  	s0 =	srdreg.scid;
	s3 =	stileid.u32;
	s10 =	simm.s32 $0x200  }
0x3: {  	s11 =	simm.s32 $0x9;
	s12 =	simm.s32 $0x40;
	s28 =	simm.s32 $0x12  }
0x4: {  	s21 =	simm.s32 $0x1;
	s22 =	simm.s32 $0x2;
	s23 =	simm.s32 $0x3  }
0x5: {  	s24 =	simm.s32 $0x4;
	s29 =	simm.s32 $0x7;
	s30 =	simm.s32 $0x8  }
0x6: {  	s31 =	simm.s32 $0xA;
	s4 =	simm.s32 $0xC;
	s9 =	simm.s32 $0xD  }
0x7: {  	s13 =	simm.s32 $0xF;
	s14 =	simm.s32 $0x10;
	s15 =	simm.s32 $0x11  }
0x8: {  	s17 =	simm.s32 $0x13;
	s16 =	simm.s32 $0x0;
	[smem:$0x7FF] =	sst s2  }
0x9: {  	s0 =	sand.u32 $0x1, s0;
	s25 =	sadd.s32 $0x87600, s1;
	s6 =	sadd.s32 $0x81200, s1  }
.Ltmp0:
0xa: {  	s5 =	smov.u32 s0;
	s0 =	ssub.s32 $0x2, s0;
	(pc) =	sbr.rel .LBB2_1-.Ltmp0, $4  }
0xb: {  	s7 =	sadd.s32 $0x13A00, s1;
	s8 =	sshll.u32 s3, $0x1;
	s26 =	sshrl.u32 s0, $0x1  }
0xc: {  	s2 =	simm.s32 $0xE;
	_ =	strace $0x8000004A;
	s0 =	ssub.s32 s0, s26  }
0xd: {  	[dreg:$0x2] =	wrdreg s25;
	s25 =	simm.s32 $0x5;
	s0 =	smax.u32 s0, $0x1  }
0xe: {  	s26 =	simm.s32 $0x6;
	[dreg:$0x3] =	wrdreg s0;
	s0 =	simm.s32 $0xB  }
.LBB2_7:
0xf: {  	s16 =	rddreg [dreg:$0x4]  }
0x10: {  	s3 =	rddreg [dreg:$0x3];
	s16 =	sadd.s32 $0x1, s16  }
0x11: {  	p0 =	sne.s32 s16, s3  }
.Ltmp1:
0x12: {  	_ = 	snop;
	(pc) =	sbr.rel @!p0 .LBB2_8-.Ltmp1, $1  }
0x13: {  	_ =	sdelay $0x3  }
.LBB2_1:
.Ltmp2:
0x14: {  	(pc) =	sbr.rel .LBB2_2-.Ltmp2, $2  }
0x15: {  	_ =	sdelay $0x2  }
0x16: {  	[dreg:$0x4] =	wrdreg s16;
	s18 =	simm.s32 $0x0  }
.LBB2_6:
0x17: {  	s18 =	sadd.s32 $0x1, s18  }
0x18: {  	p0 =	sne.s32 s18, $0xD  }
.Ltmp3:
0x19: {  	_ = 	snop;
	(pc) =	sbr.rel @!p0 .LBB2_7-.Ltmp3, $1  }
0x1a: {  	_ =	sdelay $0x3  }
.LBB2_2:
0x1b: {  	s3 =	sshll.u32 s18, $0x5  }
0x1c: {  	s3 =	sor.u32 s8, s3  }
0x1d: {  	p0 =	sgt.u32 s3, $0x18F  }
.Ltmp4:
0x1e: {  	_ = 	snop;
	(pc) =	sbr.rel @p0 .LBB2_6-.Ltmp4, $1  }
0x1f: {  	_ =	sdelay $0x3  }
0x20: {  	s19 =	sor.u32 s5, s3  }
0x21: {  	s16 =	rddreg [dreg:$0x2];
	s3 =	sshll.u32 s19, $0x6  }
0x22: {  	s20 =	simm.s32 $0x0;
	s16 =	sadd.s32 s16, s3  }
0x23: {  	[tilespmem:s20], [sflag:$0x9] =	stream.linear.gather [hbm4b:s16+s20], $0x200, $0x38;
	[tilespmem:$0x12400] =	vst v63  }
0x24: {  	s3 =	sadd.s32 s6, s3  }
0x25: {  	[tilespmem:s10], [sflag:$0x12] =	stream.linear.gather [hbm4b:s3+s20], $0x200, $0x38;
	[tilespmem:$0x12400] =	vst v63  }
0x26: {  	_ =	swait.ge [sflag:s11], $0x200  }
0x27: {  	[sflag:s11] =	ssyncset.done $0x0  }
0x28: {  	s16 =	simm.s32 $0x400;
	[sflag:s11] =	ssyncadd.s32 $0xFFFFFE00  }
0x29: {  	[tilespmem:s16], [sflag:$0x1] =	stream.indirect.gather [hbm4b:s1+s12], $0x40, s20, s12, $0xb8;
	[tilespmem:$0x12400] =	vst v63  }
0x2a: {  	s16 =	simm.s32 $0x1400  }
0x2b: {  	[tilespmem:s16], [sflag:$0x2] =	stream.indirect.gather [hbm4b:s1+s12], $0x40, s12, s12, $0xb8;
	[tilespmem:$0x12400] =	vst v63  }
0x2c: {  	s3 =	simm.s32 $0x80;
	s16 =	simm.s32 $0x2400  }
0x2d: {  	[tilespmem:s16], [sflag:$0x3] =	stream.indirect.gather [hbm4b:s1+s12], $0x40, s3, s12, $0xb8;
	[tilespmem:$0x12400] =	vst v63  }
0x2e: {  	s3 =	simm.s32 $0xC0;
	s16 =	simm.s32 $0x3400  }
0x2f: {  	[tilespmem:s16], [sflag:$0x4] =	stream.indirect.gather [hbm4b:s1+s12], $0x40, s3, s12, $0xb8;
	[tilespmem:$0x12400] =	vst v63  }
0x30: {  	s3 =	simm.s32 $0x100;
	s16 =	simm.s32 $0x4400  }
0x31: {  	[tilespmem:s16], [sflag:$0x5] =	stream.indirect.gather [hbm4b:s1+s12], $0x40, s3, s12, $0xb8;
	[tilespmem:$0x12400] =	vst v63  }
0x32: {  	s3 =	simm.s32 $0x140;
	s16 =	simm.s32 $0x5400  }
0x33: {  	[tilespmem:s16], [sflag:$0x6] =	stream.indirect.gather [hbm4b:s1+s12], $0x40, s3, s12, $0xb8;
	[tilespmem:$0x12400] =	vst v63  }
0x34: {  	s3 =	simm.s32 $0x180;
	s16 =	simm.s32 $0x6400  }
0x35: {  	[tilespmem:s16], [sflag:$0x7] =	stream.indirect.gather [hbm4b:s1+s12], $0x40, s3, s12, $0xb8;
	[tilespmem:$0x12400] =	vst v63  }
0x36: {  	s3 =	simm.s32 $0x1C0;
	s16 =	simm.s32 $0x7400  }
0x37: {  	[tilespmem:s16], [sflag:$0x8] =	stream.indirect.gather [hbm4b:s1+s12], $0x40, s3, s12, $0xb8;
	[tilespmem:$0x12400] =	vst v63  }
0x38: {  	_ =	swait.ge [sflag:s28], $0x200  }
0x39: {  	[sflag:s28] =	ssyncset.done $0x0  }
0x3a: {  	s16 =	simm.s32 $0x8400;
	[sflag:s28] =	ssyncadd.s32 $0xFFFFFE00  }
0x3b: {  	[tilespmem:s16], [sflag:$0xA] =	stream.indirect.gather [hbm4b:s1+s12], $0x40, s10, s12, $0xb8;
	[tilespmem:$0x12400] =	vst v63  }
0x3c: {  	s3 =	simm.s32 $0x240;
	s16 =	simm.s32 $0x9400  }
0x3d: {  	[tilespmem:s16], [sflag:$0xB] =	stream.indirect.gather [hbm4b:s1+s12], $0x40, s3, s12, $0xb8;
	[tilespmem:$0x12400] =	vst v63  }
0x3e: {  	s3 =	simm.s32 $0x280;
	s16 =	simm.s32 $0xA400  }
0x3f: {  	[tilespmem:s16], [sflag:$0xC] =	stream.indirect.gather [hbm4b:s1+s12], $0x40, s3, s12, $0xb8;
	[tilespmem:$0x12400] =	vst v63  }
0x40: {  	s3 =	simm.s32 $0x2C0;
	s16 =	simm.s32 $0xB400  }
0x41: {  	[tilespmem:s16], [sflag:$0xD] =	stream.indirect.gather [hbm4b:s1+s12], $0x40, s3, s12, $0xb8;
	[tilespmem:$0x12400] =	vst v63  }
0x42: {  	s3 =	simm.s32 $0x300;
	s16 =	simm.s32 $0xC400  }
0x43: {  	[tilespmem:s16], [sflag:$0xE] =	stream.indirect.gather [hbm4b:s1+s12], $0x40, s3, s12, $0xb8;
	[tilespmem:$0x12400] =	vst v63  }
0x44: {  	s3 =	simm.s32 $0x340;
	s16 =	simm.s32 $0xD400  }
0x45: {  	[tilespmem:s16], [sflag:$0xF] =	stream.indirect.gather [hbm4b:s1+s12], $0x40, s3, s12, $0xb8;
	[tilespmem:$0x12400] =	vst v63  }
0x46: {  	s3 =	simm.s32 $0x380;
	s16 =	simm.s32 $0xE400  }
0x47: {  	[tilespmem:s16], [sflag:$0x10] =	stream.indirect.gather [hbm4b:s1+s12], $0x40, s3, s12, $0xb8;
	[tilespmem:$0x12400] =	vst v63  }
0x48: {  	s3 =	simm.s32 $0x3C0;
	s16 =	simm.s32 $0xF400  }
0x49: {  	[tilespmem:s16], [sflag:$0x11] =	stream.indirect.gather [hbm4b:s1+s12], $0x40, s3, s12, $0xb8;
	[tilespmem:$0x12400] =	vst v63  }
0x4a: {  	_ =	swait.ge [sflag:s21], $0x1000  }
0x4b: {  	[sflag:s21] =	ssyncset.done $0x0  }
0x4c: {  	[sflag:s21] =	ssyncadd.s32 $0xFFFFF000  }
0x4d: {  	_ =	swait.ge [sflag:s22], $0x1000  }
0x4e: {  	[sflag:s22] =	ssyncset.done $0x0  }
0x4f: {  	[sflag:s22] =	ssyncadd.s32 $0xFFFFF000  }
0x50: {  	_ =	swait.ge [sflag:s23], $0x1000  }
0x51: {  	[sflag:s23] =	ssyncset.done $0x0  }
0x52: {  	[sflag:s23] =	ssyncadd.s32 $0xFFFFF000  }
0x53: {  	_ =	swait.ge [sflag:s24], $0x1000  }
0x54: {  	[sflag:s24] =	ssyncset.done $0x0  }
0x55: {  	[sflag:s24] =	ssyncadd.s32 $0xFFFFF000  }
0x56: {  	_ =	swait.ge [sflag:s25], $0x1000  }
0x57: {  	[sflag:s25] =	ssyncset.done $0x0  }
0x58: {  	[sflag:s25] =	ssyncadd.s32 $0xFFFFF000  }
0x59: {  	_ =	swait.ge [sflag:s26], $0x1000  }
0x5a: {  	[sflag:s26] =	ssyncset.done $0x0  }
0x5b: {  	[sflag:s26] =	ssyncadd.s32 $0xFFFFF000  }
0x5c: {  	_ =	swait.ge [sflag:s29], $0x1000  }
0x5d: {  	[sflag:s29] =	ssyncset.done $0x0  }
0x5e: {  	[sflag:s29] =	ssyncadd.s32 $0xFFFFF000  }
0x5f: {  	_ =	swait.ge [sflag:s30], $0x1000  }
0x60: {  	[sflag:s30] =	ssyncset.done $0x0  }
0x61: {  	[sflag:s30] =	ssyncadd.s32 $0xFFFFF000  }
0x62: {  	_ =	swait.ge [sflag:s31], $0x1000  }
0x63: {  	[sflag:s31] =	ssyncset.done $0x0  }
0x64: {  	[sflag:s31] =	ssyncadd.s32 $0xFFFFF000  }
0x65: {  	_ =	swait.ge [sflag:s0], $0x1000  }
0x66: {  	[sflag:s0] =	ssyncset.done $0x0  }
0x67: {  	[sflag:s0] =	ssyncadd.s32 $0xFFFFF000  }
0x68: {  	_ =	swait.ge [sflag:s4], $0x1000  }
0x69: {  	[sflag:s4] =	ssyncset.done $0x0  }
0x6a: {  	[sflag:s4] =	ssyncadd.s32 $0xFFFFF000  }
0x6b: {  	_ =	swait.ge [sflag:s9], $0x1000  }
0x6c: {  	[sflag:s9] =	ssyncset.done $0x0  }
0x6d: {  	[sflag:s9] =	ssyncadd.s32 $0xFFFFF000  }
0x6e: {  	_ =	swait.ge [sflag:s2], $0x1000  }
0x6f: {  	[sflag:s2] =	ssyncset.done $0x0  }
0x70: {  	[sflag:s2] =	ssyncadd.s32 $0xFFFFF000  }
0x71: {  	_ =	swait.ge [sflag:s13], $0x1000  }
0x72: {  	[sflag:s13] =	ssyncset.done $0x0  }
0x73: {  	[sflag:s13] =	ssyncadd.s32 $0xFFFFF000  }
0x74: {  	_ =	swait.ge [sflag:s14], $0x1000  }
0x75: {  	[sflag:s14] =	ssyncset.done $0x0  }
0x76: {  	[sflag:s14] =	ssyncadd.s32 $0xFFFFF000  }
0x77: {  	_ =	swait.ge [sflag:s15], $0x1000  }
0x78: {  	[sflag:s15] =	ssyncset.done $0x0  }
0x79: {  	s16 =	simm.s32 $0x10480;
	[sflag:s15] =	ssyncadd.s32 $0xFFFFF000  }
.LBB2_4:
0x7a: {  	s3 =	sshra.s32 s20, $0x2  }
0x7b: {  	v0 =	vld [tilespmem:s3+$0x400]  }
0x7c: {  	v1 =	vld [tilespmem:s3+$0x8400]  }
0x7d: {  	v2 =	vld [tilespmem:s3+$0x410]  }
0x7e: {  	v3 =	vld [tilespmem:s3+$0x8410]  }
0x7f: {  	v6 =	vld [tilespmem:s3+$0x420]  }
0x80: {  	v15 =	vld [tilespmem:s3+$0x8420]  }
0x81: {  	v16 =	vld [tilespmem:s3+$0x430];
	v4 =	vunpack.i.u.bf16.f32 v0  }
0x82: {  	v18 =	vld [tilespmem:s3+$0x8430];
	v0 =	vunpack.i.l.bf16.f32 v0;
	v5 =	vunpack.i.u.bf16.f32 v1;
	v1 =	vunpack.i.l.bf16.f32 v1  }
0x83: {  	v12 =	vunpack.i.u.bf16.f32 v2;
	v2 =	vunpack.i.l.bf16.f32 v2;
	v13 =	vunpack.i.u.bf16.f32 v3  }
0x84: {  	v3 =	vunpack.i.l.bf16.f32 v3;
	v19 =	vunpack.i.u.bf16.f32 v6;
	v20 =	vunpack.i.l.bf16.f32 v6  }
0x85: {  	v21 =	vunpack.i.u.bf16.f32 v15;
	v0 =	vmul.f32 v1, v0;
	v11 =	vmul.f32 v5, v4  }
0x86: {  	v22 =	vunpack.i.u.bf16.f32 v16;
	v2 =	vmul.f32 v3, v2;
	v14 =	vmul.f32 v13, v12  }
0x87: {  	v23 =	vunpack.i.u.bf16.f32 v18;
	v4 =	vunpack.i.l.bf16.f32 v15;
	v1 =	vmul.f32 v21, v19  }
0x88: {  	v3 =	vmul.f32 v4, v20;
	v0 =	vadd.f32 v0, v11;
	v17 =	vadd.f32 v2, v14  }
0x89: {  	v5 =	vunpack.i.l.bf16.f32 v16;
	v24 =	vmul.f32 v23, v22;
	v2 =	vunpack.i.l.bf16.f32 v18  }
0x8a: {  	v1 =	vadd.f32 v3, v1;
	v2 =	vmul.f32 v2, v5;
	v0 =	vadd.f32 v17, v0;
	_ =	sdelay $0x1  }
0x8b: {  	v25 =	vadd.f32 v2, v24;
	v0 =	vadd.f32 v1, v0;
	_ =	sdelay $0x1  }
0x8c: {  	v0 =	vadd.f32 v25, v0;
	_ =	sdelay $0x1  }
0x8d: {  	[tilespmem:s16+$0xFFFFFF80] =	vst v0  }
0x8e: {  	v0 =	vld [tilespmem:s3+$0x440]  }
0x8f: {  	v26 =	vld [tilespmem:s3+$0x8440]  }
0x90: {  	v27 =	vld [tilespmem:s3+$0x450]  }
0x91: {  	v28 =	vld [tilespmem:s3+$0x8450]  }
0x92: {  	v34 =	vld [tilespmem:s3+$0x460]  }
0x93: {  	v36 =	vld [tilespmem:s3+$0x8460]  }
0x94: {  	v37 =	vld [tilespmem:s3+$0x470];
	v29 =	vunpack.i.u.bf16.f32 v0  }
0x95: {  	v39 =	vld [tilespmem:s3+$0x8470];
	v0 =	vunpack.i.l.bf16.f32 v0;
	v30 =	vunpack.i.u.bf16.f32 v26;
	v1 =	vunpack.i.l.bf16.f32 v26  }
0x96: {  	v32 =	vunpack.i.u.bf16.f32 v27;
	v2 =	vunpack.i.l.bf16.f32 v27;
	v33 =	vunpack.i.u.bf16.f32 v28  }
0x97: {  	v3 =	vunpack.i.l.bf16.f32 v28;
	v40 =	vunpack.i.u.bf16.f32 v34;
	v41 =	vunpack.i.l.bf16.f32 v34  }
0x98: {  	v42 =	vunpack.i.u.bf16.f32 v36;
	v0 =	vmul.f32 v1, v0;
	v31 =	vmul.f32 v30, v29  }
0x99: {  	v4 =	vunpack.i.l.bf16.f32 v36;
	v2 =	vmul.f32 v3, v2;
	v35 =	vmul.f32 v33, v32  }
0x9a: {  	v43 =	vunpack.i.u.bf16.f32 v37;
	v44 =	vunpack.i.u.bf16.f32 v39;
	v3 =	vmul.f32 v4, v41  }
0x9b: {  	v1 =	vmul.f32 v42, v40;
	v0 =	vadd.f32 v0, v31;
	v38 =	vadd.f32 v2, v35  }
0x9c: {  	v5 =	vunpack.i.l.bf16.f32 v37;
	v45 =	vmul.f32 v44, v43;
	v2 =	vunpack.i.l.bf16.f32 v39  }
0x9d: {  	v1 =	vadd.f32 v3, v1;
	v2 =	vmul.f32 v2, v5;
	v0 =	vadd.f32 v38, v0;
	_ =	sdelay $0x1  }
0x9e: {  	v46 =	vadd.f32 v2, v45;
	v0 =	vadd.f32 v1, v0;
	_ =	sdelay $0x1  }
0x9f: {  	v0 =	vadd.f32 v46, v0;
	_ =	sdelay $0x1  }
0xa0: {  	[tilespmem:s16+$0xFFFFFF90] =	vst v0  }
0xa1: {  	v0 =	vld [tilespmem:s3+$0x480]  }
0xa2: {  	v47 =	vld [tilespmem:s3+$0x8480]  }
0xa3: {  	v48 =	vld [tilespmem:s3+$0x490]  }
0xa4: {  	v49 =	vld [tilespmem:s3+$0x8490]  }
0xa5: {  	v55 =	vld [tilespmem:s3+$0x4A0]  }
0xa6: {  	v57 =	vld [tilespmem:s3+$0x84A0]  }
0xa7: {  	v58 =	vld [tilespmem:s3+$0x4B0];
	v50 =	vunpack.i.u.bf16.f32 v0  }
0xa8: {  	v60 =	vld [tilespmem:s3+$0x84B0];
	v0 =	vunpack.i.l.bf16.f32 v0;
	v51 =	vunpack.i.u.bf16.f32 v47;
	v1 =	vunpack.i.l.bf16.f32 v47  }
0xa9: {  	v53 =	vunpack.i.u.bf16.f32 v48;
	v2 =	vunpack.i.l.bf16.f32 v48;
	v54 =	vunpack.i.u.bf16.f32 v49  }
0xaa: {  	v3 =	vunpack.i.l.bf16.f32 v49;
	v61 =	vunpack.i.u.bf16.f32 v55;
	v62 =	vunpack.i.l.bf16.f32 v55  }
0xab: {  	v63 =	vunpack.i.u.bf16.f32 v57;
	v0 =	vmul.f32 v1, v0;
	v52 =	vmul.f32 v51, v50  }
0xac: {  	v4 =	vunpack.i.l.bf16.f32 v57;
	v2 =	vmul.f32 v3, v2;
	v56 =	vmul.f32 v54, v53  }
0xad: {  	v9 =	vunpack.i.u.bf16.f32 v58;
	v10 =	vunpack.i.u.bf16.f32 v60;
	v3 =	vmul.f32 v4, v62  }
0xae: {  	v1 =	vmul.f32 v63, v61;
	v0 =	vadd.f32 v0, v52;
	v59 =	vadd.f32 v2, v56  }
0xaf: {  	v5 =	vunpack.i.l.bf16.f32 v58;
	v11 =	vmul.f32 v10, v9;
	v2 =	vunpack.i.l.bf16.f32 v60  }
0xb0: {  	v1 =	vadd.f32 v3, v1;
	v2 =	vmul.f32 v2, v5;
	v0 =	vadd.f32 v59, v0;
	_ =	sdelay $0x1  }
0xb1: {  	v12 =	vadd.f32 v2, v11;
	v0 =	vadd.f32 v1, v0;
	_ =	sdelay $0x1  }
0xb2: {  	v0 =	vadd.f32 v12, v0;
	_ =	sdelay $0x1  }
0xb3: {  	[tilespmem:s16+$0xFFFFFFA0] =	vst v0  }
0xb4: {  	v0 =	vld [tilespmem:s3+$0x4C0]  }
0xb5: {  	v13 =	vld [tilespmem:s3+$0x84C0]  }
0xb6: {  	v14 =	vld [tilespmem:s3+$0x4D0]  }
0xb7: {  	v15 =	vld [tilespmem:s3+$0x84D0]  }
0xb8: {  	v21 =	vld [tilespmem:s3+$0x4E0]  }
0xb9: {  	v23 =	vld [tilespmem:s3+$0x84E0]  }
0xba: {  	v24 =	vld [tilespmem:s3+$0x4F0];
	v16 =	vunpack.i.u.bf16.f32 v0  }
0xbb: {  	v26 =	vld [tilespmem:s3+$0x84F0];
	v0 =	vunpack.i.l.bf16.f32 v0;
	v17 =	vunpack.i.u.bf16.f32 v13;
	v1 =	vunpack.i.l.bf16.f32 v13  }
0xbc: {  	v19 =	vunpack.i.u.bf16.f32 v14;
	v2 =	vunpack.i.l.bf16.f32 v14;
	v20 =	vunpack.i.u.bf16.f32 v15  }
0xbd: {  	v3 =	vunpack.i.l.bf16.f32 v15;
	v27 =	vunpack.i.u.bf16.f32 v21;
	v28 =	vunpack.i.l.bf16.f32 v21  }
0xbe: {  	v29 =	vunpack.i.u.bf16.f32 v23;
	v0 =	vmul.f32 v1, v0;
	v18 =	vmul.f32 v17, v16  }
0xbf: {  	v4 =	vunpack.i.l.bf16.f32 v23;
	v2 =	vmul.f32 v3, v2;
	v22 =	vmul.f32 v20, v19  }
0xc0: {  	v30 =	vunpack.i.u.bf16.f32 v24;
	v31 =	vunpack.i.u.bf16.f32 v26;
	v3 =	vmul.f32 v4, v28  }
0xc1: {  	v1 =	vmul.f32 v29, v27;
	v0 =	vadd.f32 v0, v18;
	v25 =	vadd.f32 v2, v22  }
0xc2: {  	v5 =	vunpack.i.l.bf16.f32 v24;
	v32 =	vmul.f32 v31, v30;
	v2 =	vunpack.i.l.bf16.f32 v26  }
0xc3: {  	v1 =	vadd.f32 v3, v1;
	v2 =	vmul.f32 v2, v5;
	v0 =	vadd.f32 v25, v0;
	_ =	sdelay $0x1  }
0xc4: {  	v33 =	vadd.f32 v2, v32;
	v0 =	vadd.f32 v1, v0;
	_ =	sdelay $0x1  }
0xc5: {  	v0 =	vadd.f32 v33, v0;
	_ =	sdelay $0x1  }
0xc6: {  	[tilespmem:s16+$0xFFFFFFB0] =	vst v0  }
0xc7: {  	v0 =	vld [tilespmem:s3+$0x500]  }
0xc8: {  	v34 =	vld [tilespmem:s3+$0x8500]  }
0xc9: {  	v35 =	vld [tilespmem:s3+$0x510]  }
0xca: {  	v36 =	vld [tilespmem:s3+$0x8510]  }
0xcb: {  	v42 =	vld [tilespmem:s3+$0x520]  }
0xcc: {  	v44 =	vld [tilespmem:s3+$0x8520]  }
0xcd: {  	v45 =	vld [tilespmem:s3+$0x530];
	v37 =	vunpack.i.u.bf16.f32 v0  }
0xce: {  	v47 =	vld [tilespmem:s3+$0x8530];
	v0 =	vunpack.i.l.bf16.f32 v0;
	v38 =	vunpack.i.u.bf16.f32 v34;
	v1 =	vunpack.i.l.bf16.f32 v34  }
0xcf: {  	v40 =	vunpack.i.u.bf16.f32 v35;
	v2 =	vunpack.i.l.bf16.f32 v35;
	v41 =	vunpack.i.u.bf16.f32 v36  }
0xd0: {  	v3 =	vunpack.i.l.bf16.f32 v36;
	v48 =	vunpack.i.u.bf16.f32 v42;
	v49 =	vunpack.i.l.bf16.f32 v42  }
0xd1: {  	v50 =	vunpack.i.u.bf16.f32 v44;
	v0 =	vmul.f32 v1, v0;
	v39 =	vmul.f32 v38, v37  }
0xd2: {  	v4 =	vunpack.i.l.bf16.f32 v44;
	v2 =	vmul.f32 v3, v2;
	v43 =	vmul.f32 v41, v40  }
0xd3: {  	v51 =	vunpack.i.u.bf16.f32 v45;
	v52 =	vunpack.i.u.bf16.f32 v47;
	v3 =	vmul.f32 v4, v49  }
0xd4: {  	v1 =	vmul.f32 v50, v48;
	v0 =	vadd.f32 v0, v39;
	v46 =	vadd.f32 v2, v43  }
0xd5: {  	v5 =	vunpack.i.l.bf16.f32 v45;
	v53 =	vmul.f32 v52, v51;
	v2 =	vunpack.i.l.bf16.f32 v47  }
0xd6: {  	v1 =	vadd.f32 v3, v1;
	v2 =	vmul.f32 v2, v5;
	v0 =	vadd.f32 v46, v0;
	_ =	sdelay $0x1  }
0xd7: {  	v54 =	vadd.f32 v2, v53;
	v0 =	vadd.f32 v1, v0;
	_ =	sdelay $0x1  }
0xd8: {  	v0 =	vadd.f32 v54, v0;
	_ =	sdelay $0x1  }
0xd9: {  	[tilespmem:s16+$0xFFFFFFC0] =	vst v0  }
0xda: {  	v0 =	vld [tilespmem:s3+$0x540]  }
0xdb: {  	v55 =	vld [tilespmem:s3+$0x8540]  }
0xdc: {  	v56 =	vld [tilespmem:s3+$0x550]  }
0xdd: {  	v57 =	vld [tilespmem:s3+$0x8550]  }
0xde: {  	v63 =	vld [tilespmem:s3+$0x560]  }
0xdf: {  	v9 =	vld [tilespmem:s3+$0x8560]  }
0xe0: {  	v10 =	vld [tilespmem:s3+$0x570];
	v58 =	vunpack.i.u.bf16.f32 v0  }
0xe1: {  	v12 =	vld [tilespmem:s3+$0x8570];
	v0 =	vunpack.i.l.bf16.f32 v0;
	v59 =	vunpack.i.u.bf16.f32 v55;
	v1 =	vunpack.i.l.bf16.f32 v55  }
0xe2: {  	v61 =	vunpack.i.u.bf16.f32 v56;
	v2 =	vunpack.i.l.bf16.f32 v56;
	v62 =	vunpack.i.u.bf16.f32 v57  }
0xe3: {  	v3 =	vunpack.i.l.bf16.f32 v57;
	v13 =	vunpack.i.u.bf16.f32 v63;
	v14 =	vunpack.i.l.bf16.f32 v63  }
0xe4: {  	v15 =	vunpack.i.u.bf16.f32 v9;
	v0 =	vmul.f32 v1, v0;
	v60 =	vmul.f32 v59, v58  }
0xe5: {  	v4 =	vunpack.i.l.bf16.f32 v9;
	v2 =	vmul.f32 v3, v2;
	v8 =	vmul.f32 v62, v61  }
0xe6: {  	v16 =	vunpack.i.u.bf16.f32 v10;
	v17 =	vunpack.i.u.bf16.f32 v12;
	v3 =	vmul.f32 v4, v14  }
0xe7: {  	v1 =	vmul.f32 v15, v13;
	v0 =	vadd.f32 v0, v60;
	v11 =	vadd.f32 v2, v8  }
0xe8: {  	v5 =	vunpack.i.l.bf16.f32 v10;
	v18 =	vmul.f32 v17, v16;
	v2 =	vunpack.i.l.bf16.f32 v12  }
0xe9: {  	v1 =	vadd.f32 v3, v1;
	v2 =	vmul.f32 v2, v5;
	v0 =	vadd.f32 v11, v0;
	_ =	sdelay $0x1  }
0xea: {  	v19 =	vadd.f32 v2, v18;
	v0 =	vadd.f32 v1, v0;
	_ =	sdelay $0x1  }
0xeb: {  	v0 =	vadd.f32 v19, v0;
	_ =	sdelay $0x1  }
0xec: {  	[tilespmem:s16+$0xFFFFFFD0] =	vst v0  }
0xed: {  	v0 =	vld [tilespmem:s3+$0x580]  }
0xee: {  	v20 =	vld [tilespmem:s3+$0x8580]  }
0xef: {  	v21 =	vld [tilespmem:s3+$0x590]  }
0xf0: {  	v22 =	vld [tilespmem:s3+$0x8590]  }
0xf1: {  	v28 =	vld [tilespmem:s3+$0x5A0]  }
0xf2: {  	v30 =	vld [tilespmem:s3+$0x85A0]  }
0xf3: {  	v31 =	vld [tilespmem:s3+$0x5B0];
	v23 =	vunpack.i.u.bf16.f32 v0  }
0xf4: {  	v33 =	vld [tilespmem:s3+$0x85B0];
	v0 =	vunpack.i.l.bf16.f32 v0;
	v24 =	vunpack.i.u.bf16.f32 v20;
	v1 =	vunpack.i.l.bf16.f32 v20  }
0xf5: {  	v26 =	vunpack.i.u.bf16.f32 v21;
	v2 =	vunpack.i.l.bf16.f32 v21;
	v27 =	vunpack.i.u.bf16.f32 v22  }
0xf6: {  	v3 =	vunpack.i.l.bf16.f32 v22;
	v34 =	vunpack.i.u.bf16.f32 v28;
	v35 =	vunpack.i.l.bf16.f32 v28  }
0xf7: {  	v36 =	vunpack.i.u.bf16.f32 v30;
	v0 =	vmul.f32 v1, v0;
	v25 =	vmul.f32 v24, v23  }
0xf8: {  	v4 =	vunpack.i.l.bf16.f32 v30;
	v2 =	vmul.f32 v3, v2;
	v29 =	vmul.f32 v27, v26  }
0xf9: {  	v37 =	vunpack.i.u.bf16.f32 v31;
	v38 =	vunpack.i.u.bf16.f32 v33;
	v3 =	vmul.f32 v4, v35  }
0xfa: {  	v1 =	vmul.f32 v36, v34;
	v0 =	vadd.f32 v0, v25;
	v32 =	vadd.f32 v2, v29  }
0xfb: {  	v5 =	vunpack.i.l.bf16.f32 v31;
	v39 =	vmul.f32 v38, v37;
	v2 =	vunpack.i.l.bf16.f32 v33  }
0xfc: {  	v1 =	vadd.f32 v3, v1;
	v2 =	vmul.f32 v2, v5;
	v0 =	vadd.f32 v32, v0;
	_ =	sdelay $0x1  }
0xfd: {  	v40 =	vadd.f32 v2, v39;
	v0 =	vadd.f32 v1, v0;
	_ =	sdelay $0x1  }
0xfe: {  	v0 =	vadd.f32 v40, v0;
	_ =	sdelay $0x1  }
0xff: {  	[tilespmem:s16+$0xFFFFFFE0] =	vst v0  }
0x100: {  	v0 =	vld [tilespmem:s3+$0x5C0]  }
0x101: {  	v41 =	vld [tilespmem:s3+$0x85C0]  }
0x102: {  	v42 =	vld [tilespmem:s3+$0x5D0]  }
0x103: {  	v43 =	vld [tilespmem:s3+$0x85D0]  }
0x104: {  	v49 =	vld [tilespmem:s3+$0x5E0]  }
0x105: {  	v51 =	vld [tilespmem:s3+$0x85E0]  }
0x106: {  	v52 =	vld [tilespmem:s3+$0x5F0];
	v44 =	vunpack.i.u.bf16.f32 v0  }
0x107: {  	v54 =	vld [tilespmem:s3+$0x85F0];
	v0 =	vunpack.i.l.bf16.f32 v0;
	v45 =	vunpack.i.u.bf16.f32 v41;
	v1 =	vunpack.i.l.bf16.f32 v41  }
0x108: {  	v47 =	vunpack.i.u.bf16.f32 v42;
	v2 =	vunpack.i.l.bf16.f32 v42;
	v48 =	vunpack.i.u.bf16.f32 v43  }
0x109: {  	v3 =	vunpack.i.l.bf16.f32 v43;
	v55 =	vunpack.i.u.bf16.f32 v49;
	v56 =	vunpack.i.l.bf16.f32 v49  }
0x10a: {  	v57 =	vunpack.i.u.bf16.f32 v51;
	v0 =	vmul.f32 v1, v0;
	v46 =	vmul.f32 v45, v44  }
0x10b: {  	v4 =	vunpack.i.l.bf16.f32 v51;
	v2 =	vmul.f32 v3, v2;
	v50 =	vmul.f32 v48, v47  }
0x10c: {  	v58 =	vunpack.i.u.bf16.f32 v52;
	v59 =	vunpack.i.u.bf16.f32 v54;
	v3 =	vmul.f32 v4, v56  }
0x10d: {  	v1 =	vmul.f32 v57, v55;
	v0 =	vadd.f32 v0, v46;
	v53 =	vadd.f32 v2, v50  }
0x10e: {  	v5 =	vunpack.i.l.bf16.f32 v52;
	v60 =	vmul.f32 v59, v58;
	v2 =	vunpack.i.l.bf16.f32 v54  }
0x10f: {  	v1 =	vadd.f32 v3, v1;
	v2 =	vmul.f32 v2, v5;
	v0 =	vadd.f32 v53, v0;
	_ =	sdelay $0x1  }
0x110: {  	v61 =	vadd.f32 v2, v60;
	v0 =	vadd.f32 v1, v0;
	_ =	sdelay $0x1  }
0x111: {  	v0 =	vadd.f32 v61, v0;
	_ =	sdelay $0x1  }
0x112: {  	[tilespmem:s16+$0xFFFFFFF0] =	vst v0  }
0x113: {  	v0 =	vld [tilespmem:s3+$0x600]  }
0x114: {  	v62 =	vld [tilespmem:s3+$0x8600]  }
0x115: {  	v63 =	vld [tilespmem:s3+$0x610]  }
0x116: {  	v8 =	vld [tilespmem:s3+$0x8610]  }
0x117: {  	v14 =	vld [tilespmem:s3+$0x620]  }
0x118: {  	v16 =	vld [tilespmem:s3+$0x8620]  }
0x119: {  	v17 =	vld [tilespmem:s3+$0x630];
	v9 =	vunpack.i.u.bf16.f32 v0  }
0x11a: {  	v19 =	vld [tilespmem:s3+$0x8630];
	v0 =	vunpack.i.l.bf16.f32 v0;
	v10 =	vunpack.i.u.bf16.f32 v62;
	v1 =	vunpack.i.l.bf16.f32 v62  }
0x11b: {  	v12 =	vunpack.i.u.bf16.f32 v63;
	v2 =	vunpack.i.l.bf16.f32 v63;
	v13 =	vunpack.i.u.bf16.f32 v8  }
0x11c: {  	v3 =	vunpack.i.l.bf16.f32 v8;
	v20 =	vunpack.i.u.bf16.f32 v14;
	v21 =	vunpack.i.l.bf16.f32 v14  }
0x11d: {  	v22 =	vunpack.i.u.bf16.f32 v16;
	v0 =	vmul.f32 v1, v0;
	v11 =	vmul.f32 v10, v9  }
0x11e: {  	v4 =	vunpack.i.l.bf16.f32 v16;
	v2 =	vmul.f32 v3, v2;
	v15 =	vmul.f32 v13, v12  }
0x11f: {  	v23 =	vunpack.i.u.bf16.f32 v17;
	v24 =	vunpack.i.u.bf16.f32 v19;
	v3 =	vmul.f32 v4, v21  }
0x120: {  	v1 =	vmul.f32 v22, v20;
	v0 =	vadd.f32 v0, v11;
	v18 =	vadd.f32 v2, v15  }
0x121: {  	v5 =	vunpack.i.l.bf16.f32 v17;
	v25 =	vmul.f32 v24, v23;
	v2 =	vunpack.i.l.bf16.f32 v19  }
0x122: {  	v1 =	vadd.f32 v3, v1;
	v2 =	vmul.f32 v2, v5;
	v0 =	vadd.f32 v18, v0;
	_ =	sdelay $0x1  }
0x123: {  	v26 =	vadd.f32 v2, v25;
	v0 =	vadd.f32 v1, v0;
	_ =	sdelay $0x1  }
0x124: {  	v0 =	vadd.f32 v26, v0;
	_ =	sdelay $0x1  }
0x125: {  	[tilespmem:s16+$0x0] =	vst v0  }
0x126: {  	v0 =	vld [tilespmem:s3+$0x640]  }
0x127: {  	v27 =	vld [tilespmem:s3+$0x8640]  }
0x128: {  	v28 =	vld [tilespmem:s3+$0x650]  }
0x129: {  	v29 =	vld [tilespmem:s3+$0x8650]  }
0x12a: {  	v35 =	vld [tilespmem:s3+$0x660]  }
0x12b: {  	v37 =	vld [tilespmem:s3+$0x8660]  }
0x12c: {  	v38 =	vld [tilespmem:s3+$0x670];
	v30 =	vunpack.i.u.bf16.f32 v0  }
0x12d: {  	v40 =	vld [tilespmem:s3+$0x8670];
	v0 =	vunpack.i.l.bf16.f32 v0;
	v31 =	vunpack.i.u.bf16.f32 v27;
	v1 =	vunpack.i.l.bf16.f32 v27  }
0x12e: {  	v33 =	vunpack.i.u.bf16.f32 v28;
	v2 =	vunpack.i.l.bf16.f32 v28;
	v34 =	vunpack.i.u.bf16.f32 v29  }
0x12f: {  	v3 =	vunpack.i.l.bf16.f32 v29;
	v41 =	vunpack.i.u.bf16.f32 v35;
	v42 =	vunpack.i.l.bf16.f32 v35  }
0x130: {  	v43 =	vunpack.i.u.bf16.f32 v37;
	v0 =	vmul.f32 v1, v0;
	v32 =	vmul.f32 v31, v30  }
0x131: {  	v4 =	vunpack.i.l.bf16.f32 v37;
	v2 =	vmul.f32 v3, v2;
	v36 =	vmul.f32 v34, v33  }
0x132: {  	v44 =	vunpack.i.u.bf16.f32 v38;
	v45 =	vunpack.i.u.bf16.f32 v40;
	v3 =	vmul.f32 v4, v42  }
0x133: {  	v1 =	vmul.f32 v43, v41;
	v0 =	vadd.f32 v0, v32;
	v39 =	vadd.f32 v2, v36  }
0x134: {  	v5 =	vunpack.i.l.bf16.f32 v38;
	v46 =	vmul.f32 v45, v44;
	v2 =	vunpack.i.l.bf16.f32 v40  }
0x135: {  	v1 =	vadd.f32 v3, v1;
	v2 =	vmul.f32 v2, v5;
	v0 =	vadd.f32 v39, v0;
	_ =	sdelay $0x1  }
0x136: {  	v47 =	vadd.f32 v2, v46;
	v0 =	vadd.f32 v1, v0;
	_ =	sdelay $0x1  }
0x137: {  	v0 =	vadd.f32 v47, v0;
	_ =	sdelay $0x1  }
0x138: {  	[tilespmem:s16+$0x10] =	vst v0  }
0x139: {  	v0 =	vld [tilespmem:s3+$0x680]  }
0x13a: {  	v48 =	vld [tilespmem:s3+$0x8680]  }
0x13b: {  	v49 =	vld [tilespmem:s3+$0x690]  }
0x13c: {  	v50 =	vld [tilespmem:s3+$0x8690]  }
0x13d: {  	v56 =	vld [tilespmem:s3+$0x6A0]  }
0x13e: {  	v58 =	vld [tilespmem:s3+$0x86A0]  }
0x13f: {  	v59 =	vld [tilespmem:s3+$0x6B0];
	v51 =	vunpack.i.u.bf16.f32 v0  }
0x140: {  	v61 =	vld [tilespmem:s3+$0x86B0];
	v0 =	vunpack.i.l.bf16.f32 v0;
	v52 =	vunpack.i.u.bf16.f32 v48;
	v1 =	vunpack.i.l.bf16.f32 v48  }
0x141: {  	v54 =	vunpack.i.u.bf16.f32 v49;
	v2 =	vunpack.i.l.bf16.f32 v49;
	v55 =	vunpack.i.u.bf16.f32 v50  }
0x142: {  	v3 =	vunpack.i.l.bf16.f32 v50;
	v62 =	vunpack.i.u.bf16.f32 v56;
	v63 =	vunpack.i.l.bf16.f32 v56  }
0x143: {  	v9 =	vunpack.i.u.bf16.f32 v58;
	v0 =	vmul.f32 v1, v0;
	v53 =	vmul.f32 v52, v51  }
0x144: {  	v4 =	vunpack.i.l.bf16.f32 v58;
	v2 =	vmul.f32 v3, v2;
	v57 =	vmul.f32 v55, v54  }
0x145: {  	v10 =	vunpack.i.u.bf16.f32 v59;
	v11 =	vunpack.i.u.bf16.f32 v61;
	v3 =	vmul.f32 v4, v63  }
0x146: {  	v1 =	vmul.f32 v9, v62;
	v0 =	vadd.f32 v0, v53;
	v60 =	vadd.f32 v2, v57  }
0x147: {  	v5 =	vunpack.i.l.bf16.f32 v59;
	v12 =	vmul.f32 v11, v10;
	v2 =	vunpack.i.l.bf16.f32 v61  }
0x148: {  	v1 =	vadd.f32 v3, v1;
	v2 =	vmul.f32 v2, v5;
	v0 =	vadd.f32 v60, v0;
	_ =	sdelay $0x1  }
0x149: {  	v13 =	vadd.f32 v2, v12;
	v0 =	vadd.f32 v1, v0;
	_ =	sdelay $0x1  }
0x14a: {  	v0 =	vadd.f32 v13, v0;
	_ =	sdelay $0x1  }
0x14b: {  	[tilespmem:s16+$0x20] =	vst v0  }
0x14c: {  	v0 =	vld [tilespmem:s3+$0x6C0]  }
0x14d: {  	v14 =	vld [tilespmem:s3+$0x86C0]  }
0x14e: {  	v15 =	vld [tilespmem:s3+$0x6D0]  }
0x14f: {  	v16 =	vld [tilespmem:s3+$0x86D0]  }
0x150: {  	v22 =	vld [tilespmem:s3+$0x6E0]  }
0x151: {  	v24 =	vld [tilespmem:s3+$0x86E0]  }
0x152: {  	v25 =	vld [tilespmem:s3+$0x6F0];
	v17 =	vunpack.i.u.bf16.f32 v0  }
0x153: {  	v27 =	vld [tilespmem:s3+$0x86F0];
	v0 =	vunpack.i.l.bf16.f32 v0;
	v18 =	vunpack.i.u.bf16.f32 v14;
	v1 =	vunpack.i.l.bf16.f32 v14  }
0x154: {  	v20 =	vunpack.i.u.bf16.f32 v15;
	v2 =	vunpack.i.l.bf16.f32 v15;
	v21 =	vunpack.i.u.bf16.f32 v16  }
0x155: {  	v3 =	vunpack.i.l.bf16.f32 v16;
	v28 =	vunpack.i.u.bf16.f32 v22;
	v29 =	vunpack.i.l.bf16.f32 v22  }
0x156: {  	v30 =	vunpack.i.u.bf16.f32 v24;
	v0 =	vmul.f32 v1, v0;
	v19 =	vmul.f32 v18, v17  }
0x157: {  	v4 =	vunpack.i.l.bf16.f32 v24;
	v2 =	vmul.f32 v3, v2;
	v23 =	vmul.f32 v21, v20  }
0x158: {  	v31 =	vunpack.i.u.bf16.f32 v25;
	v32 =	vunpack.i.u.bf16.f32 v27;
	v3 =	vmul.f32 v4, v29  }
0x159: {  	v1 =	vmul.f32 v30, v28;
	v0 =	vadd.f32 v0, v19;
	v26 =	vadd.f32 v2, v23  }
0x15a: {  	v5 =	vunpack.i.l.bf16.f32 v25;
	v33 =	vmul.f32 v32, v31;
	v2 =	vunpack.i.l.bf16.f32 v27  }
0x15b: {  	v1 =	vadd.f32 v3, v1;
	v2 =	vmul.f32 v2, v5;
	v0 =	vadd.f32 v26, v0;
	_ =	sdelay $0x1  }
0x15c: {  	v34 =	vadd.f32 v2, v33;
	v0 =	vadd.f32 v1, v0;
	_ =	sdelay $0x1  }
0x15d: {  	v0 =	vadd.f32 v34, v0;
	_ =	sdelay $0x1  }
0x15e: {  	[tilespmem:s16+$0x30] =	vst v0  }
0x15f: {  	v0 =	vld [tilespmem:s3+$0x700]  }
0x160: {  	v35 =	vld [tilespmem:s3+$0x8700]  }
0x161: {  	v36 =	vld [tilespmem:s3+$0x710]  }
0x162: {  	v37 =	vld [tilespmem:s3+$0x8710]  }
0x163: {  	v43 =	vld [tilespmem:s3+$0x720]  }
0x164: {  	v45 =	vld [tilespmem:s3+$0x8720]  }
0x165: {  	v46 =	vld [tilespmem:s3+$0x730];
	v38 =	vunpack.i.u.bf16.f32 v0  }
0x166: {  	v48 =	vld [tilespmem:s3+$0x8730];
	v0 =	vunpack.i.l.bf16.f32 v0;
	v39 =	vunpack.i.u.bf16.f32 v35;
	v1 =	vunpack.i.l.bf16.f32 v35  }
0x167: {  	v41 =	vunpack.i.u.bf16.f32 v36;
	v2 =	vunpack.i.l.bf16.f32 v36;
	v42 =	vunpack.i.u.bf16.f32 v37  }
0x168: {  	v3 =	vunpack.i.l.bf16.f32 v37;
	v49 =	vunpack.i.u.bf16.f32 v43;
	v50 =	vunpack.i.l.bf16.f32 v43  }
0x169: {  	v51 =	vunpack.i.u.bf16.f32 v45;
	v0 =	vmul.f32 v1, v0;
	v40 =	vmul.f32 v39, v38  }
0x16a: {  	v4 =	vunpack.i.l.bf16.f32 v45;
	v2 =	vmul.f32 v3, v2;
	v44 =	vmul.f32 v42, v41  }
0x16b: {  	v52 =	vunpack.i.u.bf16.f32 v46;
	v53 =	vunpack.i.u.bf16.f32 v48;
	v3 =	vmul.f32 v4, v50  }
0x16c: {  	v1 =	vmul.f32 v51, v49;
	v0 =	vadd.f32 v0, v40;
	v47 =	vadd.f32 v2, v44  }
0x16d: {  	v5 =	vunpack.i.l.bf16.f32 v46;
	v54 =	vmul.f32 v53, v52;
	v2 =	vunpack.i.l.bf16.f32 v48  }
0x16e: {  	v1 =	vadd.f32 v3, v1;
	v2 =	vmul.f32 v2, v5;
	v0 =	vadd.f32 v47, v0;
	_ =	sdelay $0x1  }
0x16f: {  	v55 =	vadd.f32 v2, v54;
	v0 =	vadd.f32 v1, v0;
	_ =	sdelay $0x1  }
0x170: {  	v0 =	vadd.f32 v55, v0;
	_ =	sdelay $0x1  }
0x171: {  	[tilespmem:s16+$0x40] =	vst v0  }
0x172: {  	v0 =	vld [tilespmem:s3+$0x740]  }
0x173: {  	v56 =	vld [tilespmem:s3+$0x8740]  }
0x174: {  	v57 =	vld [tilespmem:s3+$0x750]  }
0x175: {  	v58 =	vld [tilespmem:s3+$0x8750]  }
0x176: {  	v9 =	vld [tilespmem:s3+$0x760]  }
0x177: {  	v11 =	vld [tilespmem:s3+$0x8760]  }
0x178: {  	v12 =	vld [tilespmem:s3+$0x770];
	v59 =	vunpack.i.u.bf16.f32 v0  }
0x179: {  	v14 =	vld [tilespmem:s3+$0x8770];
	v0 =	vunpack.i.l.bf16.f32 v0;
	v60 =	vunpack.i.u.bf16.f32 v56;
	v1 =	vunpack.i.l.bf16.f32 v56  }
0x17a: {  	v62 =	vunpack.i.u.bf16.f32 v57;
	v2 =	vunpack.i.l.bf16.f32 v57;
	v63 =	vunpack.i.u.bf16.f32 v58  }
0x17b: {  	v3 =	vunpack.i.l.bf16.f32 v58;
	v15 =	vunpack.i.u.bf16.f32 v9;
	v16 =	vunpack.i.l.bf16.f32 v9  }
0x17c: {  	v17 =	vunpack.i.u.bf16.f32 v11;
	v0 =	vmul.f32 v1, v0;
	v61 =	vmul.f32 v60, v59  }
0x17d: {  	v4 =	vunpack.i.l.bf16.f32 v11;
	v2 =	vmul.f32 v3, v2;
	v10 =	vmul.f32 v63, v62  }
0x17e: {  	v18 =	vunpack.i.u.bf16.f32 v12;
	v19 =	vunpack.i.u.bf16.f32 v14;
	v3 =	vmul.f32 v4, v16  }
0x17f: {  	v1 =	vmul.f32 v17, v15;
	v0 =	vadd.f32 v0, v61;
	v13 =	vadd.f32 v2, v10  }
0x180: {  	v5 =	vunpack.i.l.bf16.f32 v12;
	v20 =	vmul.f32 v19, v18;
	v2 =	vunpack.i.l.bf16.f32 v14  }
0x181: {  	v1 =	vadd.f32 v3, v1;
	v2 =	vmul.f32 v2, v5;
	v0 =	vadd.f32 v13, v0;
	_ =	sdelay $0x1  }
0x182: {  	v21 =	vadd.f32 v2, v20;
	v0 =	vadd.f32 v1, v0;
	_ =	sdelay $0x1  }
0x183: {  	v0 =	vadd.f32 v21, v0;
	_ =	sdelay $0x1  }
0x184: {  	[tilespmem:s16+$0x50] =	vst v0  }
0x185: {  	v0 =	vld [tilespmem:s3+$0x780]  }
0x186: {  	v22 =	vld [tilespmem:s3+$0x8780]  }
0x187: {  	v23 =	vld [tilespmem:s3+$0x790]  }
0x188: {  	v24 =	vld [tilespmem:s3+$0x8790]  }
0x189: {  	v30 =	vld [tilespmem:s3+$0x7A0]  }
0x18a: {  	v32 =	vld [tilespmem:s3+$0x87A0]  }
0x18b: {  	v33 =	vld [tilespmem:s3+$0x7B0];
	v25 =	vunpack.i.u.bf16.f32 v0  }
0x18c: {  	v35 =	vld [tilespmem:s3+$0x87B0];
	v0 =	vunpack.i.l.bf16.f32 v0;
	v26 =	vunpack.i.u.bf16.f32 v22;
	v1 =	vunpack.i.l.bf16.f32 v22  }
0x18d: {  	v28 =	vunpack.i.u.bf16.f32 v23;
	v2 =	vunpack.i.l.bf16.f32 v23;
	v29 =	vunpack.i.u.bf16.f32 v24  }
0x18e: {  	v3 =	vunpack.i.l.bf16.f32 v24;
	v36 =	vunpack.i.u.bf16.f32 v30;
	v37 =	vunpack.i.l.bf16.f32 v30  }
0x18f: {  	v38 =	vunpack.i.u.bf16.f32 v32;
	v0 =	vmul.f32 v1, v0;
	v27 =	vmul.f32 v26, v25  }
0x190: {  	v4 =	vunpack.i.l.bf16.f32 v32;
	v2 =	vmul.f32 v3, v2;
	v31 =	vmul.f32 v29, v28  }
0x191: {  	v39 =	vunpack.i.u.bf16.f32 v33;
	v40 =	vunpack.i.u.bf16.f32 v35;
	v3 =	vmul.f32 v4, v37  }
0x192: {  	v1 =	vmul.f32 v38, v36;
	v0 =	vadd.f32 v0, v27;
	v34 =	vadd.f32 v2, v31  }
0x193: {  	v5 =	vunpack.i.l.bf16.f32 v33;
	v41 =	vmul.f32 v40, v39;
	v2 =	vunpack.i.l.bf16.f32 v35  }
0x194: {  	v1 =	vadd.f32 v3, v1;
	v2 =	vmul.f32 v2, v5;
	v0 =	vadd.f32 v34, v0;
	_ =	sdelay $0x1  }
0x195: {  	v42 =	vadd.f32 v2, v41;
	v0 =	vadd.f32 v1, v0;
	_ =	sdelay $0x1  }
0x196: {  	v0 =	vadd.f32 v42, v0;
	_ =	sdelay $0x1  }
0x197: {  	[tilespmem:s16+$0x60] =	vst v0  }
0x198: {  	v0 =	vld [tilespmem:s3+$0x7C0]  }
0x199: {  	v43 =	vld [tilespmem:s3+$0x87C0]  }
0x19a: {  	v44 =	vld [tilespmem:s3+$0x7D0]  }
0x19b: {  	v45 =	vld [tilespmem:s3+$0x87D0]  }
0x19c: {  	v51 =	vld [tilespmem:s3+$0x7E0]  }
0x19d: {  	v53 =	vld [tilespmem:s3+$0x87E0]  }
0x19e: {  	v54 =	vld [tilespmem:s3+$0x7F0];
	v46 =	vunpack.i.u.bf16.f32 v0  }
0x19f: {  	v56 =	vld [tilespmem:s3+$0x87F0];
	v0 =	vunpack.i.l.bf16.f32 v0;
	v47 =	vunpack.i.u.bf16.f32 v43;
	v1 =	vunpack.i.l.bf16.f32 v43  }
0x1a0: {  	v49 =	vunpack.i.u.bf16.f32 v44;
	v2 =	vunpack.i.l.bf16.f32 v44;
	v50 =	vunpack.i.u.bf16.f32 v45  }
0x1a1: {  	v3 =	vunpack.i.l.bf16.f32 v45;
	v57 =	vunpack.i.u.bf16.f32 v51;
	v58 =	vunpack.i.l.bf16.f32 v51  }
0x1a2: {  	v59 =	vunpack.i.u.bf16.f32 v53;
	v0 =	vmul.f32 v1, v0;
	v48 =	vmul.f32 v47, v46  }
0x1a3: {  	v4 =	vunpack.i.l.bf16.f32 v53;
	v2 =	vmul.f32 v3, v2;
	v52 =	vmul.f32 v50, v49  }
0x1a4: {  	v60 =	vunpack.i.u.bf16.f32 v54;
	v61 =	vunpack.i.u.bf16.f32 v56;
	v3 =	vmul.f32 v4, v58  }
0x1a5: {  	v1 =	vmul.f32 v59, v57;
	v0 =	vadd.f32 v0, v48;
	v55 =	vadd.f32 v2, v52  }
0x1a6: {  	v5 =	vunpack.i.l.bf16.f32 v54;
	v62 =	vmul.f32 v61, v60;
	v2 =	vunpack.i.l.bf16.f32 v56  }
0x1a7: {  	v1 =	vadd.f32 v3, v1;
	v2 =	vmul.f32 v2, v5;
	v0 =	vadd.f32 v55, v0  }
0x1a8: {  	p0 =	sne.s32 s20, $0x1F000  }
.Ltmp5:
0x1a9: {  	v63 =	vadd.f32 v2, v62;
	v0 =	vadd.f32 v1, v0;
	(pc) =	sbr.rel @p0 .LBB2_4-.Ltmp5, $3  }
0x1aa: {  	_ = 	snop  }
0x1ab: {  	v0 =	vadd.f32 v63, v0;
	_ =	sdelay $0x1  }
0x1ac: {  	s20 =	sadd.s32 $0x1000, s20;
	[tilespmem:s16+$0x70] =	vst v0;
	s16 =	sadd.s32 $0x100, s16  }
0x1ad: {  	s3 =	sshll.u32 s19, $0xA;
	s16 =	simm.s32 $0x0  }
.Ltmp6:
0x1ae: {  	s20 =	simm.s32 $0x10400;
	s3 =	sadd.s32 s7, s3;
	(pc) =	sbr.rel .LBB2_6-.Ltmp6, $4  }
0x1af: {  	[hbm4b:s3+s16] =	stream.linear.scatter [tilespmem:s20], [sflag:$0x13], $0x2000, $0x38;
	[tilespmem:$0x12400] =	vst v63  }
0x1b0: {  	_ =	swait.ge [sflag:s17], $0x2000  }
0x1b1: {  	[sflag:s17] =	ssyncset.done $0x0  }
0x1b2: {  	[sflag:s17] =	ssyncadd.s32 $0xFFFFE000  }
.LBB2_8:
0x1b3: {  	_ =	sfence.sel $0x180000  }
0x1b4: {  	[bflag:$0x0] =	sbarrier.arrive $0xFFFF  }
0x1b5: {  	_ =	strace $0x9000004A  }
0x1b6: {  	s0 =	stileid.u32;
	[bflag:$0x2] =	sbarrier.arrive $0xFFFF  }
0x1b7: {  	p0 =	sne.s32 s0, $0x0;
	s0 =	rddreg [dreg:$0x1]  }
0x1b8: {  	s0 =	sadd.s32 @!p0 $0x100000, s0  }
0x1b9: {  	[sflag:s0] =	ssyncadd.tile.s32 @!p0 $0x1;
	_ =	shalt  }
.Lfunc_end2:
_tile_overlayer_lowered:
.L_overlay_start_2:
0x1ba: {  	(tag) =	ssettag $0x2  }
0x1bb: {  	s0 =	rddreg [dreg:$0x0];
	s2 =	stileid.u32  }
0x1bc: {  	s1 =	rddreg [dreg:$0x1];
	p0 =	sne.s32 s2, $0x0  }
0x1bd: {  	s3 =	rddreg [dreg:$0x2];
	[bflag:$0x3] =	sbarrier.arrive $0xFFFF;
	s2 =	simm.s32 @!p0 $0x1C13  }
0x1be: {  	[timem:s3], [sflag:s2] =	dma.local @!p0 [hbm:s0], s1  }
0x1bf: {  	s0 =	simm.s32 @!p0 $0x13  }
0x1c0: {  	_ =	swait.ge @!p0 [sflag:s0], s1  }
0x1c1: {  	s1 =	ssub.s32 @!p0 $0x0, s1;
	[sflag:s0] =	ssyncset.done @!p0 $0x0  }
0x1c2: {  	[sflag:s0] =	ssyncadd.s32 @!p0 s1  }
0x1c3: {  	[bflag:$0x3] =	sbarrier.arrive $0xFFFF  }
0x1c4: {  	_ =	shalt  }

</sc_bundles>
